<compile_context>
chip_gen: v7x
topology: tpu7x:2x2x1
jax: 0.10.2.dev20260603
libtpu: 0.0.44.dev20260713+nightly
codegen_flags: <defaults>
</compile_context>

<pallas_src>
import functools
import math

import jax
import jax.numpy as jnp
from jax.experimental import pallas as pl

F32 = jnp.float32


def _elu(y):
    return jnp.where(y > 0, y, jnp.exp(y) - 1.0)



def _mm_kernel(x_ref, w_ref, b_ref, sc_ref, sh_ref, y_ref, s1_ref, s2_ref,
               *, act, rows_valid, tile):
    i = pl.program_id(0)
    x = x_ref[...] * sc_ref[...] + sh_ref[...]
    y = jnp.dot(x, w_ref[...], preferred_element_type=F32) + b_ref[...]
    if act:
        y = _elu(y)
    y_ref[...] = y
    rows = i * tile + jax.lax.broadcasted_iota(jnp.int32, (tile, 1), 0)
    ym = jnp.where(rows < rows_valid, y, 0.0)
    s1_ref[0] = jnp.sum(ym, axis=0, keepdims=True)
    s2_ref[0] = jnp.sum(ym * ym, axis=0, keepdims=True)


def _mm_stage_valid(x, w_t, b, scale, shift, act, tile, rows_valid):
    rp, cin = x.shape
    cout = w_t.shape[1]
    grid = rp // tile
    y, s1, s2 = pl.pallas_call(
        functools.partial(_mm_kernel, act=act, rows_valid=rows_valid, tile=tile),
        grid=(grid,),
        in_specs=[
            pl.BlockSpec((tile, cin), lambda i: (i, 0)),
            pl.BlockSpec((cin, cout), lambda i: (0, 0)),
            pl.BlockSpec((1, cout), lambda i: (0, 0)),
            pl.BlockSpec((1, cin), lambda i: (0, 0)),
            pl.BlockSpec((1, cin), lambda i: (0, 0)),
        ],
        out_specs=[
            pl.BlockSpec((tile, cout), lambda i: (i, 0)),
            pl.BlockSpec((1, 1, cout), lambda i: (i, 0, 0)),
            pl.BlockSpec((1, 1, cout), lambda i: (i, 0, 0)),
        ],
        out_shape=[
            jax.ShapeDtypeStruct((rp, cout), F32),
            jax.ShapeDtypeStruct((grid, 1, cout), F32),
            jax.ShapeDtypeStruct((grid, 1, cout), F32),
        ],
    )(x, w_t, b.reshape(1, -1), scale.reshape(1, -1), shift.reshape(1, -1))
    return y, s1.sum(axis=(0, 1)), s2.sum(axis=(0, 1))


def _bn_affine(s1, s2, n, g, b, eps=1e-5):
    m = s1 / n
    v = s2 / n - m * m
    sc = g / jnp.sqrt(v + eps)
    return sc, b - m * sc



def _fin_kernel(h2_ref, t3_ref, xn_ref, sc2_ref, sh2_ref, dwa_ref, dwb_ref,
                fwa_ref, fwb_ref, bias_ref, out_ref, s1_ref, s2_ref,
                *, K, tp, pts_valid):
    i = pl.program_id(0)
    h2n = h2_ref[...] * sc2_ref[...] + sh2_ref[...]
    t3 = t3_ref[...]
    va = jnp.dot(t3, dwa_ref[...], preferred_element_type=F32)
    vb = jnp.dot(t3, dwb_ref[...], preferred_element_type=F32)
    cd = h2n.shape[1]
    cin = vb.shape[1]
    pa = jnp.sum((h2n * va).reshape(tp, K, cd), axis=1)
    pb = jnp.sum((xn_ref[...] * vb).reshape(tp, K, cin), axis=1)
    out = (jnp.dot(pa, fwa_ref[...], preferred_element_type=F32)
           + jnp.dot(pb, fwb_ref[...], preferred_element_type=F32)
           + bias_ref[...])
    out_ref[...] = out
    rows = i * tp + jax.lax.broadcasted_iota(jnp.int32, (tp, 1), 0)
    om = jnp.where(rows < pts_valid, out, 0.0)
    s1_ref[0] = jnp.sum(om, axis=0, keepdims=True)
    s2_ref[0] = jnp.sum(om * om, axis=0, keepdims=True)


def _finale(h2, t3n2, xn2, sc2, sh2, dw2, db, fw, fb, K, tp, m_valid):
    mpk, cd = h2.shape
    mp = mpk // K
    cin = xn2.shape[1]
    cout = fw.shape[0]
    grid = mp // tp
    dwa = dw2[:cd, 0, :].T
    dwb = dw2[cd:, 0, :].T
    fwa = fw[:, :cd].T
    fwb = fw[:, cd:].T
    bias = (db @ fw.T + fb).reshape(1, -1)
    out, s1, s2 = pl.pallas_call(
        functools.partial(_fin_kernel, K=K, tp=tp, pts_valid=m_valid),
        grid=(grid,),
        in_specs=[
            pl.BlockSpec((tp * K, cd), lambda i: (i, 0)),
            pl.BlockSpec((tp * K, K), lambda i: (i, 0)),
            pl.BlockSpec((tp * K, cin), lambda i: (i, 0)),
            pl.BlockSpec((1, cd), lambda i: (0, 0)),
            pl.BlockSpec((1, cd), lambda i: (0, 0)),
            pl.BlockSpec((K, cd), lambda i: (0, 0)),
            pl.BlockSpec((K, cin), lambda i: (0, 0)),
            pl.BlockSpec((cd, cout), lambda i: (0, 0)),
            pl.BlockSpec((cin, cout), lambda i: (0, 0)),
            pl.BlockSpec((1, cout), lambda i: (0, 0)),
        ],
        out_specs=[
            pl.BlockSpec((tp, cout), lambda i: (i, 0)),
            pl.BlockSpec((1, 1, cout), lambda i: (i, 0, 0)),
            pl.BlockSpec((1, 1, cout), lambda i: (i, 0, 0)),
        ],
        out_shape=[
            jax.ShapeDtypeStruct((mp, cout), F32),
            jax.ShapeDtypeStruct((grid, 1, cout), F32),
            jax.ShapeDtypeStruct((grid, 1, cout), F32),
        ],
    )(h2, t3n2, xn2, sc2.reshape(1, -1), sh2.reshape(1, -1),
      dwa, dwb, fwa, fwb, bias)
    return out, s1.sum(axis=(0, 1)), s2.sum(axis=(0, 1))



def _fps_kernel(px_ref, py_ref, pz_ref, out_ref, *, B, n, m):
    px = px_ref[...]
    py = py_ref[...]
    pz = pz_ref[...]
    iota_n = jax.lax.broadcasted_iota(jnp.int32, (n, B), 0).astype(F32)

    def body(step, carry):
        dist, cur = carry
        out_ref[pl.ds(step, 1), :] = cur.astype(jnp.int32)
        onehot = (iota_n == cur).astype(F32)
        sx = jnp.sum(onehot * px, axis=0, keepdims=True)
        sy = jnp.sum(onehot * py, axis=0, keepdims=True)
        sz = jnp.sum(onehot * pz, axis=0, keepdims=True)
        d = (px - sx) ** 2 + (py - sy) ** 2 + (pz - sz) ** 2
        dist = jnp.minimum(dist, d)
        mx = jnp.max(dist, axis=0, keepdims=True)
        nxt = jnp.min(jnp.where(dist == mx, iota_n, float(n)), axis=0,
                      keepdims=True)
        return dist, nxt

    dist0 = jnp.full((n, B), jnp.inf, F32)
    cur0 = jnp.zeros((1, B), F32)
    jax.lax.fori_loop(0, m, body, (dist0, cur0))


def _fps(pos, ratio):
    b, n, _ = pos.shape
    m = int(math.ceil(ratio * n))
    pt = pos.transpose(1, 0, 2)
    out = pl.pallas_call(
        functools.partial(_fps_kernel, B=b, n=n, m=m),
        in_specs=[
            pl.BlockSpec((n, b), lambda: (0, 0)),
            pl.BlockSpec((n, b), lambda: (0, 0)),
            pl.BlockSpec((n, b), lambda: (0, 0)),
        ],
        out_specs=pl.BlockSpec((m, b), lambda: (0, 0)),
        out_shape=jax.ShapeDtypeStruct((m, b), jnp.int32),
    )(pt[:, :, 0], pt[:, :, 1], pt[:, :, 2])
    return out.T



def _head_kernel(x_ref, g_ref, b_ref, w1_ref, b1_ref, w2_ref, b2_ref, o_ref,
                 *, B, n, eps):
    x = x_ref[...]
    xm = jnp.mean(x.reshape(B, n, x.shape[1]), axis=1)
    mu = jnp.mean(xm, axis=0, keepdims=True)
    va = jnp.mean(xm * xm, axis=0, keepdims=True) - mu * mu
    h = (xm - mu) / jnp.sqrt(va + eps) * g_ref[...] + b_ref[...]
    h = jnp.maximum(h, 0.0)
    h = jnp.dot(h, w1_ref[...], preferred_element_type=F32) + b1_ref[...]
    o_ref[...] = jnp.dot(h, w2_ref[...], preferred_element_type=F32) + b2_ref[...]


def _head(x, g, b, w1, b1, w2, b2):
    B, n, c = x.shape
    c1 = w1.shape[0]
    c2 = w2.shape[0]
    return pl.pallas_call(
        functools.partial(_head_kernel, B=B, n=n, eps=1e-5),
        in_specs=[
            pl.BlockSpec((B * n, c), lambda: (0, 0)),
            pl.BlockSpec((1, c), lambda: (0, 0)),
            pl.BlockSpec((1, c), lambda: (0, 0)),
            pl.BlockSpec((c, c1), lambda: (0, 0)),
            pl.BlockSpec((1, c1), lambda: (0, 0)),
            pl.BlockSpec((c1, c2), lambda: (0, 0)),
            pl.BlockSpec((1, c2), lambda: (0, 0)),
        ],
        out_specs=pl.BlockSpec((B, c2), lambda: (0, 0)),
        out_shape=jax.ShapeDtypeStruct((B, c2), F32),
    )(x.reshape(B * n, c), g.reshape(1, -1), b.reshape(1, -1),
      w1.T, b1.reshape(1, -1), w2.T, b2.reshape(1, -1))



def _gather_nbr(val, idx):
    return jax.vmap(lambda v, i: v[i])(val, idx)


def _pad_rows(a, rp):
    if a.shape[0] == rp:
        return a
    return jnp.pad(a, ((0, rp - a.shape[0]),) + ((0, 0),) * (a.ndim - 1))


def _block_diag_w(cw):
    K = cw.shape[0]
    w4 = jnp.einsum('gjt,gh->gthj', cw, jnp.eye(K, dtype=cw.dtype))
    return w4.reshape(K * K, K * K)


def _xconv(x, pos, p, K, dil, key, tp):
    B, n, D = pos.shape
    sq = jnp.sum(pos * pos, axis=-1)
    d = sq[:, :, None] + sq[:, None, :] - 2.0 * jnp.einsum(
        'bnd,bmd->bnm', pos, pos)
    _, idx = jax.lax.top_k(-d, K * dil)
    if dil > 1:
        sel = jax.random.randint(key, (B, n, K), 0, K * dil)
        idx = jnp.take_along_axis(idx, sel, axis=2)
    nbr_pos = _gather_nbr(pos, idx)
    rel = nbr_pos - pos[:, :, None, :]
    M = B * n
    mp = ((M + tp - 1) // tp) * tp
    tile1 = tp * K

    rf = _pad_rows(rel.reshape(M * K, D), mp * K)
    onesD = jnp.ones((D,), F32)
    zerosD = jnp.zeros((D,), F32)
    h1, a1, q1 = _mm_stage_valid(rf, p['mlp1_w1'].T, p['mlp1_b1'],
                                 onesD, zerosD, True, tile1, M * K)
    sc1, sh1 = _bn_affine(a1, q1, M * K, p['mlp1_g1'], p['mlp1_be1'])
    h2, a2, q2 = _mm_stage_valid(h1, p['mlp1_w2'].T, p['mlp1_b2'],
                                 sc1, sh1, True, tile1, M * K)
    sc2, sh2 = _bn_affine(a2, q2, M * K, p['mlp1_g2'], p['mlp1_be2'])

    KD = K * D
    KK = K * K
    pf = _pad_rows(rel.reshape(M, KD), mp)
    onesKD = jnp.ones((KD,), F32)
    zerosKD = jnp.zeros((KD,), F32)
    t1, b1s, b1q = _mm_stage_valid(pf, p['mlp2_wl'].T, p['mlp2_bl'],
                                   onesKD, zerosKD, True, tp, M)
    tsc1, tsh1 = _bn_affine(b1s, b1q, M, p['mlp2_ga'], p['mlp2_ba'])
    t2, b2s, b2q = _mm_stage_valid(t1, _block_diag_w(p['mlp2_cw1']),
                                   p['mlp2_cb1'], tsc1, tsh1, True, tp, M)
    tsc2, tsh2 = _bn_affine(b2s, b2q, M, p['mlp2_gb'], p['mlp2_bb'])
    t3, b3s, b3q = _mm_stage_valid(t2, _block_diag_w(p['mlp2_cw2']),
                                   p['mlp2_cb2'], tsc2, tsh2, False, tp, M)
    tsc3, tsh3 = _bn_affine(b3s, b3q, M, p['mlp2_gc'], p['mlp2_bc'])

    t3n2 = (t3 * tsc3 + tsh3).reshape(mp * K, K)

    cin = x.shape[-1]
    xn2 = _pad_rows(_gather_nbr(x, idx).reshape(M * K, cin), mp * K)

    out, os1, os2 = _finale(h2, t3n2, xn2, sc2, sh2,
                            p['conv_dw'], p['conv_db'],
                            p['conv_fw'], p['conv_fb'], K, tp, M)
    cout = p['conv_fw'].shape[0]
    return out[:M].reshape(B, n, cout), os1, os2


def _relu_bn_apply(x, s1, s2, nrows, g, b):
    sc, sh = _bn_affine(s1, s2, nrows, g, b)
    return jnp.maximum(x * sc + sh, 0.0)


def kernel(x, pos, params):
    key = jax.random.key(42)
    B, n1, _ = pos.shape

    x1, s1, q1 = _xconv(x, pos, params['cv1'], 8, 1, key, tp=1024)
    idx = _fps(pos, 0.33)
    x1, pos2 = _gather_nbr(x1, idx), _gather_nbr(pos, idx)
    x1f = x1.reshape(-1, x1.shape[-1])
    s1g = x1f.sum(axis=0)
    q1g = (x1f * x1f).sum(axis=0)
    x1 = _relu_bn_apply(x1, s1g, q1g, x1f.shape[0],
                        params['bn1_g'], params['bn1_b'])

    x2, s2, q2 = _xconv(x1, pos2, params['cv2'], 8, 2,
                        jax.random.fold_in(key, 2), tp=512)
    x2 = _relu_bn_apply(x2, s2, q2, x2.shape[0] * x2.shape[1],
                        params['bn2_g'], params['bn2_b'])
    idx = _fps(pos2, 0.33)
    x2, pos3 = _gather_nbr(x2, idx), _gather_nbr(pos2, idx)

    x3, s3, q3 = _xconv(x2, pos3, params['cv3'], 12, 2,
                        jax.random.fold_in(key, 3), tp=256)
    x3 = _relu_bn_apply(x3, s3, q3, x3.shape[0] * x3.shape[1],
                        params['bn3_g'], params['bn3_b'])
    idx = _fps(pos3, 0.33)
    x3, pos4 = _gather_nbr(x3, idx), _gather_nbr(pos3, idx)

    x4, s4, q4 = _xconv(x3, pos4, params['cv4'], 16, 2,
                        jax.random.fold_in(key, 4), tp=160)
    x4 = _relu_bn_apply(x4, s4, q4, x4.shape[0] * x4.shape[1],
                        params['bn4_g'], params['bn4_b'])

    x5, _, _ = _xconv(x4, pos4, params['cv5'], 16, 2,
                      jax.random.fold_in(key, 5), tp=160)

    return _head(x5, params['bn5_g'], params['bn5_b'],
                 params['lin1_w'], params['lin1_b'],
                 params['lin2_w'], params['lin2_b'])

# --- scband reference (transcript-rebuilt; emitter-appended) ---
"""Pipeline reference for scband-model-net40x-conv-10505490006260 (READ-ONLY COPY).

The authoritative reference and input builder live on the scoring server;
editing this copy changes nothing except your own understanding.
"""

import jax, jax.numpy as jnp
import numpy as np
import math


def batchnorm(h, g, b, eps=1e-5):
    m = h.mean(axis=0)
    v = h.var(axis=0)
    return (h - m) / jnp.sqrt(v + eps) * g + b


def knn(pos, k):
    sq = jnp.sum(pos * pos, axis=-1)
    d = sq[:, :, None] + sq[:, None, :] - 2.0 * jnp.einsum('bnd,bmd->bnm', pos, pos)
    _, idx = jax.lax.top_k(-d, k)
    return idx


def gather_nbr(val, idx):
    return jax.vmap(lambda v, i: v[i])(val, idx)


def fps(pos, ratio):
    B, n, _ = pos.shape
    m = int(math.ceil(ratio * n))
    dist = jnp.full((B, n), jnp.inf)
    cur = jnp.zeros((B,), dtype=jnp.int32)
    ar = jnp.arange(B)
    idxs = []
    for _ in range(m):
        idxs.append(cur)
        psel = pos[ar, cur]
        d = jnp.sum((pos - psel[:, None, :]) ** 2, axis=-1)
        dist = jnp.minimum(dist, d)
        cur = jnp.argmax(dist, axis=1).astype(jnp.int32)
    return jnp.stack(idxs, axis=1)


def xconv(x, pos, p, K, dil, key):
    B, n, D = pos.shape
    idx = knn(pos, K * dil)
    if dil > 1:
        sel = jax.random.randint(key, (B, n, K), 0, K * dil)
        idx = jnp.take_along_axis(idx, sel, axis=2)
    nbr_pos = gather_nbr(pos, idx)
    rel = nbr_pos - pos[:, :, None, :]
    M = B * n
    rf = rel.reshape(M * K, D)
    h = jax.nn.elu(rf @ p['mlp1_w1'].T + p['mlp1_b1'])
    h = batchnorm(h, p['mlp1_g1'], p['mlp1_be1'])
    h = jax.nn.elu(h @ p['mlp1_w2'].T + p['mlp1_b2'])
    h = batchnorm(h, p['mlp1_g2'], p['mlp1_be2'])
    C_delta = h.shape[-1]
    x_star = h.reshape(B, n, K, C_delta)
    xn = gather_nbr(x, idx)
    x_star = jnp.concatenate([x_star, xn], axis=-1)
    Cm = x_star.shape[-1]
    xs = x_star.transpose(0, 1, 3, 2).reshape(M, Cm, K)
    pf = rel.reshape(M, K * D)
    t = jax.nn.elu(pf @ p['mlp2_wl'].T + p['mlp2_bl'])
    t = batchnorm(t, p['mlp2_ga'], p['mlp2_ba'])
    t = t.reshape(M, K, K)
    t = jnp.einsum('mgt,gjt->mgj', t, p['mlp2_cw1']).reshape(M, K * K) + p['mlp2_cb1']
    t = jax.nn.elu(t)
    t = batchnorm(t, p['mlp2_gb'], p['mlp2_bb'])
    t = t.reshape(M, K, K)
    t = jnp.einsum('mgt,gjt->mgj', t, p['mlp2_cw2']).reshape(M, K * K) + p['mlp2_cb2']
    t = batchnorm(t, p['mlp2_gc'], p['mlp2_bc'])
    t = t.reshape(M, K, K)
    xt = jnp.einsum('mck,mkj->mcj', xs, t)
    out = jnp.einsum('mck,cjk->mcj', xt, p['conv_dw']).reshape(M, -1) + p['conv_db']
    out = out @ p['conv_fw'].T + p['conv_fb']
    return out.reshape(B, n, -1)


def relu_bn(x, g, b):
    B, n, C = x.shape
    h = batchnorm(x.reshape(B * n, C), g, b)
    return jax.nn.relu(h).reshape(B, n, C)


def gather_pts(x, pos, idx):
    g = jax.vmap(lambda v, i: v[i])
    return g(x, idx), g(pos, idx)


def model_forward(x, pos, params):
    key = jax.random.key(42)
    x = xconv(x, pos, params['cv1'], 8, 1, key)
    idx = fps(pos, 0.33)
    x, pos = gather_pts(x, pos, idx)
    x = relu_bn(x, params['bn1_g'], params['bn1_b'])
    x = xconv(x, pos, params['cv2'], 8, 2, jax.random.fold_in(key, 2))
    x = relu_bn(x, params['bn2_g'], params['bn2_b'])
    idx = fps(pos, 0.33)
    x, pos = gather_pts(x, pos, idx)
    x = xconv(x, pos, params['cv3'], 12, 2, jax.random.fold_in(key, 3))
    x = relu_bn(x, params['bn3_g'], params['bn3_b'])
    idx = fps(pos, 0.33)
    x, pos = gather_pts(x, pos, idx)
    x = xconv(x, pos, params['cv4'], 16, 2, jax.random.fold_in(key, 4))
    x = relu_bn(x, params['bn4_g'], params['bn4_b'])
    x = xconv(x, pos, params['cv5'], 16, 2, jax.random.fold_in(key, 5))
    x = x.mean(axis=1)
    x = jax.nn.relu(batchnorm(x, params['bn5_g'], params['bn5_b']))
    x = x @ params['lin1_w'].T + params['lin1_b']
    x = x @ params['lin2_w'].T + params['lin2_b']
    return x


def setup_inputs(seed: int = 0) -> dict:
    key = jax.random.key(seed)
    ks = iter(jax.random.split(key, 64))

    def nrm(shape, s=0.1):
        return jax.random.normal(next(ks), shape, jnp.float32) * s

    def xc(C_in, C_delta, C_out, D, K):
        Cm = C_in + C_delta
        dm = int(math.ceil(C_out / Cm))
        return {
            'mlp1_w1': nrm((C_delta, D)), 'mlp1_b1': jnp.zeros(C_delta),
            'mlp1_g1': jnp.ones(C_delta), 'mlp1_be1': jnp.zeros(C_delta),
            'mlp1_w2': nrm((C_delta, C_delta)), 'mlp1_b2': jnp.zeros(C_delta),
            'mlp1_g2': jnp.ones(C_delta), 'mlp1_be2': jnp.zeros(C_delta),
            'mlp2_wl': nrm((K * K, D * K)), 'mlp2_bl': jnp.zeros(K * K),
            'mlp2_ga': jnp.ones(K * K), 'mlp2_ba': jnp.zeros(K * K),
            'mlp2_cw1': nrm((K, K, K)), 'mlp2_cb1': jnp.zeros(K * K),
            'mlp2_gb': jnp.ones(K * K), 'mlp2_bb': jnp.zeros(K * K),
            'mlp2_cw2': nrm((K, K, K)), 'mlp2_cb2': jnp.zeros(K * K),
            'mlp2_gc': jnp.ones(K * K), 'mlp2_bc': jnp.zeros(K * K),
            'conv_dw': nrm((Cm, dm, K)), 'conv_db': jnp.zeros(Cm * dm),
            'conv_fw': nrm((C_out, Cm * dm)), 'conv_fb': jnp.zeros(C_out),
        }

    params = {
        'cv1': xc(3, 32, 32, 3, 8),
        'cv2': xc(32, 64, 64, 3, 8),
        'cv3': xc(64, 128, 128, 3, 12),
        'cv4': xc(128, 128, 128, 3, 16),
        'cv5': xc(128, 256, 256, 3, 16),
        'bn1_g': jnp.ones(32), 'bn1_b': jnp.zeros(32),
        'bn2_g': jnp.ones(64), 'bn2_b': jnp.zeros(64),
        'bn3_g': jnp.ones(128), 'bn3_b': jnp.zeros(128),
        'bn4_g': jnp.ones(128), 'bn4_b': jnp.zeros(128),
        'bn5_g': jnp.ones(256), 'bn5_b': jnp.zeros(256),
        'lin1_w': nrm((64, 256)), 'lin1_b': jnp.zeros(64),
        'lin2_w': nrm((40, 64)), 'lin2_b': jnp.zeros(40),
    }
    x = jax.random.normal(next(ks), (16, 1024, 3), jnp.float32)
    pos = jax.random.normal(next(ks), (16, 1024, 3), jnp.float32)
    return {'x': x, 'pos': pos, 'params': params}


def reference(x, pos, params):
    return model_forward(x, pos, params)

if __name__ == "__main__":
    import jax
    _d = setup_inputs()
    print(jax.jit(kernel)(*tuple(_d.values())))

</pallas_src>

<mosaic_0001>
module attributes {stable_mosaic.version = 14 : i64} {
  func.func @_fps_kernel(%arg0: memref<1024x16xf32, #tpu.memory_space<vmem>>, %arg1: memref<1024x16xf32, #tpu.memory_space<vmem>>, %arg2: memref<1024x16xf32, #tpu.memory_space<vmem>>, %arg3: memref<338x16xi32, #tpu.memory_space<vmem>>) attributes {dimension_semantics = [], scalar_prefetch = 0 : i64, scratch_operands = 0 : i64, tpu.core_type = #tpu.core_type<tc>} {
    %get3A = arith.constant 0 : index
    %get3A_0 = arith.constant 0 : index
    %get3A_1 = vector.load %arg0[%get3A, %get3A_0] : memref<1024x16xf32, #tpu.memory_space<vmem>>, vector<1024x16xf32>
    %get3A_2 = arith.constant 0 : index
    %get3A_3 = arith.constant 0 : index
    %get3A_4 = vector.load %arg1[%get3A_2, %get3A_3] : memref<1024x16xf32, #tpu.memory_space<vmem>>, vector<1024x16xf32>
    %get3A_5 = arith.constant 0 : index
    %get3A_6 = arith.constant 0 : index
    %get3A_7 = vector.load %arg2[%get3A_5, %get3A_6] : memref<1024x16xf32, #tpu.memory_space<vmem>>, vector<1024x16xf32>
    %iota3A = tpu.iota {dimensions = array<i32: 0>} : vector<1024x16xi32>
    %convert_element_type3A = arith.sitofp %iota3A : vector<1024x16xi32> to vector<1024x16xf32>
    %broadcast_in_dim3A = arith.constant 0x7F800000 : f32
    %broadcast_in_dim3A_8 = vector.broadcast %broadcast_in_dim3A : f32 to vector<1024x16xf32>
    %broadcast_in_dim3A_9 = arith.constant 0.000000e+00 : f32
    %broadcast_in_dim3A_10 = vector.broadcast %broadcast_in_dim3A_9 : f32 to vector<1x16xf32>
    %scan3A = arith.constant 0 : i32
    %scan3A_11 = arith.constant 338 : i32
    %scan3A_12 = arith.addi %scan3A, %scan3A_11 : i32
    %scan3A_13 = arith.constant 1 : i32
    %scan3A_14:2 = scf.for %scan3A_16 = %scan3A to %scan3A_12 step %scan3A_13 iter_args(%scan3A_17 = %broadcast_in_dim3A_8, %scan3A_18 = %broadcast_in_dim3A_10) -> (vector<1024x16xf32>, vector<1x16xf32>)  : i32 {
      %convert_element_type3A_19 = arith.fptosi %scan3A_18 : vector<1x16xf32> to vector<1x16xi32>
      %swap3A = arith.index_cast %scan3A_16 : i32 to index
      %swap3A_20 = arith.constant 0 : index
      %swap3A_21 = vector.load %arg3[%swap3A, %swap3A_20] : memref<338x16xi32, #tpu.memory_space<vmem>>, vector<1x16xi32>
      tpu.vector_store %arg3[%swap3A, %swap3A_20], %convert_element_type3A_19 {strides = array<i32>} : memref<338x16xi32, #tpu.memory_space<vmem>>, vector<1x16xi32>,
      %eq3A = vector.broadcast %scan3A_18 : vector<1x16xf32> to vector<1024x16xf32>
      %eq3A_22 = arith.cmpf oeq, %convert_element_type3A, %eq3A : vector<1024x16xf32>
      %convert_element_type3A_23 = arith.extui %eq3A_22 : vector<1024x16xi1> to vector<1024x16xi32>
      %convert_element_type3A_24 = arith.sitofp %convert_element_type3A_23 : vector<1024x16xi32> to vector<1024x16xf32>
      %mul3A = arith.mulf %convert_element_type3A_24, %get3A_1 : vector<1024x16xf32>
      %reduce_sum3A = arith.constant dense<0.000000e+00> : vector<16xf32>
      %reduce_sum3A_25 = vector.multi_reduction <add>, %mul3A, %reduce_sum3A [0] : vector<1024x16xf32> to vector<16xf32>
      %broadcast_in_dim3A_26 = vector.shape_cast %reduce_sum3A_25 : vector<16xf32> to vector<1x16xf32>
      %mul3A_27 = arith.mulf %convert_element_type3A_24, %get3A_4 : vector<1024x16xf32>
      %reduce_sum3A_28 = arith.constant dense<0.000000e+00> : vector<16xf32>
      %reduce_sum3A_29 = vector.multi_reduction <add>, %mul3A_27, %reduce_sum3A_28 [0] : vector<1024x16xf32> to vector<16xf32>
      %broadcast_in_dim3A_30 = vector.shape_cast %reduce_sum3A_29 : vector<16xf32> to vector<1x16xf32>
      %mul3A_31 = arith.mulf %convert_element_type3A_24, %get3A_7 : vector<1024x16xf32>
      %reduce_sum3A_32 = arith.constant dense<0.000000e+00> : vector<16xf32>
      %reduce_sum3A_33 = vector.multi_reduction <add>, %mul3A_31, %reduce_sum3A_32 [0] : vector<1024x16xf32> to vector<16xf32>
      %broadcast_in_dim3A_34 = vector.shape_cast %reduce_sum3A_33 : vector<16xf32> to vector<1x16xf32>
      %sub3A = vector.broadcast %broadcast_in_dim3A_26 : vector<1x16xf32> to vector<1024x16xf32>
      %sub3A_35 = arith.subf %get3A_1, %sub3A : vector<1024x16xf32>
      %integer_pow3A = arith.mulf %sub3A_35, %sub3A_35 : vector<1024x16xf32>
      %sub3A_36 = vector.broadcast %broadcast_in_dim3A_30 : vector<1x16xf32> to vector<1024x16xf32>
      %sub3A_37 = arith.subf %get3A_4, %sub3A_36 : vector<1024x16xf32>
      %integer_pow3A_38 = arith.mulf %sub3A_37, %sub3A_37 : vector<1024x16xf32>
      %add3A = arith.addf %integer_pow3A, %integer_pow3A_38 : vector<1024x16xf32>
      %sub3A_39 = vector.broadcast %broadcast_in_dim3A_34 : vector<1x16xf32> to vector<1024x16xf32>
      %sub3A_40 = arith.subf %get3A_7, %sub3A_39 : vector<1024x16xf32>
      %integer_pow3A_41 = arith.mulf %sub3A_40, %sub3A_40 : vector<1024x16xf32>
      %add3A_42 = arith.addf %add3A, %integer_pow3A_41 : vector<1024x16xf32>
      %min3A = arith.minimumf %scan3A_17, %add3A_42 : vector<1024x16xf32>
      %reduce_max3A = arith.constant dense<0xFF800000> : vector<16xf32>
      %reduce_max3A_43 = vector.multi_reduction <maximumf>, %min3A, %reduce_max3A [0] : vector<1024x16xf32> to vector<16xf32>
      %broadcast_in_dim3A_44 = vector.shape_cast %reduce_max3A_43 : vector<16xf32> to vector<1x16xf32>
      %eq3A_45 = vector.broadcast %broadcast_in_dim3A_44 : vector<1x16xf32> to vector<1024x16xf32>
      %eq3A_46 = arith.cmpf oeq, %min3A, %eq3A_45 : vector<1024x16xf32>
      %jit3A = arith.constant 1.024000e+03 : f32
      %broadcast_in_dim3A_47 = vector.broadcast %jit3A : f32 to vector<1024x16xf32>
      %select_n3A = arith.select %eq3A_46, %convert_element_type3A, %broadcast_in_dim3A_47 : vector<1024x16xi1>, vector<1024x16xf32>
      %reduce_min3A = arith.constant dense<0x7F800000> : vector<16xf32>
      %reduce_min3A_48 = vector.multi_reduction <minimumf>, %select_n3A, %reduce_min3A [0] : vector<1024x16xf32> to vector<16xf32>
      %broadcast_in_dim3A_49 = vector.shape_cast %reduce_min3A_48 : vector<16xf32> to vector<1x16xf32>
      scf.yield %min3A, %broadcast_in_dim3A_49 : vector<1024x16xf32>, vector<1x16xf32>
    }
    %scan3A_15 = arith.constant 338 : i32
    return
  }
}

module attributes {stable_mosaic.version = 14 : i64} {
  func.func @_fps_kernel(%arg0: memref<338x16xf32, #tpu.memory_space<vmem>>, %arg1: memref<338x16xf32, #tpu.memory_space<vmem>>, %arg2: memref<338x16xf32, #tpu.memory_space<vmem>>, %arg3: memref<112x16xi32, #tpu.memory_space<vmem>>) attributes {dimension_semantics = [], scalar_prefetch = 0 : i64, scratch_operands = 0 : i64, tpu.core_type = #tpu.core_type<tc>} {
    %get3A = arith.constant 0 : index
    %get3A_0 = arith.constant 0 : index
    %get3A_1 = vector.load %arg0[%get3A, %get3A_0] : memref<338x16xf32, #tpu.memory_space<vmem>>, vector<338x16xf32>
    %get3A_2 = arith.constant 0 : index
    %get3A_3 = arith.constant 0 : index
    %get3A_4 = vector.load %arg1[%get3A_2, %get3A_3] : memref<338x16xf32, #tpu.memory_space<vmem>>, vector<338x16xf32>
    %get3A_5 = arith.constant 0 : index
    %get3A_6 = arith.constant 0 : index
    %get3A_7 = vector.load %arg2[%get3A_5, %get3A_6] : memref<338x16xf32, #tpu.memory_space<vmem>>, vector<338x16xf32>
    %iota3A = tpu.iota {dimensions = array<i32: 0>} : vector<338x16xi32>
    %convert_element_type3A = arith.sitofp %iota3A : vector<338x16xi32> to vector<338x16xf32>
    %broadcast_in_dim3A = arith.constant 0x7F800000 : f32
    %broadcast_in_dim3A_8 = vector.broadcast %broadcast_in_dim3A : f32 to vector<338x16xf32>
    %broadcast_in_dim3A_9 = arith.constant 0.000000e+00 : f32
    %broadcast_in_dim3A_10 = vector.broadcast %broadcast_in_dim3A_9 : f32 to vector<1x16xf32>
    %scan3A = arith.constant 0 : i32
    %scan3A_11 = arith.constant 112 : i32
    %scan3A_12 = arith.addi %scan3A, %scan3A_11 : i32
    %scan3A_13 = arith.constant 1 : i32
    %scan3A_14:2 = scf.for %scan3A_16 = %scan3A to %scan3A_12 step %scan3A_13 iter_args(%scan3A_17 = %broadcast_in_dim3A_8, %scan3A_18 = %broadcast_in_dim3A_10) -> (vector<338x16xf32>, vector<1x16xf32>)  : i32 {
      %convert_element_type3A_19 = arith.fptosi %scan3A_18 : vector<1x16xf32> to vector<1x16xi32>
      %swap3A = arith.index_cast %scan3A_16 : i32 to index
      %swap3A_20 = arith.constant 0 : index
      %swap3A_21 = vector.load %arg3[%swap3A, %swap3A_20] : memref<112x16xi32, #tpu.memory_space<vmem>>, vector<1x16xi32>
      tpu.vector_store %arg3[%swap3A, %swap3A_20], %convert_element_type3A_19 {strides = array<i32>} : memref<112x16xi32, #tpu.memory_space<vmem>>, vector<1x16xi32>,
      %eq3A = vector.broadcast %scan3A_18 : vector<1x16xf32> to vector<338x16xf32>
      %eq3A_22 = arith.cmpf oeq, %convert_element_type3A, %eq3A : vector<338x16xf32>
      %convert_element_type3A_23 = arith.extui %eq3A_22 : vector<338x16xi1> to vector<338x16xi32>
      %convert_element_type3A_24 = arith.sitofp %convert_element_type3A_23 : vector<338x16xi32> to vector<338x16xf32>
      %mul3A = arith.mulf %convert_element_type3A_24, %get3A_1 : vector<338x16xf32>
      %reduce_sum3A = arith.constant dense<0.000000e+00> : vector<16xf32>
      %reduce_sum3A_25 = vector.multi_reduction <add>, %mul3A, %reduce_sum3A [0] : vector<338x16xf32> to vector<16xf32>
      %broadcast_in_dim3A_26 = vector.shape_cast %reduce_sum3A_25 : vector<16xf32> to vector<1x16xf32>
      %mul3A_27 = arith.mulf %convert_element_type3A_24, %get3A_4 : vector<338x16xf32>
      %reduce_sum3A_28 = arith.constant dense<0.000000e+00> : vector<16xf32>
      %reduce_sum3A_29 = vector.multi_reduction <add>, %mul3A_27, %reduce_sum3A_28 [0] : vector<338x16xf32> to vector<16xf32>
      %broadcast_in_dim3A_30 = vector.shape_cast %reduce_sum3A_29 : vector<16xf32> to vector<1x16xf32>
      %mul3A_31 = arith.mulf %convert_element_type3A_24, %get3A_7 : vector<338x16xf32>
      %reduce_sum3A_32 = arith.constant dense<0.000000e+00> : vector<16xf32>
      %reduce_sum3A_33 = vector.multi_reduction <add>, %mul3A_31, %reduce_sum3A_32 [0] : vector<338x16xf32> to vector<16xf32>
      %broadcast_in_dim3A_34 = vector.shape_cast %reduce_sum3A_33 : vector<16xf32> to vector<1x16xf32>
      %sub3A = vector.broadcast %broadcast_in_dim3A_26 : vector<1x16xf32> to vector<338x16xf32>
      %sub3A_35 = arith.subf %get3A_1, %sub3A : vector<338x16xf32>
      %integer_pow3A = arith.mulf %sub3A_35, %sub3A_35 : vector<338x16xf32>
      %sub3A_36 = vector.broadcast %broadcast_in_dim3A_30 : vector<1x16xf32> to vector<338x16xf32>
      %sub3A_37 = arith.subf %get3A_4, %sub3A_36 : vector<338x16xf32>
      %integer_pow3A_38 = arith.mulf %sub3A_37, %sub3A_37 : vector<338x16xf32>
      %add3A = arith.addf %integer_pow3A, %integer_pow3A_38 : vector<338x16xf32>
      %sub3A_39 = vector.broadcast %broadcast_in_dim3A_34 : vector<1x16xf32> to vector<338x16xf32>
      %sub3A_40 = arith.subf %get3A_7, %sub3A_39 : vector<338x16xf32>
      %integer_pow3A_41 = arith.mulf %sub3A_40, %sub3A_40 : vector<338x16xf32>
      %add3A_42 = arith.addf %add3A, %integer_pow3A_41 : vector<338x16xf32>
      %min3A = arith.minimumf %scan3A_17, %add3A_42 : vector<338x16xf32>
      %reduce_max3A = arith.constant dense<0xFF800000> : vector<16xf32>
      %reduce_max3A_43 = vector.multi_reduction <maximumf>, %min3A, %reduce_max3A [0] : vector<338x16xf32> to vector<16xf32>
      %broadcast_in_dim3A_44 = vector.shape_cast %reduce_max3A_43 : vector<16xf32> to vector<1x16xf32>
      %eq3A_45 = vector.broadcast %broadcast_in_dim3A_44 : vector<1x16xf32> to vector<338x16xf32>
      %eq3A_46 = arith.cmpf oeq, %min3A, %eq3A_45 : vector<338x16xf32>
      %jit3A = arith.constant 3.380000e+02 : f32
      %broadcast_in_dim3A_47 = vector.broadcast %jit3A : f32 to vector<338x16xf32>
      %select_n3A = arith.select %eq3A_46, %convert_element_type3A, %broadcast_in_dim3A_47 : vector<338x16xi1>, vector<338x16xf32>
      %reduce_min3A = arith.constant dense<0x7F800000> : vector<16xf32>
      %reduce_min3A_48 = vector.multi_reduction <minimumf>, %select_n3A, %reduce_min3A [0] : vector<338x16xf32> to vector<16xf32>
      %broadcast_in_dim3A_49 = vector.shape_cast %reduce_min3A_48 : vector<16xf32> to vector<1x16xf32>
      scf.yield %min3A, %broadcast_in_dim3A_49 : vector<338x16xf32>, vector<1x16xf32>
    }
    %scan3A_15 = arith.constant 112 : i32
    return
  }
}

module attributes {stable_mosaic.version = 14 : i64} {
  func.func @_fps_kernel(%arg0: memref<112x16xf32, #tpu.memory_space<vmem>>, %arg1: memref<112x16xf32, #tpu.memory_space<vmem>>, %arg2: memref<112x16xf32, #tpu.memory_space<vmem>>, %arg3: memref<37x16xi32, #tpu.memory_space<vmem>>) attributes {dimension_semantics = [], scalar_prefetch = 0 : i64, scratch_operands = 0 : i64, tpu.core_type = #tpu.core_type<tc>} {
    %get3A = arith.constant 0 : index
    %get3A_0 = arith.constant 0 : index
    %get3A_1 = vector.load %arg0[%get3A, %get3A_0] : memref<112x16xf32, #tpu.memory_space<vmem>>, vector<112x16xf32>
    %get3A_2 = arith.constant 0 : index
    %get3A_3 = arith.constant 0 : index
    %get3A_4 = vector.load %arg1[%get3A_2, %get3A_3] : memref<112x16xf32, #tpu.memory_space<vmem>>, vector<112x16xf32>
    %get3A_5 = arith.constant 0 : index
    %get3A_6 = arith.constant 0 : index
    %get3A_7 = vector.load %arg2[%get3A_5, %get3A_6] : memref<112x16xf32, #tpu.memory_space<vmem>>, vector<112x16xf32>
    %iota3A = tpu.iota {dimensions = array<i32: 0>} : vector<112x16xi32>
    %convert_element_type3A = arith.sitofp %iota3A : vector<112x16xi32> to vector<112x16xf32>
    %broadcast_in_dim3A = arith.constant 0x7F800000 : f32
    %broadcast_in_dim3A_8 = vector.broadcast %broadcast_in_dim3A : f32 to vector<112x16xf32>
    %broadcast_in_dim3A_9 = arith.constant 0.000000e+00 : f32
    %broadcast_in_dim3A_10 = vector.broadcast %broadcast_in_dim3A_9 : f32 to vector<1x16xf32>
    %scan3A = arith.constant 0 : i32
    %scan3A_11 = arith.constant 37 : i32
    %scan3A_12 = arith.addi %scan3A, %scan3A_11 : i32
    %scan3A_13 = arith.constant 1 : i32
    %scan3A_14:2 = scf.for %scan3A_16 = %scan3A to %scan3A_12 step %scan3A_13 iter_args(%scan3A_17 = %broadcast_in_dim3A_8, %scan3A_18 = %broadcast_in_dim3A_10) -> (vector<112x16xf32>, vector<1x16xf32>)  : i32 {
      %convert_element_type3A_19 = arith.fptosi %scan3A_18 : vector<1x16xf32> to vector<1x16xi32>
      %swap3A = arith.index_cast %scan3A_16 : i32 to index
      %swap3A_20 = arith.constant 0 : index
      %swap3A_21 = vector.load %arg3[%swap3A, %swap3A_20] : memref<37x16xi32, #tpu.memory_space<vmem>>, vector<1x16xi32>
      tpu.vector_store %arg3[%swap3A, %swap3A_20], %convert_element_type3A_19 {strides = array<i32>} : memref<37x16xi32, #tpu.memory_space<vmem>>, vector<1x16xi32>,
      %eq3A = vector.broadcast %scan3A_18 : vector<1x16xf32> to vector<112x16xf32>
      %eq3A_22 = arith.cmpf oeq, %convert_element_type3A, %eq3A : vector<112x16xf32>
      %convert_element_type3A_23 = arith.extui %eq3A_22 : vector<112x16xi1> to vector<112x16xi32>
      %convert_element_type3A_24 = arith.sitofp %convert_element_type3A_23 : vector<112x16xi32> to vector<112x16xf32>
      %mul3A = arith.mulf %convert_element_type3A_24, %get3A_1 : vector<112x16xf32>
      %reduce_sum3A = arith.constant dense<0.000000e+00> : vector<16xf32>
      %reduce_sum3A_25 = vector.multi_reduction <add>, %mul3A, %reduce_sum3A [0] : vector<112x16xf32> to vector<16xf32>
      %broadcast_in_dim3A_26 = vector.shape_cast %reduce_sum3A_25 : vector<16xf32> to vector<1x16xf32>
      %mul3A_27 = arith.mulf %convert_element_type3A_24, %get3A_4 : vector<112x16xf32>
      %reduce_sum3A_28 = arith.constant dense<0.000000e+00> : vector<16xf32>
      %reduce_sum3A_29 = vector.multi_reduction <add>, %mul3A_27, %reduce_sum3A_28 [0] : vector<112x16xf32> to vector<16xf32>
      %broadcast_in_dim3A_30 = vector.shape_cast %reduce_sum3A_29 : vector<16xf32> to vector<1x16xf32>
      %mul3A_31 = arith.mulf %convert_element_type3A_24, %get3A_7 : vector<112x16xf32>
      %reduce_sum3A_32 = arith.constant dense<0.000000e+00> : vector<16xf32>
      %reduce_sum3A_33 = vector.multi_reduction <add>, %mul3A_31, %reduce_sum3A_32 [0] : vector<112x16xf32> to vector<16xf32>
      %broadcast_in_dim3A_34 = vector.shape_cast %reduce_sum3A_33 : vector<16xf32> to vector<1x16xf32>
      %sub3A = vector.broadcast %broadcast_in_dim3A_26 : vector<1x16xf32> to vector<112x16xf32>
      %sub3A_35 = arith.subf %get3A_1, %sub3A : vector<112x16xf32>
      %integer_pow3A = arith.mulf %sub3A_35, %sub3A_35 : vector<112x16xf32>
      %sub3A_36 = vector.broadcast %broadcast_in_dim3A_30 : vector<1x16xf32> to vector<112x16xf32>
      %sub3A_37 = arith.subf %get3A_4, %sub3A_36 : vector<112x16xf32>
      %integer_pow3A_38 = arith.mulf %sub3A_37, %sub3A_37 : vector<112x16xf32>
      %add3A = arith.addf %integer_pow3A, %integer_pow3A_38 : vector<112x16xf32>
      %sub3A_39 = vector.broadcast %broadcast_in_dim3A_34 : vector<1x16xf32> to vector<112x16xf32>
      %sub3A_40 = arith.subf %get3A_7, %sub3A_39 : vector<112x16xf32>
      %integer_pow3A_41 = arith.mulf %sub3A_40, %sub3A_40 : vector<112x16xf32>
      %add3A_42 = arith.addf %add3A, %integer_pow3A_41 : vector<112x16xf32>
      %min3A = arith.minimumf %scan3A_17, %add3A_42 : vector<112x16xf32>
      %reduce_max3A = arith.constant dense<0xFF800000> : vector<16xf32>
      %reduce_max3A_43 = vector.multi_reduction <maximumf>, %min3A, %reduce_max3A [0] : vector<112x16xf32> to vector<16xf32>
      %broadcast_in_dim3A_44 = vector.shape_cast %reduce_max3A_43 : vector<16xf32> to vector<1x16xf32>
      %eq3A_45 = vector.broadcast %broadcast_in_dim3A_44 : vector<1x16xf32> to vector<112x16xf32>
      %eq3A_46 = arith.cmpf oeq, %min3A, %eq3A_45 : vector<112x16xf32>
      %jit3A = arith.constant 1.120000e+02 : f32
      %broadcast_in_dim3A_47 = vector.broadcast %jit3A : f32 to vector<112x16xf32>
      %select_n3A = arith.select %eq3A_46, %convert_element_type3A, %broadcast_in_dim3A_47 : vector<112x16xi1>, vector<112x16xf32>
      %reduce_min3A = arith.constant dense<0x7F800000> : vector<16xf32>
      %reduce_min3A_48 = vector.multi_reduction <minimumf>, %select_n3A, %reduce_min3A [0] : vector<112x16xf32> to vector<16xf32>
      %broadcast_in_dim3A_49 = vector.shape_cast %reduce_min3A_48 : vector<16xf32> to vector<1x16xf32>
      scf.yield %min3A, %broadcast_in_dim3A_49 : vector<112x16xf32>, vector<1x16xf32>
    }
    %scan3A_15 = arith.constant 37 : i32
    return
  }
}

module attributes {stable_mosaic.version = 14 : i64} {
  func.func @_mm_kernel(%arg0: i32, %arg1: memref<4096x3xf32, #tpu.memory_space<vmem>>, %arg2: memref<3x64xf32, #tpu.memory_space<vmem>>, %arg3: memref<1x64xf32, #tpu.memory_space<vmem>>, %arg4: memref<1x3xf32, #tpu.memory_space<vmem>>, %arg5: memref<1x3xf32, #tpu.memory_space<vmem>>, %arg6: memref<4096x64xf32, #tpu.memory_space<vmem>>, %arg7: memref<1x1x64xf32, #tpu.memory_space<vmem>>, %arg8: memref<1x1x64xf32, #tpu.memory_space<vmem>>) attributes {dimension_semantics = [#tpu.dimension_semantics<arbitrary>], iteration_bounds = array<i64: 11>, scalar_prefetch = 0 : i64, scratch_operands = 0 : i64, tpu.core_type = #tpu.core_type<tc>, window_params = [{transform_indices = @transform_0, window_bounds = array<i64: 4096, 3>}, {pipeline_mode = #tpu.pipeline_mode<synchronous>, transform_indices = @transform_1, window_bounds = array<i64: 3, 64>}, {pipeline_mode = #tpu.pipeline_mode<synchronous>, transform_indices = @transform_2, window_bounds = array<i64: 1, 64>}, {pipeline_mode = #tpu.pipeline_mode<synchronous>, transform_indices = @transform_3, window_bounds = array<i64: 1, 3>}, {pipeline_mode = #tpu.pipeline_mode<synchronous>, transform_indices = @transform_4, window_bounds = array<i64: 1, 3>}, {transform_indices = @transform_5, window_bounds = array<i64: 4096, 64>}, {transform_indices = @transform_6, window_bounds = array<i64: 1, 1, 64>}, {transform_indices = @transform_7, window_bounds = array<i64: 1, 1, 64>}]} {
    %get3A = arith.constant 0 : index
    %get3A_0 = arith.constant 0 : index
    %get3A_1 = vector.load %arg1[%get3A, %get3A_0] : memref<4096x3xf32, #tpu.memory_space<vmem>>, vector<4096x3xf32>
    %get3A_2 = arith.constant 0 : index
    %get3A_3 = arith.constant 0 : index
    %get3A_4 = vector.load %arg4[%get3A_2, %get3A_3] : memref<1x3xf32, #tpu.memory_space<vmem>>, vector<1x3xf32>
    %mul3A = vector.broadcast %get3A_4 : vector<1x3xf32> to vector<4096x3xf32>
    %mul3A_5 = arith.mulf %get3A_1, %mul3A : vector<4096x3xf32>
    %get3A_6 = arith.constant 0 : index
    %get3A_7 = arith.constant 0 : index
    %get3A_8 = vector.load %arg5[%get3A_6, %get3A_7] : memref<1x3xf32, #tpu.memory_space<vmem>>, vector<1x3xf32>
    %add3A = vector.broadcast %get3A_8 : vector<1x3xf32> to vector<4096x3xf32>
    %add3A_9 = arith.addf %mul3A_5, %add3A : vector<4096x3xf32>
    %get3A_10 = arith.constant 0 : index
    %get3A_11 = arith.constant 0 : index
    %get3A_12 = vector.load %arg2[%get3A_10, %get3A_11] : memref<3x64xf32, #tpu.memory_space<vmem>>, vector<3x64xf32>
    %dot_general3A = arith.constant dense<0.000000e+00> : vector<4096x64xf32>
    %dot_general3A_13 = tpu.matmul %add3A_9, %get3A_12, %dot_general3A {dimension_numbers = #tpu.dot_dimension_numbers<[1], [0], [0], [1], [0, 0, 1, 1], [], []>, transpose_lhs_hint = false} : vector<4096x3xf32>, vector<3x64xf32>, vector<4096x64xf32> -> vector<4096x64xf32>
    %get3A_14 = arith.constant 0 : index
    %get3A_15 = arith.constant 0 : index
    %get3A_16 = vector.load %arg3[%get3A_14, %get3A_15] : memref<1x64xf32, #tpu.memory_space<vmem>>, vector<1x64xf32>
    %add3A_17 = vector.broadcast %get3A_16 : vector<1x64xf32> to vector<4096x64xf32>
    %add3A_18 = arith.addf %dot_general3A_13, %add3A_17 : vector<4096x64xf32>
    %gt3A = arith.constant 0.000000e+00 : f32
    %gt3A_19 = vector.broadcast %gt3A : f32 to vector<4096x64xf32>
    %gt3A_20 = arith.cmpf ogt, %add3A_18, %gt3A_19 : vector<4096x64xf32>
    %exp3A = math.exp %add3A_18 : vector<4096x64xf32>
    %sub3A = arith.constant 1.000000e+00 : f32
    %sub3A_21 = vector.broadcast %sub3A : f32 to vector<4096x64xf32>
    %sub3A_22 = arith.subf %exp3A, %sub3A_21 : vector<4096x64xf32>
    %select_n3A = arith.select %gt3A_20, %add3A_18, %sub3A_22 : vector<4096x64xi1>, vector<4096x64xf32>
    %swap3A = arith.constant 0 : index
    %swap3A_23 = arith.constant 0 : index
    %swap3A_24 = vector.load %arg6[%swap3A, %swap3A_23] : memref<4096x64xf32, #tpu.memory_space<vmem>>, vector<4096x64xf32>
    tpu.vector_store %arg6[%swap3A, %swap3A_23], %select_n3A {strides = array<i32>} : memref<4096x64xf32, #tpu.memory_space<vmem>>, vector<4096x64xf32>,
    %mul3A_25 = arith.constant 4096 : i32
    %mul3A_26 = arith.muli %arg0, %mul3A_25 : i32
    %iota3A = tpu.iota {dimensions = array<i32: 0>} : vector<4096x1xi32>
    %add3A_27 = vector.broadcast %mul3A_26 : i32 to vector<4096x1xi32>
    %add3A_28 = arith.addi %add3A_27, %iota3A : vector<4096x1xi32>
    %lt3A = arith.constant 43264 : i32
    %lt3A_29 = vector.broadcast %lt3A : i32 to vector<4096x1xi32>
    %lt3A_30 = arith.cmpi slt, %add3A_28, %lt3A_29 : vector<4096x1xi32>
    %jit3A = arith.constant 0.000000e+00 : f32
    %broadcast_in_dim3A = vector.shape_cast %lt3A_30 : vector<4096x1xi1> to vector<4096x1xi1>
    %broadcast_in_dim3A_31 = vector.broadcast %broadcast_in_dim3A : vector<4096x1xi1> to vector<4096x64xi1>
    %broadcast_in_dim3A_32 = vector.broadcast %jit3A : f32 to vector<4096x64xf32>
    %select_n3A_33 = arith.select %broadcast_in_dim3A_31, %select_n3A, %broadcast_in_dim3A_32 : vector<4096x64xi1>, vector<4096x64xf32>
    %reduce_sum3A = arith.constant dense<0.000000e+00> : vector<64xf32>
    %reduce_sum3A_34 = vector.multi_reduction <add>, %select_n3A_33, %reduce_sum3A [0] : vector<4096x64xf32> to vector<64xf32>
    %broadcast_in_dim3A_35 = vector.shape_cast %reduce_sum3A_34 : vector<64xf32> to vector<1x64xf32>
    %swap3A_36 = arith.constant 0 : index
    %swap3A_37 = arith.constant 0 : index
    %swap3A_38 = arith.constant 0 : index
    %swap3A_39 = vector.load %arg7[%swap3A_36, %swap3A_37, %swap3A_38] : memref<1x1x64xf32, #tpu.memory_space<vmem>>, vector<1x1x64xf32>
    %swap3A_40 = vector.shape_cast %swap3A_39 : vector<1x1x64xf32> to vector<1x64xf32>
    %swap3A_41 = vector.shape_cast %broadcast_in_dim3A_35 : vector<1x64xf32> to vector<1x1x64xf32>
    tpu.vector_store %arg7[%swap3A_36, %swap3A_37, %swap3A_38], %swap3A_41 {strides = array<i32>} : memref<1x1x64xf32, #tpu.memory_space<vmem>>, vector<1x1x64xf32>,
    %mul3A_42 = arith.mulf %select_n3A_33, %select_n3A_33 : vector<4096x64xf32>
    %reduce_sum3A_43 = arith.constant dense<0.000000e+00> : vector<64xf32>
    %reduce_sum3A_44 = vector.multi_reduction <add>, %mul3A_42, %reduce_sum3A_43 [0] : vector<4096x64xf32> to vector<64xf32>
    %broadcast_in_dim3A_45 = vector.shape_cast %reduce_sum3A_44 : vector<64xf32> to vector<1x64xf32>
    %swap3A_46 = arith.constant 0 : index
    %swap3A_47 = arith.constant 0 : index
    %swap3A_48 = arith.constant 0 : index
    %swap3A_49 = vector.load %arg8[%swap3A_46, %swap3A_47, %swap3A_48] : memref<1x1x64xf32, #tpu.memory_space<vmem>>, vector<1x1x64xf32>
    %swap3A_50 = vector.shape_cast %swap3A_49 : vector<1x1x64xf32> to vector<1x64xf32>
    %swap3A_51 = vector.shape_cast %broadcast_in_dim3A_45 : vector<1x64xf32> to vector<1x1x64xf32>
    tpu.vector_store %arg8[%swap3A_46, %swap3A_47, %swap3A_48], %swap3A_51 {strides = array<i32>} : memref<1x1x64xf32, #tpu.memory_space<vmem>>, vector<1x1x64xf32>,
    return
  }
  func.func @transform_0(%arg0: i32) -> (i32, i32) {
    %c0_i32 = arith.constant 0 : i32
    %c0_i32_0 = arith.constant 0 : i32
    return %arg0, %c0_i32 : i32, i32
  }
  func.func @transform_1(%arg0: i32) -> (i32, i32) {
    %c0_i32 = arith.constant 0 : i32
    %c0_i32_0 = arith.constant 0 : i32
    %c0_i32_1 = arith.constant 0 : i32
    return %c0_i32, %c0_i32_0 : i32, i32
  }
  func.func @transform_2(%arg0: i32) -> (i32, i32) {
    %c0_i32 = arith.constant 0 : i32
    %c0_i32_0 = arith.constant 0 : i32
    %c0_i32_1 = arith.constant 0 : i32
    return %c0_i32, %c0_i32_0 : i32, i32
  }
  func.func @transform_3(%arg0: i32) -> (i32, i32) {
    %c0_i32 = arith.constant 0 : i32
    %c0_i32_0 = arith.constant 0 : i32
    %c0_i32_1 = arith.constant 0 : i32
    return %c0_i32, %c0_i32_0 : i32, i32
  }
  func.func @transform_4(%arg0: i32) -> (i32, i32) {
    %c0_i32 = arith.constant 0 : i32
    %c0_i32_0 = arith.constant 0 : i32
    %c0_i32_1 = arith.constant 0 : i32
    return %c0_i32, %c0_i32_0 : i32, i32
  }
  func.func @transform_5(%arg0: i32) -> (i32, i32) {
    %c0_i32 = arith.constant 0 : i32
    %c0_i32_0 = arith.constant 0 : i32
    return %arg0, %c0_i32 : i32, i32
  }
  func.func @transform_6(%arg0: i32) -> (i32, i32, i32) {
    %c0_i32 = arith.constant 0 : i32
    %c0_i32_0 = arith.constant 0 : i32
    %c0_i32_1 = arith.constant 0 : i32
    return %arg0, %c0_i32, %c0_i32_0 : i32, i32, i32
  }
  func.func @transform_7(%arg0: i32) -> (i32, i32, i32) {
    %c0_i32 = arith.constant 0 : i32
    %c0_i32_0 = arith.constant 0 : i32
    %c0_i32_1 = arith.constant 0 : i32
    return %arg0, %c0_i32, %c0_i32_0 : i32, i32, i32
  }
}

module attributes {stable_mosaic.version = 14 : i64} {
  func.func @_mm_kernel(%arg0: i32, %arg1: memref<4096x64xf32, #tpu.memory_space<vmem>>, %arg2: memref<64x64xf32, #tpu.memory_space<vmem>>, %arg3: memref<1x64xf32, #tpu.memory_space<vmem>>, %arg4: memref<1x64xf32, #tpu.memory_space<vmem>>, %arg5: memref<1x64xf32, #tpu.memory_space<vmem>>, %arg6: memref<4096x64xf32, #tpu.memory_space<vmem>>, %arg7: memref<1x1x64xf32, #tpu.memory_space<vmem>>, %arg8: memref<1x1x64xf32, #tpu.memory_space<vmem>>) attributes {dimension_semantics = [#tpu.dimension_semantics<arbitrary>], iteration_bounds = array<i64: 11>, scalar_prefetch = 0 : i64, scratch_operands = 0 : i64, tpu.core_type = #tpu.core_type<tc>, window_params = [{transform_indices = @transform_0, window_bounds = array<i64: 4096, 64>}, {pipeline_mode = #tpu.pipeline_mode<synchronous>, transform_indices = @transform_1, window_bounds = array<i64: 64, 64>}, {pipeline_mode = #tpu.pipeline_mode<synchronous>, transform_indices = @transform_2, window_bounds = array<i64: 1, 64>}, {pipeline_mode = #tpu.pipeline_mode<synchronous>, transform_indices = @transform_3, window_bounds = array<i64: 1, 64>}, {pipeline_mode = #tpu.pipeline_mode<synchronous>, transform_indices = @transform_4, window_bounds = array<i64: 1, 64>}, {transform_indices = @transform_5, window_bounds = array<i64: 4096, 64>}, {transform_indices = @transform_6, window_bounds = array<i64: 1, 1, 64>}, {transform_indices = @transform_7, window_bounds = array<i64: 1, 1, 64>}]} {
    %get3A = arith.constant 0 : index
    %get3A_0 = arith.constant 0 : index
    %get3A_1 = vector.load %arg1[%get3A, %get3A_0] : memref<4096x64xf32, #tpu.memory_space<vmem>>, vector<4096x64xf32>
    %get3A_2 = arith.constant 0 : index
    %get3A_3 = arith.constant 0 : index
    %get3A_4 = vector.load %arg4[%get3A_2, %get3A_3] : memref<1x64xf32, #tpu.memory_space<vmem>>, vector<1x64xf32>
    %mul3A = vector.broadcast %get3A_4 : vector<1x64xf32> to vector<4096x64xf32>
    %mul3A_5 = arith.mulf %get3A_1, %mul3A : vector<4096x64xf32>
    %get3A_6 = arith.constant 0 : index
    %get3A_7 = arith.constant 0 : index
    %get3A_8 = vector.load %arg5[%get3A_6, %get3A_7] : memref<1x64xf32, #tpu.memory_space<vmem>>, vector<1x64xf32>
    %add3A = vector.broadcast %get3A_8 : vector<1x64xf32> to vector<4096x64xf32>
    %add3A_9 = arith.addf %mul3A_5, %add3A : vector<4096x64xf32>
    %get3A_10 = arith.constant 0 : index
    %get3A_11 = arith.constant 0 : index
    %get3A_12 = vector.load %arg2[%get3A_10, %get3A_11] : memref<64x64xf32, #tpu.memory_space<vmem>>, vector<64x64xf32>
    %dot_general3A = arith.constant dense<0.000000e+00> : vector<4096x64xf32>
    %dot_general3A_13 = tpu.matmul %add3A_9, %get3A_12, %dot_general3A {dimension_numbers = #tpu.dot_dimension_numbers<[1], [0], [0], [1], [0, 0, 1, 1], [], []>, transpose_lhs_hint = false} : vector<4096x64xf32>, vector<64x64xf32>, vector<4096x64xf32> -> vector<4096x64xf32>
    %get3A_14 = arith.constant 0 : index
    %get3A_15 = arith.constant 0 : index
    %get3A_16 = vector.load %arg3[%get3A_14, %get3A_15] : memref<1x64xf32, #tpu.memory_space<vmem>>, vector<1x64xf32>
    %add3A_17 = vector.broadcast %get3A_16 : vector<1x64xf32> to vector<4096x64xf32>
    %add3A_18 = arith.addf %dot_general3A_13, %add3A_17 : vector<4096x64xf32>
    %gt3A = arith.constant 0.000000e+00 : f32
    %gt3A_19 = vector.broadcast %gt3A : f32 to vector<4096x64xf32>
    %gt3A_20 = arith.cmpf ogt, %add3A_18, %gt3A_19 : vector<4096x64xf32>
    %exp3A = math.exp %add3A_18 : vector<4096x64xf32>
    %sub3A = arith.constant 1.000000e+00 : f32
    %sub3A_21 = vector.broadcast %sub3A : f32 to vector<4096x64xf32>
    %sub3A_22 = arith.subf %exp3A, %sub3A_21 : vector<4096x64xf32>
    %select_n3A = arith.select %gt3A_20, %add3A_18, %sub3A_22 : vector<4096x64xi1>, vector<4096x64xf32>
    %swap3A = arith.constant 0 : index
    %swap3A_23 = arith.constant 0 : index
    %swap3A_24 = vector.load %arg6[%swap3A, %swap3A_23] : memref<4096x64xf32, #tpu.memory_space<vmem>>, vector<4096x64xf32>
    tpu.vector_store %arg6[%swap3A, %swap3A_23], %select_n3A {strides = array<i32>} : memref<4096x64xf32, #tpu.memory_space<vmem>>, vector<4096x64xf32>,
    %mul3A_25 = arith.constant 4096 : i32
    %mul3A_26 = arith.muli %arg0, %mul3A_25 : i32
    %iota3A = tpu.iota {dimensions = array<i32: 0>} : vector<4096x1xi32>
    %add3A_27 = vector.broadcast %mul3A_26 : i32 to vector<4096x1xi32>
    %add3A_28 = arith.addi %add3A_27, %iota3A : vector<4096x1xi32>
    %lt3A = arith.constant 43264 : i32
    %lt3A_29 = vector.broadcast %lt3A : i32 to vector<4096x1xi32>
    %lt3A_30 = arith.cmpi slt, %add3A_28, %lt3A_29 : vector<4096x1xi32>
    %jit3A = arith.constant 0.000000e+00 : f32
    %broadcast_in_dim3A = vector.shape_cast %lt3A_30 : vector<4096x1xi1> to vector<4096x1xi1>
    %broadcast_in_dim3A_31 = vector.broadcast %broadcast_in_dim3A : vector<4096x1xi1> to vector<4096x64xi1>
    %broadcast_in_dim3A_32 = vector.broadcast %jit3A : f32 to vector<4096x64xf32>
    %select_n3A_33 = arith.select %broadcast_in_dim3A_31, %select_n3A, %broadcast_in_dim3A_32 : vector<4096x64xi1>, vector<4096x64xf32>
    %reduce_sum3A = arith.constant dense<0.000000e+00> : vector<64xf32>
    %reduce_sum3A_34 = vector.multi_reduction <add>, %select_n3A_33, %reduce_sum3A [0] : vector<4096x64xf32> to vector<64xf32>
    %broadcast_in_dim3A_35 = vector.shape_cast %reduce_sum3A_34 : vector<64xf32> to vector<1x64xf32>
    %swap3A_36 = arith.constant 0 : index
    %swap3A_37 = arith.constant 0 : index
    %swap3A_38 = arith.constant 0 : index
    %swap3A_39 = vector.load %arg7[%swap3A_36, %swap3A_37, %swap3A_38] : memref<1x1x64xf32, #tpu.memory_space<vmem>>, vector<1x1x64xf32>
    %swap3A_40 = vector.shape_cast %swap3A_39 : vector<1x1x64xf32> to vector<1x64xf32>
    %swap3A_41 = vector.shape_cast %broadcast_in_dim3A_35 : vector<1x64xf32> to vector<1x1x64xf32>
    tpu.vector_store %arg7[%swap3A_36, %swap3A_37, %swap3A_38], %swap3A_41 {strides = array<i32>} : memref<1x1x64xf32, #tpu.memory_space<vmem>>, vector<1x1x64xf32>,
    %mul3A_42 = arith.mulf %select_n3A_33, %select_n3A_33 : vector<4096x64xf32>
    %reduce_sum3A_43 = arith.constant dense<0.000000e+00> : vector<64xf32>
    %reduce_sum3A_44 = vector.multi_reduction <add>, %mul3A_42, %reduce_sum3A_43 [0] : vector<4096x64xf32> to vector<64xf32>
    %broadcast_in_dim3A_45 = vector.shape_cast %reduce_sum3A_44 : vector<64xf32> to vector<1x64xf32>
    %swap3A_46 = arith.constant 0 : index
    %swap3A_47 = arith.constant 0 : index
    %swap3A_48 = arith.constant 0 : index
    %swap3A_49 = vector.load %arg8[%swap3A_46, %swap3A_47, %swap3A_48] : memref<1x1x64xf32, #tpu.memory_space<vmem>>, vector<1x1x64xf32>
    %swap3A_50 = vector.shape_cast %swap3A_49 : vector<1x1x64xf32> to vector<1x64xf32>
    %swap3A_51 = vector.shape_cast %broadcast_in_dim3A_45 : vector<1x64xf32> to vector<1x1x64xf32>
    tpu.vector_store %arg8[%swap3A_46, %swap3A_47, %swap3A_48], %swap3A_51 {strides = array<i32>} : memref<1x1x64xf32, #tpu.memory_space<vmem>>, vector<1x1x64xf32>,
    return
  }
  func.func @transform_0(%arg0: i32) -> (i32, i32) {
    %c0_i32 = arith.constant 0 : i32
    %c0_i32_0 = arith.constant 0 : i32
    return %arg0, %c0_i32 : i32, i32
  }
  func.func @transform_1(%arg0: i32) -> (i32, i32) {
    %c0_i32 = arith.constant 0 : i32
    %c0_i32_0 = arith.constant 0 : i32
    %c0_i32_1 = arith.constant 0 : i32
    return %c0_i32, %c0_i32_0 : i32, i32
  }
  func.func @transform_2(%arg0: i32) -> (i32, i32) {
    %c0_i32 = arith.constant 0 : i32
    %c0_i32_0 = arith.constant 0 : i32
    %c0_i32_1 = arith.constant 0 : i32
    return %c0_i32, %c0_i32_0 : i32, i32
  }
  func.func @transform_3(%arg0: i32) -> (i32, i32) {
    %c0_i32 = arith.constant 0 : i32
    %c0_i32_0 = arith.constant 0 : i32
    %c0_i32_1 = arith.constant 0 : i32
    return %c0_i32, %c0_i32_0 : i32, i32
  }
  func.func @transform_4(%arg0: i32) -> (i32, i32) {
    %c0_i32 = arith.constant 0 : i32
    %c0_i32_0 = arith.constant 0 : i32
    %c0_i32_1 = arith.constant 0 : i32
    return %c0_i32, %c0_i32_0 : i32, i32
  }
  func.func @transform_5(%arg0: i32) -> (i32, i32) {
    %c0_i32 = arith.constant 0 : i32
    %c0_i32_0 = arith.constant 0 : i32
    return %arg0, %c0_i32 : i32, i32
  }
  func.func @transform_6(%arg0: i32) -> (i32, i32, i32) {
    %c0_i32 = arith.constant 0 : i32
    %c0_i32_0 = arith.constant 0 : i32
    %c0_i32_1 = arith.constant 0 : i32
    return %arg0, %c0_i32, %c0_i32_0 : i32, i32, i32
  }
  func.func @transform_7(%arg0: i32) -> (i32, i32, i32) {
    %c0_i32 = arith.constant 0 : i32
    %c0_i32_0 = arith.constant 0 : i32
    %c0_i32_1 = arith.constant 0 : i32
    return %arg0, %c0_i32, %c0_i32_0 : i32, i32, i32
  }
}

module attributes {stable_mosaic.version = 14 : i64} {
  func.func @_mm_kernel(%arg0: i32, %arg1: memref<512x24xf32, #tpu.memory_space<vmem>>, %arg2: memref<24x64xf32, #tpu.memory_space<vmem>>, %arg3: memref<1x64xf32, #tpu.memory_space<vmem>>, %arg4: memref<1x24xf32, #tpu.memory_space<vmem>>, %arg5: memref<1x24xf32, #tpu.memory_space<vmem>>, %arg6: memref<512x64xf32, #tpu.memory_space<vmem>>, %arg7: memref<1x1x64xf32, #tpu.memory_space<vmem>>, %arg8: memref<1x1x64xf32, #tpu.memory_space<vmem>>) attributes {dimension_semantics = [#tpu.dimension_semantics<arbitrary>], iteration_bounds = array<i64: 11>, scalar_prefetch = 0 : i64, scratch_operands = 0 : i64, tpu.core_type = #tpu.core_type<tc>, window_params = [{transform_indices = @transform_0, window_bounds = array<i64: 512, 24>}, {pipeline_mode = #tpu.pipeline_mode<synchronous>, transform_indices = @transform_1, window_bounds = array<i64: 24, 64>}, {pipeline_mode = #tpu.pipeline_mode<synchronous>, transform_indices = @transform_2, window_bounds = array<i64: 1, 64>}, {pipeline_mode = #tpu.pipeline_mode<synchronous>, transform_indices = @transform_3, window_bounds = array<i64: 1, 24>}, {pipeline_mode = #tpu.pipeline_mode<synchronous>, transform_indices = @transform_4, window_bounds = array<i64: 1, 24>}, {transform_indices = @transform_5, window_bounds = array<i64: 512, 64>}, {transform_indices = @transform_6, window_bounds = array<i64: 1, 1, 64>}, {transform_indices = @transform_7, window_bounds = array<i64: 1, 1, 64>}]} {
    %get3A = arith.constant 0 : index
    %get3A_0 = arith.constant 0 : index
    %get3A_1 = vector.load %arg1[%get3A, %get3A_0] : memref<512x24xf32, #tpu.memory_space<vmem>>, vector<512x24xf32>
    %get3A_2 = arith.constant 0 : index
    %get3A_3 = arith.constant 0 : index
    %get3A_4 = vector.load %arg4[%get3A_2, %get3A_3] : memref<1x24xf32, #tpu.memory_space<vmem>>, vector<1x24xf32>
    %mul3A = vector.broadcast %get3A_4 : vector<1x24xf32> to vector<512x24xf32>
    %mul3A_5 = arith.mulf %get3A_1, %mul3A : vector<512x24xf32>
    %get3A_6 = arith.constant 0 : index
    %get3A_7 = arith.constant 0 : index
    %get3A_8 = vector.load %arg5[%get3A_6, %get3A_7] : memref<1x24xf32, #tpu.memory_space<vmem>>, vector<1x24xf32>
    %add3A = vector.broadcast %get3A_8 : vector<1x24xf32> to vector<512x24xf32>
    %add3A_9 = arith.addf %mul3A_5, %add3A : vector<512x24xf32>
    %get3A_10 = arith.constant 0 : index
    %get3A_11 = arith.constant 0 : index
    %get3A_12 = vector.load %arg2[%get3A_10, %get3A_11] : memref<24x64xf32, #tpu.memory_space<vmem>>, vector<24x64xf32>
    %dot_general3A = arith.constant dense<0.000000e+00> : vector<512x64xf32>
    %dot_general3A_13 = tpu.matmul %add3A_9, %get3A_12, %dot_general3A {dimension_numbers = #tpu.dot_dimension_numbers<[1], [0], [0], [1], [0, 0, 1, 1], [], []>, transpose_lhs_hint = false} : vector<512x24xf32>, vector<24x64xf32>, vector<512x64xf32> -> vector<512x64xf32>
    %get3A_14 = arith.constant 0 : index
    %get3A_15 = arith.constant 0 : index
    %get3A_16 = vector.load %arg3[%get3A_14, %get3A_15] : memref<1x64xf32, #tpu.memory_space<vmem>>, vector<1x64xf32>
    %add3A_17 = vector.broadcast %get3A_16 : vector<1x64xf32> to vector<512x64xf32>
    %add3A_18 = arith.addf %dot_general3A_13, %add3A_17 : vector<512x64xf32>
    %gt3A = arith.constant 0.000000e+00 : f32
    %gt3A_19 = vector.broadcast %gt3A : f32 to vector<512x64xf32>
    %gt3A_20 = arith.cmpf ogt, %add3A_18, %gt3A_19 : vector<512x64xf32>
    %exp3A = math.exp %add3A_18 : vector<512x64xf32>
    %sub3A = arith.constant 1.000000e+00 : f32
    %sub3A_21 = vector.broadcast %sub3A : f32 to vector<512x64xf32>
    %sub3A_22 = arith.subf %exp3A, %sub3A_21 : vector<512x64xf32>
    %select_n3A = arith.select %gt3A_20, %add3A_18, %sub3A_22 : vector<512x64xi1>, vector<512x64xf32>
    %swap3A = arith.constant 0 : index
    %swap3A_23 = arith.constant 0 : index
    %swap3A_24 = vector.load %arg6[%swap3A, %swap3A_23] : memref<512x64xf32, #tpu.memory_space<vmem>>, vector<512x64xf32>
    tpu.vector_store %arg6[%swap3A, %swap3A_23], %select_n3A {strides = array<i32>} : memref<512x64xf32, #tpu.memory_space<vmem>>, vector<512x64xf32>,
    %mul3A_25 = arith.constant 512 : i32
    %mul3A_26 = arith.muli %arg0, %mul3A_25 : i32
    %iota3A = tpu.iota {dimensions = array<i32: 0>} : vector<512x1xi32>
    %add3A_27 = vector.broadcast %mul3A_26 : i32 to vector<512x1xi32>
    %add3A_28 = arith.addi %add3A_27, %iota3A : vector<512x1xi32>
    %lt3A = arith.constant 5408 : i32
    %lt3A_29 = vector.broadcast %lt3A : i32 to vector<512x1xi32>
    %lt3A_30 = arith.cmpi slt, %add3A_28, %lt3A_29 : vector<512x1xi32>
    %jit3A = arith.constant 0.000000e+00 : f32
    %broadcast_in_dim3A = vector.shape_cast %lt3A_30 : vector<512x1xi1> to vector<512x1xi1>
    %broadcast_in_dim3A_31 = vector.broadcast %broadcast_in_dim3A : vector<512x1xi1> to vector<512x64xi1>
    %broadcast_in_dim3A_32 = vector.broadcast %jit3A : f32 to vector<512x64xf32>
    %select_n3A_33 = arith.select %broadcast_in_dim3A_31, %select_n3A, %broadcast_in_dim3A_32 : vector<512x64xi1>, vector<512x64xf32>
    %reduce_sum3A = arith.constant dense<0.000000e+00> : vector<64xf32>
    %reduce_sum3A_34 = vector.multi_reduction <add>, %select_n3A_33, %reduce_sum3A [0] : vector<512x64xf32> to vector<64xf32>
    %broadcast_in_dim3A_35 = vector.shape_cast %reduce_sum3A_34 : vector<64xf32> to vector<1x64xf32>
    %swap3A_36 = arith.constant 0 : index
    %swap3A_37 = arith.constant 0 : index
    %swap3A_38 = arith.constant 0 : index
    %swap3A_39 = vector.load %arg7[%swap3A_36, %swap3A_37, %swap3A_38] : memref<1x1x64xf32, #tpu.memory_space<vmem>>, vector<1x1x64xf32>
    %swap3A_40 = vector.shape_cast %swap3A_39 : vector<1x1x64xf32> to vector<1x64xf32>
    %swap3A_41 = vector.shape_cast %broadcast_in_dim3A_35 : vector<1x64xf32> to vector<1x1x64xf32>
    tpu.vector_store %arg7[%swap3A_36, %swap3A_37, %swap3A_38], %swap3A_41 {strides = array<i32>} : memref<1x1x64xf32, #tpu.memory_space<vmem>>, vector<1x1x64xf32>,
    %mul3A_42 = arith.mulf %select_n3A_33, %select_n3A_33 : vector<512x64xf32>
    %reduce_sum3A_43 = arith.constant dense<0.000000e+00> : vector<64xf32>
    %reduce_sum3A_44 = vector.multi_reduction <add>, %mul3A_42, %reduce_sum3A_43 [0] : vector<512x64xf32> to vector<64xf32>
    %broadcast_in_dim3A_45 = vector.shape_cast %reduce_sum3A_44 : vector<64xf32> to vector<1x64xf32>
    %swap3A_46 = arith.constant 0 : index
    %swap3A_47 = arith.constant 0 : index
    %swap3A_48 = arith.constant 0 : index
    %swap3A_49 = vector.load %arg8[%swap3A_46, %swap3A_47, %swap3A_48] : memref<1x1x64xf32, #tpu.memory_space<vmem>>, vector<1x1x64xf32>
    %swap3A_50 = vector.shape_cast %swap3A_49 : vector<1x1x64xf32> to vector<1x64xf32>
    %swap3A_51 = vector.shape_cast %broadcast_in_dim3A_45 : vector<1x64xf32> to vector<1x1x64xf32>
    tpu.vector_store %arg8[%swap3A_46, %swap3A_47, %swap3A_48], %swap3A_51 {strides = array<i32>} : memref<1x1x64xf32, #tpu.memory_space<vmem>>, vector<1x1x64xf32>,
    return
  }
  func.func @transform_0(%arg0: i32) -> (i32, i32) {
    %c0_i32 = arith.constant 0 : i32
    %c0_i32_0 = arith.constant 0 : i32
    return %arg0, %c0_i32 : i32, i32
  }
  func.func @transform_1(%arg0: i32) -> (i32, i32) {
    %c0_i32 = arith.constant 0 : i32
    %c0_i32_0 = arith.constant 0 : i32
    %c0_i32_1 = arith.constant 0 : i32
    return %c0_i32, %c0_i32_0 : i32, i32
  }
  func.func @transform_2(%arg0: i32) -> (i32, i32) {
    %c0_i32 = arith.constant 0 : i32
    %c0_i32_0 = arith.constant 0 : i32
    %c0_i32_1 = arith.constant 0 : i32
    return %c0_i32, %c0_i32_0 : i32, i32
  }
  func.func @transform_3(%arg0: i32) -> (i32, i32) {
    %c0_i32 = arith.constant 0 : i32
    %c0_i32_0 = arith.constant 0 : i32
    %c0_i32_1 = arith.constant 0 : i32
    return %c0_i32, %c0_i32_0 : i32, i32
  }
  func.func @transform_4(%arg0: i32) -> (i32, i32) {
    %c0_i32 = arith.constant 0 : i32
    %c0_i32_0 = arith.constant 0 : i32
    %c0_i32_1 = arith.constant 0 : i32
    return %c0_i32, %c0_i32_0 : i32, i32
  }
  func.func @transform_5(%arg0: i32) -> (i32, i32) {
    %c0_i32 = arith.constant 0 : i32
    %c0_i32_0 = arith.constant 0 : i32
    return %arg0, %c0_i32 : i32, i32
  }
  func.func @transform_6(%arg0: i32) -> (i32, i32, i32) {
    %c0_i32 = arith.constant 0 : i32
    %c0_i32_0 = arith.constant 0 : i32
    %c0_i32_1 = arith.constant 0 : i32
    return %arg0, %c0_i32, %c0_i32_0 : i32, i32, i32
  }
  func.func @transform_7(%arg0: i32) -> (i32, i32, i32) {
    %c0_i32 = arith.constant 0 : i32
    %c0_i32_0 = arith.constant 0 : i32
    %c0_i32_1 = arith.constant 0 : i32
    return %arg0, %c0_i32, %c0_i32_0 : i32, i32, i32
  }
}

module attributes {stable_mosaic.version = 14 : i64} {
  func.func @_mm_kernel(%arg0: i32, %arg1: memref<512x64xf32, #tpu.memory_space<vmem>>, %arg2: memref<64x64xf32, #tpu.memory_space<vmem>>, %arg3: memref<1x64xf32, #tpu.memory_space<vmem>>, %arg4: memref<1x64xf32, #tpu.memory_space<vmem>>, %arg5: memref<1x64xf32, #tpu.memory_space<vmem>>, %arg6: memref<512x64xf32, #tpu.memory_space<vmem>>, %arg7: memref<1x1x64xf32, #tpu.memory_space<vmem>>, %arg8: memref<1x1x64xf32, #tpu.memory_space<vmem>>) attributes {dimension_semantics = [#tpu.dimension_semantics<arbitrary>], iteration_bounds = array<i64: 11>, scalar_prefetch = 0 : i64, scratch_operands = 0 : i64, tpu.core_type = #tpu.core_type<tc>, window_params = [{transform_indices = @transform_0, window_bounds = array<i64: 512, 64>}, {pipeline_mode = #tpu.pipeline_mode<synchronous>, transform_indices = @transform_1, window_bounds = array<i64: 64, 64>}, {pipeline_mode = #tpu.pipeline_mode<synchronous>, transform_indices = @transform_2, window_bounds = array<i64: 1, 64>}, {pipeline_mode = #tpu.pipeline_mode<synchronous>, transform_indices = @transform_3, window_bounds = array<i64: 1, 64>}, {pipeline_mode = #tpu.pipeline_mode<synchronous>, transform_indices = @transform_4, window_bounds = array<i64: 1, 64>}, {transform_indices = @transform_5, window_bounds = array<i64: 512, 64>}, {transform_indices = @transform_6, window_bounds = array<i64: 1, 1, 64>}, {transform_indices = @transform_7, window_bounds = array<i64: 1, 1, 64>}]} {
    %get3A = arith.constant 0 : index
    %get3A_0 = arith.constant 0 : index
    %get3A_1 = vector.load %arg1[%get3A, %get3A_0] : memref<512x64xf32, #tpu.memory_space<vmem>>, vector<512x64xf32>
    %get3A_2 = arith.constant 0 : index
    %get3A_3 = arith.constant 0 : index
    %get3A_4 = vector.load %arg4[%get3A_2, %get3A_3] : memref<1x64xf32, #tpu.memory_space<vmem>>, vector<1x64xf32>
    %mul3A = vector.broadcast %get3A_4 : vector<1x64xf32> to vector<512x64xf32>
    %mul3A_5 = arith.mulf %get3A_1, %mul3A : vector<512x64xf32>
    %get3A_6 = arith.constant 0 : index
    %get3A_7 = arith.constant 0 : index
    %get3A_8 = vector.load %arg5[%get3A_6, %get3A_7] : memref<1x64xf32, #tpu.memory_space<vmem>>, vector<1x64xf32>
    %add3A = vector.broadcast %get3A_8 : vector<1x64xf32> to vector<512x64xf32>
    %add3A_9 = arith.addf %mul3A_5, %add3A : vector<512x64xf32>
    %get3A_10 = arith.constant 0 : index
    %get3A_11 = arith.constant 0 : index
    %get3A_12 = vector.load %arg2[%get3A_10, %get3A_11] : memref<64x64xf32, #tpu.memory_space<vmem>>, vector<64x64xf32>
    %dot_general3A = arith.constant dense<0.000000e+00> : vector<512x64xf32>
    %dot_general3A_13 = tpu.matmul %add3A_9, %get3A_12, %dot_general3A {dimension_numbers = #tpu.dot_dimension_numbers<[1], [0], [0], [1], [0, 0, 1, 1], [], []>, transpose_lhs_hint = false} : vector<512x64xf32>, vector<64x64xf32>, vector<512x64xf32> -> vector<512x64xf32>
    %get3A_14 = arith.constant 0 : index
    %get3A_15 = arith.constant 0 : index
    %get3A_16 = vector.load %arg3[%get3A_14, %get3A_15] : memref<1x64xf32, #tpu.memory_space<vmem>>, vector<1x64xf32>
    %add3A_17 = vector.broadcast %get3A_16 : vector<1x64xf32> to vector<512x64xf32>
    %add3A_18 = arith.addf %dot_general3A_13, %add3A_17 : vector<512x64xf32>
    %gt3A = arith.constant 0.000000e+00 : f32
    %gt3A_19 = vector.broadcast %gt3A : f32 to vector<512x64xf32>
    %gt3A_20 = arith.cmpf ogt, %add3A_18, %gt3A_19 : vector<512x64xf32>
    %exp3A = math.exp %add3A_18 : vector<512x64xf32>
    %sub3A = arith.constant 1.000000e+00 : f32
    %sub3A_21 = vector.broadcast %sub3A : f32 to vector<512x64xf32>
    %sub3A_22 = arith.subf %exp3A, %sub3A_21 : vector<512x64xf32>
    %select_n3A = arith.select %gt3A_20, %add3A_18, %sub3A_22 : vector<512x64xi1>, vector<512x64xf32>
    %swap3A = arith.constant 0 : index
    %swap3A_23 = arith.constant 0 : index
    %swap3A_24 = vector.load %arg6[%swap3A, %swap3A_23] : memref<512x64xf32, #tpu.memory_space<vmem>>, vector<512x64xf32>
    tpu.vector_store %arg6[%swap3A, %swap3A_23], %select_n3A {strides = array<i32>} : memref<512x64xf32, #tpu.memory_space<vmem>>, vector<512x64xf32>,
    %mul3A_25 = arith.constant 512 : i32
    %mul3A_26 = arith.muli %arg0, %mul3A_25 : i32
    %iota3A = tpu.iota {dimensions = array<i32: 0>} : vector<512x1xi32>
    %add3A_27 = vector.broadcast %mul3A_26 : i32 to vector<512x1xi32>
    %add3A_28 = arith.addi %add3A_27, %iota3A : vector<512x1xi32>
    %lt3A = arith.constant 5408 : i32
    %lt3A_29 = vector.broadcast %lt3A : i32 to vector<512x1xi32>
    %lt3A_30 = arith.cmpi slt, %add3A_28, %lt3A_29 : vector<512x1xi32>
    %jit3A = arith.constant 0.000000e+00 : f32
    %broadcast_in_dim3A = vector.shape_cast %lt3A_30 : vector<512x1xi1> to vector<512x1xi1>
    %broadcast_in_dim3A_31 = vector.broadcast %broadcast_in_dim3A : vector<512x1xi1> to vector<512x64xi1>
    %broadcast_in_dim3A_32 = vector.broadcast %jit3A : f32 to vector<512x64xf32>
    %select_n3A_33 = arith.select %broadcast_in_dim3A_31, %select_n3A, %broadcast_in_dim3A_32 : vector<512x64xi1>, vector<512x64xf32>
    %reduce_sum3A = arith.constant dense<0.000000e+00> : vector<64xf32>
    %reduce_sum3A_34 = vector.multi_reduction <add>, %select_n3A_33, %reduce_sum3A [0] : vector<512x64xf32> to vector<64xf32>
    %broadcast_in_dim3A_35 = vector.shape_cast %reduce_sum3A_34 : vector<64xf32> to vector<1x64xf32>
    %swap3A_36 = arith.constant 0 : index
    %swap3A_37 = arith.constant 0 : index
    %swap3A_38 = arith.constant 0 : index
    %swap3A_39 = vector.load %arg7[%swap3A_36, %swap3A_37, %swap3A_38] : memref<1x1x64xf32, #tpu.memory_space<vmem>>, vector<1x1x64xf32>
    %swap3A_40 = vector.shape_cast %swap3A_39 : vector<1x1x64xf32> to vector<1x64xf32>
    %swap3A_41 = vector.shape_cast %broadcast_in_dim3A_35 : vector<1x64xf32> to vector<1x1x64xf32>
    tpu.vector_store %arg7[%swap3A_36, %swap3A_37, %swap3A_38], %swap3A_41 {strides = array<i32>} : memref<1x1x64xf32, #tpu.memory_space<vmem>>, vector<1x1x64xf32>,
    %mul3A_42 = arith.mulf %select_n3A_33, %select_n3A_33 : vector<512x64xf32>
    %reduce_sum3A_43 = arith.constant dense<0.000000e+00> : vector<64xf32>
    %reduce_sum3A_44 = vector.multi_reduction <add>, %mul3A_42, %reduce_sum3A_43 [0] : vector<512x64xf32> to vector<64xf32>
    %broadcast_in_dim3A_45 = vector.shape_cast %reduce_sum3A_44 : vector<64xf32> to vector<1x64xf32>
    %swap3A_46 = arith.constant 0 : index
    %swap3A_47 = arith.constant 0 : index
    %swap3A_48 = arith.constant 0 : index
    %swap3A_49 = vector.load %arg8[%swap3A_46, %swap3A_47, %swap3A_48] : memref<1x1x64xf32, #tpu.memory_space<vmem>>, vector<1x1x64xf32>
    %swap3A_50 = vector.shape_cast %swap3A_49 : vector<1x1x64xf32> to vector<1x64xf32>
    %swap3A_51 = vector.shape_cast %broadcast_in_dim3A_45 : vector<1x64xf32> to vector<1x1x64xf32>
    tpu.vector_store %arg8[%swap3A_46, %swap3A_47, %swap3A_48], %swap3A_51 {strides = array<i32>} : memref<1x1x64xf32, #tpu.memory_space<vmem>>, vector<1x1x64xf32>,
    return
  }
  func.func @transform_0(%arg0: i32) -> (i32, i32) {
    %c0_i32 = arith.constant 0 : i32
    %c0_i32_0 = arith.constant 0 : i32
    return %arg0, %c0_i32 : i32, i32
  }
  func.func @transform_1(%arg0: i32) -> (i32, i32) {
    %c0_i32 = arith.constant 0 : i32
    %c0_i32_0 = arith.constant 0 : i32
    %c0_i32_1 = arith.constant 0 : i32
    return %c0_i32, %c0_i32_0 : i32, i32
  }
  func.func @transform_2(%arg0: i32) -> (i32, i32) {
    %c0_i32 = arith.constant 0 : i32
    %c0_i32_0 = arith.constant 0 : i32
    %c0_i32_1 = arith.constant 0 : i32
    return %c0_i32, %c0_i32_0 : i32, i32
  }
  func.func @transform_3(%arg0: i32) -> (i32, i32) {
    %c0_i32 = arith.constant 0 : i32
    %c0_i32_0 = arith.constant 0 : i32
    %c0_i32_1 = arith.constant 0 : i32
    return %c0_i32, %c0_i32_0 : i32, i32
  }
  func.func @transform_4(%arg0: i32) -> (i32, i32) {
    %c0_i32 = arith.constant 0 : i32
    %c0_i32_0 = arith.constant 0 : i32
    %c0_i32_1 = arith.constant 0 : i32
    return %c0_i32, %c0_i32_0 : i32, i32
  }
  func.func @transform_5(%arg0: i32) -> (i32, i32) {
    %c0_i32 = arith.constant 0 : i32
    %c0_i32_0 = arith.constant 0 : i32
    return %arg0, %c0_i32 : i32, i32
  }
  func.func @transform_6(%arg0: i32) -> (i32, i32, i32) {
    %c0_i32 = arith.constant 0 : i32
    %c0_i32_0 = arith.constant 0 : i32
    %c0_i32_1 = arith.constant 0 : i32
    return %arg0, %c0_i32, %c0_i32_0 : i32, i32, i32
  }
  func.func @transform_7(%arg0: i32) -> (i32, i32, i32) {
    %c0_i32 = arith.constant 0 : i32
    %c0_i32_0 = arith.constant 0 : i32
    %c0_i32_1 = arith.constant 0 : i32
    return %arg0, %c0_i32, %c0_i32_0 : i32, i32, i32
  }
}

module attributes {stable_mosaic.version = 14 : i64} {
  func.func @_mm_kernel(%arg0: i32, %arg1: memref<512x64xf32, #tpu.memory_space<vmem>>, %arg2: memref<64x64xf32, #tpu.memory_space<vmem>>, %arg3: memref<1x64xf32, #tpu.memory_space<vmem>>, %arg4: memref<1x64xf32, #tpu.memory_space<vmem>>, %arg5: memref<1x64xf32, #tpu.memory_space<vmem>>, %arg6: memref<512x64xf32, #tpu.memory_space<vmem>>, %arg7: memref<1x1x64xf32, #tpu.memory_space<vmem>>, %arg8: memref<1x1x64xf32, #tpu.memory_space<vmem>>) attributes {dimension_semantics = [#tpu.dimension_semantics<arbitrary>], iteration_bounds = array<i64: 11>, scalar_prefetch = 0 : i64, scratch_operands = 0 : i64, tpu.core_type = #tpu.core_type<tc>, window_params = [{transform_indices = @transform_0, window_bounds = array<i64: 512, 64>}, {pipeline_mode = #tpu.pipeline_mode<synchronous>, transform_indices = @transform_1, window_bounds = array<i64: 64, 64>}, {pipeline_mode = #tpu.pipeline_mode<synchronous>, transform_indices = @transform_2, window_bounds = array<i64: 1, 64>}, {pipeline_mode = #tpu.pipeline_mode<synchronous>, transform_indices = @transform_3, window_bounds = array<i64: 1, 64>}, {pipeline_mode = #tpu.pipeline_mode<synchronous>, transform_indices = @transform_4, window_bounds = array<i64: 1, 64>}, {transform_indices = @transform_5, window_bounds = array<i64: 512, 64>}, {transform_indices = @transform_6, window_bounds = array<i64: 1, 1, 64>}, {transform_indices = @transform_7, window_bounds = array<i64: 1, 1, 64>}]} {
    %get3A = arith.constant 0 : index
    %get3A_0 = arith.constant 0 : index
    %get3A_1 = vector.load %arg1[%get3A, %get3A_0] : memref<512x64xf32, #tpu.memory_space<vmem>>, vector<512x64xf32>
    %get3A_2 = arith.constant 0 : index
    %get3A_3 = arith.constant 0 : index
    %get3A_4 = vector.load %arg4[%get3A_2, %get3A_3] : memref<1x64xf32, #tpu.memory_space<vmem>>, vector<1x64xf32>
    %mul3A = vector.broadcast %get3A_4 : vector<1x64xf32> to vector<512x64xf32>
    %mul3A_5 = arith.mulf %get3A_1, %mul3A : vector<512x64xf32>
    %get3A_6 = arith.constant 0 : index
    %get3A_7 = arith.constant 0 : index
    %get3A_8 = vector.load %arg5[%get3A_6, %get3A_7] : memref<1x64xf32, #tpu.memory_space<vmem>>, vector<1x64xf32>
    %add3A = vector.broadcast %get3A_8 : vector<1x64xf32> to vector<512x64xf32>
    %add3A_9 = arith.addf %mul3A_5, %add3A : vector<512x64xf32>
    %get3A_10 = arith.constant 0 : index
    %get3A_11 = arith.constant 0 : index
    %get3A_12 = vector.load %arg2[%get3A_10, %get3A_11] : memref<64x64xf32, #tpu.memory_space<vmem>>, vector<64x64xf32>
    %dot_general3A = arith.constant dense<0.000000e+00> : vector<512x64xf32>
    %dot_general3A_13 = tpu.matmul %add3A_9, %get3A_12, %dot_general3A {dimension_numbers = #tpu.dot_dimension_numbers<[1], [0], [0], [1], [0, 0, 1, 1], [], []>, transpose_lhs_hint = false} : vector<512x64xf32>, vector<64x64xf32>, vector<512x64xf32> -> vector<512x64xf32>
    %get3A_14 = arith.constant 0 : index
    %get3A_15 = arith.constant 0 : index
    %get3A_16 = vector.load %arg3[%get3A_14, %get3A_15] : memref<1x64xf32, #tpu.memory_space<vmem>>, vector<1x64xf32>
    %add3A_17 = vector.broadcast %get3A_16 : vector<1x64xf32> to vector<512x64xf32>
    %add3A_18 = arith.addf %dot_general3A_13, %add3A_17 : vector<512x64xf32>
    %swap3A = arith.constant 0 : index
    %swap3A_19 = arith.constant 0 : index
    %swap3A_20 = vector.load %arg6[%swap3A, %swap3A_19] : memref<512x64xf32, #tpu.memory_space<vmem>>, vector<512x64xf32>
    tpu.vector_store %arg6[%swap3A, %swap3A_19], %add3A_18 {strides = array<i32>} : memref<512x64xf32, #tpu.memory_space<vmem>>, vector<512x64xf32>,
    %mul3A_21 = arith.constant 512 : i32
    %mul3A_22 = arith.muli %arg0, %mul3A_21 : i32
    %iota3A = tpu.iota {dimensions = array<i32: 0>} : vector<512x1xi32>
    %add3A_23 = vector.broadcast %mul3A_22 : i32 to vector<512x1xi32>
    %add3A_24 = arith.addi %add3A_23, %iota3A : vector<512x1xi32>
    %lt3A = arith.constant 5408 : i32
    %lt3A_25 = vector.broadcast %lt3A : i32 to vector<512x1xi32>
    %lt3A_26 = arith.cmpi slt, %add3A_24, %lt3A_25 : vector<512x1xi32>
    %jit3A = arith.constant 0.000000e+00 : f32
    %broadcast_in_dim3A = vector.shape_cast %lt3A_26 : vector<512x1xi1> to vector<512x1xi1>
    %broadcast_in_dim3A_27 = vector.broadcast %broadcast_in_dim3A : vector<512x1xi1> to vector<512x64xi1>
    %broadcast_in_dim3A_28 = vector.broadcast %jit3A : f32 to vector<512x64xf32>
    %select_n3A = arith.select %broadcast_in_dim3A_27, %add3A_18, %broadcast_in_dim3A_28 : vector<512x64xi1>, vector<512x64xf32>
    %reduce_sum3A = arith.constant dense<0.000000e+00> : vector<64xf32>
    %reduce_sum3A_29 = vector.multi_reduction <add>, %select_n3A, %reduce_sum3A [0] : vector<512x64xf32> to vector<64xf32>
    %broadcast_in_dim3A_30 = vector.shape_cast %reduce_sum3A_29 : vector<64xf32> to vector<1x64xf32>
    %swap3A_31 = arith.constant 0 : index
    %swap3A_32 = arith.constant 0 : index
    %swap3A_33 = arith.constant 0 : index
    %swap3A_34 = vector.load %arg7[%swap3A_31, %swap3A_32, %swap3A_33] : memref<1x1x64xf32, #tpu.memory_space<vmem>>, vector<1x1x64xf32>
    %swap3A_35 = vector.shape_cast %swap3A_34 : vector<1x1x64xf32> to vector<1x64xf32>
    %swap3A_36 = vector.shape_cast %broadcast_in_dim3A_30 : vector<1x64xf32> to vector<1x1x64xf32>
    tpu.vector_store %arg7[%swap3A_31, %swap3A_32, %swap3A_33], %swap3A_36 {strides = array<i32>} : memref<1x1x64xf32, #tpu.memory_space<vmem>>, vector<1x1x64xf32>,
    %mul3A_37 = arith.mulf %select_n3A, %select_n3A : vector<512x64xf32>
    %reduce_sum3A_38 = arith.constant dense<0.000000e+00> : vector<64xf32>
    %reduce_sum3A_39 = vector.multi_reduction <add>, %mul3A_37, %reduce_sum3A_38 [0] : vector<512x64xf32> to vector<64xf32>
    %broadcast_in_dim3A_40 = vector.shape_cast %reduce_sum3A_39 : vector<64xf32> to vector<1x64xf32>
    %swap3A_41 = arith.constant 0 : index
    %swap3A_42 = arith.constant 0 : index
    %swap3A_43 = arith.constant 0 : index
    %swap3A_44 = vector.load %arg8[%swap3A_41, %swap3A_42, %swap3A_43] : memref<1x1x64xf32, #tpu.memory_space<vmem>>, vector<1x1x64xf32>
    %swap3A_45 = vector.shape_cast %swap3A_44 : vector<1x1x64xf32> to vector<1x64xf32>
    %swap3A_46 = vector.shape_cast %broadcast_in_dim3A_40 : vector<1x64xf32> to vector<1x1x64xf32>
    tpu.vector_store %arg8[%swap3A_41, %swap3A_42, %swap3A_43], %swap3A_46 {strides = array<i32>} : memref<1x1x64xf32, #tpu.memory_space<vmem>>, vector<1x1x64xf32>,
    return
  }
  func.func @transform_0(%arg0: i32) -> (i32, i32) {
    %c0_i32 = arith.constant 0 : i32
    %c0_i32_0 = arith.constant 0 : i32
    return %arg0, %c0_i32 : i32, i32
  }
  func.func @transform_1(%arg0: i32) -> (i32, i32) {
    %c0_i32 = arith.constant 0 : i32
    %c0_i32_0 = arith.constant 0 : i32
    %c0_i32_1 = arith.constant 0 : i32
    return %c0_i32, %c0_i32_0 : i32, i32
  }
  func.func @transform_2(%arg0: i32) -> (i32, i32) {
    %c0_i32 = arith.constant 0 : i32
    %c0_i32_0 = arith.constant 0 : i32
    %c0_i32_1 = arith.constant 0 : i32
    return %c0_i32, %c0_i32_0 : i32, i32
  }
  func.func @transform_3(%arg0: i32) -> (i32, i32) {
    %c0_i32 = arith.constant 0 : i32
    %c0_i32_0 = arith.constant 0 : i32
    %c0_i32_1 = arith.constant 0 : i32
    return %c0_i32, %c0_i32_0 : i32, i32
  }
  func.func @transform_4(%arg0: i32) -> (i32, i32) {
    %c0_i32 = arith.constant 0 : i32
    %c0_i32_0 = arith.constant 0 : i32
    %c0_i32_1 = arith.constant 0 : i32
    return %c0_i32, %c0_i32_0 : i32, i32
  }
  func.func @transform_5(%arg0: i32) -> (i32, i32) {
    %c0_i32 = arith.constant 0 : i32
    %c0_i32_0 = arith.constant 0 : i32
    return %arg0, %c0_i32 : i32, i32
  }
  func.func @transform_6(%arg0: i32) -> (i32, i32, i32) {
    %c0_i32 = arith.constant 0 : i32
    %c0_i32_0 = arith.constant 0 : i32
    %c0_i32_1 = arith.constant 0 : i32
    return %arg0, %c0_i32, %c0_i32_0 : i32, i32, i32
  }
  func.func @transform_7(%arg0: i32) -> (i32, i32, i32) {
    %c0_i32 = arith.constant 0 : i32
    %c0_i32_0 = arith.constant 0 : i32
    %c0_i32_1 = arith.constant 0 : i32
    return %arg0, %c0_i32, %c0_i32_0 : i32, i32, i32
  }
}

module attributes {stable_mosaic.version = 14 : i64} {
  func.func @_mm_kernel(%arg0: i32, %arg1: memref<3072x3xf32, #tpu.memory_space<vmem>>, %arg2: memref<3x128xf32, #tpu.memory_space<vmem>>, %arg3: memref<1x128xf32, #tpu.memory_space<vmem>>, %arg4: memref<1x3xf32, #tpu.memory_space<vmem>>, %arg5: memref<1x3xf32, #tpu.memory_space<vmem>>, %arg6: memref<3072x128xf32, #tpu.memory_space<vmem>>, %arg7: memref<1x1x128xf32, #tpu.memory_space<vmem>>, %arg8: memref<1x1x128xf32, #tpu.memory_space<vmem>>) attributes {dimension_semantics = [#tpu.dimension_semantics<arbitrary>], iteration_bounds = array<i64: 7>, scalar_prefetch = 0 : i64, scratch_operands = 0 : i64, tpu.core_type = #tpu.core_type<tc>, window_params = [{transform_indices = @transform_0, window_bounds = array<i64: 3072, 3>}, {pipeline_mode = #tpu.pipeline_mode<synchronous>, transform_indices = @transform_1, window_bounds = array<i64: 3, 128>}, {pipeline_mode = #tpu.pipeline_mode<synchronous>, transform_indices = @transform_2, window_bounds = array<i64: 1, 128>}, {pipeline_mode = #tpu.pipeline_mode<synchronous>, transform_indices = @transform_3, window_bounds = array<i64: 1, 3>}, {pipeline_mode = #tpu.pipeline_mode<synchronous>, transform_indices = @transform_4, window_bounds = array<i64: 1, 3>}, {transform_indices = @transform_5, window_bounds = array<i64: 3072, 128>}, {transform_indices = @transform_6, window_bounds = array<i64: 1, 1, 128>}, {transform_indices = @transform_7, window_bounds = array<i64: 1, 1, 128>}]} {
    %get3A = arith.constant 0 : index
    %get3A_0 = arith.constant 0 : index
    %get3A_1 = vector.load %arg1[%get3A, %get3A_0] : memref<3072x3xf32, #tpu.memory_space<vmem>>, vector<3072x3xf32>
    %get3A_2 = arith.constant 0 : index
    %get3A_3 = arith.constant 0 : index
    %get3A_4 = vector.load %arg4[%get3A_2, %get3A_3] : memref<1x3xf32, #tpu.memory_space<vmem>>, vector<1x3xf32>
    %mul3A = vector.broadcast %get3A_4 : vector<1x3xf32> to vector<3072x3xf32>
    %mul3A_5 = arith.mulf %get3A_1, %mul3A : vector<3072x3xf32>
    %get3A_6 = arith.constant 0 : index
    %get3A_7 = arith.constant 0 : index
    %get3A_8 = vector.load %arg5[%get3A_6, %get3A_7] : memref<1x3xf32, #tpu.memory_space<vmem>>, vector<1x3xf32>
    %add3A = vector.broadcast %get3A_8 : vector<1x3xf32> to vector<3072x3xf32>
    %add3A_9 = arith.addf %mul3A_5, %add3A : vector<3072x3xf32>
    %get3A_10 = arith.constant 0 : index
    %get3A_11 = arith.constant 0 : index
    %get3A_12 = vector.load %arg2[%get3A_10, %get3A_11] : memref<3x128xf32, #tpu.memory_space<vmem>>, vector<3x128xf32>
    %dot_general3A = arith.constant dense<0.000000e+00> : vector<3072x128xf32>
    %dot_general3A_13 = tpu.matmul %add3A_9, %get3A_12, %dot_general3A {dimension_numbers = #tpu.dot_dimension_numbers<[1], [0], [0], [1], [0, 0, 1, 1], [], []>, transpose_lhs_hint = false} : vector<3072x3xf32>, vector<3x128xf32>, vector<3072x128xf32> -> vector<3072x128xf32>
    %get3A_14 = arith.constant 0 : index
    %get3A_15 = arith.constant 0 : index
    %get3A_16 = vector.load %arg3[%get3A_14, %get3A_15] : memref<1x128xf32, #tpu.memory_space<vmem>>, vector<1x128xf32>
    %add3A_17 = vector.broadcast %get3A_16 : vector<1x128xf32> to vector<3072x128xf32>
    %add3A_18 = arith.addf %dot_general3A_13, %add3A_17 : vector<3072x128xf32>
    %gt3A = arith.constant 0.000000e+00 : f32
    %gt3A_19 = vector.broadcast %gt3A : f32 to vector<3072x128xf32>
    %gt3A_20 = arith.cmpf ogt, %add3A_18, %gt3A_19 : vector<3072x128xf32>
    %exp3A = math.exp %add3A_18 : vector<3072x128xf32>
    %sub3A = arith.constant 1.000000e+00 : f32
    %sub3A_21 = vector.broadcast %sub3A : f32 to vector<3072x128xf32>
    %sub3A_22 = arith.subf %exp3A, %sub3A_21 : vector<3072x128xf32>
    %select_n3A = arith.select %gt3A_20, %add3A_18, %sub3A_22 : vector<3072x128xi1>, vector<3072x128xf32>
    %swap3A = arith.constant 0 : index
    %swap3A_23 = arith.constant 0 : index
    %swap3A_24 = vector.load %arg6[%swap3A, %swap3A_23] : memref<3072x128xf32, #tpu.memory_space<vmem>>, vector<3072x128xf32>
    tpu.vector_store %arg6[%swap3A, %swap3A_23], %select_n3A {strides = array<i32>} : memref<3072x128xf32, #tpu.memory_space<vmem>>, vector<3072x128xf32>,
    %mul3A_25 = arith.constant 3072 : i32
    %mul3A_26 = arith.muli %arg0, %mul3A_25 : i32
    %iota3A = tpu.iota {dimensions = array<i32: 0>} : vector<3072x1xi32>
    %add3A_27 = vector.broadcast %mul3A_26 : i32 to vector<3072x1xi32>
    %add3A_28 = arith.addi %add3A_27, %iota3A : vector<3072x1xi32>
    %lt3A = arith.constant 21504 : i32
    %lt3A_29 = vector.broadcast %lt3A : i32 to vector<3072x1xi32>
    %lt3A_30 = arith.cmpi slt, %add3A_28, %lt3A_29 : vector<3072x1xi32>
    %jit3A = arith.constant 0.000000e+00 : f32
    %broadcast_in_dim3A = vector.shape_cast %lt3A_30 : vector<3072x1xi1> to vector<3072x1xi1>
    %broadcast_in_dim3A_31 = vector.broadcast %broadcast_in_dim3A : vector<3072x1xi1> to vector<3072x128xi1>
    %broadcast_in_dim3A_32 = vector.broadcast %jit3A : f32 to vector<3072x128xf32>
    %select_n3A_33 = arith.select %broadcast_in_dim3A_31, %select_n3A, %broadcast_in_dim3A_32 : vector<3072x128xi1>, vector<3072x128xf32>
    %reduce_sum3A = arith.constant dense<0.000000e+00> : vector<128xf32>
    %reduce_sum3A_34 = vector.multi_reduction <add>, %select_n3A_33, %reduce_sum3A [0] : vector<3072x128xf32> to vector<128xf32>
    %broadcast_in_dim3A_35 = vector.shape_cast %reduce_sum3A_34 : vector<128xf32> to vector<1x128xf32>
    %swap3A_36 = arith.constant 0 : index
    %swap3A_37 = arith.constant 0 : index
    %swap3A_38 = arith.constant 0 : index
    %swap3A_39 = vector.load %arg7[%swap3A_36, %swap3A_37, %swap3A_38] : memref<1x1x128xf32, #tpu.memory_space<vmem>>, vector<1x1x128xf32>
    %swap3A_40 = vector.shape_cast %swap3A_39 : vector<1x1x128xf32> to vector<1x128xf32>
    %swap3A_41 = vector.shape_cast %broadcast_in_dim3A_35 : vector<1x128xf32> to vector<1x1x128xf32>
    tpu.vector_store %arg7[%swap3A_36, %swap3A_37, %swap3A_38], %swap3A_41 {strides = array<i32>} : memref<1x1x128xf32, #tpu.memory_space<vmem>>, vector<1x1x128xf32>,
    %mul3A_42 = arith.mulf %select_n3A_33, %select_n3A_33 : vector<3072x128xf32>
    %reduce_sum3A_43 = arith.constant dense<0.000000e+00> : vector<128xf32>
    %reduce_sum3A_44 = vector.multi_reduction <add>, %mul3A_42, %reduce_sum3A_43 [0] : vector<3072x128xf32> to vector<128xf32>
    %broadcast_in_dim3A_45 = vector.shape_cast %reduce_sum3A_44 : vector<128xf32> to vector<1x128xf32>
    %swap3A_46 = arith.constant 0 : index
    %swap3A_47 = arith.constant 0 : index
    %swap3A_48 = arith.constant 0 : index
    %swap3A_49 = vector.load %arg8[%swap3A_46, %swap3A_47, %swap3A_48] : memref<1x1x128xf32, #tpu.memory_space<vmem>>, vector<1x1x128xf32>
    %swap3A_50 = vector.shape_cast %swap3A_49 : vector<1x1x128xf32> to vector<1x128xf32>
    %swap3A_51 = vector.shape_cast %broadcast_in_dim3A_45 : vector<1x128xf32> to vector<1x1x128xf32>
    tpu.vector_store %arg8[%swap3A_46, %swap3A_47, %swap3A_48], %swap3A_51 {strides = array<i32>} : memref<1x1x128xf32, #tpu.memory_space<vmem>>, vector<1x1x128xf32>,
    return
  }
  func.func @transform_0(%arg0: i32) -> (i32, i32) {
    %c0_i32 = arith.constant 0 : i32
    %c0_i32_0 = arith.constant 0 : i32
    return %arg0, %c0_i32 : i32, i32
  }
  func.func @transform_1(%arg0: i32) -> (i32, i32) {
    %c0_i32 = arith.constant 0 : i32
    %c0_i32_0 = arith.constant 0 : i32
    %c0_i32_1 = arith.constant 0 : i32
    return %c0_i32, %c0_i32_0 : i32, i32
  }
  func.func @transform_2(%arg0: i32) -> (i32, i32) {
    %c0_i32 = arith.constant 0 : i32
    %c0_i32_0 = arith.constant 0 : i32
    %c0_i32_1 = arith.constant 0 : i32
    return %c0_i32, %c0_i32_0 : i32, i32
  }
  func.func @transform_3(%arg0: i32) -> (i32, i32) {
    %c0_i32 = arith.constant 0 : i32
    %c0_i32_0 = arith.constant 0 : i32
    %c0_i32_1 = arith.constant 0 : i32
    return %c0_i32, %c0_i32_0 : i32, i32
  }
  func.func @transform_4(%arg0: i32) -> (i32, i32) {
    %c0_i32 = arith.constant 0 : i32
    %c0_i32_0 = arith.constant 0 : i32
    %c0_i32_1 = arith.constant 0 : i32
    return %c0_i32, %c0_i32_0 : i32, i32
  }
  func.func @transform_5(%arg0: i32) -> (i32, i32) {
    %c0_i32 = arith.constant 0 : i32
    %c0_i32_0 = arith.constant 0 : i32
    return %arg0, %c0_i32 : i32, i32
  }
  func.func @transform_6(%arg0: i32) -> (i32, i32, i32) {
    %c0_i32 = arith.constant 0 : i32
    %c0_i32_0 = arith.constant 0 : i32
    %c0_i32_1 = arith.constant 0 : i32
    return %arg0, %c0_i32, %c0_i32_0 : i32, i32, i32
  }
  func.func @transform_7(%arg0: i32) -> (i32, i32, i32) {
    %c0_i32 = arith.constant 0 : i32
    %c0_i32_0 = arith.constant 0 : i32
    %c0_i32_1 = arith.constant 0 : i32
    return %arg0, %c0_i32, %c0_i32_0 : i32, i32, i32
  }
}

module attributes {stable_mosaic.version = 14 : i64} {
  func.func @_mm_kernel(%arg0: i32, %arg1: memref<256x36xf32, #tpu.memory_space<vmem>>, %arg2: memref<36x144xf32, #tpu.memory_space<vmem>>, %arg3: memref<1x144xf32, #tpu.memory_space<vmem>>, %arg4: memref<1x36xf32, #tpu.memory_space<vmem>>, %arg5: memref<1x36xf32, #tpu.memory_space<vmem>>, %arg6: memref<256x144xf32, #tpu.memory_space<vmem>>, %arg7: memref<1x1x144xf32, #tpu.memory_space<vmem>>, %arg8: memref<1x1x144xf32, #tpu.memory_space<vmem>>) attributes {dimension_semantics = [#tpu.dimension_semantics<arbitrary>], iteration_bounds = array<i64: 7>, scalar_prefetch = 0 : i64, scratch_operands = 0 : i64, tpu.core_type = #tpu.core_type<tc>, window_params = [{transform_indices = @transform_0, window_bounds = array<i64: 256, 36>}, {pipeline_mode = #tpu.pipeline_mode<synchronous>, transform_indices = @transform_1, window_bounds = array<i64: 36, 144>}, {pipeline_mode = #tpu.pipeline_mode<synchronous>, transform_indices = @transform_2, window_bounds = array<i64: 1, 144>}, {pipeline_mode = #tpu.pipeline_mode<synchronous>, transform_indices = @transform_3, window_bounds = array<i64: 1, 36>}, {pipeline_mode = #tpu.pipeline_mode<synchronous>, transform_indices = @transform_4, window_bounds = array<i64: 1, 36>}, {transform_indices = @transform_5, window_bounds = array<i64: 256, 144>}, {transform_indices = @transform_6, window_bounds = array<i64: 1, 1, 144>}, {transform_indices = @transform_7, window_bounds = array<i64: 1, 1, 144>}]} {
    %get3A = arith.constant 0 : index
    %get3A_0 = arith.constant 0 : index
    %get3A_1 = vector.load %arg1[%get3A, %get3A_0] : memref<256x36xf32, #tpu.memory_space<vmem>>, vector<256x36xf32>
    %get3A_2 = arith.constant 0 : index
    %get3A_3 = arith.constant 0 : index
    %get3A_4 = vector.load %arg4[%get3A_2, %get3A_3] : memref<1x36xf32, #tpu.memory_space<vmem>>, vector<1x36xf32>
    %mul3A = vector.broadcast %get3A_4 : vector<1x36xf32> to vector<256x36xf32>
    %mul3A_5 = arith.mulf %get3A_1, %mul3A : vector<256x36xf32>
    %get3A_6 = arith.constant 0 : index
    %get3A_7 = arith.constant 0 : index
    %get3A_8 = vector.load %arg5[%get3A_6, %get3A_7] : memref<1x36xf32, #tpu.memory_space<vmem>>, vector<1x36xf32>
    %add3A = vector.broadcast %get3A_8 : vector<1x36xf32> to vector<256x36xf32>
    %add3A_9 = arith.addf %mul3A_5, %add3A : vector<256x36xf32>
    %get3A_10 = arith.constant 0 : index
    %get3A_11 = arith.constant 0 : index
    %get3A_12 = vector.load %arg2[%get3A_10, %get3A_11] : memref<36x144xf32, #tpu.memory_space<vmem>>, vector<36x144xf32>
    %dot_general3A = arith.constant dense<0.000000e+00> : vector<256x144xf32>
    %dot_general3A_13 = tpu.matmul %add3A_9, %get3A_12, %dot_general3A {dimension_numbers = #tpu.dot_dimension_numbers<[1], [0], [0], [1], [0, 0, 1, 1], [], []>, transpose_lhs_hint = false} : vector<256x36xf32>, vector<36x144xf32>, vector<256x144xf32> -> vector<256x144xf32>
    %get3A_14 = arith.constant 0 : index
    %get3A_15 = arith.constant 0 : index
    %get3A_16 = vector.load %arg3[%get3A_14, %get3A_15] : memref<1x144xf32, #tpu.memory_space<vmem>>, vector<1x144xf32>
    %add3A_17 = vector.broadcast %get3A_16 : vector<1x144xf32> to vector<256x144xf32>
    %add3A_18 = arith.addf %dot_general3A_13, %add3A_17 : vector<256x144xf32>
    %gt3A = arith.constant 0.000000e+00 : f32
    %gt3A_19 = vector.broadcast %gt3A : f32 to vector<256x144xf32>
    %gt3A_20 = arith.cmpf ogt, %add3A_18, %gt3A_19 : vector<256x144xf32>
    %exp3A = math.exp %add3A_18 : vector<256x144xf32>
    %sub3A = arith.constant 1.000000e+00 : f32
    %sub3A_21 = vector.broadcast %sub3A : f32 to vector<256x144xf32>
    %sub3A_22 = arith.subf %exp3A, %sub3A_21 : vector<256x144xf32>
    %select_n3A = arith.select %gt3A_20, %add3A_18, %sub3A_22 : vector<256x144xi1>, vector<256x144xf32>
    %swap3A = arith.constant 0 : index
    %swap3A_23 = arith.constant 0 : index
    %swap3A_24 = vector.load %arg6[%swap3A, %swap3A_23] : memref<256x144xf32, #tpu.memory_space<vmem>>, vector<256x144xf32>
    tpu.vector_store %arg6[%swap3A, %swap3A_23], %select_n3A {strides = array<i32>} : memref<256x144xf32, #tpu.memory_space<vmem>>, vector<256x144xf32>,
    %mul3A_25 = arith.constant 256 : i32
    %mul3A_26 = arith.muli %arg0, %mul3A_25 : i32
    %iota3A = tpu.iota {dimensions = array<i32: 0>} : vector<256x1xi32>
    %add3A_27 = vector.broadcast %mul3A_26 : i32 to vector<256x1xi32>
    %add3A_28 = arith.addi %add3A_27, %iota3A : vector<256x1xi32>
    %lt3A = arith.constant 1792 : i32
    %lt3A_29 = vector.broadcast %lt3A : i32 to vector<256x1xi32>
    %lt3A_30 = arith.cmpi slt, %add3A_28, %lt3A_29 : vector<256x1xi32>
    %jit3A = arith.constant 0.000000e+00 : f32
    %broadcast_in_dim3A = vector.shape_cast %lt3A_30 : vector<256x1xi1> to vector<256x1xi1>
    %broadcast_in_dim3A_31 = vector.broadcast %broadcast_in_dim3A : vector<256x1xi1> to vector<256x144xi1>
    %broadcast_in_dim3A_32 = vector.broadcast %jit3A : f32 to vector<256x144xf32>
    %select_n3A_33 = arith.select %broadcast_in_dim3A_31, %select_n3A, %broadcast_in_dim3A_32 : vector<256x144xi1>, vector<256x144xf32>
    %reduce_sum3A = arith.constant dense<0.000000e+00> : vector<144xf32>
    %reduce_sum3A_34 = vector.multi_reduction <add>, %select_n3A_33, %reduce_sum3A [0] : vector<256x144xf32> to vector<144xf32>
    %broadcast_in_dim3A_35 = vector.shape_cast %reduce_sum3A_34 : vector<144xf32> to vector<1x144xf32>
    %swap3A_36 = arith.constant 0 : index
    %swap3A_37 = arith.constant 0 : index
    %swap3A_38 = arith.constant 0 : index
    %swap3A_39 = vector.load %arg7[%swap3A_36, %swap3A_37, %swap3A_38] : memref<1x1x144xf32, #tpu.memory_space<vmem>>, vector<1x1x144xf32>
    %swap3A_40 = vector.shape_cast %swap3A_39 : vector<1x1x144xf32> to vector<1x144xf32>
    %swap3A_41 = vector.shape_cast %broadcast_in_dim3A_35 : vector<1x144xf32> to vector<1x1x144xf32>
    tpu.vector_store %arg7[%swap3A_36, %swap3A_37, %swap3A_38], %swap3A_41 {strides = array<i32>} : memref<1x1x144xf32, #tpu.memory_space<vmem>>, vector<1x1x144xf32>,
    %mul3A_42 = arith.mulf %select_n3A_33, %select_n3A_33 : vector<256x144xf32>
    %reduce_sum3A_43 = arith.constant dense<0.000000e+00> : vector<144xf32>
    %reduce_sum3A_44 = vector.multi_reduction <add>, %mul3A_42, %reduce_sum3A_43 [0] : vector<256x144xf32> to vector<144xf32>
    %broadcast_in_dim3A_45 = vector.shape_cast %reduce_sum3A_44 : vector<144xf32> to vector<1x144xf32>
    %swap3A_46 = arith.constant 0 : index
    %swap3A_47 = arith.constant 0 : index
    %swap3A_48 = arith.constant 0 : index
    %swap3A_49 = vector.load %arg8[%swap3A_46, %swap3A_47, %swap3A_48] : memref<1x1x144xf32, #tpu.memory_space<vmem>>, vector<1x1x144xf32>
    %swap3A_50 = vector.shape_cast %swap3A_49 : vector<1x1x144xf32> to vector<1x144xf32>
    %swap3A_51 = vector.shape_cast %broadcast_in_dim3A_45 : vector<1x144xf32> to vector<1x1x144xf32>
    tpu.vector_store %arg8[%swap3A_46, %swap3A_47, %swap3A_48], %swap3A_51 {strides = array<i32>} : memref<1x1x144xf32, #tpu.memory_space<vmem>>, vector<1x1x144xf32>,
    return
  }
  func.func @transform_0(%arg0: i32) -> (i32, i32) {
    %c0_i32 = arith.constant 0 : i32
    %c0_i32_0 = arith.constant 0 : i32
    return %arg0, %c0_i32 : i32, i32
  }
  func.func @transform_1(%arg0: i32) -> (i32, i32) {
    %c0_i32 = arith.constant 0 : i32
    %c0_i32_0 = arith.constant 0 : i32
    %c0_i32_1 = arith.constant 0 : i32
    return %c0_i32, %c0_i32_0 : i32, i32
  }
  func.func @transform_2(%arg0: i32) -> (i32, i32) {
    %c0_i32 = arith.constant 0 : i32
    %c0_i32_0 = arith.constant 0 : i32
    %c0_i32_1 = arith.constant 0 : i32
    return %c0_i32, %c0_i32_0 : i32, i32
  }
  func.func @transform_3(%arg0: i32) -> (i32, i32) {
    %c0_i32 = arith.constant 0 : i32
    %c0_i32_0 = arith.constant 0 : i32
    %c0_i32_1 = arith.constant 0 : i32
    return %c0_i32, %c0_i32_0 : i32, i32
  }
  func.func @transform_4(%arg0: i32) -> (i32, i32) {
    %c0_i32 = arith.constant 0 : i32
    %c0_i32_0 = arith.constant 0 : i32
    %c0_i32_1 = arith.constant 0 : i32
    return %c0_i32, %c0_i32_0 : i32, i32
  }
  func.func @transform_5(%arg0: i32) -> (i32, i32) {
    %c0_i32 = arith.constant 0 : i32
    %c0_i32_0 = arith.constant 0 : i32
    return %arg0, %c0_i32 : i32, i32
  }
  func.func @transform_6(%arg0: i32) -> (i32, i32, i32) {
    %c0_i32 = arith.constant 0 : i32
    %c0_i32_0 = arith.constant 0 : i32
    %c0_i32_1 = arith.constant 0 : i32
    return %arg0, %c0_i32, %c0_i32_0 : i32, i32, i32
  }
  func.func @transform_7(%arg0: i32) -> (i32, i32, i32) {
    %c0_i32 = arith.constant 0 : i32
    %c0_i32_0 = arith.constant 0 : i32
    %c0_i32_1 = arith.constant 0 : i32
    return %arg0, %c0_i32, %c0_i32_0 : i32, i32, i32
  }
}

module attributes {stable_mosaic.version = 14 : i64} {
  func.func @_mm_kernel(%arg0: i32, %arg1: memref<256x144xf32, #tpu.memory_space<vmem>>, %arg2: memref<144x144xf32, #tpu.memory_space<vmem>>, %arg3: memref<1x144xf32, #tpu.memory_space<vmem>>, %arg4: memref<1x144xf32, #tpu.memory_space<vmem>>, %arg5: memref<1x144xf32, #tpu.memory_space<vmem>>, %arg6: memref<256x144xf32, #tpu.memory_space<vmem>>, %arg7: memref<1x1x144xf32, #tpu.memory_space<vmem>>, %arg8: memref<1x1x144xf32, #tpu.memory_space<vmem>>) attributes {dimension_semantics = [#tpu.dimension_semantics<arbitrary>], iteration_bounds = array<i64: 7>, scalar_prefetch = 0 : i64, scratch_operands = 0 : i64, tpu.core_type = #tpu.core_type<tc>, window_params = [{transform_indices = @transform_0, window_bounds = array<i64: 256, 144>}, {pipeline_mode = #tpu.pipeline_mode<synchronous>, transform_indices = @transform_1, window_bounds = array<i64: 144, 144>}, {pipeline_mode = #tpu.pipeline_mode<synchronous>, transform_indices = @transform_2, window_bounds = array<i64: 1, 144>}, {pipeline_mode = #tpu.pipeline_mode<synchronous>, transform_indices = @transform_3, window_bounds = array<i64: 1, 144>}, {pipeline_mode = #tpu.pipeline_mode<synchronous>, transform_indices = @transform_4, window_bounds = array<i64: 1, 144>}, {transform_indices = @transform_5, window_bounds = array<i64: 256, 144>}, {transform_indices = @transform_6, window_bounds = array<i64: 1, 1, 144>}, {transform_indices = @transform_7, window_bounds = array<i64: 1, 1, 144>}]} {
    %get3A = arith.constant 0 : index
    %get3A_0 = arith.constant 0 : index
    %get3A_1 = vector.load %arg1[%get3A, %get3A_0] : memref<256x144xf32, #tpu.memory_space<vmem>>, vector<256x144xf32>
    %get3A_2 = arith.constant 0 : index
    %get3A_3 = arith.constant 0 : index
    %get3A_4 = vector.load %arg4[%get3A_2, %get3A_3] : memref<1x144xf32, #tpu.memory_space<vmem>>, vector<1x144xf32>
    %mul3A = vector.broadcast %get3A_4 : vector<1x144xf32> to vector<256x144xf32>
    %mul3A_5 = arith.mulf %get3A_1, %mul3A : vector<256x144xf32>
    %get3A_6 = arith.constant 0 : index
    %get3A_7 = arith.constant 0 : index
    %get3A_8 = vector.load %arg5[%get3A_6, %get3A_7] : memref<1x144xf32, #tpu.memory_space<vmem>>, vector<1x144xf32>
    %add3A = vector.broadcast %get3A_8 : vector<1x144xf32> to vector<256x144xf32>
    %add3A_9 = arith.addf %mul3A_5, %add3A : vector<256x144xf32>
    %get3A_10 = arith.constant 0 : index
    %get3A_11 = arith.constant 0 : index
    %get3A_12 = vector.load %arg2[%get3A_10, %get3A_11] : memref<144x144xf32, #tpu.memory_space<vmem>>, vector<144x144xf32>
    %dot_general3A = arith.constant dense<0.000000e+00> : vector<256x144xf32>
    %dot_general3A_13 = tpu.matmul %add3A_9, %get3A_12, %dot_general3A {dimension_numbers = #tpu.dot_dimension_numbers<[1], [0], [0], [1], [0, 0, 1, 1], [], []>, transpose_lhs_hint = false} : vector<256x144xf32>, vector<144x144xf32>, vector<256x144xf32> -> vector<256x144xf32>
    %get3A_14 = arith.constant 0 : index
    %get3A_15 = arith.constant 0 : index
    %get3A_16 = vector.load %arg3[%get3A_14, %get3A_15] : memref<1x144xf32, #tpu.memory_space<vmem>>, vector<1x144xf32>
    %add3A_17 = vector.broadcast %get3A_16 : vector<1x144xf32> to vector<256x144xf32>
    %add3A_18 = arith.addf %dot_general3A_13, %add3A_17 : vector<256x144xf32>
    %gt3A = arith.constant 0.000000e+00 : f32
    %gt3A_19 = vector.broadcast %gt3A : f32 to vector<256x144xf32>
    %gt3A_20 = arith.cmpf ogt, %add3A_18, %gt3A_19 : vector<256x144xf32>
    %exp3A = math.exp %add3A_18 : vector<256x144xf32>
    %sub3A = arith.constant 1.000000e+00 : f32
    %sub3A_21 = vector.broadcast %sub3A : f32 to vector<256x144xf32>
    %sub3A_22 = arith.subf %exp3A, %sub3A_21 : vector<256x144xf32>
    %select_n3A = arith.select %gt3A_20, %add3A_18, %sub3A_22 : vector<256x144xi1>, vector<256x144xf32>
    %swap3A = arith.constant 0 : index
    %swap3A_23 = arith.constant 0 : index
    %swap3A_24 = vector.load %arg6[%swap3A, %swap3A_23] : memref<256x144xf32, #tpu.memory_space<vmem>>, vector<256x144xf32>
    tpu.vector_store %arg6[%swap3A, %swap3A_23], %select_n3A {strides = array<i32>} : memref<256x144xf32, #tpu.memory_space<vmem>>, vector<256x144xf32>,
    %mul3A_25 = arith.constant 256 : i32
    %mul3A_26 = arith.muli %arg0, %mul3A_25 : i32
    %iota3A = tpu.iota {dimensions = array<i32: 0>} : vector<256x1xi32>
    %add3A_27 = vector.broadcast %mul3A_26 : i32 to vector<256x1xi32>
    %add3A_28 = arith.addi %add3A_27, %iota3A : vector<256x1xi32>
    %lt3A = arith.constant 1792 : i32
    %lt3A_29 = vector.broadcast %lt3A : i32 to vector<256x1xi32>
    %lt3A_30 = arith.cmpi slt, %add3A_28, %lt3A_29 : vector<256x1xi32>
    %jit3A = arith.constant 0.000000e+00 : f32
    %broadcast_in_dim3A = vector.shape_cast %lt3A_30 : vector<256x1xi1> to vector<256x1xi1>
    %broadcast_in_dim3A_31 = vector.broadcast %broadcast_in_dim3A : vector<256x1xi1> to vector<256x144xi1>
    %broadcast_in_dim3A_32 = vector.broadcast %jit3A : f32 to vector<256x144xf32>
    %select_n3A_33 = arith.select %broadcast_in_dim3A_31, %select_n3A, %broadcast_in_dim3A_32 : vector<256x144xi1>, vector<256x144xf32>
    %reduce_sum3A = arith.constant dense<0.000000e+00> : vector<144xf32>
    %reduce_sum3A_34 = vector.multi_reduction <add>, %select_n3A_33, %reduce_sum3A [0] : vector<256x144xf32> to vector<144xf32>
    %broadcast_in_dim3A_35 = vector.shape_cast %reduce_sum3A_34 : vector<144xf32> to vector<1x144xf32>
    %swap3A_36 = arith.constant 0 : index
    %swap3A_37 = arith.constant 0 : index
    %swap3A_38 = arith.constant 0 : index
    %swap3A_39 = vector.load %arg7[%swap3A_36, %swap3A_37, %swap3A_38] : memref<1x1x144xf32, #tpu.memory_space<vmem>>, vector<1x1x144xf32>
    %swap3A_40 = vector.shape_cast %swap3A_39 : vector<1x1x144xf32> to vector<1x144xf32>
    %swap3A_41 = vector.shape_cast %broadcast_in_dim3A_35 : vector<1x144xf32> to vector<1x1x144xf32>
    tpu.vector_store %arg7[%swap3A_36, %swap3A_37, %swap3A_38], %swap3A_41 {strides = array<i32>} : memref<1x1x144xf32, #tpu.memory_space<vmem>>, vector<1x1x144xf32>,
    %mul3A_42 = arith.mulf %select_n3A_33, %select_n3A_33 : vector<256x144xf32>
    %reduce_sum3A_43 = arith.constant dense<0.000000e+00> : vector<144xf32>
    %reduce_sum3A_44 = vector.multi_reduction <add>, %mul3A_42, %reduce_sum3A_43 [0] : vector<256x144xf32> to vector<144xf32>
    %broadcast_in_dim3A_45 = vector.shape_cast %reduce_sum3A_44 : vector<144xf32> to vector<1x144xf32>
    %swap3A_46 = arith.constant 0 : index
    %swap3A_47 = arith.constant 0 : index
    %swap3A_48 = arith.constant 0 : index
    %swap3A_49 = vector.load %arg8[%swap3A_46, %swap3A_47, %swap3A_48] : memref<1x1x144xf32, #tpu.memory_space<vmem>>, vector<1x1x144xf32>
    %swap3A_50 = vector.shape_cast %swap3A_49 : vector<1x1x144xf32> to vector<1x144xf32>
    %swap3A_51 = vector.shape_cast %broadcast_in_dim3A_45 : vector<1x144xf32> to vector<1x1x144xf32>
    tpu.vector_store %arg8[%swap3A_46, %swap3A_47, %swap3A_48], %swap3A_51 {strides = array<i32>} : memref<1x1x144xf32, #tpu.memory_space<vmem>>, vector<1x1x144xf32>,
    return
  }
  func.func @transform_0(%arg0: i32) -> (i32, i32) {
    %c0_i32 = arith.constant 0 : i32
    %c0_i32_0 = arith.constant 0 : i32
    return %arg0, %c0_i32 : i32, i32
  }
  func.func @transform_1(%arg0: i32) -> (i32, i32) {
    %c0_i32 = arith.constant 0 : i32
    %c0_i32_0 = arith.constant 0 : i32
    %c0_i32_1 = arith.constant 0 : i32
    return %c0_i32, %c0_i32_0 : i32, i32
  }
  func.func @transform_2(%arg0: i32) -> (i32, i32) {
    %c0_i32 = arith.constant 0 : i32
    %c0_i32_0 = arith.constant 0 : i32
    %c0_i32_1 = arith.constant 0 : i32
    return %c0_i32, %c0_i32_0 : i32, i32
  }
  func.func @transform_3(%arg0: i32) -> (i32, i32) {
    %c0_i32 = arith.constant 0 : i32
    %c0_i32_0 = arith.constant 0 : i32
    %c0_i32_1 = arith.constant 0 : i32
    return %c0_i32, %c0_i32_0 : i32, i32
  }
  func.func @transform_4(%arg0: i32) -> (i32, i32) {
    %c0_i32 = arith.constant 0 : i32
    %c0_i32_0 = arith.constant 0 : i32
    %c0_i32_1 = arith.constant 0 : i32
    return %c0_i32, %c0_i32_0 : i32, i32
  }
  func.func @transform_5(%arg0: i32) -> (i32, i32) {
    %c0_i32 = arith.constant 0 : i32
    %c0_i32_0 = arith.constant 0 : i32
    return %arg0, %c0_i32 : i32, i32
  }
  func.func @transform_6(%arg0: i32) -> (i32, i32, i32) {
    %c0_i32 = arith.constant 0 : i32
    %c0_i32_0 = arith.constant 0 : i32
    %c0_i32_1 = arith.constant 0 : i32
    return %arg0, %c0_i32, %c0_i32_0 : i32, i32, i32
  }
  func.func @transform_7(%arg0: i32) -> (i32, i32, i32) {
    %c0_i32 = arith.constant 0 : i32
    %c0_i32_0 = arith.constant 0 : i32
    %c0_i32_1 = arith.constant 0 : i32
    return %arg0, %c0_i32, %c0_i32_0 : i32, i32, i32
  }
}

module attributes {stable_mosaic.version = 14 : i64} {
  func.func @_mm_kernel(%arg0: i32, %arg1: memref<160x48xf32, #tpu.memory_space<vmem>>, %arg2: memref<48x256xf32, #tpu.memory_space<vmem>>, %arg3: memref<1x256xf32, #tpu.memory_space<vmem>>, %arg4: memref<1x48xf32, #tpu.memory_space<vmem>>, %arg5: memref<1x48xf32, #tpu.memory_space<vmem>>, %arg6: memref<160x256xf32, #tpu.memory_space<vmem>>, %arg7: memref<1x1x256xf32, #tpu.memory_space<vmem>>, %arg8: memref<1x1x256xf32, #tpu.memory_space<vmem>>) attributes {dimension_semantics = [#tpu.dimension_semantics<arbitrary>], iteration_bounds = array<i64: 4>, scalar_prefetch = 0 : i64, scratch_operands = 0 : i64, tpu.core_type = #tpu.core_type<tc>, window_params = [{transform_indices = @transform_0, window_bounds = array<i64: 160, 48>}, {pipeline_mode = #tpu.pipeline_mode<synchronous>, transform_indices = @transform_1, window_bounds = array<i64: 48, 256>}, {pipeline_mode = #tpu.pipeline_mode<synchronous>, transform_indices = @transform_2, window_bounds = array<i64: 1, 256>}, {pipeline_mode = #tpu.pipeline_mode<synchronous>, transform_indices = @transform_3, window_bounds = array<i64: 1, 48>}, {pipeline_mode = #tpu.pipeline_mode<synchronous>, transform_indices = @transform_4, window_bounds = array<i64: 1, 48>}, {transform_indices = @transform_5, window_bounds = array<i64: 160, 256>}, {transform_indices = @transform_6, window_bounds = array<i64: 1, 1, 256>}, {transform_indices = @transform_7, window_bounds = array<i64: 1, 1, 256>}]} {
    %get3A = arith.constant 0 : index
    %get3A_0 = arith.constant 0 : index
    %get3A_1 = vector.load %arg1[%get3A, %get3A_0] : memref<160x48xf32, #tpu.memory_space<vmem>>, vector<160x48xf32>
    %get3A_2 = arith.constant 0 : index
    %get3A_3 = arith.constant 0 : index
    %get3A_4 = vector.load %arg4[%get3A_2, %get3A_3] : memref<1x48xf32, #tpu.memory_space<vmem>>, vector<1x48xf32>
    %mul3A = vector.broadcast %get3A_4 : vector<1x48xf32> to vector<160x48xf32>
    %mul3A_5 = arith.mulf %get3A_1, %mul3A : vector<160x48xf32>
    %get3A_6 = arith.constant 0 : index
    %get3A_7 = arith.constant 0 : index
    %get3A_8 = vector.load %arg5[%get3A_6, %get3A_7] : memref<1x48xf32, #tpu.memory_space<vmem>>, vector<1x48xf32>
    %add3A = vector.broadcast %get3A_8 : vector<1x48xf32> to vector<160x48xf32>
    %add3A_9 = arith.addf %mul3A_5, %add3A : vector<160x48xf32>
    %get3A_10 = arith.constant 0 : index
    %get3A_11 = arith.constant 0 : index
    %get3A_12 = vector.load %arg2[%get3A_10, %get3A_11] : memref<48x256xf32, #tpu.memory_space<vmem>>, vector<48x256xf32>
    %dot_general3A = arith.constant dense<0.000000e+00> : vector<160x256xf32>
    %dot_general3A_13 = tpu.matmul %add3A_9, %get3A_12, %dot_general3A {dimension_numbers = #tpu.dot_dimension_numbers<[1], [0], [0], [1], [0, 0, 1, 1], [], []>, transpose_lhs_hint = false} : vector<160x48xf32>, vector<48x256xf32>, vector<160x256xf32> -> vector<160x256xf32>
    %get3A_14 = arith.constant 0 : index
    %get3A_15 = arith.constant 0 : index
    %get3A_16 = vector.load %arg3[%get3A_14, %get3A_15] : memref<1x256xf32, #tpu.memory_space<vmem>>, vector<1x256xf32>
    %add3A_17 = vector.broadcast %get3A_16 : vector<1x256xf32> to vector<160x256xf32>
    %add3A_18 = arith.addf %dot_general3A_13, %add3A_17 : vector<160x256xf32>
    %gt3A = arith.constant 0.000000e+00 : f32
    %gt3A_19 = vector.broadcast %gt3A : f32 to vector<160x256xf32>
    %gt3A_20 = arith.cmpf ogt, %add3A_18, %gt3A_19 : vector<160x256xf32>
    %exp3A = math.exp %add3A_18 : vector<160x256xf32>
    %sub3A = arith.constant 1.000000e+00 : f32
    %sub3A_21 = vector.broadcast %sub3A : f32 to vector<160x256xf32>
    %sub3A_22 = arith.subf %exp3A, %sub3A_21 : vector<160x256xf32>
    %select_n3A = arith.select %gt3A_20, %add3A_18, %sub3A_22 : vector<160x256xi1>, vector<160x256xf32>
    %swap3A = arith.constant 0 : index
    %swap3A_23 = arith.constant 0 : index
    %swap3A_24 = vector.load %arg6[%swap3A, %swap3A_23] : memref<160x256xf32, #tpu.memory_space<vmem>>, vector<160x256xf32>
    tpu.vector_store %arg6[%swap3A, %swap3A_23], %select_n3A {strides = array<i32>} : memref<160x256xf32, #tpu.memory_space<vmem>>, vector<160x256xf32>,
    %mul3A_25 = arith.constant 160 : i32
    %mul3A_26 = arith.muli %arg0, %mul3A_25 : i32
    %iota3A = tpu.iota {dimensions = array<i32: 0>} : vector<160x1xi32>
    %add3A_27 = vector.broadcast %mul3A_26 : i32 to vector<160x1xi32>
    %add3A_28 = arith.addi %add3A_27, %iota3A : vector<160x1xi32>
    %lt3A = arith.constant 592 : i32
    %lt3A_29 = vector.broadcast %lt3A : i32 to vector<160x1xi32>
    %lt3A_30 = arith.cmpi slt, %add3A_28, %lt3A_29 : vector<160x1xi32>
    %jit3A = arith.constant 0.000000e+00 : f32
    %broadcast_in_dim3A = vector.shape_cast %lt3A_30 : vector<160x1xi1> to vector<160x1xi1>
    %broadcast_in_dim3A_31 = vector.broadcast %broadcast_in_dim3A : vector<160x1xi1> to vector<160x256xi1>
    %broadcast_in_dim3A_32 = vector.broadcast %jit3A : f32 to vector<160x256xf32>
    %select_n3A_33 = arith.select %broadcast_in_dim3A_31, %select_n3A, %broadcast_in_dim3A_32 : vector<160x256xi1>, vector<160x256xf32>
    %reduce_sum3A = arith.constant dense<0.000000e+00> : vector<256xf32>
    %reduce_sum3A_34 = vector.multi_reduction <add>, %select_n3A_33, %reduce_sum3A [0] : vector<160x256xf32> to vector<256xf32>
    %broadcast_in_dim3A_35 = vector.shape_cast %reduce_sum3A_34 : vector<256xf32> to vector<1x256xf32>
    %swap3A_36 = arith.constant 0 : index
    %swap3A_37 = arith.constant 0 : index
    %swap3A_38 = arith.constant 0 : index
    %swap3A_39 = vector.load %arg7[%swap3A_36, %swap3A_37, %swap3A_38] : memref<1x1x256xf32, #tpu.memory_space<vmem>>, vector<1x1x256xf32>
    %swap3A_40 = vector.shape_cast %swap3A_39 : vector<1x1x256xf32> to vector<1x256xf32>
    %swap3A_41 = vector.shape_cast %broadcast_in_dim3A_35 : vector<1x256xf32> to vector<1x1x256xf32>
    tpu.vector_store %arg7[%swap3A_36, %swap3A_37, %swap3A_38], %swap3A_41 {strides = array<i32>} : memref<1x1x256xf32, #tpu.memory_space<vmem>>, vector<1x1x256xf32>,
    %mul3A_42 = arith.mulf %select_n3A_33, %select_n3A_33 : vector<160x256xf32>
    %reduce_sum3A_43 = arith.constant dense<0.000000e+00> : vector<256xf32>
    %reduce_sum3A_44 = vector.multi_reduction <add>, %mul3A_42, %reduce_sum3A_43 [0] : vector<160x256xf32> to vector<256xf32>
    %broadcast_in_dim3A_45 = vector.shape_cast %reduce_sum3A_44 : vector<256xf32> to vector<1x256xf32>
    %swap3A_46 = arith.constant 0 : index
    %swap3A_47 = arith.constant 0 : index
    %swap3A_48 = arith.constant 0 : index
    %swap3A_49 = vector.load %arg8[%swap3A_46, %swap3A_47, %swap3A_48] : memref<1x1x256xf32, #tpu.memory_space<vmem>>, vector<1x1x256xf32>
    %swap3A_50 = vector.shape_cast %swap3A_49 : vector<1x1x256xf32> to vector<1x256xf32>
    %swap3A_51 = vector.shape_cast %broadcast_in_dim3A_45 : vector<1x256xf32> to vector<1x1x256xf32>
    tpu.vector_store %arg8[%swap3A_46, %swap3A_47, %swap3A_48], %swap3A_51 {strides = array<i32>} : memref<1x1x256xf32, #tpu.memory_space<vmem>>, vector<1x1x256xf32>,
    return
  }
  func.func @transform_0(%arg0: i32) -> (i32, i32) {
    %c0_i32 = arith.constant 0 : i32
    %c0_i32_0 = arith.constant 0 : i32
    return %arg0, %c0_i32 : i32, i32
  }
  func.func @transform_1(%arg0: i32) -> (i32, i32) {
    %c0_i32 = arith.constant 0 : i32
    %c0_i32_0 = arith.constant 0 : i32
    %c0_i32_1 = arith.constant 0 : i32
    return %c0_i32, %c0_i32_0 : i32, i32
  }
  func.func @transform_2(%arg0: i32) -> (i32, i32) {
    %c0_i32 = arith.constant 0 : i32
    %c0_i32_0 = arith.constant 0 : i32
    %c0_i32_1 = arith.constant 0 : i32
    return %c0_i32, %c0_i32_0 : i32, i32
  }
  func.func @transform_3(%arg0: i32) -> (i32, i32) {
    %c0_i32 = arith.constant 0 : i32
    %c0_i32_0 = arith.constant 0 : i32
    %c0_i32_1 = arith.constant 0 : i32
    return %c0_i32, %c0_i32_0 : i32, i32
  }
  func.func @transform_4(%arg0: i32) -> (i32, i32) {
    %c0_i32 = arith.constant 0 : i32
    %c0_i32_0 = arith.constant 0 : i32
    %c0_i32_1 = arith.constant 0 : i32
    return %c0_i32, %c0_i32_0 : i32, i32
  }
  func.func @transform_5(%arg0: i32) -> (i32, i32) {
    %c0_i32 = arith.constant 0 : i32
    %c0_i32_0 = arith.constant 0 : i32
    return %arg0, %c0_i32 : i32, i32
  }
  func.func @transform_6(%arg0: i32) -> (i32, i32, i32) {
    %c0_i32 = arith.constant 0 : i32
    %c0_i32_0 = arith.constant 0 : i32
    %c0_i32_1 = arith.constant 0 : i32
    return %arg0, %c0_i32, %c0_i32_0 : i32, i32, i32
  }
  func.func @transform_7(%arg0: i32) -> (i32, i32, i32) {
    %c0_i32 = arith.constant 0 : i32
    %c0_i32_0 = arith.constant 0 : i32
    %c0_i32_1 = arith.constant 0 : i32
    return %arg0, %c0_i32, %c0_i32_0 : i32, i32, i32
  }
}

module attributes {stable_mosaic.version = 14 : i64} {
  func.func @_mm_kernel(%arg0: i32, %arg1: memref<3072x128xf32, #tpu.memory_space<vmem>>, %arg2: memref<128x128xf32, #tpu.memory_space<vmem>>, %arg3: memref<1x128xf32, #tpu.memory_space<vmem>>, %arg4: memref<1x128xf32, #tpu.memory_space<vmem>>, %arg5: memref<1x128xf32, #tpu.memory_space<vmem>>, %arg6: memref<3072x128xf32, #tpu.memory_space<vmem>>, %arg7: memref<1x1x128xf32, #tpu.memory_space<vmem>>, %arg8: memref<1x1x128xf32, #tpu.memory_space<vmem>>) attributes {dimension_semantics = [#tpu.dimension_semantics<arbitrary>], iteration_bounds = array<i64: 7>, scalar_prefetch = 0 : i64, scratch_operands = 0 : i64, tpu.core_type = #tpu.core_type<tc>, window_params = [{transform_indices = @transform_0, window_bounds = array<i64: 3072, 128>}, {pipeline_mode = #tpu.pipeline_mode<synchronous>, transform_indices = @transform_1, window_bounds = array<i64: 128, 128>}, {pipeline_mode = #tpu.pipeline_mode<synchronous>, transform_indices = @transform_2, window_bounds = array<i64: 1, 128>}, {pipeline_mode = #tpu.pipeline_mode<synchronous>, transform_indices = @transform_3, window_bounds = array<i64: 1, 128>}, {pipeline_mode = #tpu.pipeline_mode<synchronous>, transform_indices = @transform_4, window_bounds = array<i64: 1, 128>}, {transform_indices = @transform_5, window_bounds = array<i64: 3072, 128>}, {transform_indices = @transform_6, window_bounds = array<i64: 1, 1, 128>}, {transform_indices = @transform_7, window_bounds = array<i64: 1, 1, 128>}]} {
    %get3A = arith.constant 0 : index
    %get3A_0 = arith.constant 0 : index
    %get3A_1 = vector.load %arg1[%get3A, %get3A_0] : memref<3072x128xf32, #tpu.memory_space<vmem>>, vector<3072x128xf32>
    %get3A_2 = arith.constant 0 : index
    %get3A_3 = arith.constant 0 : index
    %get3A_4 = vector.load %arg4[%get3A_2, %get3A_3] : memref<1x128xf32, #tpu.memory_space<vmem>>, vector<1x128xf32>
    %mul3A = vector.broadcast %get3A_4 : vector<1x128xf32> to vector<3072x128xf32>
    %mul3A_5 = arith.mulf %get3A_1, %mul3A : vector<3072x128xf32>
    %get3A_6 = arith.constant 0 : index
    %get3A_7 = arith.constant 0 : index
    %get3A_8 = vector.load %arg5[%get3A_6, %get3A_7] : memref<1x128xf32, #tpu.memory_space<vmem>>, vector<1x128xf32>
    %add3A = vector.broadcast %get3A_8 : vector<1x128xf32> to vector<3072x128xf32>
    %add3A_9 = arith.addf %mul3A_5, %add3A : vector<3072x128xf32>
    %get3A_10 = arith.constant 0 : index
    %get3A_11 = arith.constant 0 : index
    %get3A_12 = vector.load %arg2[%get3A_10, %get3A_11] : memref<128x128xf32, #tpu.memory_space<vmem>>, vector<128x128xf32>
    %dot_general3A = arith.constant dense<0.000000e+00> : vector<3072x128xf32>
    %dot_general3A_13 = tpu.matmul %add3A_9, %get3A_12, %dot_general3A {dimension_numbers = #tpu.dot_dimension_numbers<[1], [0], [0], [1], [0, 0, 1, 1], [], []>, transpose_lhs_hint = false} : vector<3072x128xf32>, vector<128x128xf32>, vector<3072x128xf32> -> vector<3072x128xf32>
    %get3A_14 = arith.constant 0 : index
    %get3A_15 = arith.constant 0 : index
    %get3A_16 = vector.load %arg3[%get3A_14, %get3A_15] : memref<1x128xf32, #tpu.memory_space<vmem>>, vector<1x128xf32>
    %add3A_17 = vector.broadcast %get3A_16 : vector<1x128xf32> to vector<3072x128xf32>
    %add3A_18 = arith.addf %dot_general3A_13, %add3A_17 : vector<3072x128xf32>
    %gt3A = arith.constant 0.000000e+00 : f32
    %gt3A_19 = vector.broadcast %gt3A : f32 to vector<3072x128xf32>
    %gt3A_20 = arith.cmpf ogt, %add3A_18, %gt3A_19 : vector<3072x128xf32>
    %exp3A = math.exp %add3A_18 : vector<3072x128xf32>
    %sub3A = arith.constant 1.000000e+00 : f32
    %sub3A_21 = vector.broadcast %sub3A : f32 to vector<3072x128xf32>
    %sub3A_22 = arith.subf %exp3A, %sub3A_21 : vector<3072x128xf32>
    %select_n3A = arith.select %gt3A_20, %add3A_18, %sub3A_22 : vector<3072x128xi1>, vector<3072x128xf32>
    %swap3A = arith.constant 0 : index
    %swap3A_23 = arith.constant 0 : index
    %swap3A_24 = vector.load %arg6[%swap3A, %swap3A_23] : memref<3072x128xf32, #tpu.memory_space<vmem>>, vector<3072x128xf32>
    tpu.vector_store %arg6[%swap3A, %swap3A_23], %select_n3A {strides = array<i32>} : memref<3072x128xf32, #tpu.memory_space<vmem>>, vector<3072x128xf32>,
    %mul3A_25 = arith.constant 3072 : i32
    %mul3A_26 = arith.muli %arg0, %mul3A_25 : i32
    %iota3A = tpu.iota {dimensions = array<i32: 0>} : vector<3072x1xi32>
    %add3A_27 = vector.broadcast %mul3A_26 : i32 to vector<3072x1xi32>
    %add3A_28 = arith.addi %add3A_27, %iota3A : vector<3072x1xi32>
    %lt3A = arith.constant 21504 : i32
    %lt3A_29 = vector.broadcast %lt3A : i32 to vector<3072x1xi32>
    %lt3A_30 = arith.cmpi slt, %add3A_28, %lt3A_29 : vector<3072x1xi32>
    %jit3A = arith.constant 0.000000e+00 : f32
    %broadcast_in_dim3A = vector.shape_cast %lt3A_30 : vector<3072x1xi1> to vector<3072x1xi1>
    %broadcast_in_dim3A_31 = vector.broadcast %broadcast_in_dim3A : vector<3072x1xi1> to vector<3072x128xi1>
    %broadcast_in_dim3A_32 = vector.broadcast %jit3A : f32 to vector<3072x128xf32>
    %select_n3A_33 = arith.select %broadcast_in_dim3A_31, %select_n3A, %broadcast_in_dim3A_32 : vector<3072x128xi1>, vector<3072x128xf32>
    %reduce_sum3A = arith.constant dense<0.000000e+00> : vector<128xf32>
    %reduce_sum3A_34 = vector.multi_reduction <add>, %select_n3A_33, %reduce_sum3A [0] : vector<3072x128xf32> to vector<128xf32>
    %broadcast_in_dim3A_35 = vector.shape_cast %reduce_sum3A_34 : vector<128xf32> to vector<1x128xf32>
    %swap3A_36 = arith.constant 0 : index
    %swap3A_37 = arith.constant 0 : index
    %swap3A_38 = arith.constant 0 : index
    %swap3A_39 = vector.load %arg7[%swap3A_36, %swap3A_37, %swap3A_38] : memref<1x1x128xf32, #tpu.memory_space<vmem>>, vector<1x1x128xf32>
    %swap3A_40 = vector.shape_cast %swap3A_39 : vector<1x1x128xf32> to vector<1x128xf32>
    %swap3A_41 = vector.shape_cast %broadcast_in_dim3A_35 : vector<1x128xf32> to vector<1x1x128xf32>
    tpu.vector_store %arg7[%swap3A_36, %swap3A_37, %swap3A_38], %swap3A_41 {strides = array<i32>} : memref<1x1x128xf32, #tpu.memory_space<vmem>>, vector<1x1x128xf32>,
    %mul3A_42 = arith.mulf %select_n3A_33, %select_n3A_33 : vector<3072x128xf32>
    %reduce_sum3A_43 = arith.constant dense<0.000000e+00> : vector<128xf32>
    %reduce_sum3A_44 = vector.multi_reduction <add>, %mul3A_42, %reduce_sum3A_43 [0] : vector<3072x128xf32> to vector<128xf32>
    %broadcast_in_dim3A_45 = vector.shape_cast %reduce_sum3A_44 : vector<128xf32> to vector<1x128xf32>
    %swap3A_46 = arith.constant 0 : index
    %swap3A_47 = arith.constant 0 : index
    %swap3A_48 = arith.constant 0 : index
    %swap3A_49 = vector.load %arg8[%swap3A_46, %swap3A_47, %swap3A_48] : memref<1x1x128xf32, #tpu.memory_space<vmem>>, vector<1x1x128xf32>
    %swap3A_50 = vector.shape_cast %swap3A_49 : vector<1x1x128xf32> to vector<1x128xf32>
    %swap3A_51 = vector.shape_cast %broadcast_in_dim3A_45 : vector<1x128xf32> to vector<1x1x128xf32>
    tpu.vector_store %arg8[%swap3A_46, %swap3A_47, %swap3A_48], %swap3A_51 {strides = array<i32>} : memref<1x1x128xf32, #tpu.memory_space<vmem>>, vector<1x1x128xf32>,
    return
  }
  func.func @transform_0(%arg0: i32) -> (i32, i32) {
    %c0_i32 = arith.constant 0 : i32
    %c0_i32_0 = arith.constant 0 : i32
    return %arg0, %c0_i32 : i32, i32
  }
  func.func @transform_1(%arg0: i32) -> (i32, i32) {
    %c0_i32 = arith.constant 0 : i32
    %c0_i32_0 = arith.constant 0 : i32
    %c0_i32_1 = arith.constant 0 : i32
    return %c0_i32, %c0_i32_0 : i32, i32
  }
  func.func @transform_2(%arg0: i32) -> (i32, i32) {
    %c0_i32 = arith.constant 0 : i32
    %c0_i32_0 = arith.constant 0 : i32
    %c0_i32_1 = arith.constant 0 : i32
    return %c0_i32, %c0_i32_0 : i32, i32
  }
  func.func @transform_3(%arg0: i32) -> (i32, i32) {
    %c0_i32 = arith.constant 0 : i32
    %c0_i32_0 = arith.constant 0 : i32
    %c0_i32_1 = arith.constant 0 : i32
    return %c0_i32, %c0_i32_0 : i32, i32
  }
  func.func @transform_4(%arg0: i32) -> (i32, i32) {
    %c0_i32 = arith.constant 0 : i32
    %c0_i32_0 = arith.constant 0 : i32
    %c0_i32_1 = arith.constant 0 : i32
    return %c0_i32, %c0_i32_0 : i32, i32
  }
  func.func @transform_5(%arg0: i32) -> (i32, i32) {
    %c0_i32 = arith.constant 0 : i32
    %c0_i32_0 = arith.constant 0 : i32
    return %arg0, %c0_i32 : i32, i32
  }
  func.func @transform_6(%arg0: i32) -> (i32, i32, i32) {
    %c0_i32 = arith.constant 0 : i32
    %c0_i32_0 = arith.constant 0 : i32
    %c0_i32_1 = arith.constant 0 : i32
    return %arg0, %c0_i32, %c0_i32_0 : i32, i32, i32
  }
  func.func @transform_7(%arg0: i32) -> (i32, i32, i32) {
    %c0_i32 = arith.constant 0 : i32
    %c0_i32_0 = arith.constant 0 : i32
    %c0_i32_1 = arith.constant 0 : i32
    return %arg0, %c0_i32, %c0_i32_0 : i32, i32, i32
  }
}

module attributes {stable_mosaic.version = 14 : i64} {
  func.func @_mm_kernel(%arg0: i32, %arg1: memref<256x144xf32, #tpu.memory_space<vmem>>, %arg2: memref<144x144xf32, #tpu.memory_space<vmem>>, %arg3: memref<1x144xf32, #tpu.memory_space<vmem>>, %arg4: memref<1x144xf32, #tpu.memory_space<vmem>>, %arg5: memref<1x144xf32, #tpu.memory_space<vmem>>, %arg6: memref<256x144xf32, #tpu.memory_space<vmem>>, %arg7: memref<1x1x144xf32, #tpu.memory_space<vmem>>, %arg8: memref<1x1x144xf32, #tpu.memory_space<vmem>>) attributes {dimension_semantics = [#tpu.dimension_semantics<arbitrary>], iteration_bounds = array<i64: 7>, scalar_prefetch = 0 : i64, scratch_operands = 0 : i64, tpu.core_type = #tpu.core_type<tc>, window_params = [{transform_indices = @transform_0, window_bounds = array<i64: 256, 144>}, {pipeline_mode = #tpu.pipeline_mode<synchronous>, transform_indices = @transform_1, window_bounds = array<i64: 144, 144>}, {pipeline_mode = #tpu.pipeline_mode<synchronous>, transform_indices = @transform_2, window_bounds = array<i64: 1, 144>}, {pipeline_mode = #tpu.pipeline_mode<synchronous>, transform_indices = @transform_3, window_bounds = array<i64: 1, 144>}, {pipeline_mode = #tpu.pipeline_mode<synchronous>, transform_indices = @transform_4, window_bounds = array<i64: 1, 144>}, {transform_indices = @transform_5, window_bounds = array<i64: 256, 144>}, {transform_indices = @transform_6, window_bounds = array<i64: 1, 1, 144>}, {transform_indices = @transform_7, window_bounds = array<i64: 1, 1, 144>}]} {
    %get3A = arith.constant 0 : index
    %get3A_0 = arith.constant 0 : index
    %get3A_1 = vector.load %arg1[%get3A, %get3A_0] : memref<256x144xf32, #tpu.memory_space<vmem>>, vector<256x144xf32>
    %get3A_2 = arith.constant 0 : index
    %get3A_3 = arith.constant 0 : index
    %get3A_4 = vector.load %arg4[%get3A_2, %get3A_3] : memref<1x144xf32, #tpu.memory_space<vmem>>, vector<1x144xf32>
    %mul3A = vector.broadcast %get3A_4 : vector<1x144xf32> to vector<256x144xf32>
    %mul3A_5 = arith.mulf %get3A_1, %mul3A : vector<256x144xf32>
    %get3A_6 = arith.constant 0 : index
    %get3A_7 = arith.constant 0 : index
    %get3A_8 = vector.load %arg5[%get3A_6, %get3A_7] : memref<1x144xf32, #tpu.memory_space<vmem>>, vector<1x144xf32>
    %add3A = vector.broadcast %get3A_8 : vector<1x144xf32> to vector<256x144xf32>
    %add3A_9 = arith.addf %mul3A_5, %add3A : vector<256x144xf32>
    %get3A_10 = arith.constant 0 : index
    %get3A_11 = arith.constant 0 : index
    %get3A_12 = vector.load %arg2[%get3A_10, %get3A_11] : memref<144x144xf32, #tpu.memory_space<vmem>>, vector<144x144xf32>
    %dot_general3A = arith.constant dense<0.000000e+00> : vector<256x144xf32>
    %dot_general3A_13 = tpu.matmul %add3A_9, %get3A_12, %dot_general3A {dimension_numbers = #tpu.dot_dimension_numbers<[1], [0], [0], [1], [0, 0, 1, 1], [], []>, transpose_lhs_hint = false} : vector<256x144xf32>, vector<144x144xf32>, vector<256x144xf32> -> vector<256x144xf32>
    %get3A_14 = arith.constant 0 : index
    %get3A_15 = arith.constant 0 : index
    %get3A_16 = vector.load %arg3[%get3A_14, %get3A_15] : memref<1x144xf32, #tpu.memory_space<vmem>>, vector<1x144xf32>
    %add3A_17 = vector.broadcast %get3A_16 : vector<1x144xf32> to vector<256x144xf32>
    %add3A_18 = arith.addf %dot_general3A_13, %add3A_17 : vector<256x144xf32>
    %swap3A = arith.constant 0 : index
    %swap3A_19 = arith.constant 0 : index
    %swap3A_20 = vector.load %arg6[%swap3A, %swap3A_19] : memref<256x144xf32, #tpu.memory_space<vmem>>, vector<256x144xf32>
    tpu.vector_store %arg6[%swap3A, %swap3A_19], %add3A_18 {strides = array<i32>} : memref<256x144xf32, #tpu.memory_space<vmem>>, vector<256x144xf32>,
    %mul3A_21 = arith.constant 256 : i32
    %mul3A_22 = arith.muli %arg0, %mul3A_21 : i32
    %iota3A = tpu.iota {dimensions = array<i32: 0>} : vector<256x1xi32>
    %add3A_23 = vector.broadcast %mul3A_22 : i32 to vector<256x1xi32>
    %add3A_24 = arith.addi %add3A_23, %iota3A : vector<256x1xi32>
    %lt3A = arith.constant 1792 : i32
    %lt3A_25 = vector.broadcast %lt3A : i32 to vector<256x1xi32>
    %lt3A_26 = arith.cmpi slt, %add3A_24, %lt3A_25 : vector<256x1xi32>
    %jit3A = arith.constant 0.000000e+00 : f32
    %broadcast_in_dim3A = vector.shape_cast %lt3A_26 : vector<256x1xi1> to vector<256x1xi1>
    %broadcast_in_dim3A_27 = vector.broadcast %broadcast_in_dim3A : vector<256x1xi1> to vector<256x144xi1>
    %broadcast_in_dim3A_28 = vector.broadcast %jit3A : f32 to vector<256x144xf32>
    %select_n3A = arith.select %broadcast_in_dim3A_27, %add3A_18, %broadcast_in_dim3A_28 : vector<256x144xi1>, vector<256x144xf32>
    %reduce_sum3A = arith.constant dense<0.000000e+00> : vector<144xf32>
    %reduce_sum3A_29 = vector.multi_reduction <add>, %select_n3A, %reduce_sum3A [0] : vector<256x144xf32> to vector<144xf32>
    %broadcast_in_dim3A_30 = vector.shape_cast %reduce_sum3A_29 : vector<144xf32> to vector<1x144xf32>
    %swap3A_31 = arith.constant 0 : index
    %swap3A_32 = arith.constant 0 : index
    %swap3A_33 = arith.constant 0 : index
    %swap3A_34 = vector.load %arg7[%swap3A_31, %swap3A_32, %swap3A_33] : memref<1x1x144xf32, #tpu.memory_space<vmem>>, vector<1x1x144xf32>
    %swap3A_35 = vector.shape_cast %swap3A_34 : vector<1x1x144xf32> to vector<1x144xf32>
    %swap3A_36 = vector.shape_cast %broadcast_in_dim3A_30 : vector<1x144xf32> to vector<1x1x144xf32>
    tpu.vector_store %arg7[%swap3A_31, %swap3A_32, %swap3A_33], %swap3A_36 {strides = array<i32>} : memref<1x1x144xf32, #tpu.memory_space<vmem>>, vector<1x1x144xf32>,
    %mul3A_37 = arith.mulf %select_n3A, %select_n3A : vector<256x144xf32>
    %reduce_sum3A_38 = arith.constant dense<0.000000e+00> : vector<144xf32>
    %reduce_sum3A_39 = vector.multi_reduction <add>, %mul3A_37, %reduce_sum3A_38 [0] : vector<256x144xf32> to vector<144xf32>
    %broadcast_in_dim3A_40 = vector.shape_cast %reduce_sum3A_39 : vector<144xf32> to vector<1x144xf32>
    %swap3A_41 = arith.constant 0 : index
    %swap3A_42 = arith.constant 0 : index
    %swap3A_43 = arith.constant 0 : index
    %swap3A_44 = vector.load %arg8[%swap3A_41, %swap3A_42, %swap3A_43] : memref<1x1x144xf32, #tpu.memory_space<vmem>>, vector<1x1x144xf32>
    %swap3A_45 = vector.shape_cast %swap3A_44 : vector<1x1x144xf32> to vector<1x144xf32>
    %swap3A_46 = vector.shape_cast %broadcast_in_dim3A_40 : vector<1x144xf32> to vector<1x1x144xf32>
    tpu.vector_store %arg8[%swap3A_41, %swap3A_42, %swap3A_43], %swap3A_46 {strides = array<i32>} : memref<1x1x144xf32, #tpu.memory_space<vmem>>, vector<1x1x144xf32>,
    return
  }
  func.func @transform_0(%arg0: i32) -> (i32, i32) {
    %c0_i32 = arith.constant 0 : i32
    %c0_i32_0 = arith.constant 0 : i32
    return %arg0, %c0_i32 : i32, i32
  }
  func.func @transform_1(%arg0: i32) -> (i32, i32) {
    %c0_i32 = arith.constant 0 : i32
    %c0_i32_0 = arith.constant 0 : i32
    %c0_i32_1 = arith.constant 0 : i32
    return %c0_i32, %c0_i32_0 : i32, i32
  }
  func.func @transform_2(%arg0: i32) -> (i32, i32) {
    %c0_i32 = arith.constant 0 : i32
    %c0_i32_0 = arith.constant 0 : i32
    %c0_i32_1 = arith.constant 0 : i32
    return %c0_i32, %c0_i32_0 : i32, i32
  }
  func.func @transform_3(%arg0: i32) -> (i32, i32) {
    %c0_i32 = arith.constant 0 : i32
    %c0_i32_0 = arith.constant 0 : i32
    %c0_i32_1 = arith.constant 0 : i32
    return %c0_i32, %c0_i32_0 : i32, i32
  }
  func.func @transform_4(%arg0: i32) -> (i32, i32) {
    %c0_i32 = arith.constant 0 : i32
    %c0_i32_0 = arith.constant 0 : i32
    %c0_i32_1 = arith.constant 0 : i32
    return %c0_i32, %c0_i32_0 : i32, i32
  }
  func.func @transform_5(%arg0: i32) -> (i32, i32) {
    %c0_i32 = arith.constant 0 : i32
    %c0_i32_0 = arith.constant 0 : i32
    return %arg0, %c0_i32 : i32, i32
  }
  func.func @transform_6(%arg0: i32) -> (i32, i32, i32) {
    %c0_i32 = arith.constant 0 : i32
    %c0_i32_0 = arith.constant 0 : i32
    %c0_i32_1 = arith.constant 0 : i32
    return %arg0, %c0_i32, %c0_i32_0 : i32, i32, i32
  }
  func.func @transform_7(%arg0: i32) -> (i32, i32, i32) {
    %c0_i32 = arith.constant 0 : i32
    %c0_i32_0 = arith.constant 0 : i32
    %c0_i32_1 = arith.constant 0 : i32
    return %arg0, %c0_i32, %c0_i32_0 : i32, i32, i32
  }
}

module attributes {stable_mosaic.version = 14 : i64} {
  func.func @_mm_kernel(%arg0: i32, %arg1: memref<2560x3xf32, #tpu.memory_space<vmem>>, %arg2: memref<3x128xf32, #tpu.memory_space<vmem>>, %arg3: memref<1x128xf32, #tpu.memory_space<vmem>>, %arg4: memref<1x3xf32, #tpu.memory_space<vmem>>, %arg5: memref<1x3xf32, #tpu.memory_space<vmem>>, %arg6: memref<2560x128xf32, #tpu.memory_space<vmem>>, %arg7: memref<1x1x128xf32, #tpu.memory_space<vmem>>, %arg8: memref<1x1x128xf32, #tpu.memory_space<vmem>>) attributes {dimension_semantics = [#tpu.dimension_semantics<arbitrary>], iteration_bounds = array<i64: 4>, scalar_prefetch = 0 : i64, scratch_operands = 0 : i64, tpu.core_type = #tpu.core_type<tc>, window_params = [{transform_indices = @transform_0, window_bounds = array<i64: 2560, 3>}, {pipeline_mode = #tpu.pipeline_mode<synchronous>, transform_indices = @transform_1, window_bounds = array<i64: 3, 128>}, {pipeline_mode = #tpu.pipeline_mode<synchronous>, transform_indices = @transform_2, window_bounds = array<i64: 1, 128>}, {pipeline_mode = #tpu.pipeline_mode<synchronous>, transform_indices = @transform_3, window_bounds = array<i64: 1, 3>}, {pipeline_mode = #tpu.pipeline_mode<synchronous>, transform_indices = @transform_4, window_bounds = array<i64: 1, 3>}, {transform_indices = @transform_5, window_bounds = array<i64: 2560, 128>}, {transform_indices = @transform_6, window_bounds = array<i64: 1, 1, 128>}, {transform_indices = @transform_7, window_bounds = array<i64: 1, 1, 128>}]} {
    %get3A = arith.constant 0 : index
    %get3A_0 = arith.constant 0 : index
    %get3A_1 = vector.load %arg1[%get3A, %get3A_0] : memref<2560x3xf32, #tpu.memory_space<vmem>>, vector<2560x3xf32>
    %get3A_2 = arith.constant 0 : index
    %get3A_3 = arith.constant 0 : index
    %get3A_4 = vector.load %arg4[%get3A_2, %get3A_3] : memref<1x3xf32, #tpu.memory_space<vmem>>, vector<1x3xf32>
    %mul3A = vector.broadcast %get3A_4 : vector<1x3xf32> to vector<2560x3xf32>
    %mul3A_5 = arith.mulf %get3A_1, %mul3A : vector<2560x3xf32>
    %get3A_6 = arith.constant 0 : index
    %get3A_7 = arith.constant 0 : index
    %get3A_8 = vector.load %arg5[%get3A_6, %get3A_7] : memref<1x3xf32, #tpu.memory_space<vmem>>, vector<1x3xf32>
    %add3A = vector.broadcast %get3A_8 : vector<1x3xf32> to vector<2560x3xf32>
    %add3A_9 = arith.addf %mul3A_5, %add3A : vector<2560x3xf32>
    %get3A_10 = arith.constant 0 : index
    %get3A_11 = arith.constant 0 : index
    %get3A_12 = vector.load %arg2[%get3A_10, %get3A_11] : memref<3x128xf32, #tpu.memory_space<vmem>>, vector<3x128xf32>
    %dot_general3A = arith.constant dense<0.000000e+00> : vector<2560x128xf32>
    %dot_general3A_13 = tpu.matmul %add3A_9, %get3A_12, %dot_general3A {dimension_numbers = #tpu.dot_dimension_numbers<[1], [0], [0], [1], [0, 0, 1, 1], [], []>, transpose_lhs_hint = false} : vector<2560x3xf32>, vector<3x128xf32>, vector<2560x128xf32> -> vector<2560x128xf32>
    %get3A_14 = arith.constant 0 : index
    %get3A_15 = arith.constant 0 : index
    %get3A_16 = vector.load %arg3[%get3A_14, %get3A_15] : memref<1x128xf32, #tpu.memory_space<vmem>>, vector<1x128xf32>
    %add3A_17 = vector.broadcast %get3A_16 : vector<1x128xf32> to vector<2560x128xf32>
    %add3A_18 = arith.addf %dot_general3A_13, %add3A_17 : vector<2560x128xf32>
    %gt3A = arith.constant 0.000000e+00 : f32
    %gt3A_19 = vector.broadcast %gt3A : f32 to vector<2560x128xf32>
    %gt3A_20 = arith.cmpf ogt, %add3A_18, %gt3A_19 : vector<2560x128xf32>
    %exp3A = math.exp %add3A_18 : vector<2560x128xf32>
    %sub3A = arith.constant 1.000000e+00 : f32
    %sub3A_21 = vector.broadcast %sub3A : f32 to vector<2560x128xf32>
    %sub3A_22 = arith.subf %exp3A, %sub3A_21 : vector<2560x128xf32>
    %select_n3A = arith.select %gt3A_20, %add3A_18, %sub3A_22 : vector<2560x128xi1>, vector<2560x128xf32>
    %swap3A = arith.constant 0 : index
    %swap3A_23 = arith.constant 0 : index
    %swap3A_24 = vector.load %arg6[%swap3A, %swap3A_23] : memref<2560x128xf32, #tpu.memory_space<vmem>>, vector<2560x128xf32>
    tpu.vector_store %arg6[%swap3A, %swap3A_23], %select_n3A {strides = array<i32>} : memref<2560x128xf32, #tpu.memory_space<vmem>>, vector<2560x128xf32>,
    %mul3A_25 = arith.constant 2560 : i32
    %mul3A_26 = arith.muli %arg0, %mul3A_25 : i32
    %iota3A = tpu.iota {dimensions = array<i32: 0>} : vector<2560x1xi32>
    %add3A_27 = vector.broadcast %mul3A_26 : i32 to vector<2560x1xi32>
    %add3A_28 = arith.addi %add3A_27, %iota3A : vector<2560x1xi32>
    %lt3A = arith.constant 9472 : i32
    %lt3A_29 = vector.broadcast %lt3A : i32 to vector<2560x1xi32>
    %lt3A_30 = arith.cmpi slt, %add3A_28, %lt3A_29 : vector<2560x1xi32>
    %jit3A = arith.constant 0.000000e+00 : f32
    %broadcast_in_dim3A = vector.shape_cast %lt3A_30 : vector<2560x1xi1> to vector<2560x1xi1>
    %broadcast_in_dim3A_31 = vector.broadcast %broadcast_in_dim3A : vector<2560x1xi1> to vector<2560x128xi1>
    %broadcast_in_dim3A_32 = vector.broadcast %jit3A : f32 to vector<2560x128xf32>
    %select_n3A_33 = arith.select %broadcast_in_dim3A_31, %select_n3A, %broadcast_in_dim3A_32 : vector<2560x128xi1>, vector<2560x128xf32>
    %reduce_sum3A = arith.constant dense<0.000000e+00> : vector<128xf32>
    %reduce_sum3A_34 = vector.multi_reduction <add>, %select_n3A_33, %reduce_sum3A [0] : vector<2560x128xf32> to vector<128xf32>
    %broadcast_in_dim3A_35 = vector.shape_cast %reduce_sum3A_34 : vector<128xf32> to vector<1x128xf32>
    %swap3A_36 = arith.constant 0 : index
    %swap3A_37 = arith.constant 0 : index
    %swap3A_38 = arith.constant 0 : index
    %swap3A_39 = vector.load %arg7[%swap3A_36, %swap3A_37, %swap3A_38] : memref<1x1x128xf32, #tpu.memory_space<vmem>>, vector<1x1x128xf32>
    %swap3A_40 = vector.shape_cast %swap3A_39 : vector<1x1x128xf32> to vector<1x128xf32>
    %swap3A_41 = vector.shape_cast %broadcast_in_dim3A_35 : vector<1x128xf32> to vector<1x1x128xf32>
    tpu.vector_store %arg7[%swap3A_36, %swap3A_37, %swap3A_38], %swap3A_41 {strides = array<i32>} : memref<1x1x128xf32, #tpu.memory_space<vmem>>, vector<1x1x128xf32>,
    %mul3A_42 = arith.mulf %select_n3A_33, %select_n3A_33 : vector<2560x128xf32>
    %reduce_sum3A_43 = arith.constant dense<0.000000e+00> : vector<128xf32>
    %reduce_sum3A_44 = vector.multi_reduction <add>, %mul3A_42, %reduce_sum3A_43 [0] : vector<2560x128xf32> to vector<128xf32>
    %broadcast_in_dim3A_45 = vector.shape_cast %reduce_sum3A_44 : vector<128xf32> to vector<1x128xf32>
    %swap3A_46 = arith.constant 0 : index
    %swap3A_47 = arith.constant 0 : index
    %swap3A_48 = arith.constant 0 : index
    %swap3A_49 = vector.load %arg8[%swap3A_46, %swap3A_47, %swap3A_48] : memref<1x1x128xf32, #tpu.memory_space<vmem>>, vector<1x1x128xf32>
    %swap3A_50 = vector.shape_cast %swap3A_49 : vector<1x1x128xf32> to vector<1x128xf32>
    %swap3A_51 = vector.shape_cast %broadcast_in_dim3A_45 : vector<1x128xf32> to vector<1x1x128xf32>
    tpu.vector_store %arg8[%swap3A_46, %swap3A_47, %swap3A_48], %swap3A_51 {strides = array<i32>} : memref<1x1x128xf32, #tpu.memory_space<vmem>>, vector<1x1x128xf32>,
    return
  }
  func.func @transform_0(%arg0: i32) -> (i32, i32) {
    %c0_i32 = arith.constant 0 : i32
    %c0_i32_0 = arith.constant 0 : i32
    return %arg0, %c0_i32 : i32, i32
  }
  func.func @transform_1(%arg0: i32) -> (i32, i32) {
    %c0_i32 = arith.constant 0 : i32
    %c0_i32_0 = arith.constant 0 : i32
    %c0_i32_1 = arith.constant 0 : i32
    return %c0_i32, %c0_i32_0 : i32, i32
  }
  func.func @transform_2(%arg0: i32) -> (i32, i32) {
    %c0_i32 = arith.constant 0 : i32
    %c0_i32_0 = arith.constant 0 : i32
    %c0_i32_1 = arith.constant 0 : i32
    return %c0_i32, %c0_i32_0 : i32, i32
  }
  func.func @transform_3(%arg0: i32) -> (i32, i32) {
    %c0_i32 = arith.constant 0 : i32
    %c0_i32_0 = arith.constant 0 : i32
    %c0_i32_1 = arith.constant 0 : i32
    return %c0_i32, %c0_i32_0 : i32, i32
  }
  func.func @transform_4(%arg0: i32) -> (i32, i32) {
    %c0_i32 = arith.constant 0 : i32
    %c0_i32_0 = arith.constant 0 : i32
    %c0_i32_1 = arith.constant 0 : i32
    return %c0_i32, %c0_i32_0 : i32, i32
  }
  func.func @transform_5(%arg0: i32) -> (i32, i32) {
    %c0_i32 = arith.constant 0 : i32
    %c0_i32_0 = arith.constant 0 : i32
    return %arg0, %c0_i32 : i32, i32
  }
  func.func @transform_6(%arg0: i32) -> (i32, i32, i32) {
    %c0_i32 = arith.constant 0 : i32
    %c0_i32_0 = arith.constant 0 : i32
    %c0_i32_1 = arith.constant 0 : i32
    return %arg0, %c0_i32, %c0_i32_0 : i32, i32, i32
  }
  func.func @transform_7(%arg0: i32) -> (i32, i32, i32) {
    %c0_i32 = arith.constant 0 : i32
    %c0_i32_0 = arith.constant 0 : i32
    %c0_i32_1 = arith.constant 0 : i32
    return %arg0, %c0_i32, %c0_i32_0 : i32, i32, i32
  }
}

module attributes {stable_mosaic.version = 14 : i64} {
  func.func @_mm_kernel(%arg0: i32, %arg1: memref<160x256xf32, #tpu.memory_space<vmem>>, %arg2: memref<256x256xf32, #tpu.memory_space<vmem>>, %arg3: memref<1x256xf32, #tpu.memory_space<vmem>>, %arg4: memref<1x256xf32, #tpu.memory_space<vmem>>, %arg5: memref<1x256xf32, #tpu.memory_space<vmem>>, %arg6: memref<160x256xf32, #tpu.memory_space<vmem>>, %arg7: memref<1x1x256xf32, #tpu.memory_space<vmem>>, %arg8: memref<1x1x256xf32, #tpu.memory_space<vmem>>) attributes {dimension_semantics = [#tpu.dimension_semantics<arbitrary>], iteration_bounds = array<i64: 4>, scalar_prefetch = 0 : i64, scratch_operands = 0 : i64, tpu.core_type = #tpu.core_type<tc>, window_params = [{transform_indices = @transform_0, window_bounds = array<i64: 160, 256>}, {pipeline_mode = #tpu.pipeline_mode<synchronous>, transform_indices = @transform_1, window_bounds = array<i64: 256, 256>}, {pipeline_mode = #tpu.pipeline_mode<synchronous>, transform_indices = @transform_2, window_bounds = array<i64: 1, 256>}, {pipeline_mode = #tpu.pipeline_mode<synchronous>, transform_indices = @transform_3, window_bounds = array<i64: 1, 256>}, {pipeline_mode = #tpu.pipeline_mode<synchronous>, transform_indices = @transform_4, window_bounds = array<i64: 1, 256>}, {transform_indices = @transform_5, window_bounds = array<i64: 160, 256>}, {transform_indices = @transform_6, window_bounds = array<i64: 1, 1, 256>}, {transform_indices = @transform_7, window_bounds = array<i64: 1, 1, 256>}]} {
    %get3A = arith.constant 0 : index
    %get3A_0 = arith.constant 0 : index
    %get3A_1 = vector.load %arg1[%get3A, %get3A_0] : memref<160x256xf32, #tpu.memory_space<vmem>>, vector<160x256xf32>
    %get3A_2 = arith.constant 0 : index
    %get3A_3 = arith.constant 0 : index
    %get3A_4 = vector.load %arg4[%get3A_2, %get3A_3] : memref<1x256xf32, #tpu.memory_space<vmem>>, vector<1x256xf32>
    %mul3A = vector.broadcast %get3A_4 : vector<1x256xf32> to vector<160x256xf32>
    %mul3A_5 = arith.mulf %get3A_1, %mul3A : vector<160x256xf32>
    %get3A_6 = arith.constant 0 : index
    %get3A_7 = arith.constant 0 : index
    %get3A_8 = vector.load %arg5[%get3A_6, %get3A_7] : memref<1x256xf32, #tpu.memory_space<vmem>>, vector<1x256xf32>
    %add3A = vector.broadcast %get3A_8 : vector<1x256xf32> to vector<160x256xf32>
    %add3A_9 = arith.addf %mul3A_5, %add3A : vector<160x256xf32>
    %get3A_10 = arith.constant 0 : index
    %get3A_11 = arith.constant 0 : index
    %get3A_12 = vector.load %arg2[%get3A_10, %get3A_11] : memref<256x256xf32, #tpu.memory_space<vmem>>, vector<256x256xf32>
    %dot_general3A = arith.constant dense<0.000000e+00> : vector<160x256xf32>
    %dot_general3A_13 = tpu.matmul %add3A_9, %get3A_12, %dot_general3A {dimension_numbers = #tpu.dot_dimension_numbers<[1], [0], [0], [1], [0, 0, 1, 1], [], []>, transpose_lhs_hint = false} : vector<160x256xf32>, vector<256x256xf32>, vector<160x256xf32> -> vector<160x256xf32>
    %get3A_14 = arith.constant 0 : index
    %get3A_15 = arith.constant 0 : index
    %get3A_16 = vector.load %arg3[%get3A_14, %get3A_15] : memref<1x256xf32, #tpu.memory_space<vmem>>, vector<1x256xf32>
    %add3A_17 = vector.broadcast %get3A_16 : vector<1x256xf32> to vector<160x256xf32>
    %add3A_18 = arith.addf %dot_general3A_13, %add3A_17 : vector<160x256xf32>
    %gt3A = arith.constant 0.000000e+00 : f32
    %gt3A_19 = vector.broadcast %gt3A : f32 to vector<160x256xf32>
    %gt3A_20 = arith.cmpf ogt, %add3A_18, %gt3A_19 : vector<160x256xf32>
    %exp3A = math.exp %add3A_18 : vector<160x256xf32>
    %sub3A = arith.constant 1.000000e+00 : f32
    %sub3A_21 = vector.broadcast %sub3A : f32 to vector<160x256xf32>
    %sub3A_22 = arith.subf %exp3A, %sub3A_21 : vector<160x256xf32>
    %select_n3A = arith.select %gt3A_20, %add3A_18, %sub3A_22 : vector<160x256xi1>, vector<160x256xf32>
    %swap3A = arith.constant 0 : index
    %swap3A_23 = arith.constant 0 : index
    %swap3A_24 = vector.load %arg6[%swap3A, %swap3A_23] : memref<160x256xf32, #tpu.memory_space<vmem>>, vector<160x256xf32>
    tpu.vector_store %arg6[%swap3A, %swap3A_23], %select_n3A {strides = array<i32>} : memref<160x256xf32, #tpu.memory_space<vmem>>, vector<160x256xf32>,
    %mul3A_25 = arith.constant 160 : i32
    %mul3A_26 = arith.muli %arg0, %mul3A_25 : i32
    %iota3A = tpu.iota {dimensions = array<i32: 0>} : vector<160x1xi32>
    %add3A_27 = vector.broadcast %mul3A_26 : i32 to vector<160x1xi32>
    %add3A_28 = arith.addi %add3A_27, %iota3A : vector<160x1xi32>
    %lt3A = arith.constant 592 : i32
    %lt3A_29 = vector.broadcast %lt3A : i32 to vector<160x1xi32>
    %lt3A_30 = arith.cmpi slt, %add3A_28, %lt3A_29 : vector<160x1xi32>
    %jit3A = arith.constant 0.000000e+00 : f32
    %broadcast_in_dim3A = vector.shape_cast %lt3A_30 : vector<160x1xi1> to vector<160x1xi1>
    %broadcast_in_dim3A_31 = vector.broadcast %broadcast_in_dim3A : vector<160x1xi1> to vector<160x256xi1>
    %broadcast_in_dim3A_32 = vector.broadcast %jit3A : f32 to vector<160x256xf32>
    %select_n3A_33 = arith.select %broadcast_in_dim3A_31, %select_n3A, %broadcast_in_dim3A_32 : vector<160x256xi1>, vector<160x256xf32>
    %reduce_sum3A = arith.constant dense<0.000000e+00> : vector<256xf32>
    %reduce_sum3A_34 = vector.multi_reduction <add>, %select_n3A_33, %reduce_sum3A [0] : vector<160x256xf32> to vector<256xf32>
    %broadcast_in_dim3A_35 = vector.shape_cast %reduce_sum3A_34 : vector<256xf32> to vector<1x256xf32>
    %swap3A_36 = arith.constant 0 : index
    %swap3A_37 = arith.constant 0 : index
    %swap3A_38 = arith.constant 0 : index
    %swap3A_39 = vector.load %arg7[%swap3A_36, %swap3A_37, %swap3A_38] : memref<1x1x256xf32, #tpu.memory_space<vmem>>, vector<1x1x256xf32>
    %swap3A_40 = vector.shape_cast %swap3A_39 : vector<1x1x256xf32> to vector<1x256xf32>
    %swap3A_41 = vector.shape_cast %broadcast_in_dim3A_35 : vector<1x256xf32> to vector<1x1x256xf32>
    tpu.vector_store %arg7[%swap3A_36, %swap3A_37, %swap3A_38], %swap3A_41 {strides = array<i32>} : memref<1x1x256xf32, #tpu.memory_space<vmem>>, vector<1x1x256xf32>,
    %mul3A_42 = arith.mulf %select_n3A_33, %select_n3A_33 : vector<160x256xf32>
    %reduce_sum3A_43 = arith.constant dense<0.000000e+00> : vector<256xf32>
    %reduce_sum3A_44 = vector.multi_reduction <add>, %mul3A_42, %reduce_sum3A_43 [0] : vector<160x256xf32> to vector<256xf32>
    %broadcast_in_dim3A_45 = vector.shape_cast %reduce_sum3A_44 : vector<256xf32> to vector<1x256xf32>
    %swap3A_46 = arith.constant 0 : index
    %swap3A_47 = arith.constant 0 : index
    %swap3A_48 = arith.constant 0 : index
    %swap3A_49 = vector.load %arg8[%swap3A_46, %swap3A_47, %swap3A_48] : memref<1x1x256xf32, #tpu.memory_space<vmem>>, vector<1x1x256xf32>
    %swap3A_50 = vector.shape_cast %swap3A_49 : vector<1x1x256xf32> to vector<1x256xf32>
    %swap3A_51 = vector.shape_cast %broadcast_in_dim3A_45 : vector<1x256xf32> to vector<1x1x256xf32>
    tpu.vector_store %arg8[%swap3A_46, %swap3A_47, %swap3A_48], %swap3A_51 {strides = array<i32>} : memref<1x1x256xf32, #tpu.memory_space<vmem>>, vector<1x1x256xf32>,
    return
  }
  func.func @transform_0(%arg0: i32) -> (i32, i32) {
    %c0_i32 = arith.constant 0 : i32
    %c0_i32_0 = arith.constant 0 : i32
    return %arg0, %c0_i32 : i32, i32
  }
  func.func @transform_1(%arg0: i32) -> (i32, i32) {
    %c0_i32 = arith.constant 0 : i32
    %c0_i32_0 = arith.constant 0 : i32
    %c0_i32_1 = arith.constant 0 : i32
    return %c0_i32, %c0_i32_0 : i32, i32
  }
  func.func @transform_2(%arg0: i32) -> (i32, i32) {
    %c0_i32 = arith.constant 0 : i32
    %c0_i32_0 = arith.constant 0 : i32
    %c0_i32_1 = arith.constant 0 : i32
    return %c0_i32, %c0_i32_0 : i32, i32
  }
  func.func @transform_3(%arg0: i32) -> (i32, i32) {
    %c0_i32 = arith.constant 0 : i32
    %c0_i32_0 = arith.constant 0 : i32
    %c0_i32_1 = arith.constant 0 : i32
    return %c0_i32, %c0_i32_0 : i32, i32
  }
  func.func @transform_4(%arg0: i32) -> (i32, i32) {
    %c0_i32 = arith.constant 0 : i32
    %c0_i32_0 = arith.constant 0 : i32
    %c0_i32_1 = arith.constant 0 : i32
    return %c0_i32, %c0_i32_0 : i32, i32
  }
  func.func @transform_5(%arg0: i32) -> (i32, i32) {
    %c0_i32 = arith.constant 0 : i32
    %c0_i32_0 = arith.constant 0 : i32
    return %arg0, %c0_i32 : i32, i32
  }
  func.func @transform_6(%arg0: i32) -> (i32, i32, i32) {
    %c0_i32 = arith.constant 0 : i32
    %c0_i32_0 = arith.constant 0 : i32
    %c0_i32_1 = arith.constant 0 : i32
    return %arg0, %c0_i32, %c0_i32_0 : i32, i32, i32
  }
  func.func @transform_7(%arg0: i32) -> (i32, i32, i32) {
    %c0_i32 = arith.constant 0 : i32
    %c0_i32_0 = arith.constant 0 : i32
    %c0_i32_1 = arith.constant 0 : i32
    return %arg0, %c0_i32, %c0_i32_0 : i32, i32, i32
  }
}

module attributes {stable_mosaic.version = 14 : i64} {
  func.func @_mm_kernel(%arg0: i32, %arg1: memref<160x256xf32, #tpu.memory_space<vmem>>, %arg2: memref<256x256xf32, #tpu.memory_space<vmem>>, %arg3: memref<1x256xf32, #tpu.memory_space<vmem>>, %arg4: memref<1x256xf32, #tpu.memory_space<vmem>>, %arg5: memref<1x256xf32, #tpu.memory_space<vmem>>, %arg6: memref<160x256xf32, #tpu.memory_space<vmem>>, %arg7: memref<1x1x256xf32, #tpu.memory_space<vmem>>, %arg8: memref<1x1x256xf32, #tpu.memory_space<vmem>>) attributes {dimension_semantics = [#tpu.dimension_semantics<arbitrary>], iteration_bounds = array<i64: 4>, scalar_prefetch = 0 : i64, scratch_operands = 0 : i64, tpu.core_type = #tpu.core_type<tc>, window_params = [{transform_indices = @transform_0, window_bounds = array<i64: 160, 256>}, {pipeline_mode = #tpu.pipeline_mode<synchronous>, transform_indices = @transform_1, window_bounds = array<i64: 256, 256>}, {pipeline_mode = #tpu.pipeline_mode<synchronous>, transform_indices = @transform_2, window_bounds = array<i64: 1, 256>}, {pipeline_mode = #tpu.pipeline_mode<synchronous>, transform_indices = @transform_3, window_bounds = array<i64: 1, 256>}, {pipeline_mode = #tpu.pipeline_mode<synchronous>, transform_indices = @transform_4, window_bounds = array<i64: 1, 256>}, {transform_indices = @transform_5, window_bounds = array<i64: 160, 256>}, {transform_indices = @transform_6, window_bounds = array<i64: 1, 1, 256>}, {transform_indices = @transform_7, window_bounds = array<i64: 1, 1, 256>}]} {
    %get3A = arith.constant 0 : index
    %get3A_0 = arith.constant 0 : index
    %get3A_1 = vector.load %arg1[%get3A, %get3A_0] : memref<160x256xf32, #tpu.memory_space<vmem>>, vector<160x256xf32>
    %get3A_2 = arith.constant 0 : index
    %get3A_3 = arith.constant 0 : index
    %get3A_4 = vector.load %arg4[%get3A_2, %get3A_3] : memref<1x256xf32, #tpu.memory_space<vmem>>, vector<1x256xf32>
    %mul3A = vector.broadcast %get3A_4 : vector<1x256xf32> to vector<160x256xf32>
    %mul3A_5 = arith.mulf %get3A_1, %mul3A : vector<160x256xf32>
    %get3A_6 = arith.constant 0 : index
    %get3A_7 = arith.constant 0 : index
    %get3A_8 = vector.load %arg5[%get3A_6, %get3A_7] : memref<1x256xf32, #tpu.memory_space<vmem>>, vector<1x256xf32>
    %add3A = vector.broadcast %get3A_8 : vector<1x256xf32> to vector<160x256xf32>
    %add3A_9 = arith.addf %mul3A_5, %add3A : vector<160x256xf32>
    %get3A_10 = arith.constant 0 : index
    %get3A_11 = arith.constant 0 : index
    %get3A_12 = vector.load %arg2[%get3A_10, %get3A_11] : memref<256x256xf32, #tpu.memory_space<vmem>>, vector<256x256xf32>
    %dot_general3A = arith.constant dense<0.000000e+00> : vector<160x256xf32>
    %dot_general3A_13 = tpu.matmul %add3A_9, %get3A_12, %dot_general3A {dimension_numbers = #tpu.dot_dimension_numbers<[1], [0], [0], [1], [0, 0, 1, 1], [], []>, transpose_lhs_hint = false} : vector<160x256xf32>, vector<256x256xf32>, vector<160x256xf32> -> vector<160x256xf32>
    %get3A_14 = arith.constant 0 : index
    %get3A_15 = arith.constant 0 : index
    %get3A_16 = vector.load %arg3[%get3A_14, %get3A_15] : memref<1x256xf32, #tpu.memory_space<vmem>>, vector<1x256xf32>
    %add3A_17 = vector.broadcast %get3A_16 : vector<1x256xf32> to vector<160x256xf32>
    %add3A_18 = arith.addf %dot_general3A_13, %add3A_17 : vector<160x256xf32>
    %swap3A = arith.constant 0 : index
    %swap3A_19 = arith.constant 0 : index
    %swap3A_20 = vector.load %arg6[%swap3A, %swap3A_19] : memref<160x256xf32, #tpu.memory_space<vmem>>, vector<160x256xf32>
    tpu.vector_store %arg6[%swap3A, %swap3A_19], %add3A_18 {strides = array<i32>} : memref<160x256xf32, #tpu.memory_space<vmem>>, vector<160x256xf32>,
    %mul3A_21 = arith.constant 160 : i32
    %mul3A_22 = arith.muli %arg0, %mul3A_21 : i32
    %iota3A = tpu.iota {dimensions = array<i32: 0>} : vector<160x1xi32>
    %add3A_23 = vector.broadcast %mul3A_22 : i32 to vector<160x1xi32>
    %add3A_24 = arith.addi %add3A_23, %iota3A : vector<160x1xi32>
    %lt3A = arith.constant 592 : i32
    %lt3A_25 = vector.broadcast %lt3A : i32 to vector<160x1xi32>
    %lt3A_26 = arith.cmpi slt, %add3A_24, %lt3A_25 : vector<160x1xi32>
    %jit3A = arith.constant 0.000000e+00 : f32
    %broadcast_in_dim3A = vector.shape_cast %lt3A_26 : vector<160x1xi1> to vector<160x1xi1>
    %broadcast_in_dim3A_27 = vector.broadcast %broadcast_in_dim3A : vector<160x1xi1> to vector<160x256xi1>
    %broadcast_in_dim3A_28 = vector.broadcast %jit3A : f32 to vector<160x256xf32>
    %select_n3A = arith.select %broadcast_in_dim3A_27, %add3A_18, %broadcast_in_dim3A_28 : vector<160x256xi1>, vector<160x256xf32>
    %reduce_sum3A = arith.constant dense<0.000000e+00> : vector<256xf32>
    %reduce_sum3A_29 = vector.multi_reduction <add>, %select_n3A, %reduce_sum3A [0] : vector<160x256xf32> to vector<256xf32>
    %broadcast_in_dim3A_30 = vector.shape_cast %reduce_sum3A_29 : vector<256xf32> to vector<1x256xf32>
    %swap3A_31 = arith.constant 0 : index
    %swap3A_32 = arith.constant 0 : index
    %swap3A_33 = arith.constant 0 : index
    %swap3A_34 = vector.load %arg7[%swap3A_31, %swap3A_32, %swap3A_33] : memref<1x1x256xf32, #tpu.memory_space<vmem>>, vector<1x1x256xf32>
    %swap3A_35 = vector.shape_cast %swap3A_34 : vector<1x1x256xf32> to vector<1x256xf32>
    %swap3A_36 = vector.shape_cast %broadcast_in_dim3A_30 : vector<1x256xf32> to vector<1x1x256xf32>
    tpu.vector_store %arg7[%swap3A_31, %swap3A_32, %swap3A_33], %swap3A_36 {strides = array<i32>} : memref<1x1x256xf32, #tpu.memory_space<vmem>>, vector<1x1x256xf32>,
    %mul3A_37 = arith.mulf %select_n3A, %select_n3A : vector<160x256xf32>
    %reduce_sum3A_38 = arith.constant dense<0.000000e+00> : vector<256xf32>
    %reduce_sum3A_39 = vector.multi_reduction <add>, %mul3A_37, %reduce_sum3A_38 [0] : vector<160x256xf32> to vector<256xf32>
    %broadcast_in_dim3A_40 = vector.shape_cast %reduce_sum3A_39 : vector<256xf32> to vector<1x256xf32>
    %swap3A_41 = arith.constant 0 : index
    %swap3A_42 = arith.constant 0 : index
    %swap3A_43 = arith.constant 0 : index
    %swap3A_44 = vector.load %arg8[%swap3A_41, %swap3A_42, %swap3A_43] : memref<1x1x256xf32, #tpu.memory_space<vmem>>, vector<1x1x256xf32>
    %swap3A_45 = vector.shape_cast %swap3A_44 : vector<1x1x256xf32> to vector<1x256xf32>
    %swap3A_46 = vector.shape_cast %broadcast_in_dim3A_40 : vector<1x256xf32> to vector<1x1x256xf32>
    tpu.vector_store %arg8[%swap3A_41, %swap3A_42, %swap3A_43], %swap3A_46 {strides = array<i32>} : memref<1x1x256xf32, #tpu.memory_space<vmem>>, vector<1x1x256xf32>,
    return
  }
  func.func @transform_0(%arg0: i32) -> (i32, i32) {
    %c0_i32 = arith.constant 0 : i32
    %c0_i32_0 = arith.constant 0 : i32
    return %arg0, %c0_i32 : i32, i32
  }
  func.func @transform_1(%arg0: i32) -> (i32, i32) {
    %c0_i32 = arith.constant 0 : i32
    %c0_i32_0 = arith.constant 0 : i32
    %c0_i32_1 = arith.constant 0 : i32
    return %c0_i32, %c0_i32_0 : i32, i32
  }
  func.func @transform_2(%arg0: i32) -> (i32, i32) {
    %c0_i32 = arith.constant 0 : i32
    %c0_i32_0 = arith.constant 0 : i32
    %c0_i32_1 = arith.constant 0 : i32
    return %c0_i32, %c0_i32_0 : i32, i32
  }
  func.func @transform_3(%arg0: i32) -> (i32, i32) {
    %c0_i32 = arith.constant 0 : i32
    %c0_i32_0 = arith.constant 0 : i32
    %c0_i32_1 = arith.constant 0 : i32
    return %c0_i32, %c0_i32_0 : i32, i32
  }
  func.func @transform_4(%arg0: i32) -> (i32, i32) {
    %c0_i32 = arith.constant 0 : i32
    %c0_i32_0 = arith.constant 0 : i32
    %c0_i32_1 = arith.constant 0 : i32
    return %c0_i32, %c0_i32_0 : i32, i32
  }
  func.func @transform_5(%arg0: i32) -> (i32, i32) {
    %c0_i32 = arith.constant 0 : i32
    %c0_i32_0 = arith.constant 0 : i32
    return %arg0, %c0_i32 : i32, i32
  }
  func.func @transform_6(%arg0: i32) -> (i32, i32, i32) {
    %c0_i32 = arith.constant 0 : i32
    %c0_i32_0 = arith.constant 0 : i32
    %c0_i32_1 = arith.constant 0 : i32
    return %arg0, %c0_i32, %c0_i32_0 : i32, i32, i32
  }
  func.func @transform_7(%arg0: i32) -> (i32, i32, i32) {
    %c0_i32 = arith.constant 0 : i32
    %c0_i32_0 = arith.constant 0 : i32
    %c0_i32_1 = arith.constant 0 : i32
    return %arg0, %c0_i32, %c0_i32_0 : i32, i32, i32
  }
}

module attributes {stable_mosaic.version = 14 : i64} {
  func.func @_mm_kernel(%arg0: i32, %arg1: memref<2560x3xf32, #tpu.memory_space<vmem>>, %arg2: memref<3x256xf32, #tpu.memory_space<vmem>>, %arg3: memref<1x256xf32, #tpu.memory_space<vmem>>, %arg4: memref<1x3xf32, #tpu.memory_space<vmem>>, %arg5: memref<1x3xf32, #tpu.memory_space<vmem>>, %arg6: memref<2560x256xf32, #tpu.memory_space<vmem>>, %arg7: memref<1x1x256xf32, #tpu.memory_space<vmem>>, %arg8: memref<1x1x256xf32, #tpu.memory_space<vmem>>) attributes {dimension_semantics = [#tpu.dimension_semantics<arbitrary>], iteration_bounds = array<i64: 4>, scalar_prefetch = 0 : i64, scratch_operands = 0 : i64, tpu.core_type = #tpu.core_type<tc>, window_params = [{transform_indices = @transform_0, window_bounds = array<i64: 2560, 3>}, {pipeline_mode = #tpu.pipeline_mode<synchronous>, transform_indices = @transform_1, window_bounds = array<i64: 3, 256>}, {pipeline_mode = #tpu.pipeline_mode<synchronous>, transform_indices = @transform_2, window_bounds = array<i64: 1, 256>}, {pipeline_mode = #tpu.pipeline_mode<synchronous>, transform_indices = @transform_3, window_bounds = array<i64: 1, 3>}, {pipeline_mode = #tpu.pipeline_mode<synchronous>, transform_indices = @transform_4, window_bounds = array<i64: 1, 3>}, {transform_indices = @transform_5, window_bounds = array<i64: 2560, 256>}, {transform_indices = @transform_6, window_bounds = array<i64: 1, 1, 256>}, {transform_indices = @transform_7, window_bounds = array<i64: 1, 1, 256>}]} {
    %get3A = arith.constant 0 : index
    %get3A_0 = arith.constant 0 : index
    %get3A_1 = vector.load %arg1[%get3A, %get3A_0] : memref<2560x3xf32, #tpu.memory_space<vmem>>, vector<2560x3xf32>
    %get3A_2 = arith.constant 0 : index
    %get3A_3 = arith.constant 0 : index
    %get3A_4 = vector.load %arg4[%get3A_2, %get3A_3] : memref<1x3xf32, #tpu.memory_space<vmem>>, vector<1x3xf32>
    %mul3A = vector.broadcast %get3A_4 : vector<1x3xf32> to vector<2560x3xf32>
    %mul3A_5 = arith.mulf %get3A_1, %mul3A : vector<2560x3xf32>
    %get3A_6 = arith.constant 0 : index
    %get3A_7 = arith.constant 0 : index
    %get3A_8 = vector.load %arg5[%get3A_6, %get3A_7] : memref<1x3xf32, #tpu.memory_space<vmem>>, vector<1x3xf32>
    %add3A = vector.broadcast %get3A_8 : vector<1x3xf32> to vector<2560x3xf32>
    %add3A_9 = arith.addf %mul3A_5, %add3A : vector<2560x3xf32>
    %get3A_10 = arith.constant 0 : index
    %get3A_11 = arith.constant 0 : index
    %get3A_12 = vector.load %arg2[%get3A_10, %get3A_11] : memref<3x256xf32, #tpu.memory_space<vmem>>, vector<3x256xf32>
    %dot_general3A = arith.constant dense<0.000000e+00> : vector<2560x256xf32>
    %dot_general3A_13 = tpu.matmul %add3A_9, %get3A_12, %dot_general3A {dimension_numbers = #tpu.dot_dimension_numbers<[1], [0], [0], [1], [0, 0, 1, 1], [], []>, transpose_lhs_hint = false} : vector<2560x3xf32>, vector<3x256xf32>, vector<2560x256xf32> -> vector<2560x256xf32>
    %get3A_14 = arith.constant 0 : index
    %get3A_15 = arith.constant 0 : index
    %get3A_16 = vector.load %arg3[%get3A_14, %get3A_15] : memref<1x256xf32, #tpu.memory_space<vmem>>, vector<1x256xf32>
    %add3A_17 = vector.broadcast %get3A_16 : vector<1x256xf32> to vector<2560x256xf32>
    %add3A_18 = arith.addf %dot_general3A_13, %add3A_17 : vector<2560x256xf32>
    %gt3A = arith.constant 0.000000e+00 : f32
    %gt3A_19 = vector.broadcast %gt3A : f32 to vector<2560x256xf32>
    %gt3A_20 = arith.cmpf ogt, %add3A_18, %gt3A_19 : vector<2560x256xf32>
    %exp3A = math.exp %add3A_18 : vector<2560x256xf32>
    %sub3A = arith.constant 1.000000e+00 : f32
    %sub3A_21 = vector.broadcast %sub3A : f32 to vector<2560x256xf32>
    %sub3A_22 = arith.subf %exp3A, %sub3A_21 : vector<2560x256xf32>
    %select_n3A = arith.select %gt3A_20, %add3A_18, %sub3A_22 : vector<2560x256xi1>, vector<2560x256xf32>
    %swap3A = arith.constant 0 : index
    %swap3A_23 = arith.constant 0 : index
    %swap3A_24 = vector.load %arg6[%swap3A, %swap3A_23] : memref<2560x256xf32, #tpu.memory_space<vmem>>, vector<2560x256xf32>
    tpu.vector_store %arg6[%swap3A, %swap3A_23], %select_n3A {strides = array<i32>} : memref<2560x256xf32, #tpu.memory_space<vmem>>, vector<2560x256xf32>,
    %mul3A_25 = arith.constant 2560 : i32
    %mul3A_26 = arith.muli %arg0, %mul3A_25 : i32
    %iota3A = tpu.iota {dimensions = array<i32: 0>} : vector<2560x1xi32>
    %add3A_27 = vector.broadcast %mul3A_26 : i32 to vector<2560x1xi32>
    %add3A_28 = arith.addi %add3A_27, %iota3A : vector<2560x1xi32>
    %lt3A = arith.constant 9472 : i32
    %lt3A_29 = vector.broadcast %lt3A : i32 to vector<2560x1xi32>
    %lt3A_30 = arith.cmpi slt, %add3A_28, %lt3A_29 : vector<2560x1xi32>
    %jit3A = arith.constant 0.000000e+00 : f32
    %broadcast_in_dim3A = vector.shape_cast %lt3A_30 : vector<2560x1xi1> to vector<2560x1xi1>
    %broadcast_in_dim3A_31 = vector.broadcast %broadcast_in_dim3A : vector<2560x1xi1> to vector<2560x256xi1>
    %broadcast_in_dim3A_32 = vector.broadcast %jit3A : f32 to vector<2560x256xf32>
    %select_n3A_33 = arith.select %broadcast_in_dim3A_31, %select_n3A, %broadcast_in_dim3A_32 : vector<2560x256xi1>, vector<2560x256xf32>
    %reduce_sum3A = arith.constant dense<0.000000e+00> : vector<256xf32>
    %reduce_sum3A_34 = vector.multi_reduction <add>, %select_n3A_33, %reduce_sum3A [0] : vector<2560x256xf32> to vector<256xf32>
    %broadcast_in_dim3A_35 = vector.shape_cast %reduce_sum3A_34 : vector<256xf32> to vector<1x256xf32>
    %swap3A_36 = arith.constant 0 : index
    %swap3A_37 = arith.constant 0 : index
    %swap3A_38 = arith.constant 0 : index
    %swap3A_39 = vector.load %arg7[%swap3A_36, %swap3A_37, %swap3A_38] : memref<1x1x256xf32, #tpu.memory_space<vmem>>, vector<1x1x256xf32>
    %swap3A_40 = vector.shape_cast %swap3A_39 : vector<1x1x256xf32> to vector<1x256xf32>
    %swap3A_41 = vector.shape_cast %broadcast_in_dim3A_35 : vector<1x256xf32> to vector<1x1x256xf32>
    tpu.vector_store %arg7[%swap3A_36, %swap3A_37, %swap3A_38], %swap3A_41 {strides = array<i32>} : memref<1x1x256xf32, #tpu.memory_space<vmem>>, vector<1x1x256xf32>,
    %mul3A_42 = arith.mulf %select_n3A_33, %select_n3A_33 : vector<2560x256xf32>
    %reduce_sum3A_43 = arith.constant dense<0.000000e+00> : vector<256xf32>
    %reduce_sum3A_44 = vector.multi_reduction <add>, %mul3A_42, %reduce_sum3A_43 [0] : vector<2560x256xf32> to vector<256xf32>
    %broadcast_in_dim3A_45 = vector.shape_cast %reduce_sum3A_44 : vector<256xf32> to vector<1x256xf32>
    %swap3A_46 = arith.constant 0 : index
    %swap3A_47 = arith.constant 0 : index
    %swap3A_48 = arith.constant 0 : index
    %swap3A_49 = vector.load %arg8[%swap3A_46, %swap3A_47, %swap3A_48] : memref<1x1x256xf32, #tpu.memory_space<vmem>>, vector<1x1x256xf32>
    %swap3A_50 = vector.shape_cast %swap3A_49 : vector<1x1x256xf32> to vector<1x256xf32>
    %swap3A_51 = vector.shape_cast %broadcast_in_dim3A_45 : vector<1x256xf32> to vector<1x1x256xf32>
    tpu.vector_store %arg8[%swap3A_46, %swap3A_47, %swap3A_48], %swap3A_51 {strides = array<i32>} : memref<1x1x256xf32, #tpu.memory_space<vmem>>, vector<1x1x256xf32>,
    return
  }
  func.func @transform_0(%arg0: i32) -> (i32, i32) {
    %c0_i32 = arith.constant 0 : i32
    %c0_i32_0 = arith.constant 0 : i32
    return %arg0, %c0_i32 : i32, i32
  }
  func.func @transform_1(%arg0: i32) -> (i32, i32) {
    %c0_i32 = arith.constant 0 : i32
    %c0_i32_0 = arith.constant 0 : i32
    %c0_i32_1 = arith.constant 0 : i32
    return %c0_i32, %c0_i32_0 : i32, i32
  }
  func.func @transform_2(%arg0: i32) -> (i32, i32) {
    %c0_i32 = arith.constant 0 : i32
    %c0_i32_0 = arith.constant 0 : i32
    %c0_i32_1 = arith.constant 0 : i32
    return %c0_i32, %c0_i32_0 : i32, i32
  }
  func.func @transform_3(%arg0: i32) -> (i32, i32) {
    %c0_i32 = arith.constant 0 : i32
    %c0_i32_0 = arith.constant 0 : i32
    %c0_i32_1 = arith.constant 0 : i32
    return %c0_i32, %c0_i32_0 : i32, i32
  }
  func.func @transform_4(%arg0: i32) -> (i32, i32) {
    %c0_i32 = arith.constant 0 : i32
    %c0_i32_0 = arith.constant 0 : i32
    %c0_i32_1 = arith.constant 0 : i32
    return %c0_i32, %c0_i32_0 : i32, i32
  }
  func.func @transform_5(%arg0: i32) -> (i32, i32) {
    %c0_i32 = arith.constant 0 : i32
    %c0_i32_0 = arith.constant 0 : i32
    return %arg0, %c0_i32 : i32, i32
  }
  func.func @transform_6(%arg0: i32) -> (i32, i32, i32) {
    %c0_i32 = arith.constant 0 : i32
    %c0_i32_0 = arith.constant 0 : i32
    %c0_i32_1 = arith.constant 0 : i32
    return %arg0, %c0_i32, %c0_i32_0 : i32, i32, i32
  }
  func.func @transform_7(%arg0: i32) -> (i32, i32, i32) {
    %c0_i32 = arith.constant 0 : i32
    %c0_i32_0 = arith.constant 0 : i32
    %c0_i32_1 = arith.constant 0 : i32
    return %arg0, %c0_i32, %c0_i32_0 : i32, i32, i32
  }
}

module attributes {stable_mosaic.version = 14 : i64} {
  func.func @_mm_kernel(%arg0: i32, %arg1: memref<2560x256xf32, #tpu.memory_space<vmem>>, %arg2: memref<256x256xf32, #tpu.memory_space<vmem>>, %arg3: memref<1x256xf32, #tpu.memory_space<vmem>>, %arg4: memref<1x256xf32, #tpu.memory_space<vmem>>, %arg5: memref<1x256xf32, #tpu.memory_space<vmem>>, %arg6: memref<2560x256xf32, #tpu.memory_space<vmem>>, %arg7: memref<1x1x256xf32, #tpu.memory_space<vmem>>, %arg8: memref<1x1x256xf32, #tpu.memory_space<vmem>>) attributes {dimension_semantics = [#tpu.dimension_semantics<arbitrary>], iteration_bounds = array<i64: 4>, scalar_prefetch = 0 : i64, scratch_operands = 0 : i64, tpu.core_type = #tpu.core_type<tc>, window_params = [{transform_indices = @transform_0, window_bounds = array<i64: 2560, 256>}, {pipeline_mode = #tpu.pipeline_mode<synchronous>, transform_indices = @transform_1, window_bounds = array<i64: 256, 256>}, {pipeline_mode = #tpu.pipeline_mode<synchronous>, transform_indices = @transform_2, window_bounds = array<i64: 1, 256>}, {pipeline_mode = #tpu.pipeline_mode<synchronous>, transform_indices = @transform_3, window_bounds = array<i64: 1, 256>}, {pipeline_mode = #tpu.pipeline_mode<synchronous>, transform_indices = @transform_4, window_bounds = array<i64: 1, 256>}, {transform_indices = @transform_5, window_bounds = array<i64: 2560, 256>}, {transform_indices = @transform_6, window_bounds = array<i64: 1, 1, 256>}, {transform_indices = @transform_7, window_bounds = array<i64: 1, 1, 256>}]} {
    %get3A = arith.constant 0 : index
    %get3A_0 = arith.constant 0 : index
    %get3A_1 = vector.load %arg1[%get3A, %get3A_0] : memref<2560x256xf32, #tpu.memory_space<vmem>>, vector<2560x256xf32>
    %get3A_2 = arith.constant 0 : index
    %get3A_3 = arith.constant 0 : index
    %get3A_4 = vector.load %arg4[%get3A_2, %get3A_3] : memref<1x256xf32, #tpu.memory_space<vmem>>, vector<1x256xf32>
    %mul3A = vector.broadcast %get3A_4 : vector<1x256xf32> to vector<2560x256xf32>
    %mul3A_5 = arith.mulf %get3A_1, %mul3A : vector<2560x256xf32>
    %get3A_6 = arith.constant 0 : index
    %get3A_7 = arith.constant 0 : index
    %get3A_8 = vector.load %arg5[%get3A_6, %get3A_7] : memref<1x256xf32, #tpu.memory_space<vmem>>, vector<1x256xf32>
    %add3A = vector.broadcast %get3A_8 : vector<1x256xf32> to vector<2560x256xf32>
    %add3A_9 = arith.addf %mul3A_5, %add3A : vector<2560x256xf32>
    %get3A_10 = arith.constant 0 : index
    %get3A_11 = arith.constant 0 : index
    %get3A_12 = vector.load %arg2[%get3A_10, %get3A_11] : memref<256x256xf32, #tpu.memory_space<vmem>>, vector<256x256xf32>
    %dot_general3A = arith.constant dense<0.000000e+00> : vector<2560x256xf32>
    %dot_general3A_13 = tpu.matmul %add3A_9, %get3A_12, %dot_general3A {dimension_numbers = #tpu.dot_dimension_numbers<[1], [0], [0], [1], [0, 0, 1, 1], [], []>, transpose_lhs_hint = false} : vector<2560x256xf32>, vector<256x256xf32>, vector<2560x256xf32> -> vector<2560x256xf32>
    %get3A_14 = arith.constant 0 : index
    %get3A_15 = arith.constant 0 : index
    %get3A_16 = vector.load %arg3[%get3A_14, %get3A_15] : memref<1x256xf32, #tpu.memory_space<vmem>>, vector<1x256xf32>
    %add3A_17 = vector.broadcast %get3A_16 : vector<1x256xf32> to vector<2560x256xf32>
    %add3A_18 = arith.addf %dot_general3A_13, %add3A_17 : vector<2560x256xf32>
    %gt3A = arith.constant 0.000000e+00 : f32
    %gt3A_19 = vector.broadcast %gt3A : f32 to vector<2560x256xf32>
    %gt3A_20 = arith.cmpf ogt, %add3A_18, %gt3A_19 : vector<2560x256xf32>
    %exp3A = math.exp %add3A_18 : vector<2560x256xf32>
    %sub3A = arith.constant 1.000000e+00 : f32
    %sub3A_21 = vector.broadcast %sub3A : f32 to vector<2560x256xf32>
    %sub3A_22 = arith.subf %exp3A, %sub3A_21 : vector<2560x256xf32>
    %select_n3A = arith.select %gt3A_20, %add3A_18, %sub3A_22 : vector<2560x256xi1>, vector<2560x256xf32>
    %swap3A = arith.constant 0 : index
    %swap3A_23 = arith.constant 0 : index
    %swap3A_24 = vector.load %arg6[%swap3A, %swap3A_23] : memref<2560x256xf32, #tpu.memory_space<vmem>>, vector<2560x256xf32>
    tpu.vector_store %arg6[%swap3A, %swap3A_23], %select_n3A {strides = array<i32>} : memref<2560x256xf32, #tpu.memory_space<vmem>>, vector<2560x256xf32>,
    %mul3A_25 = arith.constant 2560 : i32
    %mul3A_26 = arith.muli %arg0, %mul3A_25 : i32
    %iota3A = tpu.iota {dimensions = array<i32: 0>} : vector<2560x1xi32>
    %add3A_27 = vector.broadcast %mul3A_26 : i32 to vector<2560x1xi32>
    %add3A_28 = arith.addi %add3A_27, %iota3A : vector<2560x1xi32>
    %lt3A = arith.constant 9472 : i32
    %lt3A_29 = vector.broadcast %lt3A : i32 to vector<2560x1xi32>
    %lt3A_30 = arith.cmpi slt, %add3A_28, %lt3A_29 : vector<2560x1xi32>
    %jit3A = arith.constant 0.000000e+00 : f32
    %broadcast_in_dim3A = vector.shape_cast %lt3A_30 : vector<2560x1xi1> to vector<2560x1xi1>
    %broadcast_in_dim3A_31 = vector.broadcast %broadcast_in_dim3A : vector<2560x1xi1> to vector<2560x256xi1>
    %broadcast_in_dim3A_32 = vector.broadcast %jit3A : f32 to vector<2560x256xf32>
    %select_n3A_33 = arith.select %broadcast_in_dim3A_31, %select_n3A, %broadcast_in_dim3A_32 : vector<2560x256xi1>, vector<2560x256xf32>
    %reduce_sum3A = arith.constant dense<0.000000e+00> : vector<256xf32>
    %reduce_sum3A_34 = vector.multi_reduction <add>, %select_n3A_33, %reduce_sum3A [0] : vector<2560x256xf32> to vector<256xf32>
    %broadcast_in_dim3A_35 = vector.shape_cast %reduce_sum3A_34 : vector<256xf32> to vector<1x256xf32>
    %swap3A_36 = arith.constant 0 : index
    %swap3A_37 = arith.constant 0 : index
    %swap3A_38 = arith.constant 0 : index
    %swap3A_39 = vector.load %arg7[%swap3A_36, %swap3A_37, %swap3A_38] : memref<1x1x256xf32, #tpu.memory_space<vmem>>, vector<1x1x256xf32>
    %swap3A_40 = vector.shape_cast %swap3A_39 : vector<1x1x256xf32> to vector<1x256xf32>
    %swap3A_41 = vector.shape_cast %broadcast_in_dim3A_35 : vector<1x256xf32> to vector<1x1x256xf32>
    tpu.vector_store %arg7[%swap3A_36, %swap3A_37, %swap3A_38], %swap3A_41 {strides = array<i32>} : memref<1x1x256xf32, #tpu.memory_space<vmem>>, vector<1x1x256xf32>,
    %mul3A_42 = arith.mulf %select_n3A_33, %select_n3A_33 : vector<2560x256xf32>
    %reduce_sum3A_43 = arith.constant dense<0.000000e+00> : vector<256xf32>
    %reduce_sum3A_44 = vector.multi_reduction <add>, %mul3A_42, %reduce_sum3A_43 [0] : vector<2560x256xf32> to vector<256xf32>
    %broadcast_in_dim3A_45 = vector.shape_cast %reduce_sum3A_44 : vector<256xf32> to vector<1x256xf32>
    %swap3A_46 = arith.constant 0 : index
    %swap3A_47 = arith.constant 0 : index
    %swap3A_48 = arith.constant 0 : index
    %swap3A_49 = vector.load %arg8[%swap3A_46, %swap3A_47, %swap3A_48] : memref<1x1x256xf32, #tpu.memory_space<vmem>>, vector<1x1x256xf32>
    %swap3A_50 = vector.shape_cast %swap3A_49 : vector<1x1x256xf32> to vector<1x256xf32>
    %swap3A_51 = vector.shape_cast %broadcast_in_dim3A_45 : vector<1x256xf32> to vector<1x1x256xf32>
    tpu.vector_store %arg8[%swap3A_46, %swap3A_47, %swap3A_48], %swap3A_51 {strides = array<i32>} : memref<1x1x256xf32, #tpu.memory_space<vmem>>, vector<1x1x256xf32>,
    return
  }
  func.func @transform_0(%arg0: i32) -> (i32, i32) {
    %c0_i32 = arith.constant 0 : i32
    %c0_i32_0 = arith.constant 0 : i32
    return %arg0, %c0_i32 : i32, i32
  }
  func.func @transform_1(%arg0: i32) -> (i32, i32) {
    %c0_i32 = arith.constant 0 : i32
    %c0_i32_0 = arith.constant 0 : i32
    %c0_i32_1 = arith.constant 0 : i32
    return %c0_i32, %c0_i32_0 : i32, i32
  }
  func.func @transform_2(%arg0: i32) -> (i32, i32) {
    %c0_i32 = arith.constant 0 : i32
    %c0_i32_0 = arith.constant 0 : i32
    %c0_i32_1 = arith.constant 0 : i32
    return %c0_i32, %c0_i32_0 : i32, i32
  }
  func.func @transform_3(%arg0: i32) -> (i32, i32) {
    %c0_i32 = arith.constant 0 : i32
    %c0_i32_0 = arith.constant 0 : i32
    %c0_i32_1 = arith.constant 0 : i32
    return %c0_i32, %c0_i32_0 : i32, i32
  }
  func.func @transform_4(%arg0: i32) -> (i32, i32) {
    %c0_i32 = arith.constant 0 : i32
    %c0_i32_0 = arith.constant 0 : i32
    %c0_i32_1 = arith.constant 0 : i32
    return %c0_i32, %c0_i32_0 : i32, i32
  }
  func.func @transform_5(%arg0: i32) -> (i32, i32) {
    %c0_i32 = arith.constant 0 : i32
    %c0_i32_0 = arith.constant 0 : i32
    return %arg0, %c0_i32 : i32, i32
  }
  func.func @transform_6(%arg0: i32) -> (i32, i32, i32) {
    %c0_i32 = arith.constant 0 : i32
    %c0_i32_0 = arith.constant 0 : i32
    %c0_i32_1 = arith.constant 0 : i32
    return %arg0, %c0_i32, %c0_i32_0 : i32, i32, i32
  }
  func.func @transform_7(%arg0: i32) -> (i32, i32, i32) {
    %c0_i32 = arith.constant 0 : i32
    %c0_i32_0 = arith.constant 0 : i32
    %c0_i32_1 = arith.constant 0 : i32
    return %arg0, %c0_i32, %c0_i32_0 : i32, i32, i32
  }
}

module attributes {stable_mosaic.version = 14 : i64} {
  func.func @_mm_kernel(%arg0: i32, %arg1: memref<1024x24xf32, #tpu.memory_space<vmem>>, %arg2: memref<24x64xf32, #tpu.memory_space<vmem>>, %arg3: memref<1x64xf32, #tpu.memory_space<vmem>>, %arg4: memref<1x24xf32, #tpu.memory_space<vmem>>, %arg5: memref<1x24xf32, #tpu.memory_space<vmem>>, %arg6: memref<1024x64xf32, #tpu.memory_space<vmem>>, %arg7: memref<1x1x64xf32, #tpu.memory_space<vmem>>, %arg8: memref<1x1x64xf32, #tpu.memory_space<vmem>>) attributes {dimension_semantics = [#tpu.dimension_semantics<arbitrary>], iteration_bounds = array<i64: 16>, scalar_prefetch = 0 : i64, scratch_operands = 0 : i64, tpu.core_type = #tpu.core_type<tc>, window_params = [{transform_indices = @transform_0, window_bounds = array<i64: 1024, 24>}, {pipeline_mode = #tpu.pipeline_mode<synchronous>, transform_indices = @transform_1, window_bounds = array<i64: 24, 64>}, {pipeline_mode = #tpu.pipeline_mode<synchronous>, transform_indices = @transform_2, window_bounds = array<i64: 1, 64>}, {pipeline_mode = #tpu.pipeline_mode<synchronous>, transform_indices = @transform_3, window_bounds = array<i64: 1, 24>}, {pipeline_mode = #tpu.pipeline_mode<synchronous>, transform_indices = @transform_4, window_bounds = array<i64: 1, 24>}, {transform_indices = @transform_5, window_bounds = array<i64: 1024, 64>}, {transform_indices = @transform_6, window_bounds = array<i64: 1, 1, 64>}, {transform_indices = @transform_7, window_bounds = array<i64: 1, 1, 64>}]} {
    %get3A = arith.constant 0 : index
    %get3A_0 = arith.constant 0 : index
    %get3A_1 = vector.load %arg1[%get3A, %get3A_0] : memref<1024x24xf32, #tpu.memory_space<vmem>>, vector<1024x24xf32>
    %get3A_2 = arith.constant 0 : index
    %get3A_3 = arith.constant 0 : index
    %get3A_4 = vector.load %arg4[%get3A_2, %get3A_3] : memref<1x24xf32, #tpu.memory_space<vmem>>, vector<1x24xf32>
    %mul3A = vector.broadcast %get3A_4 : vector<1x24xf32> to vector<1024x24xf32>
    %mul3A_5 = arith.mulf %get3A_1, %mul3A : vector<1024x24xf32>
    %get3A_6 = arith.constant 0 : index
    %get3A_7 = arith.constant 0 : index
    %get3A_8 = vector.load %arg5[%get3A_6, %get3A_7] : memref<1x24xf32, #tpu.memory_space<vmem>>, vector<1x24xf32>
    %add3A = vector.broadcast %get3A_8 : vector<1x24xf32> to vector<1024x24xf32>
    %add3A_9 = arith.addf %mul3A_5, %add3A : vector<1024x24xf32>
    %get3A_10 = arith.constant 0 : index
    %get3A_11 = arith.constant 0 : index
    %get3A_12 = vector.load %arg2[%get3A_10, %get3A_11] : memref<24x64xf32, #tpu.memory_space<vmem>>, vector<24x64xf32>
    %dot_general3A = arith.constant dense<0.000000e+00> : vector<1024x64xf32>
    %dot_general3A_13 = tpu.matmul %add3A_9, %get3A_12, %dot_general3A {dimension_numbers = #tpu.dot_dimension_numbers<[1], [0], [0], [1], [0, 0, 1, 1], [], []>, transpose_lhs_hint = false} : vector<1024x24xf32>, vector<24x64xf32>, vector<1024x64xf32> -> vector<1024x64xf32>
    %get3A_14 = arith.constant 0 : index
    %get3A_15 = arith.constant 0 : index
    %get3A_16 = vector.load %arg3[%get3A_14, %get3A_15] : memref<1x64xf32, #tpu.memory_space<vmem>>, vector<1x64xf32>
    %add3A_17 = vector.broadcast %get3A_16 : vector<1x64xf32> to vector<1024x64xf32>
    %add3A_18 = arith.addf %dot_general3A_13, %add3A_17 : vector<1024x64xf32>
    %gt3A = arith.constant 0.000000e+00 : f32
    %gt3A_19 = vector.broadcast %gt3A : f32 to vector<1024x64xf32>
    %gt3A_20 = arith.cmpf ogt, %add3A_18, %gt3A_19 : vector<1024x64xf32>
    %exp3A = math.exp %add3A_18 : vector<1024x64xf32>
    %sub3A = arith.constant 1.000000e+00 : f32
    %sub3A_21 = vector.broadcast %sub3A : f32 to vector<1024x64xf32>
    %sub3A_22 = arith.subf %exp3A, %sub3A_21 : vector<1024x64xf32>
    %select_n3A = arith.select %gt3A_20, %add3A_18, %sub3A_22 : vector<1024x64xi1>, vector<1024x64xf32>
    %swap3A = arith.constant 0 : index
    %swap3A_23 = arith.constant 0 : index
    %swap3A_24 = vector.load %arg6[%swap3A, %swap3A_23] : memref<1024x64xf32, #tpu.memory_space<vmem>>, vector<1024x64xf32>
    tpu.vector_store %arg6[%swap3A, %swap3A_23], %select_n3A {strides = array<i32>} : memref<1024x64xf32, #tpu.memory_space<vmem>>, vector<1024x64xf32>,
    %mul3A_25 = arith.constant 1024 : i32
    %mul3A_26 = arith.muli %arg0, %mul3A_25 : i32
    %iota3A = tpu.iota {dimensions = array<i32: 0>} : vector<1024x1xi32>
    %add3A_27 = vector.broadcast %mul3A_26 : i32 to vector<1024x1xi32>
    %add3A_28 = arith.addi %add3A_27, %iota3A : vector<1024x1xi32>
    %lt3A = arith.constant 16384 : i32
    %lt3A_29 = vector.broadcast %lt3A : i32 to vector<1024x1xi32>
    %lt3A_30 = arith.cmpi slt, %add3A_28, %lt3A_29 : vector<1024x1xi32>
    %jit3A = arith.constant 0.000000e+00 : f32
    %broadcast_in_dim3A = vector.shape_cast %lt3A_30 : vector<1024x1xi1> to vector<1024x1xi1>
    %broadcast_in_dim3A_31 = vector.broadcast %broadcast_in_dim3A : vector<1024x1xi1> to vector<1024x64xi1>
    %broadcast_in_dim3A_32 = vector.broadcast %jit3A : f32 to vector<1024x64xf32>
    %select_n3A_33 = arith.select %broadcast_in_dim3A_31, %select_n3A, %broadcast_in_dim3A_32 : vector<1024x64xi1>, vector<1024x64xf32>
    %reduce_sum3A = arith.constant dense<0.000000e+00> : vector<64xf32>
    %reduce_sum3A_34 = vector.multi_reduction <add>, %select_n3A_33, %reduce_sum3A [0] : vector<1024x64xf32> to vector<64xf32>
    %broadcast_in_dim3A_35 = vector.shape_cast %reduce_sum3A_34 : vector<64xf32> to vector<1x64xf32>
    %swap3A_36 = arith.constant 0 : index
    %swap3A_37 = arith.constant 0 : index
    %swap3A_38 = arith.constant 0 : index
    %swap3A_39 = vector.load %arg7[%swap3A_36, %swap3A_37, %swap3A_38] : memref<1x1x64xf32, #tpu.memory_space<vmem>>, vector<1x1x64xf32>
    %swap3A_40 = vector.shape_cast %swap3A_39 : vector<1x1x64xf32> to vector<1x64xf32>
    %swap3A_41 = vector.shape_cast %broadcast_in_dim3A_35 : vector<1x64xf32> to vector<1x1x64xf32>
    tpu.vector_store %arg7[%swap3A_36, %swap3A_37, %swap3A_38], %swap3A_41 {strides = array<i32>} : memref<1x1x64xf32, #tpu.memory_space<vmem>>, vector<1x1x64xf32>,
    %mul3A_42 = arith.mulf %select_n3A_33, %select_n3A_33 : vector<1024x64xf32>
    %reduce_sum3A_43 = arith.constant dense<0.000000e+00> : vector<64xf32>
    %reduce_sum3A_44 = vector.multi_reduction <add>, %mul3A_42, %reduce_sum3A_43 [0] : vector<1024x64xf32> to vector<64xf32>
    %broadcast_in_dim3A_45 = vector.shape_cast %reduce_sum3A_44 : vector<64xf32> to vector<1x64xf32>
    %swap3A_46 = arith.constant 0 : index
    %swap3A_47 = arith.constant 0 : index
    %swap3A_48 = arith.constant 0 : index
    %swap3A_49 = vector.load %arg8[%swap3A_46, %swap3A_47, %swap3A_48] : memref<1x1x64xf32, #tpu.memory_space<vmem>>, vector<1x1x64xf32>
    %swap3A_50 = vector.shape_cast %swap3A_49 : vector<1x1x64xf32> to vector<1x64xf32>
    %swap3A_51 = vector.shape_cast %broadcast_in_dim3A_45 : vector<1x64xf32> to vector<1x1x64xf32>
    tpu.vector_store %arg8[%swap3A_46, %swap3A_47, %swap3A_48], %swap3A_51 {strides = array<i32>} : memref<1x1x64xf32, #tpu.memory_space<vmem>>, vector<1x1x64xf32>,
    return
  }
  func.func @transform_0(%arg0: i32) -> (i32, i32) {
    %c0_i32 = arith.constant 0 : i32
    %c0_i32_0 = arith.constant 0 : i32
    return %arg0, %c0_i32 : i32, i32
  }
  func.func @transform_1(%arg0: i32) -> (i32, i32) {
    %c0_i32 = arith.constant 0 : i32
    %c0_i32_0 = arith.constant 0 : i32
    %c0_i32_1 = arith.constant 0 : i32
    return %c0_i32, %c0_i32_0 : i32, i32
  }
  func.func @transform_2(%arg0: i32) -> (i32, i32) {
    %c0_i32 = arith.constant 0 : i32
    %c0_i32_0 = arith.constant 0 : i32
    %c0_i32_1 = arith.constant 0 : i32
    return %c0_i32, %c0_i32_0 : i32, i32
  }
  func.func @transform_3(%arg0: i32) -> (i32, i32) {
    %c0_i32 = arith.constant 0 : i32
    %c0_i32_0 = arith.constant 0 : i32
    %c0_i32_1 = arith.constant 0 : i32
    return %c0_i32, %c0_i32_0 : i32, i32
  }
  func.func @transform_4(%arg0: i32) -> (i32, i32) {
    %c0_i32 = arith.constant 0 : i32
    %c0_i32_0 = arith.constant 0 : i32
    %c0_i32_1 = arith.constant 0 : i32
    return %c0_i32, %c0_i32_0 : i32, i32
  }
  func.func @transform_5(%arg0: i32) -> (i32, i32) {
    %c0_i32 = arith.constant 0 : i32
    %c0_i32_0 = arith.constant 0 : i32
    return %arg0, %c0_i32 : i32, i32
  }
  func.func @transform_6(%arg0: i32) -> (i32, i32, i32) {
    %c0_i32 = arith.constant 0 : i32
    %c0_i32_0 = arith.constant 0 : i32
    %c0_i32_1 = arith.constant 0 : i32
    return %arg0, %c0_i32, %c0_i32_0 : i32, i32, i32
  }
  func.func @transform_7(%arg0: i32) -> (i32, i32, i32) {
    %c0_i32 = arith.constant 0 : i32
    %c0_i32_0 = arith.constant 0 : i32
    %c0_i32_1 = arith.constant 0 : i32
    return %arg0, %c0_i32, %c0_i32_0 : i32, i32, i32
  }
}

module attributes {stable_mosaic.version = 14 : i64} {
  func.func @_mm_kernel(%arg0: i32, %arg1: memref<1024x64xf32, #tpu.memory_space<vmem>>, %arg2: memref<64x64xf32, #tpu.memory_space<vmem>>, %arg3: memref<1x64xf32, #tpu.memory_space<vmem>>, %arg4: memref<1x64xf32, #tpu.memory_space<vmem>>, %arg5: memref<1x64xf32, #tpu.memory_space<vmem>>, %arg6: memref<1024x64xf32, #tpu.memory_space<vmem>>, %arg7: memref<1x1x64xf32, #tpu.memory_space<vmem>>, %arg8: memref<1x1x64xf32, #tpu.memory_space<vmem>>) attributes {dimension_semantics = [#tpu.dimension_semantics<arbitrary>], iteration_bounds = array<i64: 16>, scalar_prefetch = 0 : i64, scratch_operands = 0 : i64, tpu.core_type = #tpu.core_type<tc>, window_params = [{transform_indices = @transform_0, window_bounds = array<i64: 1024, 64>}, {pipeline_mode = #tpu.pipeline_mode<synchronous>, transform_indices = @transform_1, window_bounds = array<i64: 64, 64>}, {pipeline_mode = #tpu.pipeline_mode<synchronous>, transform_indices = @transform_2, window_bounds = array<i64: 1, 64>}, {pipeline_mode = #tpu.pipeline_mode<synchronous>, transform_indices = @transform_3, window_bounds = array<i64: 1, 64>}, {pipeline_mode = #tpu.pipeline_mode<synchronous>, transform_indices = @transform_4, window_bounds = array<i64: 1, 64>}, {transform_indices = @transform_5, window_bounds = array<i64: 1024, 64>}, {transform_indices = @transform_6, window_bounds = array<i64: 1, 1, 64>}, {transform_indices = @transform_7, window_bounds = array<i64: 1, 1, 64>}]} {
    %get3A = arith.constant 0 : index
    %get3A_0 = arith.constant 0 : index
    %get3A_1 = vector.load %arg1[%get3A, %get3A_0] : memref<1024x64xf32, #tpu.memory_space<vmem>>, vector<1024x64xf32>
    %get3A_2 = arith.constant 0 : index
    %get3A_3 = arith.constant 0 : index
    %get3A_4 = vector.load %arg4[%get3A_2, %get3A_3] : memref<1x64xf32, #tpu.memory_space<vmem>>, vector<1x64xf32>
    %mul3A = vector.broadcast %get3A_4 : vector<1x64xf32> to vector<1024x64xf32>
    %mul3A_5 = arith.mulf %get3A_1, %mul3A : vector<1024x64xf32>
    %get3A_6 = arith.constant 0 : index
    %get3A_7 = arith.constant 0 : index
    %get3A_8 = vector.load %arg5[%get3A_6, %get3A_7] : memref<1x64xf32, #tpu.memory_space<vmem>>, vector<1x64xf32>
    %add3A = vector.broadcast %get3A_8 : vector<1x64xf32> to vector<1024x64xf32>
    %add3A_9 = arith.addf %mul3A_5, %add3A : vector<1024x64xf32>
    %get3A_10 = arith.constant 0 : index
    %get3A_11 = arith.constant 0 : index
    %get3A_12 = vector.load %arg2[%get3A_10, %get3A_11] : memref<64x64xf32, #tpu.memory_space<vmem>>, vector<64x64xf32>
    %dot_general3A = arith.constant dense<0.000000e+00> : vector<1024x64xf32>
    %dot_general3A_13 = tpu.matmul %add3A_9, %get3A_12, %dot_general3A {dimension_numbers = #tpu.dot_dimension_numbers<[1], [0], [0], [1], [0, 0, 1, 1], [], []>, transpose_lhs_hint = false} : vector<1024x64xf32>, vector<64x64xf32>, vector<1024x64xf32> -> vector<1024x64xf32>
    %get3A_14 = arith.constant 0 : index
    %get3A_15 = arith.constant 0 : index
    %get3A_16 = vector.load %arg3[%get3A_14, %get3A_15] : memref<1x64xf32, #tpu.memory_space<vmem>>, vector<1x64xf32>
    %add3A_17 = vector.broadcast %get3A_16 : vector<1x64xf32> to vector<1024x64xf32>
    %add3A_18 = arith.addf %dot_general3A_13, %add3A_17 : vector<1024x64xf32>
    %gt3A = arith.constant 0.000000e+00 : f32
    %gt3A_19 = vector.broadcast %gt3A : f32 to vector<1024x64xf32>
    %gt3A_20 = arith.cmpf ogt, %add3A_18, %gt3A_19 : vector<1024x64xf32>
    %exp3A = math.exp %add3A_18 : vector<1024x64xf32>
    %sub3A = arith.constant 1.000000e+00 : f32
    %sub3A_21 = vector.broadcast %sub3A : f32 to vector<1024x64xf32>
    %sub3A_22 = arith.subf %exp3A, %sub3A_21 : vector<1024x64xf32>
    %select_n3A = arith.select %gt3A_20, %add3A_18, %sub3A_22 : vector<1024x64xi1>, vector<1024x64xf32>
    %swap3A = arith.constant 0 : index
    %swap3A_23 = arith.constant 0 : index
    %swap3A_24 = vector.load %arg6[%swap3A, %swap3A_23] : memref<1024x64xf32, #tpu.memory_space<vmem>>, vector<1024x64xf32>
    tpu.vector_store %arg6[%swap3A, %swap3A_23], %select_n3A {strides = array<i32>} : memref<1024x64xf32, #tpu.memory_space<vmem>>, vector<1024x64xf32>,
    %mul3A_25 = arith.constant 1024 : i32
    %mul3A_26 = arith.muli %arg0, %mul3A_25 : i32
    %iota3A = tpu.iota {dimensions = array<i32: 0>} : vector<1024x1xi32>
    %add3A_27 = vector.broadcast %mul3A_26 : i32 to vector<1024x1xi32>
    %add3A_28 = arith.addi %add3A_27, %iota3A : vector<1024x1xi32>
    %lt3A = arith.constant 16384 : i32
    %lt3A_29 = vector.broadcast %lt3A : i32 to vector<1024x1xi32>
    %lt3A_30 = arith.cmpi slt, %add3A_28, %lt3A_29 : vector<1024x1xi32>
    %jit3A = arith.constant 0.000000e+00 : f32
    %broadcast_in_dim3A = vector.shape_cast %lt3A_30 : vector<1024x1xi1> to vector<1024x1xi1>
    %broadcast_in_dim3A_31 = vector.broadcast %broadcast_in_dim3A : vector<1024x1xi1> to vector<1024x64xi1>
    %broadcast_in_dim3A_32 = vector.broadcast %jit3A : f32 to vector<1024x64xf32>
    %select_n3A_33 = arith.select %broadcast_in_dim3A_31, %select_n3A, %broadcast_in_dim3A_32 : vector<1024x64xi1>, vector<1024x64xf32>
    %reduce_sum3A = arith.constant dense<0.000000e+00> : vector<64xf32>
    %reduce_sum3A_34 = vector.multi_reduction <add>, %select_n3A_33, %reduce_sum3A [0] : vector<1024x64xf32> to vector<64xf32>
    %broadcast_in_dim3A_35 = vector.shape_cast %reduce_sum3A_34 : vector<64xf32> to vector<1x64xf32>
    %swap3A_36 = arith.constant 0 : index
    %swap3A_37 = arith.constant 0 : index
    %swap3A_38 = arith.constant 0 : index
    %swap3A_39 = vector.load %arg7[%swap3A_36, %swap3A_37, %swap3A_38] : memref<1x1x64xf32, #tpu.memory_space<vmem>>, vector<1x1x64xf32>
    %swap3A_40 = vector.shape_cast %swap3A_39 : vector<1x1x64xf32> to vector<1x64xf32>
    %swap3A_41 = vector.shape_cast %broadcast_in_dim3A_35 : vector<1x64xf32> to vector<1x1x64xf32>
    tpu.vector_store %arg7[%swap3A_36, %swap3A_37, %swap3A_38], %swap3A_41 {strides = array<i32>} : memref<1x1x64xf32, #tpu.memory_space<vmem>>, vector<1x1x64xf32>,
    %mul3A_42 = arith.mulf %select_n3A_33, %select_n3A_33 : vector<1024x64xf32>
    %reduce_sum3A_43 = arith.constant dense<0.000000e+00> : vector<64xf32>
    %reduce_sum3A_44 = vector.multi_reduction <add>, %mul3A_42, %reduce_sum3A_43 [0] : vector<1024x64xf32> to vector<64xf32>
    %broadcast_in_dim3A_45 = vector.shape_cast %reduce_sum3A_44 : vector<64xf32> to vector<1x64xf32>
    %swap3A_46 = arith.constant 0 : index
    %swap3A_47 = arith.constant 0 : index
    %swap3A_48 = arith.constant 0 : index
    %swap3A_49 = vector.load %arg8[%swap3A_46, %swap3A_47, %swap3A_48] : memref<1x1x64xf32, #tpu.memory_space<vmem>>, vector<1x1x64xf32>
    %swap3A_50 = vector.shape_cast %swap3A_49 : vector<1x1x64xf32> to vector<1x64xf32>
    %swap3A_51 = vector.shape_cast %broadcast_in_dim3A_45 : vector<1x64xf32> to vector<1x1x64xf32>
    tpu.vector_store %arg8[%swap3A_46, %swap3A_47, %swap3A_48], %swap3A_51 {strides = array<i32>} : memref<1x1x64xf32, #tpu.memory_space<vmem>>, vector<1x1x64xf32>,
    return
  }
  func.func @transform_0(%arg0: i32) -> (i32, i32) {
    %c0_i32 = arith.constant 0 : i32
    %c0_i32_0 = arith.constant 0 : i32
    return %arg0, %c0_i32 : i32, i32
  }
  func.func @transform_1(%arg0: i32) -> (i32, i32) {
    %c0_i32 = arith.constant 0 : i32
    %c0_i32_0 = arith.constant 0 : i32
    %c0_i32_1 = arith.constant 0 : i32
    return %c0_i32, %c0_i32_0 : i32, i32
  }
  func.func @transform_2(%arg0: i32) -> (i32, i32) {
    %c0_i32 = arith.constant 0 : i32
    %c0_i32_0 = arith.constant 0 : i32
    %c0_i32_1 = arith.constant 0 : i32
    return %c0_i32, %c0_i32_0 : i32, i32
  }
  func.func @transform_3(%arg0: i32) -> (i32, i32) {
    %c0_i32 = arith.constant 0 : i32
    %c0_i32_0 = arith.constant 0 : i32
    %c0_i32_1 = arith.constant 0 : i32
    return %c0_i32, %c0_i32_0 : i32, i32
  }
  func.func @transform_4(%arg0: i32) -> (i32, i32) {
    %c0_i32 = arith.constant 0 : i32
    %c0_i32_0 = arith.constant 0 : i32
    %c0_i32_1 = arith.constant 0 : i32
    return %c0_i32, %c0_i32_0 : i32, i32
  }
  func.func @transform_5(%arg0: i32) -> (i32, i32) {
    %c0_i32 = arith.constant 0 : i32
    %c0_i32_0 = arith.constant 0 : i32
    return %arg0, %c0_i32 : i32, i32
  }
  func.func @transform_6(%arg0: i32) -> (i32, i32, i32) {
    %c0_i32 = arith.constant 0 : i32
    %c0_i32_0 = arith.constant 0 : i32
    %c0_i32_1 = arith.constant 0 : i32
    return %arg0, %c0_i32, %c0_i32_0 : i32, i32, i32
  }
  func.func @transform_7(%arg0: i32) -> (i32, i32, i32) {
    %c0_i32 = arith.constant 0 : i32
    %c0_i32_0 = arith.constant 0 : i32
    %c0_i32_1 = arith.constant 0 : i32
    return %arg0, %c0_i32, %c0_i32_0 : i32, i32, i32
  }
}

module attributes {stable_mosaic.version = 14 : i64} {
  func.func @_mm_kernel(%arg0: i32, %arg1: memref<1024x64xf32, #tpu.memory_space<vmem>>, %arg2: memref<64x64xf32, #tpu.memory_space<vmem>>, %arg3: memref<1x64xf32, #tpu.memory_space<vmem>>, %arg4: memref<1x64xf32, #tpu.memory_space<vmem>>, %arg5: memref<1x64xf32, #tpu.memory_space<vmem>>, %arg6: memref<1024x64xf32, #tpu.memory_space<vmem>>, %arg7: memref<1x1x64xf32, #tpu.memory_space<vmem>>, %arg8: memref<1x1x64xf32, #tpu.memory_space<vmem>>) attributes {dimension_semantics = [#tpu.dimension_semantics<arbitrary>], iteration_bounds = array<i64: 16>, scalar_prefetch = 0 : i64, scratch_operands = 0 : i64, tpu.core_type = #tpu.core_type<tc>, window_params = [{transform_indices = @transform_0, window_bounds = array<i64: 1024, 64>}, {pipeline_mode = #tpu.pipeline_mode<synchronous>, transform_indices = @transform_1, window_bounds = array<i64: 64, 64>}, {pipeline_mode = #tpu.pipeline_mode<synchronous>, transform_indices = @transform_2, window_bounds = array<i64: 1, 64>}, {pipeline_mode = #tpu.pipeline_mode<synchronous>, transform_indices = @transform_3, window_bounds = array<i64: 1, 64>}, {pipeline_mode = #tpu.pipeline_mode<synchronous>, transform_indices = @transform_4, window_bounds = array<i64: 1, 64>}, {transform_indices = @transform_5, window_bounds = array<i64: 1024, 64>}, {transform_indices = @transform_6, window_bounds = array<i64: 1, 1, 64>}, {transform_indices = @transform_7, window_bounds = array<i64: 1, 1, 64>}]} {
    %get3A = arith.constant 0 : index
    %get3A_0 = arith.constant 0 : index
    %get3A_1 = vector.load %arg1[%get3A, %get3A_0] : memref<1024x64xf32, #tpu.memory_space<vmem>>, vector<1024x64xf32>
    %get3A_2 = arith.constant 0 : index
    %get3A_3 = arith.constant 0 : index
    %get3A_4 = vector.load %arg4[%get3A_2, %get3A_3] : memref<1x64xf32, #tpu.memory_space<vmem>>, vector<1x64xf32>
    %mul3A = vector.broadcast %get3A_4 : vector<1x64xf32> to vector<1024x64xf32>
    %mul3A_5 = arith.mulf %get3A_1, %mul3A : vector<1024x64xf32>
    %get3A_6 = arith.constant 0 : index
    %get3A_7 = arith.constant 0 : index
    %get3A_8 = vector.load %arg5[%get3A_6, %get3A_7] : memref<1x64xf32, #tpu.memory_space<vmem>>, vector<1x64xf32>
    %add3A = vector.broadcast %get3A_8 : vector<1x64xf32> to vector<1024x64xf32>
    %add3A_9 = arith.addf %mul3A_5, %add3A : vector<1024x64xf32>
    %get3A_10 = arith.constant 0 : index
    %get3A_11 = arith.constant 0 : index
    %get3A_12 = vector.load %arg2[%get3A_10, %get3A_11] : memref<64x64xf32, #tpu.memory_space<vmem>>, vector<64x64xf32>
    %dot_general3A = arith.constant dense<0.000000e+00> : vector<1024x64xf32>
    %dot_general3A_13 = tpu.matmul %add3A_9, %get3A_12, %dot_general3A {dimension_numbers = #tpu.dot_dimension_numbers<[1], [0], [0], [1], [0, 0, 1, 1], [], []>, transpose_lhs_hint = false} : vector<1024x64xf32>, vector<64x64xf32>, vector<1024x64xf32> -> vector<1024x64xf32>
    %get3A_14 = arith.constant 0 : index
    %get3A_15 = arith.constant 0 : index
    %get3A_16 = vector.load %arg3[%get3A_14, %get3A_15] : memref<1x64xf32, #tpu.memory_space<vmem>>, vector<1x64xf32>
    %add3A_17 = vector.broadcast %get3A_16 : vector<1x64xf32> to vector<1024x64xf32>
    %add3A_18 = arith.addf %dot_general3A_13, %add3A_17 : vector<1024x64xf32>
    %swap3A = arith.constant 0 : index
    %swap3A_19 = arith.constant 0 : index
    %swap3A_20 = vector.load %arg6[%swap3A, %swap3A_19] : memref<1024x64xf32, #tpu.memory_space<vmem>>, vector<1024x64xf32>
    tpu.vector_store %arg6[%swap3A, %swap3A_19], %add3A_18 {strides = array<i32>} : memref<1024x64xf32, #tpu.memory_space<vmem>>, vector<1024x64xf32>,
    %mul3A_21 = arith.constant 1024 : i32
    %mul3A_22 = arith.muli %arg0, %mul3A_21 : i32
    %iota3A = tpu.iota {dimensions = array<i32: 0>} : vector<1024x1xi32>
    %add3A_23 = vector.broadcast %mul3A_22 : i32 to vector<1024x1xi32>
    %add3A_24 = arith.addi %add3A_23, %iota3A : vector<1024x1xi32>
    %lt3A = arith.constant 16384 : i32
    %lt3A_25 = vector.broadcast %lt3A : i32 to vector<1024x1xi32>
    %lt3A_26 = arith.cmpi slt, %add3A_24, %lt3A_25 : vector<1024x1xi32>
    %jit3A = arith.constant 0.000000e+00 : f32
    %broadcast_in_dim3A = vector.shape_cast %lt3A_26 : vector<1024x1xi1> to vector<1024x1xi1>
    %broadcast_in_dim3A_27 = vector.broadcast %broadcast_in_dim3A : vector<1024x1xi1> to vector<1024x64xi1>
    %broadcast_in_dim3A_28 = vector.broadcast %jit3A : f32 to vector<1024x64xf32>
    %select_n3A = arith.select %broadcast_in_dim3A_27, %add3A_18, %broadcast_in_dim3A_28 : vector<1024x64xi1>, vector<1024x64xf32>
    %reduce_sum3A = arith.constant dense<0.000000e+00> : vector<64xf32>
    %reduce_sum3A_29 = vector.multi_reduction <add>, %select_n3A, %reduce_sum3A [0] : vector<1024x64xf32> to vector<64xf32>
    %broadcast_in_dim3A_30 = vector.shape_cast %reduce_sum3A_29 : vector<64xf32> to vector<1x64xf32>
    %swap3A_31 = arith.constant 0 : index
    %swap3A_32 = arith.constant 0 : index
    %swap3A_33 = arith.constant 0 : index
    %swap3A_34 = vector.load %arg7[%swap3A_31, %swap3A_32, %swap3A_33] : memref<1x1x64xf32, #tpu.memory_space<vmem>>, vector<1x1x64xf32>
    %swap3A_35 = vector.shape_cast %swap3A_34 : vector<1x1x64xf32> to vector<1x64xf32>
    %swap3A_36 = vector.shape_cast %broadcast_in_dim3A_30 : vector<1x64xf32> to vector<1x1x64xf32>
    tpu.vector_store %arg7[%swap3A_31, %swap3A_32, %swap3A_33], %swap3A_36 {strides = array<i32>} : memref<1x1x64xf32, #tpu.memory_space<vmem>>, vector<1x1x64xf32>,
    %mul3A_37 = arith.mulf %select_n3A, %select_n3A : vector<1024x64xf32>
    %reduce_sum3A_38 = arith.constant dense<0.000000e+00> : vector<64xf32>
    %reduce_sum3A_39 = vector.multi_reduction <add>, %mul3A_37, %reduce_sum3A_38 [0] : vector<1024x64xf32> to vector<64xf32>
    %broadcast_in_dim3A_40 = vector.shape_cast %reduce_sum3A_39 : vector<64xf32> to vector<1x64xf32>
    %swap3A_41 = arith.constant 0 : index
    %swap3A_42 = arith.constant 0 : index
    %swap3A_43 = arith.constant 0 : index
    %swap3A_44 = vector.load %arg8[%swap3A_41, %swap3A_42, %swap3A_43] : memref<1x1x64xf32, #tpu.memory_space<vmem>>, vector<1x1x64xf32>
    %swap3A_45 = vector.shape_cast %swap3A_44 : vector<1x1x64xf32> to vector<1x64xf32>
    %swap3A_46 = vector.shape_cast %broadcast_in_dim3A_40 : vector<1x64xf32> to vector<1x1x64xf32>
    tpu.vector_store %arg8[%swap3A_41, %swap3A_42, %swap3A_43], %swap3A_46 {strides = array<i32>} : memref<1x1x64xf32, #tpu.memory_space<vmem>>, vector<1x1x64xf32>,
    return
  }
  func.func @transform_0(%arg0: i32) -> (i32, i32) {
    %c0_i32 = arith.constant 0 : i32
    %c0_i32_0 = arith.constant 0 : i32
    return %arg0, %c0_i32 : i32, i32
  }
  func.func @transform_1(%arg0: i32) -> (i32, i32) {
    %c0_i32 = arith.constant 0 : i32
    %c0_i32_0 = arith.constant 0 : i32
    %c0_i32_1 = arith.constant 0 : i32
    return %c0_i32, %c0_i32_0 : i32, i32
  }
  func.func @transform_2(%arg0: i32) -> (i32, i32) {
    %c0_i32 = arith.constant 0 : i32
    %c0_i32_0 = arith.constant 0 : i32
    %c0_i32_1 = arith.constant 0 : i32
    return %c0_i32, %c0_i32_0 : i32, i32
  }
  func.func @transform_3(%arg0: i32) -> (i32, i32) {
    %c0_i32 = arith.constant 0 : i32
    %c0_i32_0 = arith.constant 0 : i32
    %c0_i32_1 = arith.constant 0 : i32
    return %c0_i32, %c0_i32_0 : i32, i32
  }
  func.func @transform_4(%arg0: i32) -> (i32, i32) {
    %c0_i32 = arith.constant 0 : i32
    %c0_i32_0 = arith.constant 0 : i32
    %c0_i32_1 = arith.constant 0 : i32
    return %c0_i32, %c0_i32_0 : i32, i32
  }
  func.func @transform_5(%arg0: i32) -> (i32, i32) {
    %c0_i32 = arith.constant 0 : i32
    %c0_i32_0 = arith.constant 0 : i32
    return %arg0, %c0_i32 : i32, i32
  }
  func.func @transform_6(%arg0: i32) -> (i32, i32, i32) {
    %c0_i32 = arith.constant 0 : i32
    %c0_i32_0 = arith.constant 0 : i32
    %c0_i32_1 = arith.constant 0 : i32
    return %arg0, %c0_i32, %c0_i32_0 : i32, i32, i32
  }
  func.func @transform_7(%arg0: i32) -> (i32, i32, i32) {
    %c0_i32 = arith.constant 0 : i32
    %c0_i32_0 = arith.constant 0 : i32
    %c0_i32_1 = arith.constant 0 : i32
    return %arg0, %c0_i32, %c0_i32_0 : i32, i32, i32
  }
}

module attributes {stable_mosaic.version = 14 : i64} {
  func.func @_mm_kernel(%arg0: i32, %arg1: memref<8192x3xf32, #tpu.memory_space<vmem>>, %arg2: memref<3x32xf32, #tpu.memory_space<vmem>>, %arg3: memref<1x32xf32, #tpu.memory_space<vmem>>, %arg4: memref<1x3xf32, #tpu.memory_space<vmem>>, %arg5: memref<1x3xf32, #tpu.memory_space<vmem>>, %arg6: memref<8192x32xf32, #tpu.memory_space<vmem>>, %arg7: memref<1x1x32xf32, #tpu.memory_space<vmem>>, %arg8: memref<1x1x32xf32, #tpu.memory_space<vmem>>) attributes {dimension_semantics = [#tpu.dimension_semantics<arbitrary>], iteration_bounds = array<i64: 16>, scalar_prefetch = 0 : i64, scratch_operands = 0 : i64, tpu.core_type = #tpu.core_type<tc>, window_params = [{transform_indices = @transform_0, window_bounds = array<i64: 8192, 3>}, {pipeline_mode = #tpu.pipeline_mode<synchronous>, transform_indices = @transform_1, window_bounds = array<i64: 3, 32>}, {pipeline_mode = #tpu.pipeline_mode<synchronous>, transform_indices = @transform_2, window_bounds = array<i64: 1, 32>}, {pipeline_mode = #tpu.pipeline_mode<synchronous>, transform_indices = @transform_3, window_bounds = array<i64: 1, 3>}, {pipeline_mode = #tpu.pipeline_mode<synchronous>, transform_indices = @transform_4, window_bounds = array<i64: 1, 3>}, {transform_indices = @transform_5, window_bounds = array<i64: 8192, 32>}, {transform_indices = @transform_6, window_bounds = array<i64: 1, 1, 32>}, {transform_indices = @transform_7, window_bounds = array<i64: 1, 1, 32>}]} {
    %get3A = arith.constant 0 : index
    %get3A_0 = arith.constant 0 : index
    %get3A_1 = vector.load %arg1[%get3A, %get3A_0] : memref<8192x3xf32, #tpu.memory_space<vmem>>, vector<8192x3xf32>
    %get3A_2 = arith.constant 0 : index
    %get3A_3 = arith.constant 0 : index
    %get3A_4 = vector.load %arg4[%get3A_2, %get3A_3] : memref<1x3xf32, #tpu.memory_space<vmem>>, vector<1x3xf32>
    %mul3A = vector.broadcast %get3A_4 : vector<1x3xf32> to vector<8192x3xf32>
    %mul3A_5 = arith.mulf %get3A_1, %mul3A : vector<8192x3xf32>
    %get3A_6 = arith.constant 0 : index
    %get3A_7 = arith.constant 0 : index
    %get3A_8 = vector.load %arg5[%get3A_6, %get3A_7] : memref<1x3xf32, #tpu.memory_space<vmem>>, vector<1x3xf32>
    %add3A = vector.broadcast %get3A_8 : vector<1x3xf32> to vector<8192x3xf32>
    %add3A_9 = arith.addf %mul3A_5, %add3A : vector<8192x3xf32>
    %get3A_10 = arith.constant 0 : index
    %get3A_11 = arith.constant 0 : index
    %get3A_12 = vector.load %arg2[%get3A_10, %get3A_11] : memref<3x32xf32, #tpu.memory_space<vmem>>, vector<3x32xf32>
    %dot_general3A = arith.constant dense<0.000000e+00> : vector<8192x32xf32>
    %dot_general3A_13 = tpu.matmul %add3A_9, %get3A_12, %dot_general3A {dimension_numbers = #tpu.dot_dimension_numbers<[1], [0], [0], [1], [0, 0, 1, 1], [], []>, transpose_lhs_hint = false} : vector<8192x3xf32>, vector<3x32xf32>, vector<8192x32xf32> -> vector<8192x32xf32>
    %get3A_14 = arith.constant 0 : index
    %get3A_15 = arith.constant 0 : index
    %get3A_16 = vector.load %arg3[%get3A_14, %get3A_15] : memref<1x32xf32, #tpu.memory_space<vmem>>, vector<1x32xf32>
    %add3A_17 = vector.broadcast %get3A_16 : vector<1x32xf32> to vector<8192x32xf32>
    %add3A_18 = arith.addf %dot_general3A_13, %add3A_17 : vector<8192x32xf32>
    %gt3A = arith.constant 0.000000e+00 : f32
    %gt3A_19 = vector.broadcast %gt3A : f32 to vector<8192x32xf32>
    %gt3A_20 = arith.cmpf ogt, %add3A_18, %gt3A_19 : vector<8192x32xf32>
    %exp3A = math.exp %add3A_18 : vector<8192x32xf32>
    %sub3A = arith.constant 1.000000e+00 : f32
    %sub3A_21 = vector.broadcast %sub3A : f32 to vector<8192x32xf32>
    %sub3A_22 = arith.subf %exp3A, %sub3A_21 : vector<8192x32xf32>
    %select_n3A = arith.select %gt3A_20, %add3A_18, %sub3A_22 : vector<8192x32xi1>, vector<8192x32xf32>
    %swap3A = arith.constant 0 : index
    %swap3A_23 = arith.constant 0 : index
    %swap3A_24 = vector.load %arg6[%swap3A, %swap3A_23] : memref<8192x32xf32, #tpu.memory_space<vmem>>, vector<8192x32xf32>
    tpu.vector_store %arg6[%swap3A, %swap3A_23], %select_n3A {strides = array<i32>} : memref<8192x32xf32, #tpu.memory_space<vmem>>, vector<8192x32xf32>,
    %mul3A_25 = arith.constant 8192 : i32
    %mul3A_26 = arith.muli %arg0, %mul3A_25 : i32
    %iota3A = tpu.iota {dimensions = array<i32: 0>} : vector<8192x1xi32>
    %add3A_27 = vector.broadcast %mul3A_26 : i32 to vector<8192x1xi32>
    %add3A_28 = arith.addi %add3A_27, %iota3A : vector<8192x1xi32>
    %lt3A = arith.constant 131072 : i32
    %lt3A_29 = vector.broadcast %lt3A : i32 to vector<8192x1xi32>
    %lt3A_30 = arith.cmpi slt, %add3A_28, %lt3A_29 : vector<8192x1xi32>
    %jit3A = arith.constant 0.000000e+00 : f32
    %broadcast_in_dim3A = vector.shape_cast %lt3A_30 : vector<8192x1xi1> to vector<8192x1xi1>
    %broadcast_in_dim3A_31 = vector.broadcast %broadcast_in_dim3A : vector<8192x1xi1> to vector<8192x32xi1>
    %broadcast_in_dim3A_32 = vector.broadcast %jit3A : f32 to vector<8192x32xf32>
    %select_n3A_33 = arith.select %broadcast_in_dim3A_31, %select_n3A, %broadcast_in_dim3A_32 : vector<8192x32xi1>, vector<8192x32xf32>
    %reduce_sum3A = arith.constant dense<0.000000e+00> : vector<32xf32>
    %reduce_sum3A_34 = vector.multi_reduction <add>, %select_n3A_33, %reduce_sum3A [0] : vector<8192x32xf32> to vector<32xf32>
    %broadcast_in_dim3A_35 = vector.shape_cast %reduce_sum3A_34 : vector<32xf32> to vector<1x32xf32>
    %swap3A_36 = arith.constant 0 : index
    %swap3A_37 = arith.constant 0 : index
    %swap3A_38 = arith.constant 0 : index
    %swap3A_39 = vector.load %arg7[%swap3A_36, %swap3A_37, %swap3A_38] : memref<1x1x32xf32, #tpu.memory_space<vmem>>, vector<1x1x32xf32>
    %swap3A_40 = vector.shape_cast %swap3A_39 : vector<1x1x32xf32> to vector<1x32xf32>
    %swap3A_41 = vector.shape_cast %broadcast_in_dim3A_35 : vector<1x32xf32> to vector<1x1x32xf32>
    tpu.vector_store %arg7[%swap3A_36, %swap3A_37, %swap3A_38], %swap3A_41 {strides = array<i32>} : memref<1x1x32xf32, #tpu.memory_space<vmem>>, vector<1x1x32xf32>,
    %mul3A_42 = arith.mulf %select_n3A_33, %select_n3A_33 : vector<8192x32xf32>
    %reduce_sum3A_43 = arith.constant dense<0.000000e+00> : vector<32xf32>
    %reduce_sum3A_44 = vector.multi_reduction <add>, %mul3A_42, %reduce_sum3A_43 [0] : vector<8192x32xf32> to vector<32xf32>
    %broadcast_in_dim3A_45 = vector.shape_cast %reduce_sum3A_44 : vector<32xf32> to vector<1x32xf32>
    %swap3A_46 = arith.constant 0 : index
    %swap3A_47 = arith.constant 0 : index
    %swap3A_48 = arith.constant 0 : index
    %swap3A_49 = vector.load %arg8[%swap3A_46, %swap3A_47, %swap3A_48] : memref<1x1x32xf32, #tpu.memory_space<vmem>>, vector<1x1x32xf32>
    %swap3A_50 = vector.shape_cast %swap3A_49 : vector<1x1x32xf32> to vector<1x32xf32>
    %swap3A_51 = vector.shape_cast %broadcast_in_dim3A_45 : vector<1x32xf32> to vector<1x1x32xf32>
    tpu.vector_store %arg8[%swap3A_46, %swap3A_47, %swap3A_48], %swap3A_51 {strides = array<i32>} : memref<1x1x32xf32, #tpu.memory_space<vmem>>, vector<1x1x32xf32>,
    return
  }
  func.func @transform_0(%arg0: i32) -> (i32, i32) {
    %c0_i32 = arith.constant 0 : i32
    %c0_i32_0 = arith.constant 0 : i32
    return %arg0, %c0_i32 : i32, i32
  }
  func.func @transform_1(%arg0: i32) -> (i32, i32) {
    %c0_i32 = arith.constant 0 : i32
    %c0_i32_0 = arith.constant 0 : i32
    %c0_i32_1 = arith.constant 0 : i32
    return %c0_i32, %c0_i32_0 : i32, i32
  }
  func.func @transform_2(%arg0: i32) -> (i32, i32) {
    %c0_i32 = arith.constant 0 : i32
    %c0_i32_0 = arith.constant 0 : i32
    %c0_i32_1 = arith.constant 0 : i32
    return %c0_i32, %c0_i32_0 : i32, i32
  }
  func.func @transform_3(%arg0: i32) -> (i32, i32) {
    %c0_i32 = arith.constant 0 : i32
    %c0_i32_0 = arith.constant 0 : i32
    %c0_i32_1 = arith.constant 0 : i32
    return %c0_i32, %c0_i32_0 : i32, i32
  }
  func.func @transform_4(%arg0: i32) -> (i32, i32) {
    %c0_i32 = arith.constant 0 : i32
    %c0_i32_0 = arith.constant 0 : i32
    %c0_i32_1 = arith.constant 0 : i32
    return %c0_i32, %c0_i32_0 : i32, i32
  }
  func.func @transform_5(%arg0: i32) -> (i32, i32) {
    %c0_i32 = arith.constant 0 : i32
    %c0_i32_0 = arith.constant 0 : i32
    return %arg0, %c0_i32 : i32, i32
  }
  func.func @transform_6(%arg0: i32) -> (i32, i32, i32) {
    %c0_i32 = arith.constant 0 : i32
    %c0_i32_0 = arith.constant 0 : i32
    %c0_i32_1 = arith.constant 0 : i32
    return %arg0, %c0_i32, %c0_i32_0 : i32, i32, i32
  }
  func.func @transform_7(%arg0: i32) -> (i32, i32, i32) {
    %c0_i32 = arith.constant 0 : i32
    %c0_i32_0 = arith.constant 0 : i32
    %c0_i32_1 = arith.constant 0 : i32
    return %arg0, %c0_i32, %c0_i32_0 : i32, i32, i32
  }
}

module attributes {stable_mosaic.version = 14 : i64} {
  func.func @_mm_kernel(%arg0: i32, %arg1: memref<8192x32xf32, #tpu.memory_space<vmem>>, %arg2: memref<32x32xf32, #tpu.memory_space<vmem>>, %arg3: memref<1x32xf32, #tpu.memory_space<vmem>>, %arg4: memref<1x32xf32, #tpu.memory_space<vmem>>, %arg5: memref<1x32xf32, #tpu.memory_space<vmem>>, %arg6: memref<8192x32xf32, #tpu.memory_space<vmem>>, %arg7: memref<1x1x32xf32, #tpu.memory_space<vmem>>, %arg8: memref<1x1x32xf32, #tpu.memory_space<vmem>>) attributes {dimension_semantics = [#tpu.dimension_semantics<arbitrary>], iteration_bounds = array<i64: 16>, scalar_prefetch = 0 : i64, scratch_operands = 0 : i64, tpu.core_type = #tpu.core_type<tc>, window_params = [{transform_indices = @transform_0, window_bounds = array<i64: 8192, 32>}, {pipeline_mode = #tpu.pipeline_mode<synchronous>, transform_indices = @transform_1, window_bounds = array<i64: 32, 32>}, {pipeline_mode = #tpu.pipeline_mode<synchronous>, transform_indices = @transform_2, window_bounds = array<i64: 1, 32>}, {pipeline_mode = #tpu.pipeline_mode<synchronous>, transform_indices = @transform_3, window_bounds = array<i64: 1, 32>}, {pipeline_mode = #tpu.pipeline_mode<synchronous>, transform_indices = @transform_4, window_bounds = array<i64: 1, 32>}, {transform_indices = @transform_5, window_bounds = array<i64: 8192, 32>}, {transform_indices = @transform_6, window_bounds = array<i64: 1, 1, 32>}, {transform_indices = @transform_7, window_bounds = array<i64: 1, 1, 32>}]} {
    %get3A = arith.constant 0 : index
    %get3A_0 = arith.constant 0 : index
    %get3A_1 = vector.load %arg1[%get3A, %get3A_0] : memref<8192x32xf32, #tpu.memory_space<vmem>>, vector<8192x32xf32>
    %get3A_2 = arith.constant 0 : index
    %get3A_3 = arith.constant 0 : index
    %get3A_4 = vector.load %arg4[%get3A_2, %get3A_3] : memref<1x32xf32, #tpu.memory_space<vmem>>, vector<1x32xf32>
    %mul3A = vector.broadcast %get3A_4 : vector<1x32xf32> to vector<8192x32xf32>
    %mul3A_5 = arith.mulf %get3A_1, %mul3A : vector<8192x32xf32>
    %get3A_6 = arith.constant 0 : index
    %get3A_7 = arith.constant 0 : index
    %get3A_8 = vector.load %arg5[%get3A_6, %get3A_7] : memref<1x32xf32, #tpu.memory_space<vmem>>, vector<1x32xf32>
    %add3A = vector.broadcast %get3A_8 : vector<1x32xf32> to vector<8192x32xf32>
    %add3A_9 = arith.addf %mul3A_5, %add3A : vector<8192x32xf32>
    %get3A_10 = arith.constant 0 : index
    %get3A_11 = arith.constant 0 : index
    %get3A_12 = vector.load %arg2[%get3A_10, %get3A_11] : memref<32x32xf32, #tpu.memory_space<vmem>>, vector<32x32xf32>
    %dot_general3A = arith.constant dense<0.000000e+00> : vector<8192x32xf32>
    %dot_general3A_13 = tpu.matmul %add3A_9, %get3A_12, %dot_general3A {dimension_numbers = #tpu.dot_dimension_numbers<[1], [0], [0], [1], [0, 0, 1, 1], [], []>, transpose_lhs_hint = false} : vector<8192x32xf32>, vector<32x32xf32>, vector<8192x32xf32> -> vector<8192x32xf32>
    %get3A_14 = arith.constant 0 : index
    %get3A_15 = arith.constant 0 : index
    %get3A_16 = vector.load %arg3[%get3A_14, %get3A_15] : memref<1x32xf32, #tpu.memory_space<vmem>>, vector<1x32xf32>
    %add3A_17 = vector.broadcast %get3A_16 : vector<1x32xf32> to vector<8192x32xf32>
    %add3A_18 = arith.addf %dot_general3A_13, %add3A_17 : vector<8192x32xf32>
    %gt3A = arith.constant 0.000000e+00 : f32
    %gt3A_19 = vector.broadcast %gt3A : f32 to vector<8192x32xf32>
    %gt3A_20 = arith.cmpf ogt, %add3A_18, %gt3A_19 : vector<8192x32xf32>
    %exp3A = math.exp %add3A_18 : vector<8192x32xf32>
    %sub3A = arith.constant 1.000000e+00 : f32
    %sub3A_21 = vector.broadcast %sub3A : f32 to vector<8192x32xf32>
    %sub3A_22 = arith.subf %exp3A, %sub3A_21 : vector<8192x32xf32>
    %select_n3A = arith.select %gt3A_20, %add3A_18, %sub3A_22 : vector<8192x32xi1>, vector<8192x32xf32>
    %swap3A = arith.constant 0 : index
    %swap3A_23 = arith.constant 0 : index
    %swap3A_24 = vector.load %arg6[%swap3A, %swap3A_23] : memref<8192x32xf32, #tpu.memory_space<vmem>>, vector<8192x32xf32>
    tpu.vector_store %arg6[%swap3A, %swap3A_23], %select_n3A {strides = array<i32>} : memref<8192x32xf32, #tpu.memory_space<vmem>>, vector<8192x32xf32>,
    %mul3A_25 = arith.constant 8192 : i32
    %mul3A_26 = arith.muli %arg0, %mul3A_25 : i32
    %iota3A = tpu.iota {dimensions = array<i32: 0>} : vector<8192x1xi32>
    %add3A_27 = vector.broadcast %mul3A_26 : i32 to vector<8192x1xi32>
    %add3A_28 = arith.addi %add3A_27, %iota3A : vector<8192x1xi32>
    %lt3A = arith.constant 131072 : i32
    %lt3A_29 = vector.broadcast %lt3A : i32 to vector<8192x1xi32>
    %lt3A_30 = arith.cmpi slt, %add3A_28, %lt3A_29 : vector<8192x1xi32>
    %jit3A = arith.constant 0.000000e+00 : f32
    %broadcast_in_dim3A = vector.shape_cast %lt3A_30 : vector<8192x1xi1> to vector<8192x1xi1>
    %broadcast_in_dim3A_31 = vector.broadcast %broadcast_in_dim3A : vector<8192x1xi1> to vector<8192x32xi1>
    %broadcast_in_dim3A_32 = vector.broadcast %jit3A : f32 to vector<8192x32xf32>
    %select_n3A_33 = arith.select %broadcast_in_dim3A_31, %select_n3A, %broadcast_in_dim3A_32 : vector<8192x32xi1>, vector<8192x32xf32>
    %reduce_sum3A = arith.constant dense<0.000000e+00> : vector<32xf32>
    %reduce_sum3A_34 = vector.multi_reduction <add>, %select_n3A_33, %reduce_sum3A [0] : vector<8192x32xf32> to vector<32xf32>
    %broadcast_in_dim3A_35 = vector.shape_cast %reduce_sum3A_34 : vector<32xf32> to vector<1x32xf32>
    %swap3A_36 = arith.constant 0 : index
    %swap3A_37 = arith.constant 0 : index
    %swap3A_38 = arith.constant 0 : index
    %swap3A_39 = vector.load %arg7[%swap3A_36, %swap3A_37, %swap3A_38] : memref<1x1x32xf32, #tpu.memory_space<vmem>>, vector<1x1x32xf32>
    %swap3A_40 = vector.shape_cast %swap3A_39 : vector<1x1x32xf32> to vector<1x32xf32>
    %swap3A_41 = vector.shape_cast %broadcast_in_dim3A_35 : vector<1x32xf32> to vector<1x1x32xf32>
    tpu.vector_store %arg7[%swap3A_36, %swap3A_37, %swap3A_38], %swap3A_41 {strides = array<i32>} : memref<1x1x32xf32, #tpu.memory_space<vmem>>, vector<1x1x32xf32>,
    %mul3A_42 = arith.mulf %select_n3A_33, %select_n3A_33 : vector<8192x32xf32>
    %reduce_sum3A_43 = arith.constant dense<0.000000e+00> : vector<32xf32>
    %reduce_sum3A_44 = vector.multi_reduction <add>, %mul3A_42, %reduce_sum3A_43 [0] : vector<8192x32xf32> to vector<32xf32>
    %broadcast_in_dim3A_45 = vector.shape_cast %reduce_sum3A_44 : vector<32xf32> to vector<1x32xf32>
    %swap3A_46 = arith.constant 0 : index
    %swap3A_47 = arith.constant 0 : index
    %swap3A_48 = arith.constant 0 : index
    %swap3A_49 = vector.load %arg8[%swap3A_46, %swap3A_47, %swap3A_48] : memref<1x1x32xf32, #tpu.memory_space<vmem>>, vector<1x1x32xf32>
    %swap3A_50 = vector.shape_cast %swap3A_49 : vector<1x1x32xf32> to vector<1x32xf32>
    %swap3A_51 = vector.shape_cast %broadcast_in_dim3A_45 : vector<1x32xf32> to vector<1x1x32xf32>
    tpu.vector_store %arg8[%swap3A_46, %swap3A_47, %swap3A_48], %swap3A_51 {strides = array<i32>} : memref<1x1x32xf32, #tpu.memory_space<vmem>>, vector<1x1x32xf32>,
    return
  }
  func.func @transform_0(%arg0: i32) -> (i32, i32) {
    %c0_i32 = arith.constant 0 : i32
    %c0_i32_0 = arith.constant 0 : i32
    return %arg0, %c0_i32 : i32, i32
  }
  func.func @transform_1(%arg0: i32) -> (i32, i32) {
    %c0_i32 = arith.constant 0 : i32
    %c0_i32_0 = arith.constant 0 : i32
    %c0_i32_1 = arith.constant 0 : i32
    return %c0_i32, %c0_i32_0 : i32, i32
  }
  func.func @transform_2(%arg0: i32) -> (i32, i32) {
    %c0_i32 = arith.constant 0 : i32
    %c0_i32_0 = arith.constant 0 : i32
    %c0_i32_1 = arith.constant 0 : i32
    return %c0_i32, %c0_i32_0 : i32, i32
  }
  func.func @transform_3(%arg0: i32) -> (i32, i32) {
    %c0_i32 = arith.constant 0 : i32
    %c0_i32_0 = arith.constant 0 : i32
    %c0_i32_1 = arith.constant 0 : i32
    return %c0_i32, %c0_i32_0 : i32, i32
  }
  func.func @transform_4(%arg0: i32) -> (i32, i32) {
    %c0_i32 = arith.constant 0 : i32
    %c0_i32_0 = arith.constant 0 : i32
    %c0_i32_1 = arith.constant 0 : i32
    return %c0_i32, %c0_i32_0 : i32, i32
  }
  func.func @transform_5(%arg0: i32) -> (i32, i32) {
    %c0_i32 = arith.constant 0 : i32
    %c0_i32_0 = arith.constant 0 : i32
    return %arg0, %c0_i32 : i32, i32
  }
  func.func @transform_6(%arg0: i32) -> (i32, i32, i32) {
    %c0_i32 = arith.constant 0 : i32
    %c0_i32_0 = arith.constant 0 : i32
    %c0_i32_1 = arith.constant 0 : i32
    return %arg0, %c0_i32, %c0_i32_0 : i32, i32, i32
  }
  func.func @transform_7(%arg0: i32) -> (i32, i32, i32) {
    %c0_i32 = arith.constant 0 : i32
    %c0_i32_0 = arith.constant 0 : i32
    %c0_i32_1 = arith.constant 0 : i32
    return %arg0, %c0_i32, %c0_i32_0 : i32, i32, i32
  }
}

module attributes {stable_mosaic.version = 14 : i64} {
  func.func @_fin_kernel(%arg0: i32, %arg1: memref<8192x32xf32, #tpu.memory_space<vmem>>, %arg2: memref<8192x8xf32, #tpu.memory_space<vmem>>, %arg3: memref<8192x3xf32, #tpu.memory_space<vmem>>, %arg4: memref<1x32xf32, #tpu.memory_space<vmem>>, %arg5: memref<1x32xf32, #tpu.memory_space<vmem>>, %arg6: memref<8x32xf32, #tpu.memory_space<vmem>>, %arg7: memref<8x3xf32, #tpu.memory_space<vmem>>, %arg8: memref<32x32xf32, #tpu.memory_space<vmem>>, %arg9: memref<3x32xf32, #tpu.memory_space<vmem>>, %arg10: memref<1x32xf32, #tpu.memory_space<vmem>>, %arg11: memref<1024x32xf32, #tpu.memory_space<vmem>>, %arg12: memref<1x1x32xf32, #tpu.memory_space<vmem>>, %arg13: memref<1x1x32xf32, #tpu.memory_space<vmem>>) attributes {dimension_semantics = [#tpu.dimension_semantics<arbitrary>], iteration_bounds = array<i64: 16>, scalar_prefetch = 0 : i64, scratch_operands = 0 : i64, tpu.core_type = #tpu.core_type<tc>, window_params = [{transform_indices = @transform_0, window_bounds = array<i64: 8192, 32>}, {transform_indices = @transform_1, window_bounds = array<i64: 8192, 8>}, {transform_indices = @transform_2, window_bounds = array<i64: 8192, 3>}, {pipeline_mode = #tpu.pipeline_mode<synchronous>, transform_indices = @transform_3, window_bounds = array<i64: 1, 32>}, {pipeline_mode = #tpu.pipeline_mode<synchronous>, transform_indices = @transform_4, window_bounds = array<i64: 1, 32>}, {pipeline_mode = #tpu.pipeline_mode<synchronous>, transform_indices = @transform_5, window_bounds = array<i64: 8, 32>}, {pipeline_mode = #tpu.pipeline_mode<synchronous>, transform_indices = @transform_6, window_bounds = array<i64: 8, 3>}, {pipeline_mode = #tpu.pipeline_mode<synchronous>, transform_indices = @transform_7, window_bounds = array<i64: 32, 32>}, {pipeline_mode = #tpu.pipeline_mode<synchronous>, transform_indices = @transform_8, window_bounds = array<i64: 3, 32>}, {pipeline_mode = #tpu.pipeline_mode<synchronous>, transform_indices = @transform_9, window_bounds = array<i64: 1, 32>}, {transform_indices = @transform_10, window_bounds = array<i64: 1024, 32>}, {transform_indices = @transform_11, window_bounds = array<i64: 1, 1, 32>}, {transform_indices = @transform_12, window_bounds = array<i64: 1, 1, 32>}]} {
    %get3A = arith.constant 0 : index
    %get3A_0 = arith.constant 0 : index
    %get3A_1 = vector.load %arg1[%get3A, %get3A_0] : memref<8192x32xf32, #tpu.memory_space<vmem>>, vector<8192x32xf32>
    %get3A_2 = arith.constant 0 : index
    %get3A_3 = arith.constant 0 : index
    %get3A_4 = vector.load %arg4[%get3A_2, %get3A_3] : memref<1x32xf32, #tpu.memory_space<vmem>>, vector<1x32xf32>
    %mul3A = vector.broadcast %get3A_4 : vector<1x32xf32> to vector<8192x32xf32>
    %mul3A_5 = arith.mulf %get3A_1, %mul3A : vector<8192x32xf32>
    %get3A_6 = arith.constant 0 : index
    %get3A_7 = arith.constant 0 : index
    %get3A_8 = vector.load %arg5[%get3A_6, %get3A_7] : memref<1x32xf32, #tpu.memory_space<vmem>>, vector<1x32xf32>
    %add3A = vector.broadcast %get3A_8 : vector<1x32xf32> to vector<8192x32xf32>
    %add3A_9 = arith.addf %mul3A_5, %add3A : vector<8192x32xf32>
    %get3A_10 = arith.constant 0 : index
    %get3A_11 = arith.constant 0 : index
    %get3A_12 = vector.load %arg2[%get3A_10, %get3A_11] : memref<8192x8xf32, #tpu.memory_space<vmem>>, vector<8192x8xf32>
    %get3A_13 = arith.constant 0 : index
    %get3A_14 = arith.constant 0 : index
    %get3A_15 = vector.load %arg6[%get3A_13, %get3A_14] : memref<8x32xf32, #tpu.memory_space<vmem>>, vector<8x32xf32>
    %dot_general3A = arith.constant dense<0.000000e+00> : vector<8192x32xf32>
    %dot_general3A_16 = tpu.matmul %get3A_12, %get3A_15, %dot_general3A {dimension_numbers = #tpu.dot_dimension_numbers<[1], [0], [0], [1], [0, 0, 1, 1], [], []>, transpose_lhs_hint = false} : vector<8192x8xf32>, vector<8x32xf32>, vector<8192x32xf32> -> vector<8192x32xf32>
    %get3A_17 = arith.constant 0 : index
    %get3A_18 = arith.constant 0 : index
    %get3A_19 = vector.load %arg7[%get3A_17, %get3A_18] : memref<8x3xf32, #tpu.memory_space<vmem>>, vector<8x3xf32>
    %dot_general3A_20 = arith.constant dense<0.000000e+00> : vector<8192x3xf32>
    %dot_general3A_21 = tpu.matmul %get3A_12, %get3A_19, %dot_general3A_20 {dimension_numbers = #tpu.dot_dimension_numbers<[1], [0], [0], [1], [0, 0, 1, 1], [], []>, transpose_lhs_hint = false} : vector<8192x8xf32>, vector<8x3xf32>, vector<8192x3xf32> -> vector<8192x3xf32>
    %mul3A_22 = arith.mulf %add3A_9, %dot_general3A_16 : vector<8192x32xf32>
    %reshape3A = vector.shape_cast %mul3A_22 : vector<8192x32xf32> to vector<1024x8x32xf32>
    %reduce_sum3A = arith.constant dense<0.000000e+00> : vector<1024x32xf32>
    %reduce_sum3A_23 = vector.multi_reduction <add>, %reshape3A, %reduce_sum3A [1] : vector<1024x8x32xf32> to vector<1024x32xf32>
    %get3A_24 = arith.constant 0 : index
    %get3A_25 = arith.constant 0 : index
    %get3A_26 = vector.load %arg3[%get3A_24, %get3A_25] : memref<8192x3xf32, #tpu.memory_space<vmem>>, vector<8192x3xf32>
    %mul3A_27 = arith.mulf %get3A_26, %dot_general3A_21 : vector<8192x3xf32>
    %reshape3A_28 = vector.shape_cast %mul3A_27 : vector<8192x3xf32> to vector<1024x8x3xf32>
    %reduce_sum3A_29 = arith.constant dense<0.000000e+00> : vector<1024x3xf32>
    %reduce_sum3A_30 = vector.multi_reduction <add>, %reshape3A_28, %reduce_sum3A_29 [1] : vector<1024x8x3xf32> to vector<1024x3xf32>
    %get3A_31 = arith.constant 0 : index
    %get3A_32 = arith.constant 0 : index
    %get3A_33 = vector.load %arg8[%get3A_31, %get3A_32] : memref<32x32xf32, #tpu.memory_space<vmem>>, vector<32x32xf32>
    %dot_general3A_34 = arith.constant dense<0.000000e+00> : vector<1024x32xf32>
    %dot_general3A_35 = tpu.matmul %reduce_sum3A_23, %get3A_33, %dot_general3A_34 {dimension_numbers = #tpu.dot_dimension_numbers<[1], [0], [0], [1], [0, 0, 1, 1], [], []>, transpose_lhs_hint = false} : vector<1024x32xf32>, vector<32x32xf32>, vector<1024x32xf32> -> vector<1024x32xf32>
    %get3A_36 = arith.constant 0 : index
    %get3A_37 = arith.constant 0 : index
    %get3A_38 = vector.load %arg9[%get3A_36, %get3A_37] : memref<3x32xf32, #tpu.memory_space<vmem>>, vector<3x32xf32>
    %dot_general3A_39 = arith.constant dense<0.000000e+00> : vector<1024x32xf32>
    %dot_general3A_40 = tpu.matmul %reduce_sum3A_30, %get3A_38, %dot_general3A_39 {dimension_numbers = #tpu.dot_dimension_numbers<[1], [0], [0], [1], [0, 0, 1, 1], [], []>, transpose_lhs_hint = false} : vector<1024x3xf32>, vector<3x32xf32>, vector<1024x32xf32> -> vector<1024x32xf32>
    %add3A_41 = arith.addf %dot_general3A_35, %dot_general3A_40 : vector<1024x32xf32>
    %get3A_42 = arith.constant 0 : index
    %get3A_43 = arith.constant 0 : index
    %get3A_44 = vector.load %arg10[%get3A_42, %get3A_43] : memref<1x32xf32, #tpu.memory_space<vmem>>, vector<1x32xf32>
    %add3A_45 = vector.broadcast %get3A_44 : vector<1x32xf32> to vector<1024x32xf32>
    %add3A_46 = arith.addf %add3A_41, %add3A_45 : vector<1024x32xf32>
    %swap3A = arith.constant 0 : index
    %swap3A_47 = arith.constant 0 : index
    %swap3A_48 = vector.load %arg11[%swap3A, %swap3A_47] : memref<1024x32xf32, #tpu.memory_space<vmem>>, vector<1024x32xf32>
    tpu.vector_store %arg11[%swap3A, %swap3A_47], %add3A_46 {strides = array<i32>} : memref<1024x32xf32, #tpu.memory_space<vmem>>, vector<1024x32xf32>,
    %mul3A_49 = arith.constant 1024 : i32
    %mul3A_50 = arith.muli %arg0, %mul3A_49 : i32
    %iota3A = tpu.iota {dimensions = array<i32: 0>} : vector<1024x1xi32>
    %add3A_51 = vector.broadcast %mul3A_50 : i32 to vector<1024x1xi32>
    %add3A_52 = arith.addi %add3A_51, %iota3A : vector<1024x1xi32>
    %lt3A = arith.constant 16384 : i32
    %lt3A_53 = vector.broadcast %lt3A : i32 to vector<1024x1xi32>
    %lt3A_54 = arith.cmpi slt, %add3A_52, %lt3A_53 : vector<1024x1xi32>
    %jit3A = arith.constant 0.000000e+00 : f32
    %broadcast_in_dim3A = vector.shape_cast %lt3A_54 : vector<1024x1xi1> to vector<1024x1xi1>
    %broadcast_in_dim3A_55 = vector.broadcast %broadcast_in_dim3A : vector<1024x1xi1> to vector<1024x32xi1>
    %broadcast_in_dim3A_56 = vector.broadcast %jit3A : f32 to vector<1024x32xf32>
    %select_n3A = arith.select %broadcast_in_dim3A_55, %add3A_46, %broadcast_in_dim3A_56 : vector<1024x32xi1>, vector<1024x32xf32>
    %reduce_sum3A_57 = arith.constant dense<0.000000e+00> : vector<32xf32>
    %reduce_sum3A_58 = vector.multi_reduction <add>, %select_n3A, %reduce_sum3A_57 [0] : vector<1024x32xf32> to vector<32xf32>
    %broadcast_in_dim3A_59 = vector.shape_cast %reduce_sum3A_58 : vector<32xf32> to vector<1x32xf32>
    %swap3A_60 = arith.constant 0 : index
    %swap3A_61 = arith.constant 0 : index
    %swap3A_62 = arith.constant 0 : index
    %swap3A_63 = vector.load %arg12[%swap3A_60, %swap3A_61, %swap3A_62] : memref<1x1x32xf32, #tpu.memory_space<vmem>>, vector<1x1x32xf32>
    %swap3A_64 = vector.shape_cast %swap3A_63 : vector<1x1x32xf32> to vector<1x32xf32>
    %swap3A_65 = vector.shape_cast %broadcast_in_dim3A_59 : vector<1x32xf32> to vector<1x1x32xf32>
    tpu.vector_store %arg12[%swap3A_60, %swap3A_61, %swap3A_62], %swap3A_65 {strides = array<i32>} : memref<1x1x32xf32, #tpu.memory_space<vmem>>, vector<1x1x32xf32>,
    %mul3A_66 = arith.mulf %select_n3A, %select_n3A : vector<1024x32xf32>
    %reduce_sum3A_67 = arith.constant dense<0.000000e+00> : vector<32xf32>
    %reduce_sum3A_68 = vector.multi_reduction <add>, %mul3A_66, %reduce_sum3A_67 [0] : vector<1024x32xf32> to vector<32xf32>
    %broadcast_in_dim3A_69 = vector.shape_cast %reduce_sum3A_68 : vector<32xf32> to vector<1x32xf32>
    %swap3A_70 = arith.constant 0 : index
    %swap3A_71 = arith.constant 0 : index
    %swap3A_72 = arith.constant 0 : index
    %swap3A_73 = vector.load %arg13[%swap3A_70, %swap3A_71, %swap3A_72] : memref<1x1x32xf32, #tpu.memory_space<vmem>>, vector<1x1x32xf32>
    %swap3A_74 = vector.shape_cast %swap3A_73 : vector<1x1x32xf32> to vector<1x32xf32>
    %swap3A_75 = vector.shape_cast %broadcast_in_dim3A_69 : vector<1x32xf32> to vector<1x1x32xf32>
    tpu.vector_store %arg13[%swap3A_70, %swap3A_71, %swap3A_72], %swap3A_75 {strides = array<i32>} : memref<1x1x32xf32, #tpu.memory_space<vmem>>, vector<1x1x32xf32>,
    return
  }
  func.func @transform_0(%arg0: i32) -> (i32, i32) {
    %c0_i32 = arith.constant 0 : i32
    %c0_i32_0 = arith.constant 0 : i32
    return %arg0, %c0_i32 : i32, i32
  }
  func.func @transform_1(%arg0: i32) -> (i32, i32) {
    %c0_i32 = arith.constant 0 : i32
    %c0_i32_0 = arith.constant 0 : i32
    return %arg0, %c0_i32 : i32, i32
  }
  func.func @transform_2(%arg0: i32) -> (i32, i32) {
    %c0_i32 = arith.constant 0 : i32
    %c0_i32_0 = arith.constant 0 : i32
    return %arg0, %c0_i32 : i32, i32
  }
  func.func @transform_3(%arg0: i32) -> (i32, i32) {
    %c0_i32 = arith.constant 0 : i32
    %c0_i32_0 = arith.constant 0 : i32
    %c0_i32_1 = arith.constant 0 : i32
    return %c0_i32, %c0_i32_0 : i32, i32
  }
  func.func @transform_4(%arg0: i32) -> (i32, i32) {
    %c0_i32 = arith.constant 0 : i32
    %c0_i32_0 = arith.constant 0 : i32
    %c0_i32_1 = arith.constant 0 : i32
    return %c0_i32, %c0_i32_0 : i32, i32
  }
  func.func @transform_5(%arg0: i32) -> (i32, i32) {
    %c0_i32 = arith.constant 0 : i32
    %c0_i32_0 = arith.constant 0 : i32
    %c0_i32_1 = arith.constant 0 : i32
    return %c0_i32, %c0_i32_0 : i32, i32
  }
  func.func @transform_6(%arg0: i32) -> (i32, i32) {
    %c0_i32 = arith.constant 0 : i32
    %c0_i32_0 = arith.constant 0 : i32
    %c0_i32_1 = arith.constant 0 : i32
    return %c0_i32, %c0_i32_0 : i32, i32
  }
  func.func @transform_7(%arg0: i32) -> (i32, i32) {
    %c0_i32 = arith.constant 0 : i32
    %c0_i32_0 = arith.constant 0 : i32
    %c0_i32_1 = arith.constant 0 : i32
    return %c0_i32, %c0_i32_0 : i32, i32
  }
  func.func @transform_8(%arg0: i32) -> (i32, i32) {
    %c0_i32 = arith.constant 0 : i32
    %c0_i32_0 = arith.constant 0 : i32
    %c0_i32_1 = arith.constant 0 : i32
    return %c0_i32, %c0_i32_0 : i32, i32
  }
  func.func @transform_9(%arg0: i32) -> (i32, i32) {
    %c0_i32 = arith.constant 0 : i32
    %c0_i32_0 = arith.constant 0 : i32
    %c0_i32_1 = arith.constant 0 : i32
    return %c0_i32, %c0_i32_0 : i32, i32
  }
  func.func @transform_10(%arg0: i32) -> (i32, i32) {
    %c0_i32 = arith.constant 0 : i32
    %c0_i32_0 = arith.constant 0 : i32
    return %arg0, %c0_i32 : i32, i32
  }
  func.func @transform_11(%arg0: i32) -> (i32, i32, i32) {
    %c0_i32 = arith.constant 0 : i32
    %c0_i32_0 = arith.constant 0 : i32
    %c0_i32_1 = arith.constant 0 : i32
    return %arg0, %c0_i32, %c0_i32_0 : i32, i32, i32
  }
  func.func @transform_12(%arg0: i32) -> (i32, i32, i32) {
    %c0_i32 = arith.constant 0 : i32
    %c0_i32_0 = arith.constant 0 : i32
    %c0_i32_1 = arith.constant 0 : i32
    return %arg0, %c0_i32, %c0_i32_0 : i32, i32, i32
  }
}

module attributes {stable_mosaic.version = 14 : i64} {
  func.func @_mm_kernel(%arg0: i32, %arg1: memref<2560x128xf32, #tpu.memory_space<vmem>>, %arg2: memref<128x128xf32, #tpu.memory_space<vmem>>, %arg3: memref<1x128xf32, #tpu.memory_space<vmem>>, %arg4: memref<1x128xf32, #tpu.memory_space<vmem>>, %arg5: memref<1x128xf32, #tpu.memory_space<vmem>>, %arg6: memref<2560x128xf32, #tpu.memory_space<vmem>>, %arg7: memref<1x1x128xf32, #tpu.memory_space<vmem>>, %arg8: memref<1x1x128xf32, #tpu.memory_space<vmem>>) attributes {dimension_semantics = [#tpu.dimension_semantics<arbitrary>], iteration_bounds = array<i64: 4>, scalar_prefetch = 0 : i64, scratch_operands = 0 : i64, tpu.core_type = #tpu.core_type<tc>, window_params = [{transform_indices = @transform_0, window_bounds = array<i64: 2560, 128>}, {pipeline_mode = #tpu.pipeline_mode<synchronous>, transform_indices = @transform_1, window_bounds = array<i64: 128, 128>}, {pipeline_mode = #tpu.pipeline_mode<synchronous>, transform_indices = @transform_2, window_bounds = array<i64: 1, 128>}, {pipeline_mode = #tpu.pipeline_mode<synchronous>, transform_indices = @transform_3, window_bounds = array<i64: 1, 128>}, {pipeline_mode = #tpu.pipeline_mode<synchronous>, transform_indices = @transform_4, window_bounds = array<i64: 1, 128>}, {transform_indices = @transform_5, window_bounds = array<i64: 2560, 128>}, {transform_indices = @transform_6, window_bounds = array<i64: 1, 1, 128>}, {transform_indices = @transform_7, window_bounds = array<i64: 1, 1, 128>}]} {
    %get3A = arith.constant 0 : index
    %get3A_0 = arith.constant 0 : index
    %get3A_1 = vector.load %arg1[%get3A, %get3A_0] : memref<2560x128xf32, #tpu.memory_space<vmem>>, vector<2560x128xf32>
    %get3A_2 = arith.constant 0 : index
    %get3A_3 = arith.constant 0 : index
    %get3A_4 = vector.load %arg4[%get3A_2, %get3A_3] : memref<1x128xf32, #tpu.memory_space<vmem>>, vector<1x128xf32>
    %mul3A = vector.broadcast %get3A_4 : vector<1x128xf32> to vector<2560x128xf32>
    %mul3A_5 = arith.mulf %get3A_1, %mul3A : vector<2560x128xf32>
    %get3A_6 = arith.constant 0 : index
    %get3A_7 = arith.constant 0 : index
    %get3A_8 = vector.load %arg5[%get3A_6, %get3A_7] : memref<1x128xf32, #tpu.memory_space<vmem>>, vector<1x128xf32>
    %add3A = vector.broadcast %get3A_8 : vector<1x128xf32> to vector<2560x128xf32>
    %add3A_9 = arith.addf %mul3A_5, %add3A : vector<2560x128xf32>
    %get3A_10 = arith.constant 0 : index
    %get3A_11 = arith.constant 0 : index
    %get3A_12 = vector.load %arg2[%get3A_10, %get3A_11] : memref<128x128xf32, #tpu.memory_space<vmem>>, vector<128x128xf32>
    %dot_general3A = arith.constant dense<0.000000e+00> : vector<2560x128xf32>
    %dot_general3A_13 = tpu.matmul %add3A_9, %get3A_12, %dot_general3A {dimension_numbers = #tpu.dot_dimension_numbers<[1], [0], [0], [1], [0, 0, 1, 1], [], []>, transpose_lhs_hint = false} : vector<2560x128xf32>, vector<128x128xf32>, vector<2560x128xf32> -> vector<2560x128xf32>
    %get3A_14 = arith.constant 0 : index
    %get3A_15 = arith.constant 0 : index
    %get3A_16 = vector.load %arg3[%get3A_14, %get3A_15] : memref<1x128xf32, #tpu.memory_space<vmem>>, vector<1x128xf32>
    %add3A_17 = vector.broadcast %get3A_16 : vector<1x128xf32> to vector<2560x128xf32>
    %add3A_18 = arith.addf %dot_general3A_13, %add3A_17 : vector<2560x128xf32>
    %gt3A = arith.constant 0.000000e+00 : f32
    %gt3A_19 = vector.broadcast %gt3A : f32 to vector<2560x128xf32>
    %gt3A_20 = arith.cmpf ogt, %add3A_18, %gt3A_19 : vector<2560x128xf32>
    %exp3A = math.exp %add3A_18 : vector<2560x128xf32>
    %sub3A = arith.constant 1.000000e+00 : f32
    %sub3A_21 = vector.broadcast %sub3A : f32 to vector<2560x128xf32>
    %sub3A_22 = arith.subf %exp3A, %sub3A_21 : vector<2560x128xf32>
    %select_n3A = arith.select %gt3A_20, %add3A_18, %sub3A_22 : vector<2560x128xi1>, vector<2560x128xf32>
    %swap3A = arith.constant 0 : index
    %swap3A_23 = arith.constant 0 : index
    %swap3A_24 = vector.load %arg6[%swap3A, %swap3A_23] : memref<2560x128xf32, #tpu.memory_space<vmem>>, vector<2560x128xf32>
    tpu.vector_store %arg6[%swap3A, %swap3A_23], %select_n3A {strides = array<i32>} : memref<2560x128xf32, #tpu.memory_space<vmem>>, vector<2560x128xf32>,
    %mul3A_25 = arith.constant 2560 : i32
    %mul3A_26 = arith.muli %arg0, %mul3A_25 : i32
    %iota3A = tpu.iota {dimensions = array<i32: 0>} : vector<2560x1xi32>
    %add3A_27 = vector.broadcast %mul3A_26 : i32 to vector<2560x1xi32>
    %add3A_28 = arith.addi %add3A_27, %iota3A : vector<2560x1xi32>
    %lt3A = arith.constant 9472 : i32
    %lt3A_29 = vector.broadcast %lt3A : i32 to vector<2560x1xi32>
    %lt3A_30 = arith.cmpi slt, %add3A_28, %lt3A_29 : vector<2560x1xi32>
    %jit3A = arith.constant 0.000000e+00 : f32
    %broadcast_in_dim3A = vector.shape_cast %lt3A_30 : vector<2560x1xi1> to vector<2560x1xi1>
    %broadcast_in_dim3A_31 = vector.broadcast %broadcast_in_dim3A : vector<2560x1xi1> to vector<2560x128xi1>
    %broadcast_in_dim3A_32 = vector.broadcast %jit3A : f32 to vector<2560x128xf32>
    %select_n3A_33 = arith.select %broadcast_in_dim3A_31, %select_n3A, %broadcast_in_dim3A_32 : vector<2560x128xi1>, vector<2560x128xf32>
    %reduce_sum3A = arith.constant dense<0.000000e+00> : vector<128xf32>
    %reduce_sum3A_34 = vector.multi_reduction <add>, %select_n3A_33, %reduce_sum3A [0] : vector<2560x128xf32> to vector<128xf32>
    %broadcast_in_dim3A_35 = vector.shape_cast %reduce_sum3A_34 : vector<128xf32> to vector<1x128xf32>
    %swap3A_36 = arith.constant 0 : index
    %swap3A_37 = arith.constant 0 : index
    %swap3A_38 = arith.constant 0 : index
    %swap3A_39 = vector.load %arg7[%swap3A_36, %swap3A_37, %swap3A_38] : memref<1x1x128xf32, #tpu.memory_space<vmem>>, vector<1x1x128xf32>
    %swap3A_40 = vector.shape_cast %swap3A_39 : vector<1x1x128xf32> to vector<1x128xf32>
    %swap3A_41 = vector.shape_cast %broadcast_in_dim3A_35 : vector<1x128xf32> to vector<1x1x128xf32>
    tpu.vector_store %arg7[%swap3A_36, %swap3A_37, %swap3A_38], %swap3A_41 {strides = array<i32>} : memref<1x1x128xf32, #tpu.memory_space<vmem>>, vector<1x1x128xf32>,
    %mul3A_42 = arith.mulf %select_n3A_33, %select_n3A_33 : vector<2560x128xf32>
    %reduce_sum3A_43 = arith.constant dense<0.000000e+00> : vector<128xf32>
    %reduce_sum3A_44 = vector.multi_reduction <add>, %mul3A_42, %reduce_sum3A_43 [0] : vector<2560x128xf32> to vector<128xf32>
    %broadcast_in_dim3A_45 = vector.shape_cast %reduce_sum3A_44 : vector<128xf32> to vector<1x128xf32>
    %swap3A_46 = arith.constant 0 : index
    %swap3A_47 = arith.constant 0 : index
    %swap3A_48 = arith.constant 0 : index
    %swap3A_49 = vector.load %arg8[%swap3A_46, %swap3A_47, %swap3A_48] : memref<1x1x128xf32, #tpu.memory_space<vmem>>, vector<1x1x128xf32>
    %swap3A_50 = vector.shape_cast %swap3A_49 : vector<1x1x128xf32> to vector<1x128xf32>
    %swap3A_51 = vector.shape_cast %broadcast_in_dim3A_45 : vector<1x128xf32> to vector<1x1x128xf32>
    tpu.vector_store %arg8[%swap3A_46, %swap3A_47, %swap3A_48], %swap3A_51 {strides = array<i32>} : memref<1x1x128xf32, #tpu.memory_space<vmem>>, vector<1x1x128xf32>,
    return
  }
  func.func @transform_0(%arg0: i32) -> (i32, i32) {
    %c0_i32 = arith.constant 0 : i32
    %c0_i32_0 = arith.constant 0 : i32
    return %arg0, %c0_i32 : i32, i32
  }
  func.func @transform_1(%arg0: i32) -> (i32, i32) {
    %c0_i32 = arith.constant 0 : i32
    %c0_i32_0 = arith.constant 0 : i32
    %c0_i32_1 = arith.constant 0 : i32
    return %c0_i32, %c0_i32_0 : i32, i32
  }
  func.func @transform_2(%arg0: i32) -> (i32, i32) {
    %c0_i32 = arith.constant 0 : i32
    %c0_i32_0 = arith.constant 0 : i32
    %c0_i32_1 = arith.constant 0 : i32
    return %c0_i32, %c0_i32_0 : i32, i32
  }
  func.func @transform_3(%arg0: i32) -> (i32, i32) {
    %c0_i32 = arith.constant 0 : i32
    %c0_i32_0 = arith.constant 0 : i32
    %c0_i32_1 = arith.constant 0 : i32
    return %c0_i32, %c0_i32_0 : i32, i32
  }
  func.func @transform_4(%arg0: i32) -> (i32, i32) {
    %c0_i32 = arith.constant 0 : i32
    %c0_i32_0 = arith.constant 0 : i32
    %c0_i32_1 = arith.constant 0 : i32
    return %c0_i32, %c0_i32_0 : i32, i32
  }
  func.func @transform_5(%arg0: i32) -> (i32, i32) {
    %c0_i32 = arith.constant 0 : i32
    %c0_i32_0 = arith.constant 0 : i32
    return %arg0, %c0_i32 : i32, i32
  }
  func.func @transform_6(%arg0: i32) -> (i32, i32, i32) {
    %c0_i32 = arith.constant 0 : i32
    %c0_i32_0 = arith.constant 0 : i32
    %c0_i32_1 = arith.constant 0 : i32
    return %arg0, %c0_i32, %c0_i32_0 : i32, i32, i32
  }
  func.func @transform_7(%arg0: i32) -> (i32, i32, i32) {
    %c0_i32 = arith.constant 0 : i32
    %c0_i32_0 = arith.constant 0 : i32
    %c0_i32_1 = arith.constant 0 : i32
    return %arg0, %c0_i32, %c0_i32_0 : i32, i32, i32
  }
}

module attributes {stable_mosaic.version = 14 : i64} {
  func.func @_fin_kernel(%arg0: i32, %arg1: memref<4096x64xf32, #tpu.memory_space<vmem>>, %arg2: memref<4096x8xf32, #tpu.memory_space<vmem>>, %arg3: memref<4096x32xf32, #tpu.memory_space<vmem>>, %arg4: memref<1x64xf32, #tpu.memory_space<vmem>>, %arg5: memref<1x64xf32, #tpu.memory_space<vmem>>, %arg6: memref<8x64xf32, #tpu.memory_space<vmem>>, %arg7: memref<8x32xf32, #tpu.memory_space<vmem>>, %arg8: memref<64x64xf32, #tpu.memory_space<vmem>>, %arg9: memref<32x64xf32, #tpu.memory_space<vmem>>, %arg10: memref<1x64xf32, #tpu.memory_space<vmem>>, %arg11: memref<512x64xf32, #tpu.memory_space<vmem>>, %arg12: memref<1x1x64xf32, #tpu.memory_space<vmem>>, %arg13: memref<1x1x64xf32, #tpu.memory_space<vmem>>) attributes {dimension_semantics = [#tpu.dimension_semantics<arbitrary>], iteration_bounds = array<i64: 11>, scalar_prefetch = 0 : i64, scratch_operands = 0 : i64, tpu.core_type = #tpu.core_type<tc>, window_params = [{transform_indices = @transform_0, window_bounds = array<i64: 4096, 64>}, {transform_indices = @transform_1, window_bounds = array<i64: 4096, 8>}, {transform_indices = @transform_2, window_bounds = array<i64: 4096, 32>}, {pipeline_mode = #tpu.pipeline_mode<synchronous>, transform_indices = @transform_3, window_bounds = array<i64: 1, 64>}, {pipeline_mode = #tpu.pipeline_mode<synchronous>, transform_indices = @transform_4, window_bounds = array<i64: 1, 64>}, {pipeline_mode = #tpu.pipeline_mode<synchronous>, transform_indices = @transform_5, window_bounds = array<i64: 8, 64>}, {pipeline_mode = #tpu.pipeline_mode<synchronous>, transform_indices = @transform_6, window_bounds = array<i64: 8, 32>}, {pipeline_mode = #tpu.pipeline_mode<synchronous>, transform_indices = @transform_7, window_bounds = array<i64: 64, 64>}, {pipeline_mode = #tpu.pipeline_mode<synchronous>, transform_indices = @transform_8, window_bounds = array<i64: 32, 64>}, {pipeline_mode = #tpu.pipeline_mode<synchronous>, transform_indices = @transform_9, window_bounds = array<i64: 1, 64>}, {transform_indices = @transform_10, window_bounds = array<i64: 512, 64>}, {transform_indices = @transform_11, window_bounds = array<i64: 1, 1, 64>}, {transform_indices = @transform_12, window_bounds = array<i64: 1, 1, 64>}]} {
    %get3A = arith.constant 0 : index
    %get3A_0 = arith.constant 0 : index
    %get3A_1 = vector.load %arg1[%get3A, %get3A_0] : memref<4096x64xf32, #tpu.memory_space<vmem>>, vector<4096x64xf32>
    %get3A_2 = arith.constant 0 : index
    %get3A_3 = arith.constant 0 : index
    %get3A_4 = vector.load %arg4[%get3A_2, %get3A_3] : memref<1x64xf32, #tpu.memory_space<vmem>>, vector<1x64xf32>
    %mul3A = vector.broadcast %get3A_4 : vector<1x64xf32> to vector<4096x64xf32>
    %mul3A_5 = arith.mulf %get3A_1, %mul3A : vector<4096x64xf32>
    %get3A_6 = arith.constant 0 : index
    %get3A_7 = arith.constant 0 : index
    %get3A_8 = vector.load %arg5[%get3A_6, %get3A_7] : memref<1x64xf32, #tpu.memory_space<vmem>>, vector<1x64xf32>
    %add3A = vector.broadcast %get3A_8 : vector<1x64xf32> to vector<4096x64xf32>
    %add3A_9 = arith.addf %mul3A_5, %add3A : vector<4096x64xf32>
    %get3A_10 = arith.constant 0 : index
    %get3A_11 = arith.constant 0 : index
    %get3A_12 = vector.load %arg2[%get3A_10, %get3A_11] : memref<4096x8xf32, #tpu.memory_space<vmem>>, vector<4096x8xf32>
    %get3A_13 = arith.constant 0 : index
    %get3A_14 = arith.constant 0 : index
    %get3A_15 = vector.load %arg6[%get3A_13, %get3A_14] : memref<8x64xf32, #tpu.memory_space<vmem>>, vector<8x64xf32>
    %dot_general3A = arith.constant dense<0.000000e+00> : vector<4096x64xf32>
    %dot_general3A_16 = tpu.matmul %get3A_12, %get3A_15, %dot_general3A {dimension_numbers = #tpu.dot_dimension_numbers<[1], [0], [0], [1], [0, 0, 1, 1], [], []>, transpose_lhs_hint = false} : vector<4096x8xf32>, vector<8x64xf32>, vector<4096x64xf32> -> vector<4096x64xf32>
    %get3A_17 = arith.constant 0 : index
    %get3A_18 = arith.constant 0 : index
    %get3A_19 = vector.load %arg7[%get3A_17, %get3A_18] : memref<8x32xf32, #tpu.memory_space<vmem>>, vector<8x32xf32>
    %dot_general3A_20 = arith.constant dense<0.000000e+00> : vector<4096x32xf32>
    %dot_general3A_21 = tpu.matmul %get3A_12, %get3A_19, %dot_general3A_20 {dimension_numbers = #tpu.dot_dimension_numbers<[1], [0], [0], [1], [0, 0, 1, 1], [], []>, transpose_lhs_hint = false} : vector<4096x8xf32>, vector<8x32xf32>, vector<4096x32xf32> -> vector<4096x32xf32>
    %mul3A_22 = arith.mulf %add3A_9, %dot_general3A_16 : vector<4096x64xf32>
    %reshape3A = vector.shape_cast %mul3A_22 : vector<4096x64xf32> to vector<512x8x64xf32>
    %reduce_sum3A = arith.constant dense<0.000000e+00> : vector<512x64xf32>
    %reduce_sum3A_23 = vector.multi_reduction <add>, %reshape3A, %reduce_sum3A [1] : vector<512x8x64xf32> to vector<512x64xf32>
    %get3A_24 = arith.constant 0 : index
    %get3A_25 = arith.constant 0 : index
    %get3A_26 = vector.load %arg3[%get3A_24, %get3A_25] : memref<4096x32xf32, #tpu.memory_space<vmem>>, vector<4096x32xf32>
    %mul3A_27 = arith.mulf %get3A_26, %dot_general3A_21 : vector<4096x32xf32>
    %reshape3A_28 = vector.shape_cast %mul3A_27 : vector<4096x32xf32> to vector<512x8x32xf32>
    %reduce_sum3A_29 = arith.constant dense<0.000000e+00> : vector<512x32xf32>
    %reduce_sum3A_30 = vector.multi_reduction <add>, %reshape3A_28, %reduce_sum3A_29 [1] : vector<512x8x32xf32> to vector<512x32xf32>
    %get3A_31 = arith.constant 0 : index
    %get3A_32 = arith.constant 0 : index
    %get3A_33 = vector.load %arg8[%get3A_31, %get3A_32] : memref<64x64xf32, #tpu.memory_space<vmem>>, vector<64x64xf32>
    %dot_general3A_34 = arith.constant dense<0.000000e+00> : vector<512x64xf32>
    %dot_general3A_35 = tpu.matmul %reduce_sum3A_23, %get3A_33, %dot_general3A_34 {dimension_numbers = #tpu.dot_dimension_numbers<[1], [0], [0], [1], [0, 0, 1, 1], [], []>, transpose_lhs_hint = false} : vector<512x64xf32>, vector<64x64xf32>, vector<512x64xf32> -> vector<512x64xf32>
    %get3A_36 = arith.constant 0 : index
    %get3A_37 = arith.constant 0 : index
    %get3A_38 = vector.load %arg9[%get3A_36, %get3A_37] : memref<32x64xf32, #tpu.memory_space<vmem>>, vector<32x64xf32>
    %dot_general3A_39 = arith.constant dense<0.000000e+00> : vector<512x64xf32>
    %dot_general3A_40 = tpu.matmul %reduce_sum3A_30, %get3A_38, %dot_general3A_39 {dimension_numbers = #tpu.dot_dimension_numbers<[1], [0], [0], [1], [0, 0, 1, 1], [], []>, transpose_lhs_hint = false} : vector<512x32xf32>, vector<32x64xf32>, vector<512x64xf32> -> vector<512x64xf32>
    %add3A_41 = arith.addf %dot_general3A_35, %dot_general3A_40 : vector<512x64xf32>
    %get3A_42 = arith.constant 0 : index
    %get3A_43 = arith.constant 0 : index
    %get3A_44 = vector.load %arg10[%get3A_42, %get3A_43] : memref<1x64xf32, #tpu.memory_space<vmem>>, vector<1x64xf32>
    %add3A_45 = vector.broadcast %get3A_44 : vector<1x64xf32> to vector<512x64xf32>
    %add3A_46 = arith.addf %add3A_41, %add3A_45 : vector<512x64xf32>
    %swap3A = arith.constant 0 : index
    %swap3A_47 = arith.constant 0 : index
    %swap3A_48 = vector.load %arg11[%swap3A, %swap3A_47] : memref<512x64xf32, #tpu.memory_space<vmem>>, vector<512x64xf32>
    tpu.vector_store %arg11[%swap3A, %swap3A_47], %add3A_46 {strides = array<i32>} : memref<512x64xf32, #tpu.memory_space<vmem>>, vector<512x64xf32>,
    %mul3A_49 = arith.constant 512 : i32
    %mul3A_50 = arith.muli %arg0, %mul3A_49 : i32
    %iota3A = tpu.iota {dimensions = array<i32: 0>} : vector<512x1xi32>
    %add3A_51 = vector.broadcast %mul3A_50 : i32 to vector<512x1xi32>
    %add3A_52 = arith.addi %add3A_51, %iota3A : vector<512x1xi32>
    %lt3A = arith.constant 5408 : i32
    %lt3A_53 = vector.broadcast %lt3A : i32 to vector<512x1xi32>
    %lt3A_54 = arith.cmpi slt, %add3A_52, %lt3A_53 : vector<512x1xi32>
    %jit3A = arith.constant 0.000000e+00 : f32
    %broadcast_in_dim3A = vector.shape_cast %lt3A_54 : vector<512x1xi1> to vector<512x1xi1>
    %broadcast_in_dim3A_55 = vector.broadcast %broadcast_in_dim3A : vector<512x1xi1> to vector<512x64xi1>
    %broadcast_in_dim3A_56 = vector.broadcast %jit3A : f32 to vector<512x64xf32>
    %select_n3A = arith.select %broadcast_in_dim3A_55, %add3A_46, %broadcast_in_dim3A_56 : vector<512x64xi1>, vector<512x64xf32>
    %reduce_sum3A_57 = arith.constant dense<0.000000e+00> : vector<64xf32>
    %reduce_sum3A_58 = vector.multi_reduction <add>, %select_n3A, %reduce_sum3A_57 [0] : vector<512x64xf32> to vector<64xf32>
    %broadcast_in_dim3A_59 = vector.shape_cast %reduce_sum3A_58 : vector<64xf32> to vector<1x64xf32>
    %swap3A_60 = arith.constant 0 : index
    %swap3A_61 = arith.constant 0 : index
    %swap3A_62 = arith.constant 0 : index
    %swap3A_63 = vector.load %arg12[%swap3A_60, %swap3A_61, %swap3A_62] : memref<1x1x64xf32, #tpu.memory_space<vmem>>, vector<1x1x64xf32>
    %swap3A_64 = vector.shape_cast %swap3A_63 : vector<1x1x64xf32> to vector<1x64xf32>
    %swap3A_65 = vector.shape_cast %broadcast_in_dim3A_59 : vector<1x64xf32> to vector<1x1x64xf32>
    tpu.vector_store %arg12[%swap3A_60, %swap3A_61, %swap3A_62], %swap3A_65 {strides = array<i32>} : memref<1x1x64xf32, #tpu.memory_space<vmem>>, vector<1x1x64xf32>,
    %mul3A_66 = arith.mulf %select_n3A, %select_n3A : vector<512x64xf32>
    %reduce_sum3A_67 = arith.constant dense<0.000000e+00> : vector<64xf32>
    %reduce_sum3A_68 = vector.multi_reduction <add>, %mul3A_66, %reduce_sum3A_67 [0] : vector<512x64xf32> to vector<64xf32>
    %broadcast_in_dim3A_69 = vector.shape_cast %reduce_sum3A_68 : vector<64xf32> to vector<1x64xf32>
    %swap3A_70 = arith.constant 0 : index
    %swap3A_71 = arith.constant 0 : index
    %swap3A_72 = arith.constant 0 : index
    %swap3A_73 = vector.load %arg13[%swap3A_70, %swap3A_71, %swap3A_72] : memref<1x1x64xf32, #tpu.memory_space<vmem>>, vector<1x1x64xf32>
    %swap3A_74 = vector.shape_cast %swap3A_73 : vector<1x1x64xf32> to vector<1x64xf32>
    %swap3A_75 = vector.shape_cast %broadcast_in_dim3A_69 : vector<1x64xf32> to vector<1x1x64xf32>
    tpu.vector_store %arg13[%swap3A_70, %swap3A_71, %swap3A_72], %swap3A_75 {strides = array<i32>} : memref<1x1x64xf32, #tpu.memory_space<vmem>>, vector<1x1x64xf32>,
    return
  }
  func.func @transform_0(%arg0: i32) -> (i32, i32) {
    %c0_i32 = arith.constant 0 : i32
    %c0_i32_0 = arith.constant 0 : i32
    return %arg0, %c0_i32 : i32, i32
  }
  func.func @transform_1(%arg0: i32) -> (i32, i32) {
    %c0_i32 = arith.constant 0 : i32
    %c0_i32_0 = arith.constant 0 : i32
    return %arg0, %c0_i32 : i32, i32
  }
  func.func @transform_2(%arg0: i32) -> (i32, i32) {
    %c0_i32 = arith.constant 0 : i32
    %c0_i32_0 = arith.constant 0 : i32
    return %arg0, %c0_i32 : i32, i32
  }
  func.func @transform_3(%arg0: i32) -> (i32, i32) {
    %c0_i32 = arith.constant 0 : i32
    %c0_i32_0 = arith.constant 0 : i32
    %c0_i32_1 = arith.constant 0 : i32
    return %c0_i32, %c0_i32_0 : i32, i32
  }
  func.func @transform_4(%arg0: i32) -> (i32, i32) {
    %c0_i32 = arith.constant 0 : i32
    %c0_i32_0 = arith.constant 0 : i32
    %c0_i32_1 = arith.constant 0 : i32
    return %c0_i32, %c0_i32_0 : i32, i32
  }
  func.func @transform_5(%arg0: i32) -> (i32, i32) {
    %c0_i32 = arith.constant 0 : i32
    %c0_i32_0 = arith.constant 0 : i32
    %c0_i32_1 = arith.constant 0 : i32
    return %c0_i32, %c0_i32_0 : i32, i32
  }
  func.func @transform_6(%arg0: i32) -> (i32, i32) {
    %c0_i32 = arith.constant 0 : i32
    %c0_i32_0 = arith.constant 0 : i32
    %c0_i32_1 = arith.constant 0 : i32
    return %c0_i32, %c0_i32_0 : i32, i32
  }
  func.func @transform_7(%arg0: i32) -> (i32, i32) {
    %c0_i32 = arith.constant 0 : i32
    %c0_i32_0 = arith.constant 0 : i32
    %c0_i32_1 = arith.constant 0 : i32
    return %c0_i32, %c0_i32_0 : i32, i32
  }
  func.func @transform_8(%arg0: i32) -> (i32, i32) {
    %c0_i32 = arith.constant 0 : i32
    %c0_i32_0 = arith.constant 0 : i32
    %c0_i32_1 = arith.constant 0 : i32
    return %c0_i32, %c0_i32_0 : i32, i32
  }
  func.func @transform_9(%arg0: i32) -> (i32, i32) {
    %c0_i32 = arith.constant 0 : i32
    %c0_i32_0 = arith.constant 0 : i32
    %c0_i32_1 = arith.constant 0 : i32
    return %c0_i32, %c0_i32_0 : i32, i32
  }
  func.func @transform_10(%arg0: i32) -> (i32, i32) {
    %c0_i32 = arith.constant 0 : i32
    %c0_i32_0 = arith.constant 0 : i32
    return %arg0, %c0_i32 : i32, i32
  }
  func.func @transform_11(%arg0: i32) -> (i32, i32, i32) {
    %c0_i32 = arith.constant 0 : i32
    %c0_i32_0 = arith.constant 0 : i32
    %c0_i32_1 = arith.constant 0 : i32
    return %arg0, %c0_i32, %c0_i32_0 : i32, i32, i32
  }
  func.func @transform_12(%arg0: i32) -> (i32, i32, i32) {
    %c0_i32 = arith.constant 0 : i32
    %c0_i32_0 = arith.constant 0 : i32
    %c0_i32_1 = arith.constant 0 : i32
    return %arg0, %c0_i32, %c0_i32_0 : i32, i32, i32
  }
}

module attributes {stable_mosaic.version = 14 : i64} {
  func.func @_fin_kernel(%arg0: i32, %arg1: memref<3072x128xf32, #tpu.memory_space<vmem>>, %arg2: memref<3072x12xf32, #tpu.memory_space<vmem>>, %arg3: memref<3072x64xf32, #tpu.memory_space<vmem>>, %arg4: memref<1x128xf32, #tpu.memory_space<vmem>>, %arg5: memref<1x128xf32, #tpu.memory_space<vmem>>, %arg6: memref<12x128xf32, #tpu.memory_space<vmem>>, %arg7: memref<12x64xf32, #tpu.memory_space<vmem>>, %arg8: memref<128x128xf32, #tpu.memory_space<vmem>>, %arg9: memref<64x128xf32, #tpu.memory_space<vmem>>, %arg10: memref<1x128xf32, #tpu.memory_space<vmem>>, %arg11: memref<256x128xf32, #tpu.memory_space<vmem>>, %arg12: memref<1x1x128xf32, #tpu.memory_space<vmem>>, %arg13: memref<1x1x128xf32, #tpu.memory_space<vmem>>) attributes {dimension_semantics = [#tpu.dimension_semantics<arbitrary>], iteration_bounds = array<i64: 7>, scalar_prefetch = 0 : i64, scratch_operands = 0 : i64, tpu.core_type = #tpu.core_type<tc>, window_params = [{transform_indices = @transform_0, window_bounds = array<i64: 3072, 128>}, {transform_indices = @transform_1, window_bounds = array<i64: 3072, 12>}, {transform_indices = @transform_2, window_bounds = array<i64: 3072, 64>}, {pipeline_mode = #tpu.pipeline_mode<synchronous>, transform_indices = @transform_3, window_bounds = array<i64: 1, 128>}, {pipeline_mode = #tpu.pipeline_mode<synchronous>, transform_indices = @transform_4, window_bounds = array<i64: 1, 128>}, {pipeline_mode = #tpu.pipeline_mode<synchronous>, transform_indices = @transform_5, window_bounds = array<i64: 12, 128>}, {pipeline_mode = #tpu.pipeline_mode<synchronous>, transform_indices = @transform_6, window_bounds = array<i64: 12, 64>}, {pipeline_mode = #tpu.pipeline_mode<synchronous>, transform_indices = @transform_7, window_bounds = array<i64: 128, 128>}, {pipeline_mode = #tpu.pipeline_mode<synchronous>, transform_indices = @transform_8, window_bounds = array<i64: 64, 128>}, {pipeline_mode = #tpu.pipeline_mode<synchronous>, transform_indices = @transform_9, window_bounds = array<i64: 1, 128>}, {transform_indices = @transform_10, window_bounds = array<i64: 256, 128>}, {transform_indices = @transform_11, window_bounds = array<i64: 1, 1, 128>}, {transform_indices = @transform_12, window_bounds = array<i64: 1, 1, 128>}]} {
    %get3A = arith.constant 0 : index
    %get3A_0 = arith.constant 0 : index
    %get3A_1 = vector.load %arg1[%get3A, %get3A_0] : memref<3072x128xf32, #tpu.memory_space<vmem>>, vector<3072x128xf32>
    %get3A_2 = arith.constant 0 : index
    %get3A_3 = arith.constant 0 : index
    %get3A_4 = vector.load %arg4[%get3A_2, %get3A_3] : memref<1x128xf32, #tpu.memory_space<vmem>>, vector<1x128xf32>
    %mul3A = vector.broadcast %get3A_4 : vector<1x128xf32> to vector<3072x128xf32>
    %mul3A_5 = arith.mulf %get3A_1, %mul3A : vector<3072x128xf32>
    %get3A_6 = arith.constant 0 : index
    %get3A_7 = arith.constant 0 : index
    %get3A_8 = vector.load %arg5[%get3A_6, %get3A_7] : memref<1x128xf32, #tpu.memory_space<vmem>>, vector<1x128xf32>
    %add3A = vector.broadcast %get3A_8 : vector<1x128xf32> to vector<3072x128xf32>
    %add3A_9 = arith.addf %mul3A_5, %add3A : vector<3072x128xf32>
    %get3A_10 = arith.constant 0 : index
    %get3A_11 = arith.constant 0 : index
    %get3A_12 = vector.load %arg2[%get3A_10, %get3A_11] : memref<3072x12xf32, #tpu.memory_space<vmem>>, vector<3072x12xf32>
    %get3A_13 = arith.constant 0 : index
    %get3A_14 = arith.constant 0 : index
    %get3A_15 = vector.load %arg6[%get3A_13, %get3A_14] : memref<12x128xf32, #tpu.memory_space<vmem>>, vector<12x128xf32>
    %dot_general3A = arith.constant dense<0.000000e+00> : vector<3072x128xf32>
    %dot_general3A_16 = tpu.matmul %get3A_12, %get3A_15, %dot_general3A {dimension_numbers = #tpu.dot_dimension_numbers<[1], [0], [0], [1], [0, 0, 1, 1], [], []>, transpose_lhs_hint = false} : vector<3072x12xf32>, vector<12x128xf32>, vector<3072x128xf32> -> vector<3072x128xf32>
    %get3A_17 = arith.constant 0 : index
    %get3A_18 = arith.constant 0 : index
    %get3A_19 = vector.load %arg7[%get3A_17, %get3A_18] : memref<12x64xf32, #tpu.memory_space<vmem>>, vector<12x64xf32>
    %dot_general3A_20 = arith.constant dense<0.000000e+00> : vector<3072x64xf32>
    %dot_general3A_21 = tpu.matmul %get3A_12, %get3A_19, %dot_general3A_20 {dimension_numbers = #tpu.dot_dimension_numbers<[1], [0], [0], [1], [0, 0, 1, 1], [], []>, transpose_lhs_hint = false} : vector<3072x12xf32>, vector<12x64xf32>, vector<3072x64xf32> -> vector<3072x64xf32>
    %mul3A_22 = arith.mulf %add3A_9, %dot_general3A_16 : vector<3072x128xf32>
    %reshape3A = vector.shape_cast %mul3A_22 : vector<3072x128xf32> to vector<256x12x128xf32>
    %reduce_sum3A = arith.constant dense<0.000000e+00> : vector<256x128xf32>
    %reduce_sum3A_23 = vector.multi_reduction <add>, %reshape3A, %reduce_sum3A [1] : vector<256x12x128xf32> to vector<256x128xf32>
    %get3A_24 = arith.constant 0 : index
    %get3A_25 = arith.constant 0 : index
    %get3A_26 = vector.load %arg3[%get3A_24, %get3A_25] : memref<3072x64xf32, #tpu.memory_space<vmem>>, vector<3072x64xf32>
    %mul3A_27 = arith.mulf %get3A_26, %dot_general3A_21 : vector<3072x64xf32>
    %reshape3A_28 = vector.shape_cast %mul3A_27 : vector<3072x64xf32> to vector<256x12x64xf32>
    %reduce_sum3A_29 = arith.constant dense<0.000000e+00> : vector<256x64xf32>
    %reduce_sum3A_30 = vector.multi_reduction <add>, %reshape3A_28, %reduce_sum3A_29 [1] : vector<256x12x64xf32> to vector<256x64xf32>
    %get3A_31 = arith.constant 0 : index
    %get3A_32 = arith.constant 0 : index
    %get3A_33 = vector.load %arg8[%get3A_31, %get3A_32] : memref<128x128xf32, #tpu.memory_space<vmem>>, vector<128x128xf32>
    %dot_general3A_34 = arith.constant dense<0.000000e+00> : vector<256x128xf32>
    %dot_general3A_35 = tpu.matmul %reduce_sum3A_23, %get3A_33, %dot_general3A_34 {dimension_numbers = #tpu.dot_dimension_numbers<[1], [0], [0], [1], [0, 0, 1, 1], [], []>, transpose_lhs_hint = false} : vector<256x128xf32>, vector<128x128xf32>, vector<256x128xf32> -> vector<256x128xf32>
    %get3A_36 = arith.constant 0 : index
    %get3A_37 = arith.constant 0 : index
    %get3A_38 = vector.load %arg9[%get3A_36, %get3A_37] : memref<64x128xf32, #tpu.memory_space<vmem>>, vector<64x128xf32>
    %dot_general3A_39 = arith.constant dense<0.000000e+00> : vector<256x128xf32>
    %dot_general3A_40 = tpu.matmul %reduce_sum3A_30, %get3A_38, %dot_general3A_39 {dimension_numbers = #tpu.dot_dimension_numbers<[1], [0], [0], [1], [0, 0, 1, 1], [], []>, transpose_lhs_hint = false} : vector<256x64xf32>, vector<64x128xf32>, vector<256x128xf32> -> vector<256x128xf32>
    %add3A_41 = arith.addf %dot_general3A_35, %dot_general3A_40 : vector<256x128xf32>
    %get3A_42 = arith.constant 0 : index
    %get3A_43 = arith.constant 0 : index
    %get3A_44 = vector.load %arg10[%get3A_42, %get3A_43] : memref<1x128xf32, #tpu.memory_space<vmem>>, vector<1x128xf32>
    %add3A_45 = vector.broadcast %get3A_44 : vector<1x128xf32> to vector<256x128xf32>
    %add3A_46 = arith.addf %add3A_41, %add3A_45 : vector<256x128xf32>
    %swap3A = arith.constant 0 : index
    %swap3A_47 = arith.constant 0 : index
    %swap3A_48 = vector.load %arg11[%swap3A, %swap3A_47] : memref<256x128xf32, #tpu.memory_space<vmem>>, vector<256x128xf32>
    tpu.vector_store %arg11[%swap3A, %swap3A_47], %add3A_46 {strides = array<i32>} : memref<256x128xf32, #tpu.memory_space<vmem>>, vector<256x128xf32>,
    %mul3A_49 = arith.constant 256 : i32
    %mul3A_50 = arith.muli %arg0, %mul3A_49 : i32
    %iota3A = tpu.iota {dimensions = array<i32: 0>} : vector<256x1xi32>
    %add3A_51 = vector.broadcast %mul3A_50 : i32 to vector<256x1xi32>
    %add3A_52 = arith.addi %add3A_51, %iota3A : vector<256x1xi32>
    %lt3A = arith.constant 1792 : i32
    %lt3A_53 = vector.broadcast %lt3A : i32 to vector<256x1xi32>
    %lt3A_54 = arith.cmpi slt, %add3A_52, %lt3A_53 : vector<256x1xi32>
    %jit3A = arith.constant 0.000000e+00 : f32
    %broadcast_in_dim3A = vector.shape_cast %lt3A_54 : vector<256x1xi1> to vector<256x1xi1>
    %broadcast_in_dim3A_55 = vector.broadcast %broadcast_in_dim3A : vector<256x1xi1> to vector<256x128xi1>
    %broadcast_in_dim3A_56 = vector.broadcast %jit3A : f32 to vector<256x128xf32>
    %select_n3A = arith.select %broadcast_in_dim3A_55, %add3A_46, %broadcast_in_dim3A_56 : vector<256x128xi1>, vector<256x128xf32>
    %reduce_sum3A_57 = arith.constant dense<0.000000e+00> : vector<128xf32>
    %reduce_sum3A_58 = vector.multi_reduction <add>, %select_n3A, %reduce_sum3A_57 [0] : vector<256x128xf32> to vector<128xf32>
    %broadcast_in_dim3A_59 = vector.shape_cast %reduce_sum3A_58 : vector<128xf32> to vector<1x128xf32>
    %swap3A_60 = arith.constant 0 : index
    %swap3A_61 = arith.constant 0 : index
    %swap3A_62 = arith.constant 0 : index
    %swap3A_63 = vector.load %arg12[%swap3A_60, %swap3A_61, %swap3A_62] : memref<1x1x128xf32, #tpu.memory_space<vmem>>, vector<1x1x128xf32>
    %swap3A_64 = vector.shape_cast %swap3A_63 : vector<1x1x128xf32> to vector<1x128xf32>
    %swap3A_65 = vector.shape_cast %broadcast_in_dim3A_59 : vector<1x128xf32> to vector<1x1x128xf32>
    tpu.vector_store %arg12[%swap3A_60, %swap3A_61, %swap3A_62], %swap3A_65 {strides = array<i32>} : memref<1x1x128xf32, #tpu.memory_space<vmem>>, vector<1x1x128xf32>,
    %mul3A_66 = arith.mulf %select_n3A, %select_n3A : vector<256x128xf32>
    %reduce_sum3A_67 = arith.constant dense<0.000000e+00> : vector<128xf32>
    %reduce_sum3A_68 = vector.multi_reduction <add>, %mul3A_66, %reduce_sum3A_67 [0] : vector<256x128xf32> to vector<128xf32>
    %broadcast_in_dim3A_69 = vector.shape_cast %reduce_sum3A_68 : vector<128xf32> to vector<1x128xf32>
    %swap3A_70 = arith.constant 0 : index
    %swap3A_71 = arith.constant 0 : index
    %swap3A_72 = arith.constant 0 : index
    %swap3A_73 = vector.load %arg13[%swap3A_70, %swap3A_71, %swap3A_72] : memref<1x1x128xf32, #tpu.memory_space<vmem>>, vector<1x1x128xf32>
    %swap3A_74 = vector.shape_cast %swap3A_73 : vector<1x1x128xf32> to vector<1x128xf32>
    %swap3A_75 = vector.shape_cast %broadcast_in_dim3A_69 : vector<1x128xf32> to vector<1x1x128xf32>
    tpu.vector_store %arg13[%swap3A_70, %swap3A_71, %swap3A_72], %swap3A_75 {strides = array<i32>} : memref<1x1x128xf32, #tpu.memory_space<vmem>>, vector<1x1x128xf32>,
    return
  }
  func.func @transform_0(%arg0: i32) -> (i32, i32) {
    %c0_i32 = arith.constant 0 : i32
    %c0_i32_0 = arith.constant 0 : i32
    return %arg0, %c0_i32 : i32, i32
  }
  func.func @transform_1(%arg0: i32) -> (i32, i32) {
    %c0_i32 = arith.constant 0 : i32
    %c0_i32_0 = arith.constant 0 : i32
    return %arg0, %c0_i32 : i32, i32
  }
  func.func @transform_2(%arg0: i32) -> (i32, i32) {
    %c0_i32 = arith.constant 0 : i32
    %c0_i32_0 = arith.constant 0 : i32
    return %arg0, %c0_i32 : i32, i32
  }
  func.func @transform_3(%arg0: i32) -> (i32, i32) {
    %c0_i32 = arith.constant 0 : i32
    %c0_i32_0 = arith.constant 0 : i32
    %c0_i32_1 = arith.constant 0 : i32
    return %c0_i32, %c0_i32_0 : i32, i32
  }
  func.func @transform_4(%arg0: i32) -> (i32, i32) {
    %c0_i32 = arith.constant 0 : i32
    %c0_i32_0 = arith.constant 0 : i32
    %c0_i32_1 = arith.constant 0 : i32
    return %c0_i32, %c0_i32_0 : i32, i32
  }
  func.func @transform_5(%arg0: i32) -> (i32, i32) {
    %c0_i32 = arith.constant 0 : i32
    %c0_i32_0 = arith.constant 0 : i32
    %c0_i32_1 = arith.constant 0 : i32
    return %c0_i32, %c0_i32_0 : i32, i32
  }
  func.func @transform_6(%arg0: i32) -> (i32, i32) {
    %c0_i32 = arith.constant 0 : i32
    %c0_i32_0 = arith.constant 0 : i32
    %c0_i32_1 = arith.constant 0 : i32
    return %c0_i32, %c0_i32_0 : i32, i32
  }
  func.func @transform_7(%arg0: i32) -> (i32, i32) {
    %c0_i32 = arith.constant 0 : i32
    %c0_i32_0 = arith.constant 0 : i32
    %c0_i32_1 = arith.constant 0 : i32
    return %c0_i32, %c0_i32_0 : i32, i32
  }
  func.func @transform_8(%arg0: i32) -> (i32, i32) {
    %c0_i32 = arith.constant 0 : i32
    %c0_i32_0 = arith.constant 0 : i32
    %c0_i32_1 = arith.constant 0 : i32
    return %c0_i32, %c0_i32_0 : i32, i32
  }
  func.func @transform_9(%arg0: i32) -> (i32, i32) {
    %c0_i32 = arith.constant 0 : i32
    %c0_i32_0 = arith.constant 0 : i32
    %c0_i32_1 = arith.constant 0 : i32
    return %c0_i32, %c0_i32_0 : i32, i32
  }
  func.func @transform_10(%arg0: i32) -> (i32, i32) {
    %c0_i32 = arith.constant 0 : i32
    %c0_i32_0 = arith.constant 0 : i32
    return %arg0, %c0_i32 : i32, i32
  }
  func.func @transform_11(%arg0: i32) -> (i32, i32, i32) {
    %c0_i32 = arith.constant 0 : i32
    %c0_i32_0 = arith.constant 0 : i32
    %c0_i32_1 = arith.constant 0 : i32
    return %arg0, %c0_i32, %c0_i32_0 : i32, i32, i32
  }
  func.func @transform_12(%arg0: i32) -> (i32, i32, i32) {
    %c0_i32 = arith.constant 0 : i32
    %c0_i32_0 = arith.constant 0 : i32
    %c0_i32_1 = arith.constant 0 : i32
    return %arg0, %c0_i32, %c0_i32_0 : i32, i32, i32
  }
}

module attributes {stable_mosaic.version = 14 : i64} {
  func.func @_fin_kernel(%arg0: i32, %arg1: memref<2560x128xf32, #tpu.memory_space<vmem>>, %arg2: memref<2560x16xf32, #tpu.memory_space<vmem>>, %arg3: memref<2560x128xf32, #tpu.memory_space<vmem>>, %arg4: memref<1x128xf32, #tpu.memory_space<vmem>>, %arg5: memref<1x128xf32, #tpu.memory_space<vmem>>, %arg6: memref<16x128xf32, #tpu.memory_space<vmem>>, %arg7: memref<16x128xf32, #tpu.memory_space<vmem>>, %arg8: memref<128x128xf32, #tpu.memory_space<vmem>>, %arg9: memref<128x128xf32, #tpu.memory_space<vmem>>, %arg10: memref<1x128xf32, #tpu.memory_space<vmem>>, %arg11: memref<160x128xf32, #tpu.memory_space<vmem>>, %arg12: memref<1x1x128xf32, #tpu.memory_space<vmem>>, %arg13: memref<1x1x128xf32, #tpu.memory_space<vmem>>) attributes {dimension_semantics = [#tpu.dimension_semantics<arbitrary>], iteration_bounds = array<i64: 4>, scalar_prefetch = 0 : i64, scratch_operands = 0 : i64, tpu.core_type = #tpu.core_type<tc>, window_params = [{transform_indices = @transform_0, window_bounds = array<i64: 2560, 128>}, {transform_indices = @transform_1, window_bounds = array<i64: 2560, 16>}, {transform_indices = @transform_2, window_bounds = array<i64: 2560, 128>}, {pipeline_mode = #tpu.pipeline_mode<synchronous>, transform_indices = @transform_3, window_bounds = array<i64: 1, 128>}, {pipeline_mode = #tpu.pipeline_mode<synchronous>, transform_indices = @transform_4, window_bounds = array<i64: 1, 128>}, {pipeline_mode = #tpu.pipeline_mode<synchronous>, transform_indices = @transform_5, window_bounds = array<i64: 16, 128>}, {pipeline_mode = #tpu.pipeline_mode<synchronous>, transform_indices = @transform_6, window_bounds = array<i64: 16, 128>}, {pipeline_mode = #tpu.pipeline_mode<synchronous>, transform_indices = @transform_7, window_bounds = array<i64: 128, 128>}, {pipeline_mode = #tpu.pipeline_mode<synchronous>, transform_indices = @transform_8, window_bounds = array<i64: 128, 128>}, {pipeline_mode = #tpu.pipeline_mode<synchronous>, transform_indices = @transform_9, window_bounds = array<i64: 1, 128>}, {transform_indices = @transform_10, window_bounds = array<i64: 160, 128>}, {transform_indices = @transform_11, window_bounds = array<i64: 1, 1, 128>}, {transform_indices = @transform_12, window_bounds = array<i64: 1, 1, 128>}]} {
    %get3A = arith.constant 0 : index
    %get3A_0 = arith.constant 0 : index
    %get3A_1 = vector.load %arg1[%get3A, %get3A_0] : memref<2560x128xf32, #tpu.memory_space<vmem>>, vector<2560x128xf32>
    %get3A_2 = arith.constant 0 : index
    %get3A_3 = arith.constant 0 : index
    %get3A_4 = vector.load %arg4[%get3A_2, %get3A_3] : memref<1x128xf32, #tpu.memory_space<vmem>>, vector<1x128xf32>
    %mul3A = vector.broadcast %get3A_4 : vector<1x128xf32> to vector<2560x128xf32>
    %mul3A_5 = arith.mulf %get3A_1, %mul3A : vector<2560x128xf32>
    %get3A_6 = arith.constant 0 : index
    %get3A_7 = arith.constant 0 : index
    %get3A_8 = vector.load %arg5[%get3A_6, %get3A_7] : memref<1x128xf32, #tpu.memory_space<vmem>>, vector<1x128xf32>
    %add3A = vector.broadcast %get3A_8 : vector<1x128xf32> to vector<2560x128xf32>
    %add3A_9 = arith.addf %mul3A_5, %add3A : vector<2560x128xf32>
    %get3A_10 = arith.constant 0 : index
    %get3A_11 = arith.constant 0 : index
    %get3A_12 = vector.load %arg2[%get3A_10, %get3A_11] : memref<2560x16xf32, #tpu.memory_space<vmem>>, vector<2560x16xf32>
    %get3A_13 = arith.constant 0 : index
    %get3A_14 = arith.constant 0 : index
    %get3A_15 = vector.load %arg6[%get3A_13, %get3A_14] : memref<16x128xf32, #tpu.memory_space<vmem>>, vector<16x128xf32>
    %dot_general3A = arith.constant dense<0.000000e+00> : vector<2560x128xf32>
    %dot_general3A_16 = tpu.matmul %get3A_12, %get3A_15, %dot_general3A {dimension_numbers = #tpu.dot_dimension_numbers<[1], [0], [0], [1], [0, 0, 1, 1], [], []>, transpose_lhs_hint = false} : vector<2560x16xf32>, vector<16x128xf32>, vector<2560x128xf32> -> vector<2560x128xf32>
    %get3A_17 = arith.constant 0 : index
    %get3A_18 = arith.constant 0 : index
    %get3A_19 = vector.load %arg7[%get3A_17, %get3A_18] : memref<16x128xf32, #tpu.memory_space<vmem>>, vector<16x128xf32>
    %dot_general3A_20 = arith.constant dense<0.000000e+00> : vector<2560x128xf32>
    %dot_general3A_21 = tpu.matmul %get3A_12, %get3A_19, %dot_general3A_20 {dimension_numbers = #tpu.dot_dimension_numbers<[1], [0], [0], [1], [0, 0, 1, 1], [], []>, transpose_lhs_hint = false} : vector<2560x16xf32>, vector<16x128xf32>, vector<2560x128xf32> -> vector<2560x128xf32>
    %mul3A_22 = arith.mulf %add3A_9, %dot_general3A_16 : vector<2560x128xf32>
    %reshape3A = vector.shape_cast %mul3A_22 : vector<2560x128xf32> to vector<160x16x128xf32>
    %reduce_sum3A = arith.constant dense<0.000000e+00> : vector<160x128xf32>
    %reduce_sum3A_23 = vector.multi_reduction <add>, %reshape3A, %reduce_sum3A [1] : vector<160x16x128xf32> to vector<160x128xf32>
    %get3A_24 = arith.constant 0 : index
    %get3A_25 = arith.constant 0 : index
    %get3A_26 = vector.load %arg3[%get3A_24, %get3A_25] : memref<2560x128xf32, #tpu.memory_space<vmem>>, vector<2560x128xf32>
    %mul3A_27 = arith.mulf %get3A_26, %dot_general3A_21 : vector<2560x128xf32>
    %reshape3A_28 = vector.shape_cast %mul3A_27 : vector<2560x128xf32> to vector<160x16x128xf32>
    %reduce_sum3A_29 = arith.constant dense<0.000000e+00> : vector<160x128xf32>
    %reduce_sum3A_30 = vector.multi_reduction <add>, %reshape3A_28, %reduce_sum3A_29 [1] : vector<160x16x128xf32> to vector<160x128xf32>
    %get3A_31 = arith.constant 0 : index
    %get3A_32 = arith.constant 0 : index
    %get3A_33 = vector.load %arg8[%get3A_31, %get3A_32] : memref<128x128xf32, #tpu.memory_space<vmem>>, vector<128x128xf32>
    %dot_general3A_34 = arith.constant dense<0.000000e+00> : vector<160x128xf32>
    %dot_general3A_35 = tpu.matmul %reduce_sum3A_23, %get3A_33, %dot_general3A_34 {dimension_numbers = #tpu.dot_dimension_numbers<[1], [0], [0], [1], [0, 0, 1, 1], [], []>, transpose_lhs_hint = false} : vector<160x128xf32>, vector<128x128xf32>, vector<160x128xf32> -> vector<160x128xf32>
    %get3A_36 = arith.constant 0 : index
    %get3A_37 = arith.constant 0 : index
    %get3A_38 = vector.load %arg9[%get3A_36, %get3A_37] : memref<128x128xf32, #tpu.memory_space<vmem>>, vector<128x128xf32>
    %dot_general3A_39 = arith.constant dense<0.000000e+00> : vector<160x128xf32>
    %dot_general3A_40 = tpu.matmul %reduce_sum3A_30, %get3A_38, %dot_general3A_39 {dimension_numbers = #tpu.dot_dimension_numbers<[1], [0], [0], [1], [0, 0, 1, 1], [], []>, transpose_lhs_hint = false} : vector<160x128xf32>, vector<128x128xf32>, vector<160x128xf32> -> vector<160x128xf32>
    %add3A_41 = arith.addf %dot_general3A_35, %dot_general3A_40 : vector<160x128xf32>
    %get3A_42 = arith.constant 0 : index
    %get3A_43 = arith.constant 0 : index
    %get3A_44 = vector.load %arg10[%get3A_42, %get3A_43] : memref<1x128xf32, #tpu.memory_space<vmem>>, vector<1x128xf32>
    %add3A_45 = vector.broadcast %get3A_44 : vector<1x128xf32> to vector<160x128xf32>
    %add3A_46 = arith.addf %add3A_41, %add3A_45 : vector<160x128xf32>
    %swap3A = arith.constant 0 : index
    %swap3A_47 = arith.constant 0 : index
    %swap3A_48 = vector.load %arg11[%swap3A, %swap3A_47] : memref<160x128xf32, #tpu.memory_space<vmem>>, vector<160x128xf32>
    tpu.vector_store %arg11[%swap3A, %swap3A_47], %add3A_46 {strides = array<i32>} : memref<160x128xf32, #tpu.memory_space<vmem>>, vector<160x128xf32>,
    %mul3A_49 = arith.constant 160 : i32
    %mul3A_50 = arith.muli %arg0, %mul3A_49 : i32
    %iota3A = tpu.iota {dimensions = array<i32: 0>} : vector<160x1xi32>
    %add3A_51 = vector.broadcast %mul3A_50 : i32 to vector<160x1xi32>
    %add3A_52 = arith.addi %add3A_51, %iota3A : vector<160x1xi32>
    %lt3A = arith.constant 592 : i32
    %lt3A_53 = vector.broadcast %lt3A : i32 to vector<160x1xi32>
    %lt3A_54 = arith.cmpi slt, %add3A_52, %lt3A_53 : vector<160x1xi32>
    %jit3A = arith.constant 0.000000e+00 : f32
    %broadcast_in_dim3A = vector.shape_cast %lt3A_54 : vector<160x1xi1> to vector<160x1xi1>
    %broadcast_in_dim3A_55 = vector.broadcast %broadcast_in_dim3A : vector<160x1xi1> to vector<160x128xi1>
    %broadcast_in_dim3A_56 = vector.broadcast %jit3A : f32 to vector<160x128xf32>
    %select_n3A = arith.select %broadcast_in_dim3A_55, %add3A_46, %broadcast_in_dim3A_56 : vector<160x128xi1>, vector<160x128xf32>
    %reduce_sum3A_57 = arith.constant dense<0.000000e+00> : vector<128xf32>
    %reduce_sum3A_58 = vector.multi_reduction <add>, %select_n3A, %reduce_sum3A_57 [0] : vector<160x128xf32> to vector<128xf32>
    %broadcast_in_dim3A_59 = vector.shape_cast %reduce_sum3A_58 : vector<128xf32> to vector<1x128xf32>
    %swap3A_60 = arith.constant 0 : index
    %swap3A_61 = arith.constant 0 : index
    %swap3A_62 = arith.constant 0 : index
    %swap3A_63 = vector.load %arg12[%swap3A_60, %swap3A_61, %swap3A_62] : memref<1x1x128xf32, #tpu.memory_space<vmem>>, vector<1x1x128xf32>
    %swap3A_64 = vector.shape_cast %swap3A_63 : vector<1x1x128xf32> to vector<1x128xf32>
    %swap3A_65 = vector.shape_cast %broadcast_in_dim3A_59 : vector<1x128xf32> to vector<1x1x128xf32>
    tpu.vector_store %arg12[%swap3A_60, %swap3A_61, %swap3A_62], %swap3A_65 {strides = array<i32>} : memref<1x1x128xf32, #tpu.memory_space<vmem>>, vector<1x1x128xf32>,
    %mul3A_66 = arith.mulf %select_n3A, %select_n3A : vector<160x128xf32>
    %reduce_sum3A_67 = arith.constant dense<0.000000e+00> : vector<128xf32>
    %reduce_sum3A_68 = vector.multi_reduction <add>, %mul3A_66, %reduce_sum3A_67 [0] : vector<160x128xf32> to vector<128xf32>
    %broadcast_in_dim3A_69 = vector.shape_cast %reduce_sum3A_68 : vector<128xf32> to vector<1x128xf32>
    %swap3A_70 = arith.constant 0 : index
    %swap3A_71 = arith.constant 0 : index
    %swap3A_72 = arith.constant 0 : index
    %swap3A_73 = vector.load %arg13[%swap3A_70, %swap3A_71, %swap3A_72] : memref<1x1x128xf32, #tpu.memory_space<vmem>>, vector<1x1x128xf32>
    %swap3A_74 = vector.shape_cast %swap3A_73 : vector<1x1x128xf32> to vector<1x128xf32>
    %swap3A_75 = vector.shape_cast %broadcast_in_dim3A_69 : vector<1x128xf32> to vector<1x1x128xf32>
    tpu.vector_store %arg13[%swap3A_70, %swap3A_71, %swap3A_72], %swap3A_75 {strides = array<i32>} : memref<1x1x128xf32, #tpu.memory_space<vmem>>, vector<1x1x128xf32>,
    return
  }
  func.func @transform_0(%arg0: i32) -> (i32, i32) {
    %c0_i32 = arith.constant 0 : i32
    %c0_i32_0 = arith.constant 0 : i32
    return %arg0, %c0_i32 : i32, i32
  }
  func.func @transform_1(%arg0: i32) -> (i32, i32) {
    %c0_i32 = arith.constant 0 : i32
    %c0_i32_0 = arith.constant 0 : i32
    return %arg0, %c0_i32 : i32, i32
  }
  func.func @transform_2(%arg0: i32) -> (i32, i32) {
    %c0_i32 = arith.constant 0 : i32
    %c0_i32_0 = arith.constant 0 : i32
    return %arg0, %c0_i32 : i32, i32
  }
  func.func @transform_3(%arg0: i32) -> (i32, i32) {
    %c0_i32 = arith.constant 0 : i32
    %c0_i32_0 = arith.constant 0 : i32
    %c0_i32_1 = arith.constant 0 : i32
    return %c0_i32, %c0_i32_0 : i32, i32
  }
  func.func @transform_4(%arg0: i32) -> (i32, i32) {
    %c0_i32 = arith.constant 0 : i32
    %c0_i32_0 = arith.constant 0 : i32
    %c0_i32_1 = arith.constant 0 : i32
    return %c0_i32, %c0_i32_0 : i32, i32
  }
  func.func @transform_5(%arg0: i32) -> (i32, i32) {
    %c0_i32 = arith.constant 0 : i32
    %c0_i32_0 = arith.constant 0 : i32
    %c0_i32_1 = arith.constant 0 : i32
    return %c0_i32, %c0_i32_0 : i32, i32
  }
  func.func @transform_6(%arg0: i32) -> (i32, i32) {
    %c0_i32 = arith.constant 0 : i32
    %c0_i32_0 = arith.constant 0 : i32
    %c0_i32_1 = arith.constant 0 : i32
    return %c0_i32, %c0_i32_0 : i32, i32
  }
  func.func @transform_7(%arg0: i32) -> (i32, i32) {
    %c0_i32 = arith.constant 0 : i32
    %c0_i32_0 = arith.constant 0 : i32
    %c0_i32_1 = arith.constant 0 : i32
    return %c0_i32, %c0_i32_0 : i32, i32
  }
  func.func @transform_8(%arg0: i32) -> (i32, i32) {
    %c0_i32 = arith.constant 0 : i32
    %c0_i32_0 = arith.constant 0 : i32
    %c0_i32_1 = arith.constant 0 : i32
    return %c0_i32, %c0_i32_0 : i32, i32
  }
  func.func @transform_9(%arg0: i32) -> (i32, i32) {
    %c0_i32 = arith.constant 0 : i32
    %c0_i32_0 = arith.constant 0 : i32
    %c0_i32_1 = arith.constant 0 : i32
    return %c0_i32, %c0_i32_0 : i32, i32
  }
  func.func @transform_10(%arg0: i32) -> (i32, i32) {
    %c0_i32 = arith.constant 0 : i32
    %c0_i32_0 = arith.constant 0 : i32
    return %arg0, %c0_i32 : i32, i32
  }
  func.func @transform_11(%arg0: i32) -> (i32, i32, i32) {
    %c0_i32 = arith.constant 0 : i32
    %c0_i32_0 = arith.constant 0 : i32
    %c0_i32_1 = arith.constant 0 : i32
    return %arg0, %c0_i32, %c0_i32_0 : i32, i32, i32
  }
  func.func @transform_12(%arg0: i32) -> (i32, i32, i32) {
    %c0_i32 = arith.constant 0 : i32
    %c0_i32_0 = arith.constant 0 : i32
    %c0_i32_1 = arith.constant 0 : i32
    return %arg0, %c0_i32, %c0_i32_0 : i32, i32, i32
  }
}

module attributes {stable_mosaic.version = 14 : i64} {
  func.func @_fin_kernel(%arg0: i32, %arg1: memref<2560x256xf32, #tpu.memory_space<vmem>>, %arg2: memref<2560x16xf32, #tpu.memory_space<vmem>>, %arg3: memref<2560x128xf32, #tpu.memory_space<vmem>>, %arg4: memref<1x256xf32, #tpu.memory_space<vmem>>, %arg5: memref<1x256xf32, #tpu.memory_space<vmem>>, %arg6: memref<16x256xf32, #tpu.memory_space<vmem>>, %arg7: memref<16x128xf32, #tpu.memory_space<vmem>>, %arg8: memref<256x256xf32, #tpu.memory_space<vmem>>, %arg9: memref<128x256xf32, #tpu.memory_space<vmem>>, %arg10: memref<1x256xf32, #tpu.memory_space<vmem>>, %arg11: memref<160x256xf32, #tpu.memory_space<vmem>>, %arg12: memref<1x1x256xf32, #tpu.memory_space<vmem>>, %arg13: memref<1x1x256xf32, #tpu.memory_space<vmem>>) attributes {dimension_semantics = [#tpu.dimension_semantics<arbitrary>], iteration_bounds = array<i64: 4>, scalar_prefetch = 0 : i64, scratch_operands = 0 : i64, tpu.core_type = #tpu.core_type<tc>, window_params = [{transform_indices = @transform_0, window_bounds = array<i64: 2560, 256>}, {transform_indices = @transform_1, window_bounds = array<i64: 2560, 16>}, {transform_indices = @transform_2, window_bounds = array<i64: 2560, 128>}, {pipeline_mode = #tpu.pipeline_mode<synchronous>, transform_indices = @transform_3, window_bounds = array<i64: 1, 256>}, {pipeline_mode = #tpu.pipeline_mode<synchronous>, transform_indices = @transform_4, window_bounds = array<i64: 1, 256>}, {pipeline_mode = #tpu.pipeline_mode<synchronous>, transform_indices = @transform_5, window_bounds = array<i64: 16, 256>}, {pipeline_mode = #tpu.pipeline_mode<synchronous>, transform_indices = @transform_6, window_bounds = array<i64: 16, 128>}, {pipeline_mode = #tpu.pipeline_mode<synchronous>, transform_indices = @transform_7, window_bounds = array<i64: 256, 256>}, {pipeline_mode = #tpu.pipeline_mode<synchronous>, transform_indices = @transform_8, window_bounds = array<i64: 128, 256>}, {pipeline_mode = #tpu.pipeline_mode<synchronous>, transform_indices = @transform_9, window_bounds = array<i64: 1, 256>}, {transform_indices = @transform_10, window_bounds = array<i64: 160, 256>}, {transform_indices = @transform_11, window_bounds = array<i64: 1, 1, 256>}, {transform_indices = @transform_12, window_bounds = array<i64: 1, 1, 256>}]} {
    %get3A = arith.constant 0 : index
    %get3A_0 = arith.constant 0 : index
    %get3A_1 = vector.load %arg1[%get3A, %get3A_0] : memref<2560x256xf32, #tpu.memory_space<vmem>>, vector<2560x256xf32>
    %get3A_2 = arith.constant 0 : index
    %get3A_3 = arith.constant 0 : index
    %get3A_4 = vector.load %arg4[%get3A_2, %get3A_3] : memref<1x256xf32, #tpu.memory_space<vmem>>, vector<1x256xf32>
    %mul3A = vector.broadcast %get3A_4 : vector<1x256xf32> to vector<2560x256xf32>
    %mul3A_5 = arith.mulf %get3A_1, %mul3A : vector<2560x256xf32>
    %get3A_6 = arith.constant 0 : index
    %get3A_7 = arith.constant 0 : index
    %get3A_8 = vector.load %arg5[%get3A_6, %get3A_7] : memref<1x256xf32, #tpu.memory_space<vmem>>, vector<1x256xf32>
    %add3A = vector.broadcast %get3A_8 : vector<1x256xf32> to vector<2560x256xf32>
    %add3A_9 = arith.addf %mul3A_5, %add3A : vector<2560x256xf32>
    %get3A_10 = arith.constant 0 : index
    %get3A_11 = arith.constant 0 : index
    %get3A_12 = vector.load %arg2[%get3A_10, %get3A_11] : memref<2560x16xf32, #tpu.memory_space<vmem>>, vector<2560x16xf32>
    %get3A_13 = arith.constant 0 : index
    %get3A_14 = arith.constant 0 : index
    %get3A_15 = vector.load %arg6[%get3A_13, %get3A_14] : memref<16x256xf32, #tpu.memory_space<vmem>>, vector<16x256xf32>
    %dot_general3A = arith.constant dense<0.000000e+00> : vector<2560x256xf32>
    %dot_general3A_16 = tpu.matmul %get3A_12, %get3A_15, %dot_general3A {dimension_numbers = #tpu.dot_dimension_numbers<[1], [0], [0], [1], [0, 0, 1, 1], [], []>, transpose_lhs_hint = false} : vector<2560x16xf32>, vector<16x256xf32>, vector<2560x256xf32> -> vector<2560x256xf32>
    %get3A_17 = arith.constant 0 : index
    %get3A_18 = arith.constant 0 : index
    %get3A_19 = vector.load %arg7[%get3A_17, %get3A_18] : memref<16x128xf32, #tpu.memory_space<vmem>>, vector<16x128xf32>
    %dot_general3A_20 = arith.constant dense<0.000000e+00> : vector<2560x128xf32>
    %dot_general3A_21 = tpu.matmul %get3A_12, %get3A_19, %dot_general3A_20 {dimension_numbers = #tpu.dot_dimension_numbers<[1], [0], [0], [1], [0, 0, 1, 1], [], []>, transpose_lhs_hint = false} : vector<2560x16xf32>, vector<16x128xf32>, vector<2560x128xf32> -> vector<2560x128xf32>
    %mul3A_22 = arith.mulf %add3A_9, %dot_general3A_16 : vector<2560x256xf32>
    %reshape3A = vector.shape_cast %mul3A_22 : vector<2560x256xf32> to vector<160x16x256xf32>
    %reduce_sum3A = arith.constant dense<0.000000e+00> : vector<160x256xf32>
    %reduce_sum3A_23 = vector.multi_reduction <add>, %reshape3A, %reduce_sum3A [1] : vector<160x16x256xf32> to vector<160x256xf32>
    %get3A_24 = arith.constant 0 : index
    %get3A_25 = arith.constant 0 : index
    %get3A_26 = vector.load %arg3[%get3A_24, %get3A_25] : memref<2560x128xf32, #tpu.memory_space<vmem>>, vector<2560x128xf32>
    %mul3A_27 = arith.mulf %get3A_26, %dot_general3A_21 : vector<2560x128xf32>
    %reshape3A_28 = vector.shape_cast %mul3A_27 : vector<2560x128xf32> to vector<160x16x128xf32>
    %reduce_sum3A_29 = arith.constant dense<0.000000e+00> : vector<160x128xf32>
    %reduce_sum3A_30 = vector.multi_reduction <add>, %reshape3A_28, %reduce_sum3A_29 [1] : vector<160x16x128xf32> to vector<160x128xf32>
    %get3A_31 = arith.constant 0 : index
    %get3A_32 = arith.constant 0 : index
    %get3A_33 = vector.load %arg8[%get3A_31, %get3A_32] : memref<256x256xf32, #tpu.memory_space<vmem>>, vector<256x256xf32>
    %dot_general3A_34 = arith.constant dense<0.000000e+00> : vector<160x256xf32>
    %dot_general3A_35 = tpu.matmul %reduce_sum3A_23, %get3A_33, %dot_general3A_34 {dimension_numbers = #tpu.dot_dimension_numbers<[1], [0], [0], [1], [0, 0, 1, 1], [], []>, transpose_lhs_hint = false} : vector<160x256xf32>, vector<256x256xf32>, vector<160x256xf32> -> vector<160x256xf32>
    %get3A_36 = arith.constant 0 : index
    %get3A_37 = arith.constant 0 : index
    %get3A_38 = vector.load %arg9[%get3A_36, %get3A_37] : memref<128x256xf32, #tpu.memory_space<vmem>>, vector<128x256xf32>
    %dot_general3A_39 = arith.constant dense<0.000000e+00> : vector<160x256xf32>
    %dot_general3A_40 = tpu.matmul %reduce_sum3A_30, %get3A_38, %dot_general3A_39 {dimension_numbers = #tpu.dot_dimension_numbers<[1], [0], [0], [1], [0, 0, 1, 1], [], []>, transpose_lhs_hint = false} : vector<160x128xf32>, vector<128x256xf32>, vector<160x256xf32> -> vector<160x256xf32>
    %add3A_41 = arith.addf %dot_general3A_35, %dot_general3A_40 : vector<160x256xf32>
    %get3A_42 = arith.constant 0 : index
    %get3A_43 = arith.constant 0 : index
    %get3A_44 = vector.load %arg10[%get3A_42, %get3A_43] : memref<1x256xf32, #tpu.memory_space<vmem>>, vector<1x256xf32>
    %add3A_45 = vector.broadcast %get3A_44 : vector<1x256xf32> to vector<160x256xf32>
    %add3A_46 = arith.addf %add3A_41, %add3A_45 : vector<160x256xf32>
    %swap3A = arith.constant 0 : index
    %swap3A_47 = arith.constant 0 : index
    %swap3A_48 = vector.load %arg11[%swap3A, %swap3A_47] : memref<160x256xf32, #tpu.memory_space<vmem>>, vector<160x256xf32>
    tpu.vector_store %arg11[%swap3A, %swap3A_47], %add3A_46 {strides = array<i32>} : memref<160x256xf32, #tpu.memory_space<vmem>>, vector<160x256xf32>,
    %mul3A_49 = arith.constant 160 : i32
    %mul3A_50 = arith.muli %arg0, %mul3A_49 : i32
    %iota3A = tpu.iota {dimensions = array<i32: 0>} : vector<160x1xi32>
    %add3A_51 = vector.broadcast %mul3A_50 : i32 to vector<160x1xi32>
    %add3A_52 = arith.addi %add3A_51, %iota3A : vector<160x1xi32>
    %lt3A = arith.constant 592 : i32
    %lt3A_53 = vector.broadcast %lt3A : i32 to vector<160x1xi32>
    %lt3A_54 = arith.cmpi slt, %add3A_52, %lt3A_53 : vector<160x1xi32>
    %jit3A = arith.constant 0.000000e+00 : f32
    %broadcast_in_dim3A = vector.shape_cast %lt3A_54 : vector<160x1xi1> to vector<160x1xi1>
    %broadcast_in_dim3A_55 = vector.broadcast %broadcast_in_dim3A : vector<160x1xi1> to vector<160x256xi1>
    %broadcast_in_dim3A_56 = vector.broadcast %jit3A : f32 to vector<160x256xf32>
    %select_n3A = arith.select %broadcast_in_dim3A_55, %add3A_46, %broadcast_in_dim3A_56 : vector<160x256xi1>, vector<160x256xf32>
    %reduce_sum3A_57 = arith.constant dense<0.000000e+00> : vector<256xf32>
    %reduce_sum3A_58 = vector.multi_reduction <add>, %select_n3A, %reduce_sum3A_57 [0] : vector<160x256xf32> to vector<256xf32>
    %broadcast_in_dim3A_59 = vector.shape_cast %reduce_sum3A_58 : vector<256xf32> to vector<1x256xf32>
    %swap3A_60 = arith.constant 0 : index
    %swap3A_61 = arith.constant 0 : index
    %swap3A_62 = arith.constant 0 : index
    %swap3A_63 = vector.load %arg12[%swap3A_60, %swap3A_61, %swap3A_62] : memref<1x1x256xf32, #tpu.memory_space<vmem>>, vector<1x1x256xf32>
    %swap3A_64 = vector.shape_cast %swap3A_63 : vector<1x1x256xf32> to vector<1x256xf32>
    %swap3A_65 = vector.shape_cast %broadcast_in_dim3A_59 : vector<1x256xf32> to vector<1x1x256xf32>
    tpu.vector_store %arg12[%swap3A_60, %swap3A_61, %swap3A_62], %swap3A_65 {strides = array<i32>} : memref<1x1x256xf32, #tpu.memory_space<vmem>>, vector<1x1x256xf32>,
    %mul3A_66 = arith.mulf %select_n3A, %select_n3A : vector<160x256xf32>
    %reduce_sum3A_67 = arith.constant dense<0.000000e+00> : vector<256xf32>
    %reduce_sum3A_68 = vector.multi_reduction <add>, %mul3A_66, %reduce_sum3A_67 [0] : vector<160x256xf32> to vector<256xf32>
    %broadcast_in_dim3A_69 = vector.shape_cast %reduce_sum3A_68 : vector<256xf32> to vector<1x256xf32>
    %swap3A_70 = arith.constant 0 : index
    %swap3A_71 = arith.constant 0 : index
    %swap3A_72 = arith.constant 0 : index
    %swap3A_73 = vector.load %arg13[%swap3A_70, %swap3A_71, %swap3A_72] : memref<1x1x256xf32, #tpu.memory_space<vmem>>, vector<1x1x256xf32>
    %swap3A_74 = vector.shape_cast %swap3A_73 : vector<1x1x256xf32> to vector<1x256xf32>
    %swap3A_75 = vector.shape_cast %broadcast_in_dim3A_69 : vector<1x256xf32> to vector<1x1x256xf32>
    tpu.vector_store %arg13[%swap3A_70, %swap3A_71, %swap3A_72], %swap3A_75 {strides = array<i32>} : memref<1x1x256xf32, #tpu.memory_space<vmem>>, vector<1x1x256xf32>,
    return
  }
  func.func @transform_0(%arg0: i32) -> (i32, i32) {
    %c0_i32 = arith.constant 0 : i32
    %c0_i32_0 = arith.constant 0 : i32
    return %arg0, %c0_i32 : i32, i32
  }
  func.func @transform_1(%arg0: i32) -> (i32, i32) {
    %c0_i32 = arith.constant 0 : i32
    %c0_i32_0 = arith.constant 0 : i32
    return %arg0, %c0_i32 : i32, i32
  }
  func.func @transform_2(%arg0: i32) -> (i32, i32) {
    %c0_i32 = arith.constant 0 : i32
    %c0_i32_0 = arith.constant 0 : i32
    return %arg0, %c0_i32 : i32, i32
  }
  func.func @transform_3(%arg0: i32) -> (i32, i32) {
    %c0_i32 = arith.constant 0 : i32
    %c0_i32_0 = arith.constant 0 : i32
    %c0_i32_1 = arith.constant 0 : i32
    return %c0_i32, %c0_i32_0 : i32, i32
  }
  func.func @transform_4(%arg0: i32) -> (i32, i32) {
    %c0_i32 = arith.constant 0 : i32
    %c0_i32_0 = arith.constant 0 : i32
    %c0_i32_1 = arith.constant 0 : i32
    return %c0_i32, %c0_i32_0 : i32, i32
  }
  func.func @transform_5(%arg0: i32) -> (i32, i32) {
    %c0_i32 = arith.constant 0 : i32
    %c0_i32_0 = arith.constant 0 : i32
    %c0_i32_1 = arith.constant 0 : i32
    return %c0_i32, %c0_i32_0 : i32, i32
  }
  func.func @transform_6(%arg0: i32) -> (i32, i32) {
    %c0_i32 = arith.constant 0 : i32
    %c0_i32_0 = arith.constant 0 : i32
    %c0_i32_1 = arith.constant 0 : i32
    return %c0_i32, %c0_i32_0 : i32, i32
  }
  func.func @transform_7(%arg0: i32) -> (i32, i32) {
    %c0_i32 = arith.constant 0 : i32
    %c0_i32_0 = arith.constant 0 : i32
    %c0_i32_1 = arith.constant 0 : i32
    return %c0_i32, %c0_i32_0 : i32, i32
  }
  func.func @transform_8(%arg0: i32) -> (i32, i32) {
    %c0_i32 = arith.constant 0 : i32
    %c0_i32_0 = arith.constant 0 : i32
    %c0_i32_1 = arith.constant 0 : i32
    return %c0_i32, %c0_i32_0 : i32, i32
  }
  func.func @transform_9(%arg0: i32) -> (i32, i32) {
    %c0_i32 = arith.constant 0 : i32
    %c0_i32_0 = arith.constant 0 : i32
    %c0_i32_1 = arith.constant 0 : i32
    return %c0_i32, %c0_i32_0 : i32, i32
  }
  func.func @transform_10(%arg0: i32) -> (i32, i32) {
    %c0_i32 = arith.constant 0 : i32
    %c0_i32_0 = arith.constant 0 : i32
    return %arg0, %c0_i32 : i32, i32
  }
  func.func @transform_11(%arg0: i32) -> (i32, i32, i32) {
    %c0_i32 = arith.constant 0 : i32
    %c0_i32_0 = arith.constant 0 : i32
    %c0_i32_1 = arith.constant 0 : i32
    return %arg0, %c0_i32, %c0_i32_0 : i32, i32, i32
  }
  func.func @transform_12(%arg0: i32) -> (i32, i32, i32) {
    %c0_i32 = arith.constant 0 : i32
    %c0_i32_0 = arith.constant 0 : i32
    %c0_i32_1 = arith.constant 0 : i32
    return %arg0, %c0_i32, %c0_i32_0 : i32, i32, i32
  }
}

module attributes {stable_mosaic.version = 14 : i64} {
  func.func @_head_kernel(%arg0: memref<592x256xf32, #tpu.memory_space<vmem>>, %arg1: memref<1x256xf32, #tpu.memory_space<vmem>>, %arg2: memref<1x256xf32, #tpu.memory_space<vmem>>, %arg3: memref<256x64xf32, #tpu.memory_space<vmem>>, %arg4: memref<1x64xf32, #tpu.memory_space<vmem>>, %arg5: memref<64x40xf32, #tpu.memory_space<vmem>>, %arg6: memref<1x40xf32, #tpu.memory_space<vmem>>, %arg7: memref<16x40xf32, #tpu.memory_space<vmem>>) attributes {dimension_semantics = [], scalar_prefetch = 0 : i64, scratch_operands = 0 : i64, tpu.core_type = #tpu.core_type<tc>} {
    %get3A = arith.constant 0 : index
    %get3A_0 = arith.constant 0 : index
    %get3A_1 = vector.load %arg0[%get3A, %get3A_0] : memref<592x256xf32, #tpu.memory_space<vmem>>, vector<592x256xf32>
    %reshape3A = vector.shape_cast %get3A_1 : vector<592x256xf32> to vector<16x37x256xf32>
    %reduce_sum3A = arith.constant dense<0.000000e+00> : vector<16x256xf32>
    %reduce_sum3A_2 = vector.multi_reduction <add>, %reshape3A, %reduce_sum3A [1] : vector<16x37x256xf32> to vector<16x256xf32>
    %div3A = arith.constant 3.700000e+01 : f32
    %div3A_3 = vector.broadcast %div3A : f32 to vector<16x256xf32>
    %div3A_4 = arith.divf %reduce_sum3A_2, %div3A_3 : vector<16x256xf32>
    %reduce_sum3A_5 = arith.constant dense<0.000000e+00> : vector<256xf32>
    %reduce_sum3A_6 = vector.multi_reduction <add>, %div3A_4, %reduce_sum3A_5 [0] : vector<16x256xf32> to vector<256xf32>
    %broadcast_in_dim3A = vector.shape_cast %reduce_sum3A_6 : vector<256xf32> to vector<1x256xf32>
    %div3A_7 = arith.constant 1.600000e+01 : f32
    %div3A_8 = vector.broadcast %div3A_7 : f32 to vector<1x256xf32>
    %div3A_9 = arith.divf %broadcast_in_dim3A, %div3A_8 : vector<1x256xf32>
    %mul3A = arith.mulf %div3A_4, %div3A_4 : vector<16x256xf32>
    %reduce_sum3A_10 = arith.constant dense<0.000000e+00> : vector<256xf32>
    %reduce_sum3A_11 = vector.multi_reduction <add>, %mul3A, %reduce_sum3A_10 [0] : vector<16x256xf32> to vector<256xf32>
    %broadcast_in_dim3A_12 = vector.shape_cast %reduce_sum3A_11 : vector<256xf32> to vector<1x256xf32>
    %div3A_13 = arith.constant 1.600000e+01 : f32
    %div3A_14 = vector.broadcast %div3A_13 : f32 to vector<1x256xf32>
    %div3A_15 = arith.divf %broadcast_in_dim3A_12, %div3A_14 : vector<1x256xf32>
    %mul3A_16 = arith.mulf %div3A_9, %div3A_9 : vector<1x256xf32>
    %sub3A = arith.subf %div3A_15, %mul3A_16 : vector<1x256xf32>
    %sub3A_17 = vector.broadcast %div3A_9 : vector<1x256xf32> to vector<16x256xf32>
    %sub3A_18 = arith.subf %div3A_4, %sub3A_17 : vector<16x256xf32>
    %add3A = arith.constant 9.99999974E-6 : f32
    %add3A_19 = vector.broadcast %add3A : f32 to vector<1x256xf32>
    %add3A_20 = arith.addf %sub3A, %add3A_19 : vector<1x256xf32>
    %sqrt3A = math.sqrt %add3A_20 : vector<1x256xf32>
    %div3A_21 = vector.broadcast %sqrt3A : vector<1x256xf32> to vector<16x256xf32>
    %div3A_22 = arith.divf %sub3A_18, %div3A_21 : vector<16x256xf32>
    %get3A_23 = arith.constant 0 : index
    %get3A_24 = arith.constant 0 : index
    %get3A_25 = vector.load %arg1[%get3A_23, %get3A_24] : memref<1x256xf32, #tpu.memory_space<vmem>>, vector<1x256xf32>
    %mul3A_26 = vector.broadcast %get3A_25 : vector<1x256xf32> to vector<16x256xf32>
    %mul3A_27 = arith.mulf %div3A_22, %mul3A_26 : vector<16x256xf32>
    %get3A_28 = arith.constant 0 : index
    %get3A_29 = arith.constant 0 : index
    %get3A_30 = vector.load %arg2[%get3A_28, %get3A_29] : memref<1x256xf32, #tpu.memory_space<vmem>>, vector<1x256xf32>
    %add3A_31 = vector.broadcast %get3A_30 : vector<1x256xf32> to vector<16x256xf32>
    %add3A_32 = arith.addf %mul3A_27, %add3A_31 : vector<16x256xf32>
    %max3A = arith.constant 0.000000e+00 : f32
    %max3A_33 = vector.broadcast %max3A : f32 to vector<16x256xf32>
    %max3A_34 = arith.maximumf %add3A_32, %max3A_33 : vector<16x256xf32>
    %get3A_35 = arith.constant 0 : index
    %get3A_36 = arith.constant 0 : index
    %get3A_37 = vector.load %arg3[%get3A_35, %get3A_36] : memref<256x64xf32, #tpu.memory_space<vmem>>, vector<256x64xf32>
    %dot_general3A = arith.constant dense<0.000000e+00> : vector<16x64xf32>
    %dot_general3A_38 = tpu.matmul %max3A_34, %get3A_37, %dot_general3A {dimension_numbers = #tpu.dot_dimension_numbers<[1], [0], [0], [1], [0, 0, 1, 1], [], []>, transpose_lhs_hint = false} : vector<16x256xf32>, vector<256x64xf32>, vector<16x64xf32> -> vector<16x64xf32>
    %get3A_39 = arith.constant 0 : index
    %get3A_40 = arith.constant 0 : index
    %get3A_41 = vector.load %arg4[%get3A_39, %get3A_40] : memref<1x64xf32, #tpu.memory_space<vmem>>, vector<1x64xf32>
    %add3A_42 = vector.broadcast %get3A_41 : vector<1x64xf32> to vector<16x64xf32>
    %add3A_43 = arith.addf %dot_general3A_38, %add3A_42 : vector<16x64xf32>
    %get3A_44 = arith.constant 0 : index
    %get3A_45 = arith.constant 0 : index
    %get3A_46 = vector.load %arg5[%get3A_44, %get3A_45] : memref<64x40xf32, #tpu.memory_space<vmem>>, vector<64x40xf32>
    %dot_general3A_47 = arith.constant dense<0.000000e+00> : vector<16x40xf32>
    %dot_general3A_48 = tpu.matmul %add3A_43, %get3A_46, %dot_general3A_47 {dimension_numbers = #tpu.dot_dimension_numbers<[1], [0], [0], [1], [0, 0, 1, 1], [], []>, transpose_lhs_hint = false} : vector<16x64xf32>, vector<64x40xf32>, vector<16x40xf32> -> vector<16x40xf32>
    %get3A_49 = arith.constant 0 : index
    %get3A_50 = arith.constant 0 : index
    %get3A_51 = vector.load %arg6[%get3A_49, %get3A_50] : memref<1x40xf32, #tpu.memory_space<vmem>>, vector<1x40xf32>
    %add3A_52 = vector.broadcast %get3A_51 : vector<1x40xf32> to vector<16x40xf32>
    %add3A_53 = arith.addf %dot_general3A_48, %add3A_52 : vector<16x40xf32>
    %swap3A = arith.constant 0 : index
    %swap3A_54 = arith.constant 0 : index
    %swap3A_55 = vector.load %arg7[%swap3A, %swap3A_54] : memref<16x40xf32, #tpu.memory_space<vmem>>, vector<16x40xf32>
    tpu.vector_store %arg7[%swap3A, %swap3A_54], %add3A_53 {strides = array<i32>} : memref<16x40xf32, #tpu.memory_space<vmem>>, vector<16x40xf32>,
    return
  }
}

</mosaic_0001>

<sc_bundles>
// kernel: gather_offload_async_start.1
scs
__scs_entry_jumppad:
0x0: {  	(pc) =	sbr.rel $0x88, $3  }
0x1: {  	(tag) =	ssettag $0x0;
	lr =	simm.s32 $0x1  }
0x2: {  	[smem:$0x3F19] =	sst lr;
	_ =	strace $0xD0000000  }
0x3: {  	_ = 	snop  }
0x4: {  	_ = 	snop  }
0x5: {  	_ = 	snop  }
0x6: {  	_ = 	snop  }
0x7: {  	_ = 	snop  }
__scs_overlays_trampoline_lowered:
0x8: {  	[smem:$0x3F28] =	sst s0  }
0x9: {  	[smem:$0x3F29] =	sst s1  }
0xa: {  	[smem:$0x3F2A] =	sst s2  }
0xb: {  	[smem:$0x3F2B] =	sst s3  }
0xc: {  	[smem:$0x3F2C] =	sst s4  }
0xd: {  	[smem:$0x3F2D] =	sst s5  }
0xe: {  	[smem:$0x3F2E] =	sst s6  }
0xf: {  	[smem:$0x3F2F] =	sst s7  }
0x10: {  	[smem:$0x3F30] =	sst s8  }
0x11: {  	[smem:$0x3F31] =	sst s9;
	s0 =	simm.s32 @!p0 $0x0  }
0x12: {  	s1 =	sld [smem:$0x3F17];
	s0 =	simm.s32 @p0 $0x1  }
0x13: {  	[smem:$0x3F32] =	sst s0;
	s0 =	simm.s32 @!p1 $0x0  }
0x14: {  	s2 =	sld [smem:$0x3F16];
	s0 =	simm.s32 @p1 $0x1  }
0x15: {  	[smem:$0x3F33] =	sst s0;
	s0 =	simm.s32 @!p2 $0x0  }
0x16: {  	s3 =	sld [smem:$0x3FDB];
	s0 =	simm.s32 @p2 $0x1  }
0x17: {  	s4 =	simm.s32 $0x1BF5;
	[smem:$0x3F35] =	sst s0  }
0x18: {  	s0 =	sld [smem:$0x3F18];
	_ =	swait.ge [sflag:s4], $0x0  }
0x19: {  	s7 =	sld [smem:$0x3F19]  }
0x1a: {  	s8 =	sadd.s32 $0xFFFFE003, lr  }
0x1b: {  	s9 =	sadd.s32 $0xFFFFFEF7, lr;
	s5 =	simm.s32 $0xFFFFFFFF;
	p2 =	slt.u32 s8, $0xFFFFF086  }
0x1c: {  	p1 =	slt.u32 s9, $0xF7A;
	s5 =	simm.s32 @!p2 $0x0  }
0x1d: {  	s5 =	simm.s32 @p1 $0x1;
	p0 =	seq.s32 s7, s2  }
0x1e: {  	s7 =	smul.u32 @!p0 $0xF7A, s2;
	p2 =	seq.s32 @!p0 s5, $0x0  }
0x1f: {  	s9 =	smul.u32 $0xF7A, s1;
	s8 =	simm.s32 @!p0 $0x1BF5;
	p2 =	por !p2, p0  }
0x20: {  	[sflag:s8] =	ssyncset.s32 @!p0 $0xFFFFF086;
	s6 =	sadd.s32 @!p0 s3, s7;
	s7 =	simm.s32 @!p0 $0x108  }
0x21: {  	s3 =	sadd.s32 s3, s9;
	s6 =	sadd.s32 @!p0 $0x88, s6;
	s7 =	simm.s32 @p2 $0x1082  }
0x22: {  	[simem:s7], [sflag:s8] =	dma.local @!p0 [hbm:s6], $0xF7A  }
0x23: {  	s9 =	sor.u32 $0xD0000000, s2;
	s6 =	simm.s32 $0x108;
	_ =	swait.ge @!p0 [sflag:s8], $0x0  }
0x24: {  	s3 =	sadd.s32 $0x88, s3;
	s6 =	simm.s32 @!p1 $0x1082;
	[sflag:s4] =	ssyncset.s32 $0xFFFFF086  }
0x25: {  	[simem:s6], [sflag:s4] =	dma.local [hbm:s3], $0xF7A  }
0x26: {  	[smem:$0x3F19] =	sst s1;
	(tag) =	ssettag s2;
	_ =	strace s9  }
0x27: {  	s1 =	sld [smem:$0x3F29]  }
0x28: {  	s2 =	sld [smem:$0x3F2A]  }
0x29: {  	s4 =	sld [smem:$0x3F2C]  }
0x2a: {  	p0 =	seq.s32 s5, $0x0;
	s5 =	sld [smem:$0x3F2D]  }
0x2b: {  	s6 =	sld [smem:$0x3F2E]  }
0x2c: {  	s7 =	sld [smem:$0x3F2F]  }
0x2d: {  	s3 =	simm.s32 $0x108;
	s8 =	sld [smem:$0x3F30]  }
0x2e: {  	s3 =	simm.s32 @!p0 $0x1082;
	s9 =	sld [smem:$0x3F31]  }
0x2f: {  	lr =	sadd.s32 s0, s3;
	s0 =	sld [smem:$0x3F28]  }
0x30: {  	s3 =	sld [smem:$0x3F2B]  }
0x31: {  	[smem:$0x3F34] =	sst s10  }
0x32: {  	s10 =	sld [smem:$0x3F32];
	_ =	sdelay $0x3  }
0x33: {  	p0 =	seq.s32 s10, $0x1;
	s10 =	sld [smem:$0x3F34];
	_ =	sdelay $0x3  }
0x34: {  	[smem:$0x3F34] =	sst s10  }
0x35: {  	s10 =	sld [smem:$0x3F33];
	_ =	sdelay $0x3  }
0x36: {  	p1 =	seq.s32 s10, $0x1;
	s10 =	sld [smem:$0x3F34];
	_ =	sdelay $0x3  }
0x37: {  	[smem:$0x3F34] =	sst s10  }
0x38: {  	s10 =	sld [smem:$0x3F35]  }
0x39: {  	_ = 	snop;
	(pc) =	sbr.ind lr, $3  }
0x3a: {  	_ = 	snop  }
0x3b: {  	_ = 	snop  }
0x3c: {  	p2 =	seq.s32 s10, $0x1;
	s10 =	sld [smem:$0x3F34]  }
0x3d: {  	_ =	shalt  }
0x3e: {  	_ =	shalt  }
0x3f: {  	_ =	shalt  }
0x40: {  	_ =	shalt  }
0x41: {  	_ =	shalt  }
0x42: {  	_ =	shalt  }
0x43: {  	_ =	shalt  }
0x44: {  	_ =	shalt  }
0x45: {  	_ =	shalt  }
0x46: {  	_ =	shalt  }
0x47: {  	_ =	shalt  }
0x48: {  	_ =	shalt  }
0x49: {  	_ =	shalt  }
0x4a: {  	_ =	shalt  }
0x4b: {  	_ =	shalt  }
0x4c: {  	_ =	shalt  }
0x4d: {  	_ =	shalt  }
0x4e: {  	_ =	shalt  }
0x4f: {  	_ =	shalt  }
0x50: {  	_ =	shalt  }
0x51: {  	_ =	shalt  }
0x52: {  	_ =	shalt  }
0x53: {  	_ =	shalt  }
0x54: {  	_ =	shalt  }
0x55: {  	_ =	shalt  }
0x56: {  	_ =	shalt  }
0x57: {  	_ =	shalt  }
0x58: {  	_ =	shalt  }
0x59: {  	_ =	shalt  }
0x5a: {  	_ =	shalt  }
0x5b: {  	_ =	shalt  }
0x5c: {  	_ =	shalt  }
0x5d: {  	_ =	shalt  }
0x5e: {  	_ =	shalt  }
0x5f: {  	_ =	shalt  }
0x60: {  	_ =	shalt  }
0x61: {  	_ =	shalt  }
0x62: {  	_ =	shalt  }
0x63: {  	_ =	shalt  }
0x64: {  	_ =	shalt  }
0x65: {  	_ =	shalt  }
0x66: {  	_ =	shalt  }
0x67: {  	_ =	shalt  }
0x68: {  	_ =	shalt  }
0x69: {  	_ =	shalt  }
0x6a: {  	_ =	shalt  }
0x6b: {  	_ =	shalt  }
0x6c: {  	_ =	shalt  }
0x6d: {  	_ =	shalt  }
0x6e: {  	_ =	shalt  }
0x6f: {  	_ =	shalt  }
0x70: {  	_ =	shalt  }
0x71: {  	_ =	shalt  }
0x72: {  	_ =	shalt  }
0x73: {  	_ =	shalt  }
0x74: {  	_ =	shalt  }
0x75: {  	_ =	shalt  }
0x76: {  	_ =	shalt  }
0x77: {  	_ =	shalt  }
0x78: {  	_ =	shalt  }
0x79: {  	_ =	shalt  }
0x7a: {  	_ =	shalt  }
0x7b: {  	_ =	shalt  }
0x7c: {  	_ =	shalt  }
0x7d: {  	_ =	shalt  }
0x7e: {  	_ =	shalt  }
0x7f: {  	_ =	shalt  }
0x80: {  	_ =	shalt  }
0x81: {  	_ =	shalt  }
0x82: {  	_ =	shalt  }
0x83: {  	_ =	shalt  }
0x84: {  	_ =	shalt  }
0x85: {  	_ =	shalt  }
0x86: {  	_ =	shalt  }
0x87: {  	_ =	shalt  }
.Lfunc_end0:
.L_simem_size_0:
called_computation.2_lowered:
.L_overlay_start_0:
0x88: {  	s2 =	sld [smem:$0x3FD9]  }
0x89: {  	s3 =	sld [smem:$0x3FFE];
	_ =	sdelay $0x1  }
0x8a: {  	s1 =	srdreg.scid  }
0x8b: {  	s0 =	sand.u32 $0x1, s1  }
0x8c: {  	s17 =	sshll.u32 s0, $0xA;
	s2 =	sadd.s32 s3, s2  }
0x8d: {  	s2 =	sadd.s32 s2, s17  }
0x8e: {  	[smem:$0x3F40] =	sst s2  }
0x8f: {  	_ = 	snop  }
0x90: {  	s2 =	sld [smem:$0x3FD0];
	(tm) =	ssettm $0x1  }
0x91: {  	s18 =	sld [smem:$0x3FFB];
	_ =	sdelay $0x3  }
0x92: {  	_ =	strace s18  }
0x93: {  	s3 =	sld [smem:$0x3FFC];
	_ =	sdelay $0x3  }
0x94: {  	_ =	strace s3  }
0x95: {  	s3 =	sld [smem:$0x3FFD];
	_ =	sdelay $0x3  }
0x96: {  	_ =	strace s3  }
0x97: {  	_ =	strace $0x8FFFFFFF  }
0x98: {  	s19 =	sld [smem:$0x3FDB];
	_ =	sdelay $0x1  }
0x99: {  	s4 =	simm.s32 $_scs_section_size  }
0x9a: {  	s5 =	simm.s32 $_size__tile_overlayer_lowered;
	s6 =	simm.s32 $_tile_overlayer_lowered  }
0x9b: {  	s22 =	simm.s32 $0x1BFF;
	s21 =	sshll.u32 s6, $0x1;
	s3 =	sadd.s32 s4, s19  }
0x9c: {  	s7 =	simm.s32 $0x0;
	s20 =	sshll.u32 s5, $0x1;
	s5 =	sadd.s32 s21, s3  }
0x9d: {  	[timem:s7], [sflag:s22] =	dma.local [hbm:s5], s20  }
0x9e: {  	_ =	swait.ge [sflag:s22], s20  }
0x9f: {  	s4 =	ssub.s32 $0x0, s20;
	[sflag:s22] =	ssyncset.done $0x0  }
0xa0: {  	[sflag:s22] =	ssyncadd.s32 s4;
	_ =	sdelay $0x1  }
0xa1: {  	s23 =	simm.s32 $0x1B8B  }
0xa2: {  	_ =	swait.ge [sflag:s23], $0x1  }
0xa3: {  	[sflag:s23] =	ssyncset.done $0x0  }
0xa4: {  	s25 =	simm.s32 $0x1B8E;
	s24 =	sld [smem:$0x3FFE];
	[sflag:s23] =	ssyncadd.s32 $0xFFFFFFFF  }
0xa5: {  	s26 =	simm.s32 $execute0_lowered;
	[smem:$0x3FD2] =	sst s25  }
0xa6: {  	s5 =	sshll.u32 s26, $0x1;
	_ =	strace $0x80000049;
	[dreg:$0x1] =	wrdreg $0xFFFFFFFF  }
0xa7: {  	s28 =	simm.s32 $_size_execute0_lowered;
	s3 =	sadd.s32 s3, s5;
	[dreg:$0x0] =	wrdreg $0x0  }
0xa8: {  	s5 =	sshll.u32 s28, $0x1;
	[dreg:$0x2] =	wrdreg s3  }
0xa9: {  	[dreg:$0x3] =	wrdreg s5  }
0xaa: {  	[dreg:$0x4] =	wrdreg $0xC0  }
0xab: {  	_ =	task [dreg:s7], $0x5FFFF  }
0xac: {  	[dreg:$0x1] =	wrdreg $0xFFFFFFFF  }
0xad: {  	[dreg:$0x0] =	wrdreg $0x60  }
0xae: {  	[dreg:$0x2] =	wrdreg s24  }
0xaf: {  	[dreg:$0x3] =	wrdreg s2  }
0xb0: {  	[dreg:$0x4] =	wrdreg $0x9  }
0xb1: {  	_ =	task.clear_ibuf [dreg:s7], $0x5FFFF;
	_ =	strace $0x90000049  }
0xb2: {  	s29 =	simm.s32 $0x9;
	_ =	strace $0x8000004B  }
0xb3: {  	_ =	swait.ge [sflag:s29], $0x1  }
0xb4: {  	[sflag:s29] =	ssyncadd.s32 $0xFFFFFFFF  }
0xb5: {  	_ =	strace $0x9000004B  }
0xb6: {  	_ =	sfence  }
0xb7: {  	s30 =	sld [smem:$0x0];
	_ =	sdelay $0x2  }
0xb8: {  	s31 =	sshll.u32 s1, $0xD;
	s1 =	sshrl.u32 s1, $0x2  }
0xb9: {  	s3 =	sand.u32 $0x4000, s31;
	s1 =	sadd.s32 s1, s30  }
0xba: {  	s0 =	sor.u32 s3, s0;
	s1 =	sshll.u32 s1, $0x11  }
0xbb: {  	s0 =	sor.u32 s1, s0  }
0xbc: {  	s0 =	sadd.s32 $0x8F2B, s0  }
0xbd: {  	[sflag:s0] =	ssyncadd.remote.s32 $0x1  }
0xbe: {  	_ =	sfence.sel $0xFFFF  }
0xbf: {  	[dreg:$0x0] =	wrdreg $0xFFFFFFFF;
	(pc) =	sbr.abs _section_cstart, $3  }
0xc0: {  	[dreg:$0x1] =	wrdreg $0xFFFFFFFF  }
0xc1: {  	_ =	task.clear_ibuf [dreg:s7], $0x2FFFF;
	_ =	strace $0x9FFFFFFF  }
0xc2: {  	(tm) =	ssettm $0x7FFFFFFF  }
0xc3: {  	_ =	shalt  }
tec
execute0_lowered:
.L_overlay_start_1:
0x0: {  	(tag) =	ssettag $0x1  }
0x1: {  	s6 =	rddreg [dreg:$0x0];
	s0 =	srdreg.scid  }
0x2: {  	s2 =	rddreg [dreg:$0x1];
	s1 =	stileid.u32;
	s4 =	simm.s32 $0x1  }
0x3: {  	s7 =	simm.s32 $0x2;
	s9 =	simm.s32 $0x3;
	s14 =	simm.s32 $0x0  }
0x4: {  	s10 =	simm.s32 $0x68;
	s3 =	sshll.u32 s0, $0x4;
	s0 =	rddreg [dreg:$0x2]  }
.Ltmp0:
0x5: {  	_ =	strace $0x8000004A;
	s3 =	sand.u32 $0x10, s3;
	(pc) =	sbr.rel .LBB2_1-.Ltmp0, $4  }
0x6: {  	s11 =	simm.s32 $0x3470;
	[sflag:s4] =	ssyncpa.u1 $0x0;
	s5 =	sor.u32 s1, s3  }
0x7: {  	s12 =	simm.s32 $0x0;
	[sflag:s7] =	ssyncpa.u1 $0x0;
	s5 =	smul.u32 $0x38, s5  }
0x8: {  	s3 =	sadd.s32 $0x26B200, s6;
	s6 =	sadd.s32 $0x253600, s6;
	[sflag:s9] =	ssyncpa.u1 $0x0  }
0x9: {  	vm0 =	vmmov $0xff;
	vm1 =	vcmask $0x3F20;
	s9 =	simm.s32 $0x38;
	s8 =	sadd.s32 $0x38, s5;
	s13 =	smov.u32 s5  }
.LBB2_10:
0xa: {  	s14 =	sshrl.u32 s13, $0x3  }
0xb: {  	s15 =	sand.u32 $0x7, s13;
	s14 =	sadd.s32 s2, s14  }
0xc: {  	[tilespmem:s9], [sflag:$0x2] =	stream.linear.gather [hbm4b:s14+s15], $0x38, $0x38;
	[tilespmem:$0x3870] =	vst v63  }
.LBB2_8:
0xd: {  	s14 =	sadd.s32 $0x38, s13  }
0xe: {  	s15 =	smov.u32 s5;
	p0 =	slt.s32 s14, s8  }
0xf: {  	s15 =	smov.u32 @p0 s14  }
0x10: {  	s12 =	sadd.s32 $0x1, s12;
	s14 =	smov.u32 s13;
	s13 =	smov.u32 s15  }
.LBB2_1:
0x11: {  	p0 =	seq.s32 s12, $0x0  }
.Ltmp1:
0x12: {  	_ = 	snop;
	(pc) =	sbr.rel @p0 .LBB2_10-.Ltmp1, $1  }
0x13: {  	_ =	sdelay $0x3  }
0x14: {  	p0 =	seq.s32 s12, $0x1  }
.Ltmp2:
0x15: {  	_ = 	snop;
	(pc) =	sbr.rel @!p0 .LBB2_9-.Ltmp2, $1  }
0x16: {  	_ =	sdelay $0x3  }
0x17: {  	_ =	swait.ge [sflag:s7], $0x38  }
0x18: {  	[sflag:s7] =	ssyncset.done $0x0  }
0x19: {  	s15 =	simm.s32 $0x0;
	[sflag:s7] =	ssyncadd.s32 $0xFFFFFFC8  }
0x1a: {  	v0 =	vld.msk [tilespmem:s15+$0x38 ss:$0x1], $0xffff;
	_ =	sdelay $0x4  }
0x1b: {  	v1 =	vshll.u32 v0, $0x7  }
0x1c: {  	vm2 =	veq.s32 v0, $0x80000000;
	v0 =	vand.u32 $0x780, v1  }
0x1d: {  	v1 =	vand.u32 $0xFF800, v1;
	v0 =	vsel vm2, $0xFFFFFF80, v0  }
0x1e: {  	v1 =	vsel vm2, $0xFFFFF800, v1;
	v2 =	vand.u32 $0xFFFFFC00, v0  }
0x1f: {  	v0 =	vand.u32 $0x380, v0;
	v1 =	vadd.s32 v1, v2  }
0x20: {  	v0 =	vor.u32 v0, v1  }
0x21: {  	v0 =	vshrl.u32 v0, $0x3;
	_ =	sdelay $0x2  }
0x22: {  	s31 =	simm.s32 $0x1C70  }
0x23: {  	s17 =	simm.s32 $0x2070;
	s16 =	simm.s32 $0x2470;
	s15 =	simm.s32 $0x40  }
0x24: {  	[tilespmem:s31], [sflag:$0x1] =	stream.indirect_vreg.gather [hbm:s3], $0x80, v0, vm0, $0x38;
	[tilespmem:$0x3870] =	vst v63  }
.LBB2_4:
0x25: {  	[tilespmem:s17], [sflag:$0x1] =	stream.indirect_vreg.gather [hbm:s3], $0x80, v0, vm1, $0x38;
	[tilespmem:$0x3870] =	vst v63  }
0x26: {  	s17 =	sshra.s32 s15, $0x2;
	p0 =	sne.s32 s15, $0x80;
	s15 =	sadd.s32 $0x40, s15  }
0x27: {  	v0 =	vld.msk [tilespmem:s17+$0x38 ss:$0x1], $0xffff;
	_ =	sdelay $0x5  }
0x28: {  	v1 =	vshll.u32 v0, $0x7  }
0x29: {  	vm2 =	veq.s32 v0, $0x80000000;
	v0 =	vand.u32 $0xFF800, v1;
	v1 =	vand.u32 $0x780, v1  }
0x2a: {  	v0 =	vsel vm2, $0xFFFFF800, v0;
	v1 =	vsel vm2, $0xFFFFFF80, v1  }
0x2b: {  	v2 =	vand.u32 $0xFFFFFC00, v1  }
0x2c: {  	v1 =	vand.u32 $0x380, v1;
	v0 =	vadd.s32 v0, v2  }
0x2d: {  	v0 =	vor.u32 v1, v0  }
0x2e: {  	v0 =	vshrl.u32 v0, $0x3;
	_ =	sdelay $0x1  }
.Ltmp3:
0x2f: {  	(pc) =	sbr.rel @p0 .LBB2_4-.Ltmp3, $3  }
0x30: {  	_ =	sdelay $0x1  }
0x31: {  	[tilespmem:s16], [sflag:$0x1] =	stream.indirect_vreg.gather [hbm:s3], $0x80, v0, vm0, $0x38;
	[tilespmem:$0x3870] =	vst v63  }
0x32: {  	s17 =	sadd.s32 $0x400, s16;
	s16 =	sadd.s32 $0x800, s16  }
0x33: {  	_ =	sdelay $0x3  }
0x34: {  	[tilespmem:s17], [sflag:$0x1] =	stream.indirect_vreg.gather [hbm:s3], $0x80, v0, vm1, $0x38;
	[tilespmem:$0x3870] =	vst v63  }
0x35: {  	v0 =	vld.msk [tilespmem:s10+$0x0 ss:$0x1], $0xff;
	_ =	sdelay $0x4  }
0x36: {  	v1 =	vshll.u32 v0, $0x7  }
0x37: {  	vm2 =	veq.s32 v0, $0x80000000;
	v63 =	vand.u32 $0x780, v1  }
0x38: {  	v1 =	vand.u32 $0xFF800, v1;
	v0 =	vsel vm2, $0xFFFFFF80, v63  }
0x39: {  	v1 =	vsel vm2, $0xFFFFF800, v1;
	v2 =	vand.u32 $0xFFFFFC00, v0  }
0x3a: {  	v0 =	vand.u32 $0x380, v0;
	v1 =	vadd.s32 v1, v2  }
0x3b: {  	v0 =	vor.u32 v0, v1  }
0x3c: {  	v0 =	vshrl.u32 v0, $0x3;
	_ =	sdelay $0x4  }
0x3d: {  	[tilespmem:s11], [sflag:$0x1] =	stream.indirect_vreg.gather [hbm:s3], $0x80, v0, vm0, $0x38;
	[tilespmem:$0x3870] =	vst v63  }
0x3e: {  	s14 =	sshll.u32 s14, $0x4;
	s15 =	simm.s32 $0x1C70;
	_ =	swait.ge [sflag:s4], $0x1C00  }
0x3f: {  	s16 =	simm.s32 $0x80;
	s14 =	sadd.s32 s14, s6;
	[sflag:s4] =	ssyncset.done $0x0  }
0x40: {  	s17 =	simm.s32 $0x2070;
	s18 =	sadd.s32 $0x0, s14;
	[sflag:s4] =	ssyncadd.s32 $0xFFFFE400  }
.LBB2_6:
0x41: {  	[hbm:s18] =	stream.linear.scatter [tilespmem:s15], [sflag:$0x3], $0x400, $0x38;
	[tilespmem:$0x3870] =	vst v63  }
0x42: {  	s18 =	smov.u32 s16;
	s15 =	smov.u32 s17;
	p0 =	seq.s32 s16, $0x300  }
.Ltmp4:
0x43: {  	s16 =	sadd.s32 $0x80, s16;
	(pc) =	sbr.rel @!p0 .LBB2_6-.Ltmp4, $2  }
0x44: {  	_ =	sdelay $0x2  }
0x45: {  	s17 =	sadd.s32 $0x400, s17;
	s18 =	sadd.s32 s18, s14  }
.Ltmp5:
0x46: {  	(pc) =	sbr.rel .LBB2_8-.Ltmp5, $2  }
0x47: {  	_ =	sdelay $0x2  }
0x48: {  	[hbm:s18] =	stream.linear.scatter [tilespmem:s15], [sflag:$0x3], $0x400, $0x38;
	[tilespmem:$0x3870] =	vst v63  }
.LBB2_9:
0x49: {  	s2 =	simm.s32 $0x3  }
0x4a: {  	_ =	swait.ge [sflag:s2], $0x1C00  }
0x4b: {  	[sflag:s2] =	ssyncset.done $0x0  }
0x4c: {  	[sflag:s2] =	ssyncadd.s32 $0xFFFFE400  }
0x4d: {  	_ =	sfence.sel $0x180000  }
0x4e: {  	s3 =	simm.s32 $0x2;
	[bflag:$0x0] =	sbarrier.arrive $0xFFFF  }
0x4f: {  	[sflag:s3] =	ssyncpa.u1 $0x1  }
0x50: {  	s31 =	simm.s32 $0x1;
	[sflag:s2] =	ssyncpa.u1 $0x1  }
0x51: {  	[sflag:s31] =	ssyncpa.u1 $0x1  }
0x52: {  	p0 =	sne.s32 s1, $0x0;
	_ =	strace $0x9000004A  }
0x53: {  	s0 =	sadd.s32 @!p0 $0x100000, s0;
	[bflag:$0x2] =	sbarrier.arrive $0xFFFF  }
0x54: {  	[sflag:s0] =	ssyncadd.tile.s32 @!p0 $0x1;
	_ =	shalt  }
.Lfunc_end2:
_tile_overlayer_lowered:
.L_overlay_start_2:
0x55: {  	(tag) =	ssettag $0x2  }
0x56: {  	s0 =	rddreg [dreg:$0x0];
	s2 =	stileid.u32  }
0x57: {  	s1 =	rddreg [dreg:$0x1];
	p0 =	sne.s32 s2, $0x0  }
0x58: {  	s3 =	rddreg [dreg:$0x2];
	[bflag:$0x3] =	sbarrier.arrive $0xFFFF;
	s2 =	simm.s32 @!p0 $0x1C01  }
0x59: {  	[timem:s3], [sflag:s2] =	dma.local @!p0 [hbm:s0], s1  }
0x5a: {  	s0 =	simm.s32 @!p0 $0x1  }
0x5b: {  	_ =	swait.ge @!p0 [sflag:s0], s1  }
0x5c: {  	s1 =	ssub.s32 @!p0 $0x0, s1;
	[sflag:s0] =	ssyncset.done @!p0 $0x0  }
0x5d: {  	[sflag:s0] =	ssyncadd.s32 @!p0 s1  }
0x5e: {  	[bflag:$0x3] =	sbarrier.arrive $0xFFFF  }
0x5f: {  	_ =	shalt  }

// kernel: gather_offload_async_start.2
scs
__scs_entry_jumppad:
0x0: {  	(pc) =	sbr.rel $0x88, $3  }
0x1: {  	(tag) =	ssettag $0x0;
	lr =	simm.s32 $0x1  }
0x2: {  	[smem:$0x3F19] =	sst lr;
	_ =	strace $0xD0000000  }
0x3: {  	_ = 	snop  }
0x4: {  	_ = 	snop  }
0x5: {  	_ = 	snop  }
0x6: {  	_ = 	snop  }
0x7: {  	_ = 	snop  }
__scs_overlays_trampoline_lowered:
0x8: {  	[smem:$0x3F28] =	sst s0  }
0x9: {  	[smem:$0x3F29] =	sst s1  }
0xa: {  	[smem:$0x3F2A] =	sst s2  }
0xb: {  	[smem:$0x3F2B] =	sst s3  }
0xc: {  	[smem:$0x3F2C] =	sst s4  }
0xd: {  	[smem:$0x3F2D] =	sst s5  }
0xe: {  	[smem:$0x3F2E] =	sst s6  }
0xf: {  	[smem:$0x3F2F] =	sst s7  }
0x10: {  	[smem:$0x3F30] =	sst s8  }
0x11: {  	[smem:$0x3F31] =	sst s9;
	s0 =	simm.s32 @!p0 $0x0  }
0x12: {  	s1 =	sld [smem:$0x3F17];
	s0 =	simm.s32 @p0 $0x1  }
0x13: {  	[smem:$0x3F32] =	sst s0;
	s0 =	simm.s32 @!p1 $0x0  }
0x14: {  	s2 =	sld [smem:$0x3F16];
	s0 =	simm.s32 @p1 $0x1  }
0x15: {  	[smem:$0x3F33] =	sst s0;
	s0 =	simm.s32 @!p2 $0x0  }
0x16: {  	s3 =	sld [smem:$0x3FDB];
	s0 =	simm.s32 @p2 $0x1  }
0x17: {  	s4 =	simm.s32 $0x1BF5;
	[smem:$0x3F35] =	sst s0  }
0x18: {  	s0 =	sld [smem:$0x3F18];
	_ =	swait.ge [sflag:s4], $0x0  }
0x19: {  	s7 =	sld [smem:$0x3F19]  }
0x1a: {  	s8 =	sadd.s32 $0xFFFFE003, lr  }
0x1b: {  	s9 =	sadd.s32 $0xFFFFFEF7, lr;
	s5 =	simm.s32 $0xFFFFFFFF;
	p2 =	slt.u32 s8, $0xFFFFF086  }
0x1c: {  	p1 =	slt.u32 s9, $0xF7A;
	s5 =	simm.s32 @!p2 $0x0  }
0x1d: {  	s5 =	simm.s32 @p1 $0x1;
	p0 =	seq.s32 s7, s2  }
0x1e: {  	s7 =	smul.u32 @!p0 $0xF7A, s2;
	p2 =	seq.s32 @!p0 s5, $0x0  }
0x1f: {  	s9 =	smul.u32 $0xF7A, s1;
	s8 =	simm.s32 @!p0 $0x1BF5;
	p2 =	por !p2, p0  }
0x20: {  	[sflag:s8] =	ssyncset.s32 @!p0 $0xFFFFF086;
	s6 =	sadd.s32 @!p0 s3, s7;
	s7 =	simm.s32 @!p0 $0x108  }
0x21: {  	s3 =	sadd.s32 s3, s9;
	s6 =	sadd.s32 @!p0 $0x88, s6;
	s7 =	simm.s32 @p2 $0x1082  }
0x22: {  	[simem:s7], [sflag:s8] =	dma.local @!p0 [hbm:s6], $0xF7A  }
0x23: {  	s9 =	sor.u32 $0xD0000000, s2;
	s6 =	simm.s32 $0x108;
	_ =	swait.ge @!p0 [sflag:s8], $0x0  }
0x24: {  	s3 =	sadd.s32 $0x88, s3;
	s6 =	simm.s32 @!p1 $0x1082;
	[sflag:s4] =	ssyncset.s32 $0xFFFFF086  }
0x25: {  	[simem:s6], [sflag:s4] =	dma.local [hbm:s3], $0xF7A  }
0x26: {  	[smem:$0x3F19] =	sst s1;
	(tag) =	ssettag s2;
	_ =	strace s9  }
0x27: {  	s1 =	sld [smem:$0x3F29]  }
0x28: {  	s2 =	sld [smem:$0x3F2A]  }
0x29: {  	s4 =	sld [smem:$0x3F2C]  }
0x2a: {  	p0 =	seq.s32 s5, $0x0;
	s5 =	sld [smem:$0x3F2D]  }
0x2b: {  	s6 =	sld [smem:$0x3F2E]  }
0x2c: {  	s7 =	sld [smem:$0x3F2F]  }
0x2d: {  	s3 =	simm.s32 $0x108;
	s8 =	sld [smem:$0x3F30]  }
0x2e: {  	s3 =	simm.s32 @!p0 $0x1082;
	s9 =	sld [smem:$0x3F31]  }
0x2f: {  	lr =	sadd.s32 s0, s3;
	s0 =	sld [smem:$0x3F28]  }
0x30: {  	s3 =	sld [smem:$0x3F2B]  }
0x31: {  	[smem:$0x3F34] =	sst s10  }
0x32: {  	s10 =	sld [smem:$0x3F32];
	_ =	sdelay $0x3  }
0x33: {  	p0 =	seq.s32 s10, $0x1;
	s10 =	sld [smem:$0x3F34];
	_ =	sdelay $0x3  }
0x34: {  	[smem:$0x3F34] =	sst s10  }
0x35: {  	s10 =	sld [smem:$0x3F33];
	_ =	sdelay $0x3  }
0x36: {  	p1 =	seq.s32 s10, $0x1;
	s10 =	sld [smem:$0x3F34];
	_ =	sdelay $0x3  }
0x37: {  	[smem:$0x3F34] =	sst s10  }
0x38: {  	s10 =	sld [smem:$0x3F35]  }
0x39: {  	_ = 	snop;
	(pc) =	sbr.ind lr, $3  }
0x3a: {  	_ = 	snop  }
0x3b: {  	_ = 	snop  }
0x3c: {  	p2 =	seq.s32 s10, $0x1;
	s10 =	sld [smem:$0x3F34]  }
0x3d: {  	_ =	shalt  }
0x3e: {  	_ =	shalt  }
0x3f: {  	_ =	shalt  }
0x40: {  	_ =	shalt  }
0x41: {  	_ =	shalt  }
0x42: {  	_ =	shalt  }
0x43: {  	_ =	shalt  }
0x44: {  	_ =	shalt  }
0x45: {  	_ =	shalt  }
0x46: {  	_ =	shalt  }
0x47: {  	_ =	shalt  }
0x48: {  	_ =	shalt  }
0x49: {  	_ =	shalt  }
0x4a: {  	_ =	shalt  }
0x4b: {  	_ =	shalt  }
0x4c: {  	_ =	shalt  }
0x4d: {  	_ =	shalt  }
0x4e: {  	_ =	shalt  }
0x4f: {  	_ =	shalt  }
0x50: {  	_ =	shalt  }
0x51: {  	_ =	shalt  }
0x52: {  	_ =	shalt  }
0x53: {  	_ =	shalt  }
0x54: {  	_ =	shalt  }
0x55: {  	_ =	shalt  }
0x56: {  	_ =	shalt  }
0x57: {  	_ =	shalt  }
0x58: {  	_ =	shalt  }
0x59: {  	_ =	shalt  }
0x5a: {  	_ =	shalt  }
0x5b: {  	_ =	shalt  }
0x5c: {  	_ =	shalt  }
0x5d: {  	_ =	shalt  }
0x5e: {  	_ =	shalt  }
0x5f: {  	_ =	shalt  }
0x60: {  	_ =	shalt  }
0x61: {  	_ =	shalt  }
0x62: {  	_ =	shalt  }
0x63: {  	_ =	shalt  }
0x64: {  	_ =	shalt  }
0x65: {  	_ =	shalt  }
0x66: {  	_ =	shalt  }
0x67: {  	_ =	shalt  }
0x68: {  	_ =	shalt  }
0x69: {  	_ =	shalt  }
0x6a: {  	_ =	shalt  }
0x6b: {  	_ =	shalt  }
0x6c: {  	_ =	shalt  }
0x6d: {  	_ =	shalt  }
0x6e: {  	_ =	shalt  }
0x6f: {  	_ =	shalt  }
0x70: {  	_ =	shalt  }
0x71: {  	_ =	shalt  }
0x72: {  	_ =	shalt  }
0x73: {  	_ =	shalt  }
0x74: {  	_ =	shalt  }
0x75: {  	_ =	shalt  }
0x76: {  	_ =	shalt  }
0x77: {  	_ =	shalt  }
0x78: {  	_ =	shalt  }
0x79: {  	_ =	shalt  }
0x7a: {  	_ =	shalt  }
0x7b: {  	_ =	shalt  }
0x7c: {  	_ =	shalt  }
0x7d: {  	_ =	shalt  }
0x7e: {  	_ =	shalt  }
0x7f: {  	_ =	shalt  }
0x80: {  	_ =	shalt  }
0x81: {  	_ =	shalt  }
0x82: {  	_ =	shalt  }
0x83: {  	_ =	shalt  }
0x84: {  	_ =	shalt  }
0x85: {  	_ =	shalt  }
0x86: {  	_ =	shalt  }
0x87: {  	_ =	shalt  }
.Lfunc_end0:
.L_simem_size_0:
called_computation.3_lowered:
.L_overlay_start_0:
0x88: {  	s2 =	sld [smem:$0x3FD9]  }
0x89: {  	s3 =	sld [smem:$0x3FFE];
	_ =	sdelay $0x1  }
0x8a: {  	s1 =	srdreg.scid  }
0x8b: {  	s0 =	sand.u32 $0x1, s1  }
0x8c: {  	s17 =	sshll.u32 s0, $0xA;
	s2 =	sadd.s32 s3, s2  }
0x8d: {  	s2 =	sadd.s32 s2, s17  }
0x8e: {  	[smem:$0x3F40] =	sst s2  }
0x8f: {  	_ = 	snop  }
0x90: {  	(tm) =	ssettm $0x1  }
0x91: {  	s18 =	sld [smem:$0x3FFB];
	_ =	sdelay $0x3  }
0x92: {  	_ =	strace s18  }
0x93: {  	s2 =	sld [smem:$0x3FFC];
	_ =	sdelay $0x3  }
0x94: {  	_ =	strace s2  }
0x95: {  	s2 =	sld [smem:$0x3FFD];
	_ =	sdelay $0x3  }
0x96: {  	_ =	strace s2  }
0x97: {  	_ =	strace $0x8FFFFFFF  }
0x98: {  	s19 =	sld [smem:$0x3FDB];
	_ =	sdelay $0x1  }
0x99: {  	s20 =	simm.s32 $_scs_section_size  }
0x9a: {  	s4 =	simm.s32 $_size__tile_overlayer_lowered;
	s5 =	simm.s32 $_tile_overlayer_lowered  }
0x9b: {  	s6 =	simm.s32 $0x1BFF;
	s21 =	sshll.u32 s5, $0x1;
	s3 =	sadd.s32 s20, s19  }
0x9c: {  	s22 =	simm.s32 $0x0;
	s4 =	sshll.u32 s4, $0x1;
	s5 =	sadd.s32 s21, s3  }
0x9d: {  	[timem:s22], [sflag:s6] =	dma.local [hbm:s5], s4  }
0x9e: {  	_ =	swait.ge [sflag:s6], s4  }
0x9f: {  	s4 =	ssub.s32 $0x0, s4;
	[sflag:s6] =	ssyncset.done $0x0  }
0xa0: {  	[sflag:s6] =	ssyncadd.s32 s4;
	_ =	sdelay $0x1  }
0xa1: {  	s23 =	simm.s32 $0x1B8B  }
0xa2: {  	_ =	swait.ge [sflag:s23], $0x1  }
0xa3: {  	[sflag:s23] =	ssyncset.done $0x0  }
0xa4: {  	[sflag:s23] =	ssyncadd.s32 $0xFFFFFFFF  }
0xa5: {  	s4 =	sld [smem:$0x0]  }
0xa6: {  	s5 =	sand.u32 $0xFFFFFFFE, s1  }
0xa7: {  	p0 =	sne.s32 s1, s5  }
0xa8: {  	s5 =	sshll.u32 @p0 s5, $0xE  }
0xa9: {  	s5 =	sadd.s32 @p0 $0x11B8D, s5;
	s6 =	sshll.u32 @p0 s4, $0x11  }
0xaa: {  	s5 =	sor.u32 @p0 s6, s5  }
0xab: {  	[sflag:s5] =	ssyncadd.remote.s32 @p0 $0x1;
	_ =	sdelay $0x1  }
0xac: {  	s5 =	simm.s32 @p0 $0x1B8D  }
0xad: {  	_ =	swait.eq @p0 [sflag:s5], $0x1  }
0xae: {  	[sflag:s5] =	ssyncadd.s32 @p0 $0xFFFFFFFF  }
0xaf: {  	s6 =	sshll.u32 @!p0 s1, $0xE  }
0xb0: {  	s6 =	sor.u32 @!p0 $0x4000, s6;
	s5 =	simm.s32 @!p0 $0x1B8D  }
0xb1: {  	s4 =	sshll.u32 @!p0 s4, $0x11;
	s6 =	sadd.s32 @!p0 $0x11B8D, s6;
	_ =	swait.eq @!p0 [sflag:s5], $0x1  }
0xb2: {  	s4 =	sor.u32 @!p0 s4, s6;
	[sflag:s5] =	ssyncadd.s32 @!p0 $0xFFFFFFFF  }
0xb3: {  	s25 =	simm.s32 $0x1B8E;
	s24 =	sld [smem:$0x3FFE];
	[sflag:s4] =	ssyncadd.remote.s32 @!p0 $0x1  }
0xb4: {  	s26 =	simm.s32 $execute0_lowered;
	[smem:$0x3FD2] =	sst s25  }
0xb5: {  	s5 =	sshll.u32 s26, $0x1;
	_ =	strace $0x8000004F;
	[dreg:$0x1] =	wrdreg $0xFFFFFFFF  }
0xb6: {  	s28 =	simm.s32 $_size_execute0_lowered;
	s3 =	sadd.s32 s3, s5;
	[dreg:$0x0] =	wrdreg $0x0  }
0xb7: {  	s5 =	sshll.u32 s28, $0x1;
	[dreg:$0x2] =	wrdreg s3  }
0xb8: {  	[dreg:$0x3] =	wrdreg s5  }
0xb9: {  	[dreg:$0x4] =	wrdreg $0xC0  }
0xba: {  	_ =	task [dreg:s22], $0x5FFFF  }
0xbb: {  	[dreg:$0x1] =	wrdreg $0xFFFFFFFF  }
0xbc: {  	[dreg:$0x0] =	wrdreg $0x60  }
0xbd: {  	[dreg:$0x2] =	wrdreg s24  }
0xbe: {  	[dreg:$0x3] =	wrdreg $0xA  }
0xbf: {  	_ =	task.clear_ibuf [dreg:s22], $0x4FFFF;
	_ =	strace $0x9000004F  }
0xc0: {  	s29 =	simm.s32 $0xA;
	_ =	strace $0x80000051  }
0xc1: {  	_ =	swait.ge [sflag:s29], $0x1  }
0xc2: {  	[sflag:s29] =	ssyncadd.s32 $0xFFFFFFFF  }
0xc3: {  	_ =	strace $0x90000051  }
0xc4: {  	_ =	sfence  }
0xc5: {  	s30 =	sld [smem:$0x0];
	_ =	sdelay $0x2  }
0xc6: {  	s31 =	sshll.u32 s1, $0xD;
	s1 =	sshrl.u32 s1, $0x2  }
0xc7: {  	s4 =	sand.u32 $0x4000, s31;
	s1 =	sadd.s32 s1, s30  }
0xc8: {  	s0 =	sor.u32 s4, s0;
	s1 =	sshll.u32 s1, $0x11  }
0xc9: {  	s0 =	sor.u32 s1, s0  }
0xca: {  	s0 =	sadd.s32 $0x8F2B, s0  }
0xcb: {  	[sflag:s0] =	ssyncadd.remote.s32 $0x1  }
0xcc: {  	_ =	sfence.sel $0xFFFF  }
0xcd: {  	[dreg:$0x0] =	wrdreg $0xFFFFFFFF;
	(pc) =	sbr.abs _section_cstart, $3  }
0xce: {  	[dreg:$0x1] =	wrdreg $0xFFFFFFFF  }
0xcf: {  	_ =	task.clear_ibuf [dreg:s22], $0x2FFFF;
	_ =	strace $0x9FFFFFFF  }
0xd0: {  	(tm) =	ssettm $0x7FFFFFFF  }
0xd1: {  	_ =	shalt  }
tec
execute0_lowered:
.L_overlay_start_1:
0x0: {  	(tag) =	ssettag $0x1  }
0x1: {  	s0 =	srdreg.scid;
	s5 =	rddreg [dreg:$0x0]  }
0x2: {  	s1 =	stileid.u32;
	s6 =	simm.s32 $0x1;
	s9 =	simm.s32 $0x1  }
0x3: {  	s10 =	simm.s32 $0x3;
	s13 =	simm.s32 $0x0;
	s2 =	sshll.u32 s0, $0x9  }
0x4: {  	s12 =	simm.s32 $0x0;
	s3 =	sshll.u32 s1, $0xA;
	s2 =	sand.u32 $0x200, s2  }
0x5: {  	s0 =	rddreg [dreg:$0x1];
	_ =	strace $0x80000050;
	s2 =	sor.u32 s3, s2  }
0x6: {  	s4 =	sadd.s32 $0x26A000, s5;
	[sflag:s6] =	ssyncpa.u1 $0x0;
	s8 =	ssub.s32 $0x5400, s2  }
.Ltmp0:
0x7: {  	s3 =	sadd.s32 $0x25AA00, s5;
	s7 =	sand.u32 $0x3E00, s8;
	(pc) =	sbr.rel .LBB2_1-.Ltmp0, $4  }
0x8: {  	s5 =	sadd.s32 $0x265E00, s5;
	s11 =	smov.u32 s2;
	p0 =	sne.s32 s7, $0x0  }
0x9: {  	s8 =	sshrl.u32 s8, $0xE;
	s7 =	simm.s32 $0x2;
	s9 =	simm.s32 @!p0 $0x0  }
0xa: {  	[sflag:s7] =	ssyncpa.u1 $0x0;
	p0 =	por $0x0, $0x0;
	s8 =	sadd.s32 s9, s8  }
0xb: {  	vm0 =	vmmov $0xffff;
	[sflag:s10] =	ssyncpa.u1 $0x0;
	s10 =	simm.s32 $0x0;
	s9 =	sadd.s32 $0x1, s8  }
.LBB2_4:
0xc: {  	v3 =	vand.u32 $0xF, v0;
	v4 =	vshll.u32 v0, $0x3  }
0xd: {  	v60 =	vshrl.u32 v0, $0xB;
	v3 =	vmul.u32 $0x3800, v3;
	v4 =	vand.u32 $0x3F80, v4  }
0xe: {  	v0 =	vand.u32 $0x1F, v60;
	v4 =	vsel vm1, $0xFFFFFF80, v4  }
0xf: {  	v0 =	vsel vm1, $0xFFFFFFFF, v0;
	v3 =	vsel vm1, $0xFFFFC800, v3;
	v5 =	vand.u32 $0xFFFFFC00, v4  }
0x10: {  	v61 =	vand.u32 $0xFFFFFC00, v0;
	v3 =	vadd.s32 v3, v5  }
0x11: {  	v1 =	vor.u32 v1, v2;
	v63 =	vand.u32 $0x380, v4;
	v62 =	vadd.s32 v61, v3  }
0x12: {  	v0 =	vand.u32 $0x7F, v0;
	v2 =	vor.u32 v63, v62  }
0x13: {  	v0 =	vor.u32 v0, v2;
	_ =	sdelay $0x1  }
0x14: {  	(ifvalue) =	ssetifvalue $0x7FFFFFFF;
	s14 =	sadd.s32 $0x10, s14  }
0x15: {  	[tilespmem:s14], [sflag:$0x1] =	stream.indirect_vreg.gather [hbm4b:s3+s10], $0x1, v1, vm0, $0x4038;
	[tilespmem:$0x800] =	vst v63  }
0x16: {  	(ifvalue) =	ssetifvalue $0x7FFFFFFF;
	s14 =	sadd.s32 $0x10, s14  }
0x17: {  	[tilespmem:s14], [sflag:$0x1] =	stream.indirect_vreg.gather [hbm4b:s3+s10], $0x1, v0, vm0, $0x4038;
	[tilespmem:$0x800] =	vst v63  }
0x18: {  	_ =	swait.ge [sflag:s6], $0x200  }
0x19: {  	s30 =	sshrl.u32 s13, $0x3;
	[sflag:s6] =	ssyncset.done $0x0  }
0x1a: {  	s31 =	sand.u32 $0x7, s13;
	s14 =	sadd.s32 s5, s30;
	[sflag:s6] =	ssyncadd.s32 $0xFFFFFE00  }
0x1b: {  	[hbm4b:s14+s31] =	stream.linear.scatter [tilespmem:s15], [sflag:$0x3], $0x200, $0x38;
	[tilespmem:$0x800] =	vst v63  }
.LBB2_5:
0x1c: {  	s15 =	sadd.s32 $0x4000, s11  }
0x1d: {  	p2 =	sgt.s32 s15, $0x53FF  }
0x1e: {  	s15 =	smov.u32 @p2 s2;
	p2 =	sne.s32 s12, s9  }
.Ltmp1:
0x1f: {  	p1 =	slt.u32 s12, $0x2;
	(pc) =	sbr.rel @!p2 .LBB2_6-.Ltmp1, $4  }
0x20: {  	s14 =	simm.s32 @!p1 $0x3  }
0x21: {  	s16 =	sadd.s32 $0x1, s12;
	_ =	swait.ge @!p1 [sflag:s14], $0x200  }
0x22: {  	s13 =	smov.u32 s11;
	p0 =	por !p0, !p0;
	[sflag:s14] =	ssyncset.done @!p1 $0x0  }
0x23: {  	s12 =	smov.u32 s16;
	s11 =	smov.u32 s15;
	[sflag:s14] =	ssyncadd.s32 @!p1 $0xFFFFFE00  }
.LBB2_1:
0x24: {  	p1 =	sge.u32 s12, s8  }
0x25: {  	s14 =	sxor.u32 @!p1 $0xFFFFFFFF, s12  }
0x26: {  	s31 =	sadd.s32 $0xFFFFFFFF, s12;
	s15 =	sshrl.u32 @!p1 s11, $0x3;
	s14 =	sshll.u32 @!p1 s14, $0x9  }
0x27: {  	s16 =	sand.u32 @!p1 $0x7, s11;
	s15 =	sadd.s32 @!p1 s4, s15;
	s14 =	sand.u32 @!p1 $0x200, s14  }
0x28: {  	[tilespmem:s14], [sflag:$0x2] =	stream.linear.gather @!p1 [hbm4b:s15+s16], $0x200, $0x38;
	[tilespmem:$0x800] =	vst v63  }
0x29: {  	p1 =	sge.u32 s31, s8  }
.Ltmp2:
0x2a: {  	_ = 	snop;
	(pc) =	sbr.rel @p1 .LBB2_5-.Ltmp2, $1  }
0x2b: {  	_ =	sdelay $0x3  }
0x2c: {  	s14 =	simm.s32 $0x1  }
0x2d: {  	_ =	swait.ge [sflag:s7], $0x200;
	s14 =	simm.s32 @!p0 $0x0  }
0x2e: {  	[sflag:s7] =	ssyncset.done $0x0;
	s14 =	sshll.u32 s14, $0x9  }
0x2f: {  	[sflag:s7] =	ssyncadd.s32 $0xFFFFFE00;
	(ifvalue) =	ssetifvalue $0x7FFFFFFF;
	v0 =	vld.msk [tilespmem:s14+$0x0 ss:$0x1], $0xffff  }
0x30: {  	s15 =	sadd.s32 $0x10, s14  }
0x31: {  	v3 =	vld.msk [tilespmem:s15+$0x0 ss:$0x1], $0xffff;
	_ =	sdelay $0x2  }
0x32: {  	vm1 =	veq.s32 v0, $0x80000000;
	v1 =	vand.u32 $0xF, v0;
	v2 =	vshll.u32 v0, $0x3  }
0x33: {  	v0 =	vshrl.u32 v0, $0xB;
	v1 =	vmul.u32 $0x3800, v1;
	v2 =	vand.u32 $0x3F80, v2  }
0x34: {  	v0 =	vand.u32 $0x1F, v0;
	v62 =	vshll.u32 v3, $0x3;
	v2 =	vsel vm1, $0xFFFFFF80, v2  }
0x35: {  	v0 =	vsel vm1, $0xFFFFFFFF, v0;
	v1 =	vsel vm1, $0xFFFFC800, v1;
	v4 =	vand.u32 $0xFFFFFC00, v2  }
0x36: {  	v61 =	vand.u32 $0xFFFFFC00, v0;
	v2 =	vand.u32 $0x380, v2;
	v1 =	vadd.s32 v1, v4  }
0x37: {  	v0 =	vand.u32 $0x7F, v0;
	vm1 =	veq.s32 v3, $0x80000000;
	v1 =	vadd.s32 v61, v1  }
0x38: {  	s17 =	sadd.s32 $0x10, s15;
	v4 =	vand.u32 $0x3F80, v62;
	v1 =	vor.u32 v2, v1;
	v2 =	vand.u32 $0xF, v3  }
0x39: {  	v3 =	vshrl.u32 v3, $0xB;
	v1 =	vor.u32 v0, v1;
	v0 =	vld.msk [tilespmem:s17+$0x0 ss:$0x1], $0xffff;
	v2 =	vmul.u32 $0x3800, v2  }
0x3a: {  	v4 =	vsel vm1, $0xFFFFFF80, v4;
	v3 =	vand.u32 $0x1F, v3  }
0x3b: {  	s31 =	sshll.u32 s12, $0x9;
	v5 =	vand.u32 $0xFFFFFC00, v4;
	v3 =	vsel vm1, $0xFFFFFFFF, v3;
	v2 =	vsel vm1, $0xFFFFC800, v2  }
0x3c: {  	s16 =	simm.s32 $0x20;
	s14 =	sor.u32 $0x400, s14;
	s15 =	sand.u32 $0x200, s31;
	v63 =	vand.u32 $0xFFFFFC00, v3;
	v2 =	vadd.s32 v2, v5  }
0x3d: {  	s15 =	sor.u32 $0x400, s15;
	v4 =	vand.u32 $0x380, v4;
	(ifvalue) =	ssetifvalue $0x7FFFFFFF;
	s17 =	sadd.s32 $0x10, s17;
	v2 =	vadd.s32 v63, v2  }
0x3e: {  	[tilespmem:s14], [sflag:$0x1] =	stream.indirect_vreg.gather [hbm4b:s3+s10], $0x1, v1, vm0, $0x4038;
	vm1 =	veq.s32 v0, $0x80000000;
	v1 =	vand.u32 $0x7F, v3;
	v2 =	vor.u32 v4, v2;
	[tilespmem:$0x800] =	vst v63  }
.LBB2_3:
0x3f: {  	v3 =	vld.msk [tilespmem:s17+$0x0 ss:$0x1], $0xffff;
	v4 =	vand.u32 $0xF, v0;
	v5 =	vshll.u32 v0, $0x3;
	v1 =	vor.u32 v1, v2;
	s16 =	sadd.s32 $0x10, s16  }
0x40: {  	v0 =	vshrl.u32 v0, $0xB;
	v2 =	vmul.u32 $0x3800, v4;
	v4 =	vand.u32 $0x3F80, v5;
	p1 =	slt.u32 s16, $0x1F0  }
.Ltmp3:
0x41: {  	v0 =	vand.u32 $0x1F, v0;
	v4 =	vsel vm1, $0xFFFFFF80, v4;
	(pc) =	sbr.rel @p1 .LBB2_3-.Ltmp3, $4  }
0x42: {  	v0 =	vsel vm1, $0xFFFFFFFF, v0;
	v2 =	vsel vm1, $0xFFFFC800, v2;
	v5 =	vand.u32 $0xFFFFFC00, v4  }
0x43: {  	s14 =	sadd.s32 $0x10, s14;
	v2 =	vadd.s32 v2, v5;
	v5 =	vand.u32 $0xFFFFFC00, v0;
	(ifvalue) =	ssetifvalue $0x7FFFFFFF  }
0x44: {  	v4 =	vand.u32 $0x380, v4;
	v2 =	vadd.s32 v5, v2;
	[tilespmem:s14], [sflag:$0x1] =	stream.indirect_vreg.gather [hbm4b:s3+s10], $0x1, v1, vm0, $0x4038;
	[tilespmem:$0x800] =	vst v63  }
0x45: {  	s17 =	sadd.s32 $0x10, s17;
	vm1 =	veq.s32 v3, $0x80000000;
	v1 =	vand.u32 $0x7F, v0;
	v0 =	vmovc v3;
	v2 =	vor.u32 v4, v2  }
.Ltmp4:
0x46: {  	_ = 	snop;
	(pc) =	sbr.rel .LBB2_4-.Ltmp4, $1  }
0x47: {  	_ =	sdelay $0x3  }
.LBB2_6:
0x48: {  	_ =	sfence.sel $0x180000  }
0x49: {  	s2 =	simm.s32 $0x2;
	[bflag:$0x0] =	sbarrier.arrive $0xFFFF  }
0x4a: {  	s30 =	simm.s32 $0x3;
	[sflag:s2] =	ssyncpa.u1 $0x1  }
0x4b: {  	s31 =	simm.s32 $0x1;
	[sflag:s30] =	ssyncpa.u1 $0x1  }
0x4c: {  	[sflag:s31] =	ssyncpa.u1 $0x1  }
0x4d: {  	p0 =	sne.s32 s1, $0x0;
	_ =	strace $0x90000050  }
0x4e: {  	s0 =	sadd.s32 @!p0 $0x100000, s0;
	[bflag:$0x2] =	sbarrier.arrive $0xFFFF  }
0x4f: {  	[sflag:s0] =	ssyncadd.tile.s32 @!p0 $0x1;
	_ =	shalt  }
.Lfunc_end2:
_tile_overlayer_lowered:
.L_overlay_start_2:
0x50: {  	(tag) =	ssettag $0x2  }
0x51: {  	s0 =	rddreg [dreg:$0x0];
	s2 =	stileid.u32  }
0x52: {  	s1 =	rddreg [dreg:$0x1];
	p0 =	sne.s32 s2, $0x0  }
0x53: {  	s3 =	rddreg [dreg:$0x2];
	[bflag:$0x3] =	sbarrier.arrive $0xFFFF;
	s2 =	simm.s32 @!p0 $0x1C01  }
0x54: {  	[timem:s3], [sflag:s2] =	dma.local @!p0 [hbm:s0], s1  }
0x55: {  	s0 =	simm.s32 @!p0 $0x1  }
0x56: {  	_ =	swait.ge @!p0 [sflag:s0], s1  }
0x57: {  	s1 =	ssub.s32 @!p0 $0x0, s1;
	[sflag:s0] =	ssyncset.done @!p0 $0x0  }
0x58: {  	[sflag:s0] =	ssyncadd.s32 @!p0 s1  }
0x59: {  	[bflag:$0x3] =	sbarrier.arrive $0xFFFF  }
0x5a: {  	_ =	shalt  }

// kernel: gather_offload_async_start.3
scs
__scs_entry_jumppad:
0x0: {  	(pc) =	sbr.rel $0x88, $3  }
0x1: {  	(tag) =	ssettag $0x0;
	lr =	simm.s32 $0x1  }
0x2: {  	[smem:$0x3F19] =	sst lr;
	_ =	strace $0xD0000000  }
0x3: {  	_ = 	snop  }
0x4: {  	_ = 	snop  }
0x5: {  	_ = 	snop  }
0x6: {  	_ = 	snop  }
0x7: {  	_ = 	snop  }
__scs_overlays_trampoline_lowered:
0x8: {  	[smem:$0x3F28] =	sst s0  }
0x9: {  	[smem:$0x3F29] =	sst s1  }
0xa: {  	[smem:$0x3F2A] =	sst s2  }
0xb: {  	[smem:$0x3F2B] =	sst s3  }
0xc: {  	[smem:$0x3F2C] =	sst s4  }
0xd: {  	[smem:$0x3F2D] =	sst s5  }
0xe: {  	[smem:$0x3F2E] =	sst s6  }
0xf: {  	[smem:$0x3F2F] =	sst s7  }
0x10: {  	[smem:$0x3F30] =	sst s8  }
0x11: {  	[smem:$0x3F31] =	sst s9;
	s0 =	simm.s32 @!p0 $0x0  }
0x12: {  	s1 =	sld [smem:$0x3F17];
	s0 =	simm.s32 @p0 $0x1  }
0x13: {  	[smem:$0x3F32] =	sst s0;
	s0 =	simm.s32 @!p1 $0x0  }
0x14: {  	s2 =	sld [smem:$0x3F16];
	s0 =	simm.s32 @p1 $0x1  }
0x15: {  	[smem:$0x3F33] =	sst s0;
	s0 =	simm.s32 @!p2 $0x0  }
0x16: {  	s3 =	sld [smem:$0x3FDB];
	s0 =	simm.s32 @p2 $0x1  }
0x17: {  	s4 =	simm.s32 $0x1BF5;
	[smem:$0x3F35] =	sst s0  }
0x18: {  	s0 =	sld [smem:$0x3F18];
	_ =	swait.ge [sflag:s4], $0x0  }
0x19: {  	s7 =	sld [smem:$0x3F19]  }
0x1a: {  	s8 =	sadd.s32 $0xFFFFE003, lr  }
0x1b: {  	s9 =	sadd.s32 $0xFFFFFEF7, lr;
	s5 =	simm.s32 $0xFFFFFFFF;
	p2 =	slt.u32 s8, $0xFFFFF086  }
0x1c: {  	p1 =	slt.u32 s9, $0xF7A;
	s5 =	simm.s32 @!p2 $0x0  }
0x1d: {  	s5 =	simm.s32 @p1 $0x1;
	p0 =	seq.s32 s7, s2  }
0x1e: {  	s7 =	smul.u32 @!p0 $0xF7A, s2;
	p2 =	seq.s32 @!p0 s5, $0x0  }
0x1f: {  	s9 =	smul.u32 $0xF7A, s1;
	s8 =	simm.s32 @!p0 $0x1BF5;
	p2 =	por !p2, p0  }
0x20: {  	[sflag:s8] =	ssyncset.s32 @!p0 $0xFFFFF086;
	s6 =	sadd.s32 @!p0 s3, s7;
	s7 =	simm.s32 @!p0 $0x108  }
0x21: {  	s3 =	sadd.s32 s3, s9;
	s6 =	sadd.s32 @!p0 $0x88, s6;
	s7 =	simm.s32 @p2 $0x1082  }
0x22: {  	[simem:s7], [sflag:s8] =	dma.local @!p0 [hbm:s6], $0xF7A  }
0x23: {  	s9 =	sor.u32 $0xD0000000, s2;
	s6 =	simm.s32 $0x108;
	_ =	swait.ge @!p0 [sflag:s8], $0x0  }
0x24: {  	s3 =	sadd.s32 $0x88, s3;
	s6 =	simm.s32 @!p1 $0x1082;
	[sflag:s4] =	ssyncset.s32 $0xFFFFF086  }
0x25: {  	[simem:s6], [sflag:s4] =	dma.local [hbm:s3], $0xF7A  }
0x26: {  	[smem:$0x3F19] =	sst s1;
	(tag) =	ssettag s2;
	_ =	strace s9  }
0x27: {  	s1 =	sld [smem:$0x3F29]  }
0x28: {  	s2 =	sld [smem:$0x3F2A]  }
0x29: {  	s4 =	sld [smem:$0x3F2C]  }
0x2a: {  	p0 =	seq.s32 s5, $0x0;
	s5 =	sld [smem:$0x3F2D]  }
0x2b: {  	s6 =	sld [smem:$0x3F2E]  }
0x2c: {  	s7 =	sld [smem:$0x3F2F]  }
0x2d: {  	s3 =	simm.s32 $0x108;
	s8 =	sld [smem:$0x3F30]  }
0x2e: {  	s3 =	simm.s32 @!p0 $0x1082;
	s9 =	sld [smem:$0x3F31]  }
0x2f: {  	lr =	sadd.s32 s0, s3;
	s0 =	sld [smem:$0x3F28]  }
0x30: {  	s3 =	sld [smem:$0x3F2B]  }
0x31: {  	[smem:$0x3F34] =	sst s10  }
0x32: {  	s10 =	sld [smem:$0x3F32];
	_ =	sdelay $0x3  }
0x33: {  	p0 =	seq.s32 s10, $0x1;
	s10 =	sld [smem:$0x3F34];
	_ =	sdelay $0x3  }
0x34: {  	[smem:$0x3F34] =	sst s10  }
0x35: {  	s10 =	sld [smem:$0x3F33];
	_ =	sdelay $0x3  }
0x36: {  	p1 =	seq.s32 s10, $0x1;
	s10 =	sld [smem:$0x3F34];
	_ =	sdelay $0x3  }
0x37: {  	[smem:$0x3F34] =	sst s10  }
0x38: {  	s10 =	sld [smem:$0x3F35]  }
0x39: {  	_ = 	snop;
	(pc) =	sbr.ind lr, $3  }
0x3a: {  	_ = 	snop  }
0x3b: {  	_ = 	snop  }
0x3c: {  	p2 =	seq.s32 s10, $0x1;
	s10 =	sld [smem:$0x3F34]  }
0x3d: {  	_ =	shalt  }
0x3e: {  	_ =	shalt  }
0x3f: {  	_ =	shalt  }
0x40: {  	_ =	shalt  }
0x41: {  	_ =	shalt  }
0x42: {  	_ =	shalt  }
0x43: {  	_ =	shalt  }
0x44: {  	_ =	shalt  }
0x45: {  	_ =	shalt  }
0x46: {  	_ =	shalt  }
0x47: {  	_ =	shalt  }
0x48: {  	_ =	shalt  }
0x49: {  	_ =	shalt  }
0x4a: {  	_ =	shalt  }
0x4b: {  	_ =	shalt  }
0x4c: {  	_ =	shalt  }
0x4d: {  	_ =	shalt  }
0x4e: {  	_ =	shalt  }
0x4f: {  	_ =	shalt  }
0x50: {  	_ =	shalt  }
0x51: {  	_ =	shalt  }
0x52: {  	_ =	shalt  }
0x53: {  	_ =	shalt  }
0x54: {  	_ =	shalt  }
0x55: {  	_ =	shalt  }
0x56: {  	_ =	shalt  }
0x57: {  	_ =	shalt  }
0x58: {  	_ =	shalt  }
0x59: {  	_ =	shalt  }
0x5a: {  	_ =	shalt  }
0x5b: {  	_ =	shalt  }
0x5c: {  	_ =	shalt  }
0x5d: {  	_ =	shalt  }
0x5e: {  	_ =	shalt  }
0x5f: {  	_ =	shalt  }
0x60: {  	_ =	shalt  }
0x61: {  	_ =	shalt  }
0x62: {  	_ =	shalt  }
0x63: {  	_ =	shalt  }
0x64: {  	_ =	shalt  }
0x65: {  	_ =	shalt  }
0x66: {  	_ =	shalt  }
0x67: {  	_ =	shalt  }
0x68: {  	_ =	shalt  }
0x69: {  	_ =	shalt  }
0x6a: {  	_ =	shalt  }
0x6b: {  	_ =	shalt  }
0x6c: {  	_ =	shalt  }
0x6d: {  	_ =	shalt  }
0x6e: {  	_ =	shalt  }
0x6f: {  	_ =	shalt  }
0x70: {  	_ =	shalt  }
0x71: {  	_ =	shalt  }
0x72: {  	_ =	shalt  }
0x73: {  	_ =	shalt  }
0x74: {  	_ =	shalt  }
0x75: {  	_ =	shalt  }
0x76: {  	_ =	shalt  }
0x77: {  	_ =	shalt  }
0x78: {  	_ =	shalt  }
0x79: {  	_ =	shalt  }
0x7a: {  	_ =	shalt  }
0x7b: {  	_ =	shalt  }
0x7c: {  	_ =	shalt  }
0x7d: {  	_ =	shalt  }
0x7e: {  	_ =	shalt  }
0x7f: {  	_ =	shalt  }
0x80: {  	_ =	shalt  }
0x81: {  	_ =	shalt  }
0x82: {  	_ =	shalt  }
0x83: {  	_ =	shalt  }
0x84: {  	_ =	shalt  }
0x85: {  	_ =	shalt  }
0x86: {  	_ =	shalt  }
0x87: {  	_ =	shalt  }
.Lfunc_end0:
.L_simem_size_0:
called_computation.4_lowered:
.L_overlay_start_0:
0x88: {  	s2 =	sld [smem:$0x3FD9]  }
0x89: {  	s3 =	sld [smem:$0x3FFE];
	_ =	sdelay $0x1  }
0x8a: {  	s1 =	srdreg.scid  }
0x8b: {  	s0 =	sand.u32 $0x1, s1  }
0x8c: {  	s16 =	sshll.u32 s0, $0xA;
	s2 =	sadd.s32 s3, s2  }
0x8d: {  	s2 =	sadd.s32 s2, s16  }
0x8e: {  	[smem:$0x3F40] =	sst s2  }
0x8f: {  	_ = 	snop  }
0x90: {  	(tm) =	ssettm $0x1  }
0x91: {  	s17 =	sld [smem:$0x3FFB];
	_ =	sdelay $0x3  }
0x92: {  	_ =	strace s17  }
0x93: {  	s2 =	sld [smem:$0x3FFC];
	_ =	sdelay $0x3  }
0x94: {  	_ =	strace s2  }
0x95: {  	s2 =	sld [smem:$0x3FFD];
	_ =	sdelay $0x3  }
0x96: {  	_ =	strace s2  }
0x97: {  	_ =	strace $0x8FFFFFFF  }
0x98: {  	s18 =	sld [smem:$0x3FDB];
	_ =	sdelay $0x1  }
0x99: {  	s19 =	simm.s32 $_scs_section_size  }
0x9a: {  	s4 =	simm.s32 $_size__tile_overlayer_lowered;
	s5 =	simm.s32 $_tile_overlayer_lowered  }
0x9b: {  	s22 =	simm.s32 $0x1BFF;
	s21 =	sshll.u32 s5, $0x1;
	s2 =	sadd.s32 s19, s18  }
0x9c: {  	s6 =	simm.s32 $0x0;
	s20 =	sshll.u32 s4, $0x1;
	s4 =	sadd.s32 s21, s2  }
0x9d: {  	[timem:s6], [sflag:s22] =	dma.local [hbm:s4], s20  }
0x9e: {  	_ =	swait.ge [sflag:s22], s20  }
0x9f: {  	s3 =	ssub.s32 $0x0, s20;
	[sflag:s22] =	ssyncset.done $0x0  }
0xa0: {  	[sflag:s22] =	ssyncadd.s32 s3;
	_ =	sdelay $0x1  }
0xa1: {  	s23 =	simm.s32 $0x1B8B  }
0xa2: {  	_ =	swait.ge [sflag:s23], $0x1  }
0xa3: {  	[sflag:s23] =	ssyncset.done $0x0  }
0xa4: {  	s25 =	simm.s32 $0x1B8E;
	s24 =	sld [smem:$0x3FFE];
	[sflag:s23] =	ssyncadd.s32 $0xFFFFFFFF  }
0xa5: {  	s26 =	simm.s32 $execute0_lowered;
	[smem:$0x3FD2] =	sst s25  }
0xa6: {  	s4 =	sshll.u32 s26, $0x1;
	_ =	strace $0x8000004C;
	[dreg:$0x1] =	wrdreg $0xFFFFFFFF  }
0xa7: {  	s28 =	simm.s32 $_size_execute0_lowered;
	s2 =	sadd.s32 s2, s4;
	[dreg:$0x0] =	wrdreg $0x0  }
0xa8: {  	s4 =	sshll.u32 s28, $0x1;
	[dreg:$0x2] =	wrdreg s2  }
0xa9: {  	[dreg:$0x3] =	wrdreg s4  }
0xaa: {  	[dreg:$0x4] =	wrdreg $0xC0  }
0xab: {  	_ =	task [dreg:s6], $0x5FFFF  }
0xac: {  	[dreg:$0x1] =	wrdreg $0xFFFFFFFF  }
0xad: {  	[dreg:$0x0] =	wrdreg $0x60  }
0xae: {  	[dreg:$0x2] =	wrdreg s24  }
0xaf: {  	[dreg:$0x3] =	wrdreg $0xB  }
0xb0: {  	_ =	task.clear_ibuf [dreg:s6], $0x4FFFF;
	_ =	strace $0x9000004C  }
0xb1: {  	s29 =	simm.s32 $0xB;
	_ =	strace $0x8000004E  }
0xb2: {  	_ =	swait.ge [sflag:s29], $0x1  }
0xb3: {  	[sflag:s29] =	ssyncadd.s32 $0xFFFFFFFF  }
0xb4: {  	_ =	strace $0x9000004E  }
0xb5: {  	_ =	sfence  }
0xb6: {  	s30 =	sld [smem:$0x0];
	_ =	sdelay $0x2  }
0xb7: {  	s31 =	sshll.u32 s1, $0xD;
	s1 =	sshrl.u32 s1, $0x2  }
0xb8: {  	s3 =	sand.u32 $0x4000, s31;
	s1 =	sadd.s32 s1, s30  }
0xb9: {  	s0 =	sor.u32 s3, s0;
	s1 =	sshll.u32 s1, $0x11  }
0xba: {  	s0 =	sor.u32 s1, s0  }
0xbb: {  	s0 =	sadd.s32 $0x8F2B, s0  }
0xbc: {  	[sflag:s0] =	ssyncadd.remote.s32 $0x1  }
0xbd: {  	_ =	sfence.sel $0xFFFF  }
0xbe: {  	[dreg:$0x0] =	wrdreg $0xFFFFFFFF;
	(pc) =	sbr.abs _section_cstart, $3  }
0xbf: {  	[dreg:$0x1] =	wrdreg $0xFFFFFFFF  }
0xc0: {  	_ =	task.clear_ibuf [dreg:s6], $0x2FFFF;
	_ =	strace $0x9FFFFFFF  }
0xc1: {  	(tm) =	ssettm $0x7FFFFFFF  }
tec
execute0_lowered:
.L_overlay_start_1:
0x0: {  	(tag) =	ssettag $0x1  }
0x1: {  	s8 =	rddreg [dreg:$0x0]  }
0x2: {  	s0 =	rddreg [dreg:$0x1];
	_ =	strace $0x8000004D;
	s1 =	stileid.u32  }
0x3: {  	s3 =	srdreg.scid;
	s4 =	simm.s32 $0x1;
	s7 =	simm.s32 $0x1  }
0x4: {  	s9 =	simm.s32 $0x1;
	s10 =	simm.s32 $0x3;
	s13 =	simm.s32 $0x0  }
0x5: {  	s12 =	simm.s32 $0x0;
	s5 =	sand.u32 $0x1, s3;
	s6 =	sshll.u32 s1, $0x1  }
0x6: {  	s2 =	sadd.s32 $0x280400, s8;
	s3 =	sadd.s32 $0x268A00, s8;
	s5 =	sor.u32 s6, s5  }
.Ltmp0:
0x7: {  	[sflag:s4] =	ssyncpa.u1 $0x0;
	p0 =	slt.u32 s5, $0x15;
	(pc) =	sbr.rel .LBB2_1-.Ltmp0, $4  }
0x8: {  	s6 =	simm.s32 $0x2;
	s7 =	simm.s32 @!p0 $0x0;
	p0 =	sne.s32 s5, $0x14  }
0x9: {  	[sflag:s6] =	ssyncpa.u1 $0x0;
	s5 =	smul.u32 $0x340, s5;
	s9 =	simm.s32 @!p0 $0x0  }
0xa: {  	s8 =	sadd.s32 $0x264800, s8;
	[sflag:s10] =	ssyncpa.u1 $0x0;
	s7 =	sadd.s32 s9, s7  }
0xb: {  	vm0 =	vmmov $0xffff;
	s10 =	simm.s32 $0x0;
	s11 =	smov.u32 s5;
	s9 =	sadd.s32 $0x1, s7  }
.LBB2_4:
0xc: {  	v3 =	vand.u32 $0xF, v0;
	v4 =	vshll.u32 v0, $0x3  }
0xd: {  	v60 =	vshrl.u32 v0, $0xD;
	v3 =	vmul.u32 $0xAC00, v3;
	v4 =	vand.u32 $0xFF80, v4  }
0xe: {  	v0 =	vand.u32 $0xF, v60;
	v4 =	vsel vm1, $0xFFFFFF80, v4  }
0xf: {  	v0 =	vsel vm1, $0xFFFFFFFF, v0;
	v3 =	vsel vm1, $0xFFFF5400, v3;
	v5 =	vand.u32 $0xFFFFFC00, v4  }
0x10: {  	v61 =	vand.u32 $0xFFFFFC00, v0;
	v3 =	vadd.s32 v3, v5  }
0x11: {  	v1 =	vor.u32 v1, v2;
	v63 =	vand.u32 $0x380, v4;
	v62 =	vadd.s32 v61, v3  }
0x12: {  	v0 =	vand.u32 $0x7F, v0;
	v2 =	vor.u32 v63, v62  }
0x13: {  	v0 =	vor.u32 v0, v2;
	_ =	sdelay $0x1  }
0x14: {  	(ifvalue) =	ssetifvalue $0x7FFFFFFF;
	s15 =	sadd.s32 $0x10, s15  }
0x15: {  	[tilespmem:s15], [sflag:$0x1] =	stream.indirect_vreg.gather [hbm4b:s2+s10], $0x1, v1, vm0, $0x4038;
	[tilespmem:$0xD00] =	vst v63  }
0x16: {  	(ifvalue) =	ssetifvalue $0x7FFFFFFF;
	s15 =	sadd.s32 $0x10, s15  }
0x17: {  	[tilespmem:s15], [sflag:$0x1] =	stream.indirect_vreg.gather [hbm4b:s2+s10], $0x1, v0, vm0, $0x4038;
	[tilespmem:$0xD00] =	vst v63  }
0x18: {  	_ =	swait.ge [sflag:s4], $0x340  }
0x19: {  	s30 =	sshrl.u32 s13, $0x3;
	[sflag:s4] =	ssyncset.done $0x0  }
0x1a: {  	s31 =	sand.u32 $0x7, s13;
	s15 =	sadd.s32 s8, s30;
	[sflag:s4] =	ssyncadd.s32 $0xFFFFFCC0  }
0x1b: {  	[hbm4b:s15+s31] =	stream.linear.scatter [tilespmem:s14], [sflag:$0x3], $0x340, $0x38;
	[tilespmem:$0xD00] =	vst v63  }
.LBB2_5:
0x1c: {  	s15 =	sadd.s32 $0x6800, s11  }
0x1d: {  	p1 =	sgt.s32 s15, $0xA8FF  }
0x1e: {  	s15 =	smov.u32 @p1 s5;
	p1 =	sne.s32 s12, s9  }
.Ltmp1:
0x1f: {  	p0 =	slt.u32 s12, $0x2;
	(pc) =	sbr.rel @!p1 .LBB2_6-.Ltmp1, $4  }
0x20: {  	s14 =	simm.s32 @!p0 $0x3  }
0x21: {  	_ =	swait.ge @!p0 [sflag:s14], $0x340  }
0x22: {  	s16 =	sadd.s32 $0x1, s12;
	s13 =	smov.u32 s11;
	[sflag:s14] =	ssyncset.done @!p0 $0x0  }
0x23: {  	s12 =	smov.u32 s16;
	s11 =	smov.u32 s15;
	[sflag:s14] =	ssyncadd.s32 @!p0 $0xFFFFFCC0  }
.LBB2_1:
0x24: {  	p0 =	sge.u32 s12, s7  }
0x25: {  	s14 =	sxor.u32 @!p0 $0x1, s12  }
0x26: {  	s14 =	smul.u32 @!p0 $0xD00, s14  }
0x27: {  	s31 =	sadd.s32 $0xFFFFFFFF, s12;
	s15 =	sshrl.u32 @!p0 s11, $0x3  }
0x28: {  	s16 =	sand.u32 @!p0 $0x7, s11;
	s15 =	sadd.s32 @!p0 s3, s15;
	s14 =	sshra.s32 @!p0 s14, $0x2  }
0x29: {  	[tilespmem:s14], [sflag:$0x2] =	stream.linear.gather @!p0 [hbm4b:s15+s16], $0x340, $0x38;
	[tilespmem:$0xD00] =	vst v63  }
0x2a: {  	p0 =	sge.u32 s31, s7  }
.Ltmp2:
0x2b: {  	_ = 	snop;
	(pc) =	sbr.rel @p0 .LBB2_5-.Ltmp2, $1  }
0x2c: {  	_ =	sdelay $0x3  }
0x2d: {  	s14 =	sand.u32 $0x1, s12  }
0x2e: {  	_ =	swait.ge [sflag:s6], $0x340;
	p0 =	seq.s32 s14, $0x1;
	s14 =	simm.s32 $0x340  }
0x2f: {  	[sflag:s6] =	ssyncset.done $0x0;
	s14 =	simm.s32 @!p0 $0x0  }
0x30: {  	[sflag:s6] =	ssyncadd.s32 $0xFFFFFCC0;
	(ifvalue) =	ssetifvalue $0x7FFFFFFF;
	v0 =	vld.msk [tilespmem:s14+$0x0 ss:$0x1], $0xffff  }
0x31: {  	s15 =	sadd.s32 $0x10, s14  }
0x32: {  	v3 =	vld.msk [tilespmem:s15+$0x0 ss:$0x1], $0xffff;
	_ =	sdelay $0x2  }
0x33: {  	vm1 =	veq.s32 v0, $0x80000000;
	v1 =	vand.u32 $0xF, v0;
	v2 =	vshll.u32 v0, $0x3  }
0x34: {  	v0 =	vshrl.u32 v0, $0xD;
	v1 =	vmul.u32 $0xAC00, v1;
	v2 =	vand.u32 $0xFF80, v2  }
0x35: {  	v0 =	vand.u32 $0xF, v0;
	v62 =	vshll.u32 v3, $0x3;
	v2 =	vsel vm1, $0xFFFFFF80, v2  }
0x36: {  	v0 =	vsel vm1, $0xFFFFFFFF, v0;
	v1 =	vsel vm1, $0xFFFF5400, v1;
	v4 =	vand.u32 $0xFFFFFC00, v2  }
0x37: {  	v61 =	vand.u32 $0xFFFFFC00, v0;
	v2 =	vand.u32 $0x380, v2;
	v1 =	vadd.s32 v1, v4  }
0x38: {  	v0 =	vand.u32 $0x7F, v0;
	vm1 =	veq.s32 v3, $0x80000000;
	v1 =	vadd.s32 v61, v1  }
0x39: {  	s15 =	sadd.s32 $0x10, s15;
	v4 =	vand.u32 $0xFF80, v62;
	v1 =	vor.u32 v2, v1;
	v2 =	vand.u32 $0xF, v3  }
0x3a: {  	v3 =	vshrl.u32 v3, $0xD;
	v1 =	vor.u32 v0, v1;
	v0 =	vld.msk [tilespmem:s15+$0x0 ss:$0x1], $0xffff;
	v2 =	vmul.u32 $0xAC00, v2  }
0x3b: {  	v4 =	vsel vm1, $0xFFFFFF80, v4;
	v3 =	vand.u32 $0xF, v3  }
0x3c: {  	v5 =	vand.u32 $0xFFFFFC00, v4;
	v3 =	vsel vm1, $0xFFFFFFFF, v3;
	v2 =	vsel vm1, $0xFFFF5400, v2  }
0x3d: {  	s16 =	simm.s32 $0x20;
	s14 =	sadd.s32 $0x680, s14;
	v63 =	vand.u32 $0xFFFFFC00, v3;
	v2 =	vadd.s32 v2, v5  }
0x3e: {  	s17 =	sadd.s32 $0x10, s15;
	v4 =	vand.u32 $0x380, v4;
	(ifvalue) =	ssetifvalue $0x7FFFFFFF;
	s15 =	smov.u32 s14;
	v2 =	vadd.s32 v63, v2  }
0x3f: {  	[tilespmem:s14], [sflag:$0x1] =	stream.indirect_vreg.gather [hbm4b:s2+s10], $0x1, v1, vm0, $0x4038;
	vm1 =	veq.s32 v0, $0x80000000;
	v1 =	vand.u32 $0x7F, v3;
	v2 =	vor.u32 v4, v2;
	[tilespmem:$0xD00] =	vst v63  }
.LBB2_3:
0x40: {  	v3 =	vld.msk [tilespmem:s17+$0x0 ss:$0x1], $0xffff;
	v4 =	vand.u32 $0xF, v0;
	v5 =	vshll.u32 v0, $0x3;
	v1 =	vor.u32 v1, v2;
	s16 =	sadd.s32 $0x10, s16  }
0x41: {  	v0 =	vshrl.u32 v0, $0xD;
	v2 =	vmul.u32 $0xAC00, v4;
	v4 =	vand.u32 $0xFF80, v5;
	p0 =	slt.u32 s16, $0x330  }
.Ltmp3:
0x42: {  	v0 =	vand.u32 $0xF, v0;
	v4 =	vsel vm1, $0xFFFFFF80, v4;
	(pc) =	sbr.rel @p0 .LBB2_3-.Ltmp3, $4  }
0x43: {  	v0 =	vsel vm1, $0xFFFFFFFF, v0;
	v2 =	vsel vm1, $0xFFFF5400, v2;
	v5 =	vand.u32 $0xFFFFFC00, v4  }
0x44: {  	s15 =	sadd.s32 $0x10, s15;
	v2 =	vadd.s32 v2, v5;
	v5 =	vand.u32 $0xFFFFFC00, v0;
	(ifvalue) =	ssetifvalue $0x7FFFFFFF  }
0x45: {  	v4 =	vand.u32 $0x380, v4;
	v2 =	vadd.s32 v5, v2;
	[tilespmem:s15], [sflag:$0x1] =	stream.indirect_vreg.gather [hbm4b:s2+s10], $0x1, v1, vm0, $0x4038;
	[tilespmem:$0xD00] =	vst v63  }
0x46: {  	s17 =	sadd.s32 $0x10, s17;
	vm1 =	veq.s32 v3, $0x80000000;
	v1 =	vand.u32 $0x7F, v0;
	v0 =	vmovc v3;
	v2 =	vor.u32 v4, v2  }
.Ltmp4:
0x47: {  	_ = 	snop;
	(pc) =	sbr.rel .LBB2_4-.Ltmp4, $1  }
0x48: {  	_ =	sdelay $0x3  }
.LBB2_6:
0x49: {  	_ =	sfence.sel $0x180000  }
0x4a: {  	s2 =	simm.s32 $0x2;
	[bflag:$0x0] =	sbarrier.arrive $0xFFFF  }
0x4b: {  	s30 =	simm.s32 $0x3;
	[sflag:s2] =	ssyncpa.u1 $0x1  }
0x4c: {  	s31 =	simm.s32 $0x1;
	[sflag:s30] =	ssyncpa.u1 $0x1  }
0x4d: {  	[sflag:s31] =	ssyncpa.u1 $0x1  }
0x4e: {  	p0 =	sne.s32 s1, $0x0;
	_ =	strace $0x9000004D  }
0x4f: {  	s0 =	sadd.s32 @!p0 $0x100000, s0;
	[bflag:$0x2] =	sbarrier.arrive $0xFFFF  }
0x50: {  	[sflag:s0] =	ssyncadd.tile.s32 @!p0 $0x1;
	_ =	shalt  }
.Lfunc_end2:
_tile_overlayer_lowered:
.L_overlay_start_2:
0x51: {  	(tag) =	ssettag $0x2  }
0x52: {  	s0 =	rddreg [dreg:$0x0];
	s2 =	stileid.u32  }
0x53: {  	s1 =	rddreg [dreg:$0x1];
	p0 =	sne.s32 s2, $0x0  }
0x54: {  	s3 =	rddreg [dreg:$0x2];
	[bflag:$0x3] =	sbarrier.arrive $0xFFFF;
	s2 =	simm.s32 @!p0 $0x1C01  }
0x55: {  	[timem:s3], [sflag:s2] =	dma.local @!p0 [hbm:s0], s1  }
0x56: {  	s0 =	simm.s32 @!p0 $0x1  }
0x57: {  	_ =	swait.ge @!p0 [sflag:s0], s1  }
0x58: {  	s1 =	ssub.s32 @!p0 $0x0, s1;
	[sflag:s0] =	ssyncset.done @!p0 $0x0  }
0x59: {  	[sflag:s0] =	ssyncadd.s32 @!p0 s1  }
0x5a: {  	[bflag:$0x3] =	sbarrier.arrive $0xFFFF  }
0x5b: {  	_ =	shalt  }

// kernel: gather_offload_async_start.4
scs
__scs_entry_jumppad:
0x0: {  	(pc) =	sbr.rel $0x88, $3  }
0x1: {  	(tag) =	ssettag $0x0;
	lr =	simm.s32 $0x1  }
0x2: {  	[smem:$0x3F19] =	sst lr;
	_ =	strace $0xD0000000  }
0x3: {  	_ = 	snop  }
0x4: {  	_ = 	snop  }
0x5: {  	_ = 	snop  }
0x6: {  	_ = 	snop  }
0x7: {  	_ = 	snop  }
__scs_overlays_trampoline_lowered:
0x8: {  	[smem:$0x3F28] =	sst s0  }
0x9: {  	[smem:$0x3F29] =	sst s1  }
0xa: {  	[smem:$0x3F2A] =	sst s2  }
0xb: {  	[smem:$0x3F2B] =	sst s3  }
0xc: {  	[smem:$0x3F2C] =	sst s4  }
0xd: {  	[smem:$0x3F2D] =	sst s5  }
0xe: {  	[smem:$0x3F2E] =	sst s6  }
0xf: {  	[smem:$0x3F2F] =	sst s7  }
0x10: {  	[smem:$0x3F30] =	sst s8  }
0x11: {  	[smem:$0x3F31] =	sst s9;
	s0 =	simm.s32 @!p0 $0x0  }
0x12: {  	s1 =	sld [smem:$0x3F17];
	s0 =	simm.s32 @p0 $0x1  }
0x13: {  	[smem:$0x3F32] =	sst s0;
	s0 =	simm.s32 @!p1 $0x0  }
0x14: {  	s2 =	sld [smem:$0x3F16];
	s0 =	simm.s32 @p1 $0x1  }
0x15: {  	[smem:$0x3F33] =	sst s0;
	s0 =	simm.s32 @!p2 $0x0  }
0x16: {  	s3 =	sld [smem:$0x3FDB];
	s0 =	simm.s32 @p2 $0x1  }
0x17: {  	s4 =	simm.s32 $0x1BF5;
	[smem:$0x3F35] =	sst s0  }
0x18: {  	s0 =	sld [smem:$0x3F18];
	_ =	swait.ge [sflag:s4], $0x0  }
0x19: {  	s7 =	sld [smem:$0x3F19]  }
0x1a: {  	s8 =	sadd.s32 $0xFFFFE003, lr  }
0x1b: {  	s9 =	sadd.s32 $0xFFFFFEF7, lr;
	s5 =	simm.s32 $0xFFFFFFFF;
	p2 =	slt.u32 s8, $0xFFFFF086  }
0x1c: {  	p1 =	slt.u32 s9, $0xF7A;
	s5 =	simm.s32 @!p2 $0x0  }
0x1d: {  	s5 =	simm.s32 @p1 $0x1;
	p0 =	seq.s32 s7, s2  }
0x1e: {  	s7 =	smul.u32 @!p0 $0xF7A, s2;
	p2 =	seq.s32 @!p0 s5, $0x0  }
0x1f: {  	s9 =	smul.u32 $0xF7A, s1;
	s8 =	simm.s32 @!p0 $0x1BF5;
	p2 =	por !p2, p0  }
0x20: {  	[sflag:s8] =	ssyncset.s32 @!p0 $0xFFFFF086;
	s6 =	sadd.s32 @!p0 s3, s7;
	s7 =	simm.s32 @!p0 $0x108  }
0x21: {  	s3 =	sadd.s32 s3, s9;
	s6 =	sadd.s32 @!p0 $0x88, s6;
	s7 =	simm.s32 @p2 $0x1082  }
0x22: {  	[simem:s7], [sflag:s8] =	dma.local @!p0 [hbm:s6], $0xF7A  }
0x23: {  	s9 =	sor.u32 $0xD0000000, s2;
	s6 =	simm.s32 $0x108;
	_ =	swait.ge @!p0 [sflag:s8], $0x0  }
0x24: {  	s3 =	sadd.s32 $0x88, s3;
	s6 =	simm.s32 @!p1 $0x1082;
	[sflag:s4] =	ssyncset.s32 $0xFFFFF086  }
0x25: {  	[simem:s6], [sflag:s4] =	dma.local [hbm:s3], $0xF7A  }
0x26: {  	[smem:$0x3F19] =	sst s1;
	(tag) =	ssettag s2;
	_ =	strace s9  }
0x27: {  	s1 =	sld [smem:$0x3F29]  }
0x28: {  	s2 =	sld [smem:$0x3F2A]  }
0x29: {  	s4 =	sld [smem:$0x3F2C]  }
0x2a: {  	p0 =	seq.s32 s5, $0x0;
	s5 =	sld [smem:$0x3F2D]  }
0x2b: {  	s6 =	sld [smem:$0x3F2E]  }
0x2c: {  	s7 =	sld [smem:$0x3F2F]  }
0x2d: {  	s3 =	simm.s32 $0x108;
	s8 =	sld [smem:$0x3F30]  }
0x2e: {  	s3 =	simm.s32 @!p0 $0x1082;
	s9 =	sld [smem:$0x3F31]  }
0x2f: {  	lr =	sadd.s32 s0, s3;
	s0 =	sld [smem:$0x3F28]  }
0x30: {  	s3 =	sld [smem:$0x3F2B]  }
0x31: {  	[smem:$0x3F34] =	sst s10  }
0x32: {  	s10 =	sld [smem:$0x3F32];
	_ =	sdelay $0x3  }
0x33: {  	p0 =	seq.s32 s10, $0x1;
	s10 =	sld [smem:$0x3F34];
	_ =	sdelay $0x3  }
0x34: {  	[smem:$0x3F34] =	sst s10  }
0x35: {  	s10 =	sld [smem:$0x3F33];
	_ =	sdelay $0x3  }
0x36: {  	p1 =	seq.s32 s10, $0x1;
	s10 =	sld [smem:$0x3F34];
	_ =	sdelay $0x3  }
0x37: {  	[smem:$0x3F34] =	sst s10  }
0x38: {  	s10 =	sld [smem:$0x3F35]  }
0x39: {  	_ = 	snop;
	(pc) =	sbr.ind lr, $3  }
0x3a: {  	_ = 	snop  }
0x3b: {  	_ = 	snop  }
0x3c: {  	p2 =	seq.s32 s10, $0x1;
	s10 =	sld [smem:$0x3F34]  }
0x3d: {  	_ =	shalt  }
0x3e: {  	_ =	shalt  }
0x3f: {  	_ =	shalt  }
0x40: {  	_ =	shalt  }
0x41: {  	_ =	shalt  }
0x42: {  	_ =	shalt  }
0x43: {  	_ =	shalt  }
0x44: {  	_ =	shalt  }
0x45: {  	_ =	shalt  }
0x46: {  	_ =	shalt  }
0x47: {  	_ =	shalt  }
0x48: {  	_ =	shalt  }
0x49: {  	_ =	shalt  }
0x4a: {  	_ =	shalt  }
0x4b: {  	_ =	shalt  }
0x4c: {  	_ =	shalt  }
0x4d: {  	_ =	shalt  }
0x4e: {  	_ =	shalt  }
0x4f: {  	_ =	shalt  }
0x50: {  	_ =	shalt  }
0x51: {  	_ =	shalt  }
0x52: {  	_ =	shalt  }
0x53: {  	_ =	shalt  }
0x54: {  	_ =	shalt  }
0x55: {  	_ =	shalt  }
0x56: {  	_ =	shalt  }
0x57: {  	_ =	shalt  }
0x58: {  	_ =	shalt  }
0x59: {  	_ =	shalt  }
0x5a: {  	_ =	shalt  }
0x5b: {  	_ =	shalt  }
0x5c: {  	_ =	shalt  }
0x5d: {  	_ =	shalt  }
0x5e: {  	_ =	shalt  }
0x5f: {  	_ =	shalt  }
0x60: {  	_ =	shalt  }
0x61: {  	_ =	shalt  }
0x62: {  	_ =	shalt  }
0x63: {  	_ =	shalt  }
0x64: {  	_ =	shalt  }
0x65: {  	_ =	shalt  }
0x66: {  	_ =	shalt  }
0x67: {  	_ =	shalt  }
0x68: {  	_ =	shalt  }
0x69: {  	_ =	shalt  }
0x6a: {  	_ =	shalt  }
0x6b: {  	_ =	shalt  }
0x6c: {  	_ =	shalt  }
0x6d: {  	_ =	shalt  }
0x6e: {  	_ =	shalt  }
0x6f: {  	_ =	shalt  }
0x70: {  	_ =	shalt  }
0x71: {  	_ =	shalt  }
0x72: {  	_ =	shalt  }
0x73: {  	_ =	shalt  }
0x74: {  	_ =	shalt  }
0x75: {  	_ =	shalt  }
0x76: {  	_ =	shalt  }
0x77: {  	_ =	shalt  }
0x78: {  	_ =	shalt  }
0x79: {  	_ =	shalt  }
0x7a: {  	_ =	shalt  }
0x7b: {  	_ =	shalt  }
0x7c: {  	_ =	shalt  }
0x7d: {  	_ =	shalt  }
0x7e: {  	_ =	shalt  }
0x7f: {  	_ =	shalt  }
0x80: {  	_ =	shalt  }
0x81: {  	_ =	shalt  }
0x82: {  	_ =	shalt  }
0x83: {  	_ =	shalt  }
0x84: {  	_ =	shalt  }
0x85: {  	_ =	shalt  }
0x86: {  	_ =	shalt  }
0x87: {  	_ =	shalt  }
.Lfunc_end0:
.L_simem_size_0:
called_computation.5_lowered:
.L_overlay_start_0:
0x88: {  	s2 =	sld [smem:$0x3FD9]  }
0x89: {  	s3 =	sld [smem:$0x3FFE];
	_ =	sdelay $0x1  }
0x8a: {  	s1 =	srdreg.scid  }
0x8b: {  	s0 =	sand.u32 $0x1, s1  }
0x8c: {  	s16 =	sshll.u32 s0, $0xA;
	s2 =	sadd.s32 s3, s2  }
0x8d: {  	s2 =	sadd.s32 s2, s16  }
0x8e: {  	[smem:$0x3F40] =	sst s2  }
0x8f: {  	_ = 	snop  }
0x90: {  	(tm) =	ssettm $0x1  }
0x91: {  	s17 =	sld [smem:$0x3FFB];
	_ =	sdelay $0x3  }
0x92: {  	_ =	strace s17  }
0x93: {  	s2 =	sld [smem:$0x3FFC];
	_ =	sdelay $0x3  }
0x94: {  	_ =	strace s2  }
0x95: {  	s2 =	sld [smem:$0x3FFD];
	_ =	sdelay $0x3  }
0x96: {  	_ =	strace s2  }
0x97: {  	_ =	strace $0x8FFFFFFF  }
0x98: {  	s18 =	sld [smem:$0x3FDB];
	_ =	sdelay $0x1  }
0x99: {  	s19 =	simm.s32 $_scs_section_size  }
0x9a: {  	s4 =	simm.s32 $_size__tile_overlayer_lowered;
	s5 =	simm.s32 $_tile_overlayer_lowered  }
0x9b: {  	s22 =	simm.s32 $0x1BFF;
	s21 =	sshll.u32 s5, $0x1;
	s2 =	sadd.s32 s19, s18  }
0x9c: {  	s6 =	simm.s32 $0x0;
	s20 =	sshll.u32 s4, $0x1;
	s4 =	sadd.s32 s21, s2  }
0x9d: {  	[timem:s6], [sflag:s22] =	dma.local [hbm:s4], s20  }
0x9e: {  	_ =	swait.ge [sflag:s22], s20  }
0x9f: {  	s3 =	ssub.s32 $0x0, s20;
	[sflag:s22] =	ssyncset.done $0x0  }
0xa0: {  	[sflag:s22] =	ssyncadd.s32 s3;
	_ =	sdelay $0x1  }
0xa1: {  	s23 =	simm.s32 $0x1B8B  }
0xa2: {  	_ =	swait.ge [sflag:s23], $0x1  }
0xa3: {  	[sflag:s23] =	ssyncset.done $0x0  }
0xa4: {  	s25 =	simm.s32 $0x1B8E;
	s24 =	sld [smem:$0x3FFE];
	[sflag:s23] =	ssyncadd.s32 $0xFFFFFFFF  }
0xa5: {  	s26 =	simm.s32 $execute0_lowered;
	[smem:$0x3FD2] =	sst s25  }
0xa6: {  	s4 =	sshll.u32 s26, $0x1;
	_ =	strace $0x8000005B;
	[dreg:$0x1] =	wrdreg $0xFFFFFFFF  }
0xa7: {  	s28 =	simm.s32 $_size_execute0_lowered;
	s2 =	sadd.s32 s2, s4;
	[dreg:$0x0] =	wrdreg $0x0  }
0xa8: {  	s4 =	sshll.u32 s28, $0x1;
	[dreg:$0x2] =	wrdreg s2  }
0xa9: {  	[dreg:$0x3] =	wrdreg s4  }
0xaa: {  	[dreg:$0x4] =	wrdreg $0xC0  }
0xab: {  	_ =	task [dreg:s6], $0x5FFFF  }
0xac: {  	[dreg:$0x1] =	wrdreg $0xFFFFFFFF  }
0xad: {  	[dreg:$0x0] =	wrdreg $0x60  }
0xae: {  	[dreg:$0x2] =	wrdreg s24  }
0xaf: {  	[dreg:$0x3] =	wrdreg $0x9  }
0xb0: {  	_ =	task.clear_ibuf [dreg:s6], $0x4FFFF;
	_ =	strace $0x9000005B  }
0xb1: {  	s29 =	simm.s32 $0x9;
	_ =	strace $0x8000005D  }
0xb2: {  	_ =	swait.ge [sflag:s29], $0x1  }
0xb3: {  	[sflag:s29] =	ssyncadd.s32 $0xFFFFFFFF  }
0xb4: {  	_ =	strace $0x9000005D  }
0xb5: {  	_ =	sfence  }
0xb6: {  	s30 =	sld [smem:$0x0];
	_ =	sdelay $0x2  }
0xb7: {  	s31 =	sshll.u32 s1, $0xD;
	s1 =	sshrl.u32 s1, $0x2  }
0xb8: {  	s3 =	sand.u32 $0x4000, s31;
	s1 =	sadd.s32 s1, s30  }
0xb9: {  	s0 =	sor.u32 s3, s0;
	s1 =	sshll.u32 s1, $0x11  }
0xba: {  	s0 =	sor.u32 s1, s0  }
0xbb: {  	s0 =	sadd.s32 $0x8F2B, s0  }
0xbc: {  	[sflag:s0] =	ssyncadd.remote.s32 $0x1  }
0xbd: {  	_ =	sfence.sel $0xFFFF  }
0xbe: {  	[dreg:$0x0] =	wrdreg $0xFFFFFFFF;
	(pc) =	sbr.abs _section_cstart, $3  }
0xbf: {  	[dreg:$0x1] =	wrdreg $0xFFFFFFFF  }
0xc0: {  	_ =	task.clear_ibuf [dreg:s6], $0x2FFFF;
	_ =	strace $0x9FFFFFFF  }
0xc1: {  	(tm) =	ssettm $0x7FFFFFFF  }
tec
execute0_lowered:
.L_overlay_start_1:
0x0: {  	(tag) =	ssettag $0x1  }
0x1: {  	s0 =	srdreg.scid  }
0x2: {  	s1 =	sshll.u32 s0, $0x4  }
0x3: {  	s0 =	stileid.u32;
	s1 =	sand.u32 $0x10, s1  }
0x4: {  	s1 =	sor.u32 s0, s1  }
0x5: {  	s2 =	smin.u32 s1, $0x14  }
0x6: {  	s2 =	sadd.s32 s1, s2  }
0x7: {  	p0 =	slt.u32 s1, $0x14;
	s1 =	simm.s32 $0xD0;
	s2 =	smul.u32 $0x68, s2  }
0x8: {  	s1 =	simm.s32 @!p0 $0x68  }
0x9: {  	s1 =	sadd.s32 s1, s2  }
0xa: {  	s3 =	smin.u32 s1, $0x1520  }
0xb: {  	s7 =	ssub.s32 s3, s2  }
0xc: {  	p0 =	sgt.s32 s7, $0x0  }
0xd: {  	s7 =	simm.s32 @!p0 $0x0  }
0xe: {  	s31 =	smul.u32 $0x4EC5, s7  }
0xf: {  	s9 =	rddreg [dreg:$0x0];
	s6 =	simm.s32 $0x1;
	s11 =	simm.s32 $0x3  }
0x10: {  	s13 =	simm.s32 $0x0;
	s12 =	simm.s32 $0x0;
	s8 =	sshrl.u32 s31, $0x15  }
0x11: {  	s4 =	sadd.s32 $0x10400, s9;
	s5 =	sadd.s32 $0x51400, s9;
	s10 =	smul.u32 $0x68, s8  }
.Ltmp0:
0x12: {  	s9 =	sadd.s32 $0x496C00, s9;
	s1 =	rddreg [dreg:$0x1];
	(pc) =	sbr.rel .LBB2_1-.Ltmp0, $4  }
0x13: {  	_ =	strace $0x8000005C;
	p0 =	sne.s32 s7, s10;
	s10 =	simm.s32 $0x1  }
0x14: {  	[sflag:s6] =	ssyncpa.u1 $0x0;
	s7 =	simm.s32 $0x2;
	s10 =	simm.s32 @!p0 $0x0  }
0x15: {  	[sflag:s7] =	ssyncpa.u1 $0x0;
	p0 =	por $0x0, $0x0;
	s8 =	sadd.s32 s8, s10  }
0x16: {  	vm0 =	vmmov $0xff;
	vm1 =	vcmask $0x3F20;
	[sflag:s11] =	ssyncpa.u1 $0x0;
	s11 =	smov.u32 s2;
	s10 =	sadd.s32 $0x1, s8  }
.LBB2_6:
0x17: {  	[hbm:s17] =	stream.linear.scatter [tilespmem:s14], [sflag:$0x3], $0x400, $0x38;
	[tilespmem:$0x68D0] =	vst v63  }
.LBB2_7:
0x18: {  	s13 =	sadd.s32 $0x68, s11  }
0x19: {  	s15 =	smov.u32 s2;
	p2 =	slt.s32 s13, s3  }
0x1a: {  	s15 =	smov.u32 @p2 s13;
	p2 =	sne.s32 s12, s10  }
.Ltmp1:
0x1b: {  	p1 =	slt.u32 s12, $0x2;
	(pc) =	sbr.rel @!p2 .LBB2_8-.Ltmp1, $4  }
0x1c: {  	s14 =	simm.s32 @!p1 $0x3  }
0x1d: {  	s16 =	sadd.s32 $0x1, s12;
	_ =	swait.ge @!p1 [sflag:s14], $0x3400  }
0x1e: {  	p0 =	por !p0, !p0;
	s13 =	smov.u32 s11;
	[sflag:s14] =	ssyncset.done @!p1 $0x0  }
0x1f: {  	s12 =	smov.u32 s16;
	s11 =	smov.u32 s15;
	[sflag:s14] =	ssyncadd.s32 @!p1 $0xFFFFCC00  }
.LBB2_1:
0x20: {  	p1 =	sge.u32 s12, s8  }
0x21: {  	s14 =	sxor.u32 @!p1 $0xFFFFFFFF, s12  }
0x22: {  	s14 =	sand.u32 @!p1 $0x1, s14  }
0x23: {  	s14 =	smul.u32 @!p1 $0x1A0, s14  }
0x24: {  	s31 =	sadd.s32 $0xFFFFFFFF, s12;
	s15 =	sshrl.u32 @!p1 s11, $0x3  }
0x25: {  	s16 =	sand.u32 @!p1 $0x7, s11;
	s15 =	sadd.s32 @!p1 s5, s15;
	s14 =	sshrl.u32 @!p1 s14, $0x2  }
0x26: {  	[tilespmem:s14], [sflag:$0x2] =	stream.linear.gather @!p1 [hbm4b:s15+s16], $0x68, $0x38;
	[tilespmem:$0x68D0] =	vst v63  }
0x27: {  	p1 =	sge.u32 s31, s8  }
.Ltmp2:
0x28: {  	_ = 	snop;
	(pc) =	sbr.rel @p1 .LBB2_7-.Ltmp2, $1  }
0x29: {  	_ =	sdelay $0x3  }
0x2a: {  	s14 =	simm.s32 $0x1  }
0x2b: {  	s14 =	simm.s32 @!p0 $0x0  }
0x2c: {  	s15 =	smul.u32 $0x1A0, s14  }
0x2d: {  	_ =	swait.ge [sflag:s7], $0x68  }
0x2e: {  	[sflag:s7] =	ssyncset.done $0x0;
	s17 =	sshrl.u32 s15, $0x2  }
0x2f: {  	[sflag:s7] =	ssyncadd.s32 $0xFFFFFF98;
	s15 =	sadd.s32 $0x0, s17  }
0x30: {  	v0 =	vld.msk [tilespmem:s15+$0x0 ss:$0x1], $0xffff;
	_ =	sdelay $0x4  }
0x31: {  	v1 =	vshll.u32 v0, $0x3  }
0x32: {  	vm2 =	veq.s32 v0, $0x80000000;
	v0 =	vshll.u32 v0, $0x11;
	v1 =	vand.u32 $0x1FF80, v1  }
0x33: {  	v0 =	vand.u32 $0x1E0000, v0;
	v1 =	vsel vm2, $0xFFFFFF80, v1  }
0x34: {  	v0 =	vsel vm2, $0xFFFE0000, v0;
	v2 =	vand.u32 $0xFFFFFC00, v1  }
0x35: {  	v1 =	vand.u32 $0x380, v1;
	v0 =	vadd.s32 v0, v2  }
0x36: {  	v0 =	vor.u32 v1, v0  }
0x37: {  	v0 =	vshrl.u32 v0, $0x3  }
0x38: {  	s14 =	smul.u32 $0xD000, s14  }
0x39: {  	s31 =	sand.u32 $0x1, s12  }
0x3a: {  	s16 =	smul.u32 $0x1A0, s31;
	s14 =	sshrl.u32 s14, $0x2  }
0x3b: {  	s19 =	smul.u32 $0xD000, s31;
	s14 =	sor.u32 $0xD0, s14  }
0x3c: {  	[tilespmem:s14], [sflag:$0x1] =	stream.indirect_vreg.gather [hbm:s4], $0x80, v0, vm0, $0x38;
	[tilespmem:$0x68D0] =	vst v63  }
0x3d: {  	s18 =	sshrl.u32 s16, $0x2;
	s20 =	sadd.s32 $0x10, s17;
	s15 =	sadd.s32 $0x400, s14  }
0x3e: {  	[tilespmem:s15], [sflag:$0x1] =	stream.indirect_vreg.gather [hbm:s4], $0x80, v0, vm1, $0x38;
	[tilespmem:$0x68D0] =	vst v63  }
0x3f: {  	s16 =	sshrl.u32 s19, $0x2;
	s19 =	smov.u32 s14;
	v0 =	vld.msk [tilespmem:s20+$0x0 ss:$0x1], $0xffff;
	s20 =	simm.s32 $0x80  }
.LBB2_3:
0x40: {  	p1 =	sne.s32 s20, $0x140;
	_ =	sdelay $0x4  }
0x41: {  	v1 =	vshll.u32 v0, $0x3  }
0x42: {  	vm2 =	veq.s32 v0, $0x80000000;
	v0 =	vshll.u32 v0, $0x11;
	v1 =	vand.u32 $0x1FF80, v1  }
0x43: {  	v0 =	vand.u32 $0x1E0000, v0;
	v1 =	vsel vm2, $0xFFFFFF80, v1  }
0x44: {  	v0 =	vsel vm2, $0xFFFE0000, v0;
	v2 =	vand.u32 $0xFFFFFC00, v1  }
0x45: {  	v1 =	vand.u32 $0x380, v1;
	v0 =	vadd.s32 v0, v2  }
0x46: {  	v0 =	vor.u32 v1, v0  }
0x47: {  	v0 =	vshrl.u32 v0, $0x3;
	_ =	sdelay $0x3  }
.Ltmp3:
0x48: {  	s21 =	sshra.s32 s20, $0x2;
	s19 =	sadd.s32 $0x800, s19;
	(pc) =	sbr.rel @p1 .LBB2_3-.Ltmp3, $4  }
0x49: {  	[tilespmem:s19], [sflag:$0x1] =	stream.indirect_vreg.gather [hbm:s4], $0x80, v0, vm0, $0x38;
	[tilespmem:$0x68D0] =	vst v63  }
0x4a: {  	s21 =	sadd.s32 s21, s17;
	s22 =	sadd.s32 $0x400, s19  }
0x4b: {  	[tilespmem:s22], [sflag:$0x1] =	stream.indirect_vreg.gather [hbm:s4], $0x80, v0, vm1, $0x38;
	[tilespmem:$0x68D0] =	vst v63  }
0x4c: {  	s20 =	sadd.s32 $0x40, s20;
	v0 =	vld.msk [tilespmem:s21+$0x0 ss:$0x1], $0xffff  }
0x4d: {  	_ =	sdelay $0x3  }
0x4e: {  	v1 =	vshll.u32 v0, $0x3  }
0x4f: {  	vm2 =	veq.s32 v0, $0x80000000;
	v61 =	vshll.u32 v0, $0x11;
	v1 =	vand.u32 $0x1FF80, v1  }
0x50: {  	v0 =	vand.u32 $0x1E0000, v61;
	v1 =	vsel vm2, $0xFFFFFF80, v1  }
0x51: {  	v0 =	vsel vm2, $0xFFFE0000, v0;
	v2 =	vand.u32 $0xFFFFFC00, v1  }
0x52: {  	v1 =	vand.u32 $0x380, v1;
	v0 =	vadd.s32 v0, v2  }
0x53: {  	v0 =	vor.u32 v1, v0  }
0x54: {  	v0 =	vshrl.u32 v0, $0x3;
	_ =	sdelay $0x3  }
0x55: {  	s17 =	sadd.s32 $0x800, s19  }
0x56: {  	[tilespmem:s17], [sflag:$0x1] =	stream.indirect_vreg.gather [hbm:s4], $0x80, v0, vm0, $0x38;
	[tilespmem:$0x68D0] =	vst v63  }
0x57: {  	s17 =	sadd.s32 $0x400, s17  }
0x58: {  	[tilespmem:s17], [sflag:$0x1] =	stream.indirect_vreg.gather [hbm:s4], $0x80, v0, vm1, $0x38;
	[tilespmem:$0x68D0] =	vst v63  }
0x59: {  	v0 =	vld.msk [tilespmem:s18+$0x60 ss:$0x1], $0xff;
	_ =	sdelay $0x4  }
0x5a: {  	v62 =	vshll.u32 v0, $0x3  }
0x5b: {  	vm2 =	veq.s32 v0, $0x80000000;
	v0 =	vshll.u32 v0, $0x11;
	v1 =	vand.u32 $0x1FF80, v62  }
0x5c: {  	v0 =	vand.u32 $0x1E0000, v0;
	v1 =	vsel vm2, $0xFFFFFF80, v1  }
0x5d: {  	v0 =	vsel vm2, $0xFFFE0000, v0;
	v63 =	vand.u32 $0xFFFFFC00, v1  }
0x5e: {  	v1 =	vand.u32 $0x380, v1;
	v0 =	vadd.s32 v0, v63  }
0x5f: {  	v0 =	vor.u32 v1, v0  }
0x60: {  	v0 =	vshrl.u32 v0, $0x3;
	_ =	sdelay $0x3  }
0x61: {  	s16 =	sadd.s32 $0x30D0, s16  }
0x62: {  	[tilespmem:s16], [sflag:$0x1] =	stream.indirect_vreg.gather [hbm:s4], $0x80, v0, vm0, $0x38;
	[tilespmem:$0x68D0] =	vst v63  }
0x63: {  	s13 =	sshll.u32 s13, $0x4;
	_ =	swait.ge [sflag:s6], $0x3400  }
0x64: {  	s13 =	sadd.s32 s13, s9;
	[sflag:s6] =	ssyncset.done $0x0  }
0x65: {  	s17 =	sadd.s32 $0x0, s13;
	s16 =	simm.s32 $0x80;
	[sflag:s6] =	ssyncadd.s32 $0xFFFFCC00  }
.LBB2_5:
0x66: {  	[hbm:s17] =	stream.linear.scatter [tilespmem:s14], [sflag:$0x3], $0x400, $0x38;
	[tilespmem:$0x68D0] =	vst v63  }
0x67: {  	s17 =	smov.u32 s16;
	s14 =	smov.u32 s15;
	p1 =	sne.s32 s16, $0x600  }
.Ltmp4:
0x68: {  	s16 =	sadd.s32 $0x80, s16;
	(pc) =	sbr.rel @p1 .LBB2_5-.Ltmp4, $2  }
0x69: {  	_ =	sdelay $0x2  }
0x6a: {  	s15 =	sadd.s32 $0x400, s15;
	s17 =	sadd.s32 s17, s13  }
.Ltmp5:
0x6b: {  	_ = 	snop;
	(pc) =	sbr.rel .LBB2_6-.Ltmp5, $1  }
0x6c: {  	_ =	sdelay $0x3  }
.LBB2_8:
0x6d: {  	_ =	sfence.sel $0x180000  }
0x6e: {  	s2 =	simm.s32 $0x2;
	[bflag:$0x0] =	sbarrier.arrive $0xFFFF  }
0x6f: {  	s30 =	simm.s32 $0x3;
	[sflag:s2] =	ssyncpa.u1 $0x1  }
0x70: {  	s31 =	simm.s32 $0x1;
	[sflag:s30] =	ssyncpa.u1 $0x1  }
0x71: {  	[sflag:s31] =	ssyncpa.u1 $0x1  }
0x72: {  	p0 =	sne.s32 s0, $0x0;
	_ =	strace $0x9000005C  }
0x73: {  	s0 =	sadd.s32 @!p0 $0x100000, s1;
	[bflag:$0x2] =	sbarrier.arrive $0xFFFF  }
0x74: {  	[sflag:s0] =	ssyncadd.tile.s32 @!p0 $0x1;
	_ =	shalt  }
.Lfunc_end2:
_tile_overlayer_lowered:
.L_overlay_start_2:
0x75: {  	(tag) =	ssettag $0x2  }
0x76: {  	s0 =	rddreg [dreg:$0x0];
	s2 =	stileid.u32  }
0x77: {  	s1 =	rddreg [dreg:$0x1];
	p0 =	sne.s32 s2, $0x0  }
0x78: {  	s3 =	rddreg [dreg:$0x2];
	[bflag:$0x3] =	sbarrier.arrive $0xFFFF;
	s2 =	simm.s32 @!p0 $0x1C01  }
0x79: {  	[timem:s3], [sflag:s2] =	dma.local @!p0 [hbm:s0], s1  }
0x7a: {  	s0 =	simm.s32 @!p0 $0x1  }
0x7b: {  	_ =	swait.ge @!p0 [sflag:s0], s1  }
0x7c: {  	s1 =	ssub.s32 @!p0 $0x0, s1;
	[sflag:s0] =	ssyncset.done @!p0 $0x0  }
0x7d: {  	[sflag:s0] =	ssyncadd.s32 @!p0 s1  }
0x7e: {  	[bflag:$0x3] =	sbarrier.arrive $0xFFFF  }
0x7f: {  	_ =	shalt  }

// kernel: gather_offload_async_start.5
scs
__scs_entry_jumppad:
0x0: {  	(pc) =	sbr.rel $0x88, $3  }
0x1: {  	(tag) =	ssettag $0x0;
	lr =	simm.s32 $0x1  }
0x2: {  	[smem:$0x3F19] =	sst lr;
	_ =	strace $0xD0000000  }
0x3: {  	_ = 	snop  }
0x4: {  	_ = 	snop  }
0x5: {  	_ = 	snop  }
0x6: {  	_ = 	snop  }
0x7: {  	_ = 	snop  }
__scs_overlays_trampoline_lowered:
0x8: {  	[smem:$0x3F28] =	sst s0  }
0x9: {  	[smem:$0x3F29] =	sst s1  }
0xa: {  	[smem:$0x3F2A] =	sst s2  }
0xb: {  	[smem:$0x3F2B] =	sst s3  }
0xc: {  	[smem:$0x3F2C] =	sst s4  }
0xd: {  	[smem:$0x3F2D] =	sst s5  }
0xe: {  	[smem:$0x3F2E] =	sst s6  }
0xf: {  	[smem:$0x3F2F] =	sst s7  }
0x10: {  	[smem:$0x3F30] =	sst s8  }
0x11: {  	[smem:$0x3F31] =	sst s9;
	s0 =	simm.s32 @!p0 $0x0  }
0x12: {  	s1 =	sld [smem:$0x3F17];
	s0 =	simm.s32 @p0 $0x1  }
0x13: {  	[smem:$0x3F32] =	sst s0;
	s0 =	simm.s32 @!p1 $0x0  }
0x14: {  	s2 =	sld [smem:$0x3F16];
	s0 =	simm.s32 @p1 $0x1  }
0x15: {  	[smem:$0x3F33] =	sst s0;
	s0 =	simm.s32 @!p2 $0x0  }
0x16: {  	s3 =	sld [smem:$0x3FDB];
	s0 =	simm.s32 @p2 $0x1  }
0x17: {  	s4 =	simm.s32 $0x1BF5;
	[smem:$0x3F35] =	sst s0  }
0x18: {  	s0 =	sld [smem:$0x3F18];
	_ =	swait.ge [sflag:s4], $0x0  }
0x19: {  	s7 =	sld [smem:$0x3F19]  }
0x1a: {  	s8 =	sadd.s32 $0xFFFFE003, lr  }
0x1b: {  	s9 =	sadd.s32 $0xFFFFFEF7, lr;
	s5 =	simm.s32 $0xFFFFFFFF;
	p2 =	slt.u32 s8, $0xFFFFF086  }
0x1c: {  	p1 =	slt.u32 s9, $0xF7A;
	s5 =	simm.s32 @!p2 $0x0  }
0x1d: {  	s5 =	simm.s32 @p1 $0x1;
	p0 =	seq.s32 s7, s2  }
0x1e: {  	s7 =	smul.u32 @!p0 $0xF7A, s2;
	p2 =	seq.s32 @!p0 s5, $0x0  }
0x1f: {  	s9 =	smul.u32 $0xF7A, s1;
	s8 =	simm.s32 @!p0 $0x1BF5;
	p2 =	por !p2, p0  }
0x20: {  	[sflag:s8] =	ssyncset.s32 @!p0 $0xFFFFF086;
	s6 =	sadd.s32 @!p0 s3, s7;
	s7 =	simm.s32 @!p0 $0x108  }
0x21: {  	s3 =	sadd.s32 s3, s9;
	s6 =	sadd.s32 @!p0 $0x88, s6;
	s7 =	simm.s32 @p2 $0x1082  }
0x22: {  	[simem:s7], [sflag:s8] =	dma.local @!p0 [hbm:s6], $0xF7A  }
0x23: {  	s9 =	sor.u32 $0xD0000000, s2;
	s6 =	simm.s32 $0x108;
	_ =	swait.ge @!p0 [sflag:s8], $0x0  }
0x24: {  	s3 =	sadd.s32 $0x88, s3;
	s6 =	simm.s32 @!p1 $0x1082;
	[sflag:s4] =	ssyncset.s32 $0xFFFFF086  }
0x25: {  	[simem:s6], [sflag:s4] =	dma.local [hbm:s3], $0xF7A  }
0x26: {  	[smem:$0x3F19] =	sst s1;
	(tag) =	ssettag s2;
	_ =	strace s9  }
0x27: {  	s1 =	sld [smem:$0x3F29]  }
0x28: {  	s2 =	sld [smem:$0x3F2A]  }
0x29: {  	s4 =	sld [smem:$0x3F2C]  }
0x2a: {  	p0 =	seq.s32 s5, $0x0;
	s5 =	sld [smem:$0x3F2D]  }
0x2b: {  	s6 =	sld [smem:$0x3F2E]  }
0x2c: {  	s7 =	sld [smem:$0x3F2F]  }
0x2d: {  	s3 =	simm.s32 $0x108;
	s8 =	sld [smem:$0x3F30]  }
0x2e: {  	s3 =	simm.s32 @!p0 $0x1082;
	s9 =	sld [smem:$0x3F31]  }
0x2f: {  	lr =	sadd.s32 s0, s3;
	s0 =	sld [smem:$0x3F28]  }
0x30: {  	s3 =	sld [smem:$0x3F2B]  }
0x31: {  	[smem:$0x3F34] =	sst s10  }
0x32: {  	s10 =	sld [smem:$0x3F32];
	_ =	sdelay $0x3  }
0x33: {  	p0 =	seq.s32 s10, $0x1;
	s10 =	sld [smem:$0x3F34];
	_ =	sdelay $0x3  }
0x34: {  	[smem:$0x3F34] =	sst s10  }
0x35: {  	s10 =	sld [smem:$0x3F33];
	_ =	sdelay $0x3  }
0x36: {  	p1 =	seq.s32 s10, $0x1;
	s10 =	sld [smem:$0x3F34];
	_ =	sdelay $0x3  }
0x37: {  	[smem:$0x3F34] =	sst s10  }
0x38: {  	s10 =	sld [smem:$0x3F35]  }
0x39: {  	_ = 	snop;
	(pc) =	sbr.ind lr, $3  }
0x3a: {  	_ = 	snop  }
0x3b: {  	_ = 	snop  }
0x3c: {  	p2 =	seq.s32 s10, $0x1;
	s10 =	sld [smem:$0x3F34]  }
0x3d: {  	_ =	shalt  }
0x3e: {  	_ =	shalt  }
0x3f: {  	_ =	shalt  }
0x40: {  	_ =	shalt  }
0x41: {  	_ =	shalt  }
0x42: {  	_ =	shalt  }
0x43: {  	_ =	shalt  }
0x44: {  	_ =	shalt  }
0x45: {  	_ =	shalt  }
0x46: {  	_ =	shalt  }
0x47: {  	_ =	shalt  }
0x48: {  	_ =	shalt  }
0x49: {  	_ =	shalt  }
0x4a: {  	_ =	shalt  }
0x4b: {  	_ =	shalt  }
0x4c: {  	_ =	shalt  }
0x4d: {  	_ =	shalt  }
0x4e: {  	_ =	shalt  }
0x4f: {  	_ =	shalt  }
0x50: {  	_ =	shalt  }
0x51: {  	_ =	shalt  }
0x52: {  	_ =	shalt  }
0x53: {  	_ =	shalt  }
0x54: {  	_ =	shalt  }
0x55: {  	_ =	shalt  }
0x56: {  	_ =	shalt  }
0x57: {  	_ =	shalt  }
0x58: {  	_ =	shalt  }
0x59: {  	_ =	shalt  }
0x5a: {  	_ =	shalt  }
0x5b: {  	_ =	shalt  }
0x5c: {  	_ =	shalt  }
0x5d: {  	_ =	shalt  }
0x5e: {  	_ =	shalt  }
0x5f: {  	_ =	shalt  }
0x60: {  	_ =	shalt  }
0x61: {  	_ =	shalt  }
0x62: {  	_ =	shalt  }
0x63: {  	_ =	shalt  }
0x64: {  	_ =	shalt  }
0x65: {  	_ =	shalt  }
0x66: {  	_ =	shalt  }
0x67: {  	_ =	shalt  }
0x68: {  	_ =	shalt  }
0x69: {  	_ =	shalt  }
0x6a: {  	_ =	shalt  }
0x6b: {  	_ =	shalt  }
0x6c: {  	_ =	shalt  }
0x6d: {  	_ =	shalt  }
0x6e: {  	_ =	shalt  }
0x6f: {  	_ =	shalt  }
0x70: {  	_ =	shalt  }
0x71: {  	_ =	shalt  }
0x72: {  	_ =	shalt  }
0x73: {  	_ =	shalt  }
0x74: {  	_ =	shalt  }
0x75: {  	_ =	shalt  }
0x76: {  	_ =	shalt  }
0x77: {  	_ =	shalt  }
0x78: {  	_ =	shalt  }
0x79: {  	_ =	shalt  }
0x7a: {  	_ =	shalt  }
0x7b: {  	_ =	shalt  }
0x7c: {  	_ =	shalt  }
0x7d: {  	_ =	shalt  }
0x7e: {  	_ =	shalt  }
0x7f: {  	_ =	shalt  }
0x80: {  	_ =	shalt  }
0x81: {  	_ =	shalt  }
0x82: {  	_ =	shalt  }
0x83: {  	_ =	shalt  }
0x84: {  	_ =	shalt  }
0x85: {  	_ =	shalt  }
0x86: {  	_ =	shalt  }
0x87: {  	_ =	shalt  }
.Lfunc_end0:
.L_simem_size_0:
called_computation.6_lowered:
.L_overlay_start_0:
0x88: {  	s2 =	sld [smem:$0x3FD9]  }
0x89: {  	s3 =	sld [smem:$0x3FFE];
	_ =	sdelay $0x1  }
0x8a: {  	s1 =	srdreg.scid  }
0x8b: {  	s0 =	sand.u32 $0x1, s1  }
0x8c: {  	s17 =	sshll.u32 s0, $0xA;
	s2 =	sadd.s32 s3, s2  }
0x8d: {  	s2 =	sadd.s32 s2, s17  }
0x8e: {  	[smem:$0x3F40] =	sst s2  }
0x8f: {  	_ = 	snop  }
0x90: {  	s2 =	sld [smem:$0x3FD0];
	(tm) =	ssettm $0x1  }
0x91: {  	s18 =	sld [smem:$0x3FFB];
	_ =	sdelay $0x3  }
0x92: {  	_ =	strace s18  }
0x93: {  	s3 =	sld [smem:$0x3FFC];
	_ =	sdelay $0x3  }
0x94: {  	_ =	strace s3  }
0x95: {  	s3 =	sld [smem:$0x3FFD];
	_ =	sdelay $0x3  }
0x96: {  	_ =	strace s3  }
0x97: {  	_ =	strace $0x8FFFFFFF  }
0x98: {  	s19 =	sld [smem:$0x3FDB];
	_ =	sdelay $0x1  }
0x99: {  	s4 =	simm.s32 $_scs_section_size  }
0x9a: {  	s5 =	simm.s32 $_size__tile_overlayer_lowered;
	s6 =	simm.s32 $_tile_overlayer_lowered  }
0x9b: {  	s22 =	simm.s32 $0x1BFF;
	s21 =	sshll.u32 s6, $0x1;
	s3 =	sadd.s32 s4, s19  }
0x9c: {  	s7 =	simm.s32 $0x0;
	s20 =	sshll.u32 s5, $0x1;
	s5 =	sadd.s32 s21, s3  }
0x9d: {  	[timem:s7], [sflag:s22] =	dma.local [hbm:s5], s20  }
0x9e: {  	_ =	swait.ge [sflag:s22], s20  }
0x9f: {  	s4 =	ssub.s32 $0x0, s20;
	[sflag:s22] =	ssyncset.done $0x0  }
0xa0: {  	[sflag:s22] =	ssyncadd.s32 s4;
	_ =	sdelay $0x1  }
0xa1: {  	s23 =	simm.s32 $0x1B8B  }
0xa2: {  	_ =	swait.ge [sflag:s23], $0x1  }
0xa3: {  	[sflag:s23] =	ssyncset.done $0x0  }
0xa4: {  	s25 =	simm.s32 $0x1B8E;
	s24 =	sld [smem:$0x3FFE];
	[sflag:s23] =	ssyncadd.s32 $0xFFFFFFFF  }
0xa5: {  	s26 =	simm.s32 $execute0_lowered;
	[smem:$0x3FD2] =	sst s25  }
0xa6: {  	s5 =	sshll.u32 s26, $0x1;
	_ =	strace $0x8000005E;
	[dreg:$0x1] =	wrdreg $0xFFFFFFFF  }
0xa7: {  	s28 =	simm.s32 $_size_execute0_lowered;
	s3 =	sadd.s32 s3, s5;
	[dreg:$0x0] =	wrdreg $0x0  }
0xa8: {  	s5 =	sshll.u32 s28, $0x1;
	[dreg:$0x2] =	wrdreg s3  }
0xa9: {  	[dreg:$0x3] =	wrdreg s5  }
0xaa: {  	[dreg:$0x4] =	wrdreg $0xC0  }
0xab: {  	_ =	task [dreg:s7], $0x5FFFF  }
0xac: {  	[dreg:$0x1] =	wrdreg $0xFFFFFFFF  }
0xad: {  	[dreg:$0x0] =	wrdreg $0x60  }
0xae: {  	[dreg:$0x2] =	wrdreg s24  }
0xaf: {  	[dreg:$0x3] =	wrdreg s2  }
0xb0: {  	[dreg:$0x4] =	wrdreg $0x9  }
0xb1: {  	_ =	task.clear_ibuf [dreg:s7], $0x5FFFF;
	_ =	strace $0x9000005E  }
0xb2: {  	s29 =	simm.s32 $0x9;
	_ =	strace $0x80000060  }
0xb3: {  	_ =	swait.ge [sflag:s29], $0x1  }
0xb4: {  	[sflag:s29] =	ssyncadd.s32 $0xFFFFFFFF  }
0xb5: {  	_ =	strace $0x90000060  }
0xb6: {  	_ =	sfence  }
0xb7: {  	s30 =	sld [smem:$0x0];
	_ =	sdelay $0x2  }
0xb8: {  	s31 =	sshll.u32 s1, $0xD;
	s1 =	sshrl.u32 s1, $0x2  }
0xb9: {  	s3 =	sand.u32 $0x4000, s31;
	s1 =	sadd.s32 s1, s30  }
0xba: {  	s0 =	sor.u32 s3, s0;
	s1 =	sshll.u32 s1, $0x11  }
0xbb: {  	s0 =	sor.u32 s1, s0  }
0xbc: {  	s0 =	sadd.s32 $0x8F2B, s0  }
0xbd: {  	[sflag:s0] =	ssyncadd.remote.s32 $0x1  }
0xbe: {  	_ =	sfence.sel $0xFFFF  }
0xbf: {  	[dreg:$0x0] =	wrdreg $0xFFFFFFFF;
	(pc) =	sbr.abs _section_cstart, $3  }
0xc0: {  	[dreg:$0x1] =	wrdreg $0xFFFFFFFF  }
0xc1: {  	_ =	task.clear_ibuf [dreg:s7], $0x2FFFF;
	_ =	strace $0x9FFFFFFF  }
0xc2: {  	(tm) =	ssettm $0x7FFFFFFF  }
0xc3: {  	_ =	shalt  }
tec
execute0_lowered:
.L_overlay_start_1:
0x0: {  	(tag) =	ssettag $0x1  }
0x1: {  	s6 =	rddreg [dreg:$0x0];
	s0 =	srdreg.scid  }
0x2: {  	s2 =	rddreg [dreg:$0x1];
	s1 =	stileid.u32;
	s4 =	simm.s32 $0x1  }
0x3: {  	s7 =	simm.s32 $0x2;
	s9 =	simm.s32 $0x3;
	s14 =	simm.s32 $0x0  }
0x4: {  	s10 =	simm.s32 $0x68;
	s3 =	sshll.u32 s0, $0x4;
	s0 =	rddreg [dreg:$0x2]  }
.Ltmp0:
0x5: {  	_ =	strace $0x8000005F;
	s3 =	sand.u32 $0x10, s3;
	(pc) =	sbr.rel .LBB2_1-.Ltmp0, $4  }
0x6: {  	s11 =	simm.s32 $0x3470;
	[sflag:s4] =	ssyncpa.u1 $0x0;
	s5 =	sor.u32 s1, s3  }
0x7: {  	s12 =	simm.s32 $0x0;
	[sflag:s7] =	ssyncpa.u1 $0x0;
	s5 =	smul.u32 $0x38, s5  }
0x8: {  	s3 =	sadd.s32 $0x10400, s6;
	s6 =	sadd.s32 $0x25600, s6;
	[sflag:s9] =	ssyncpa.u1 $0x0  }
0x9: {  	vm0 =	vmmov $0xff;
	vm1 =	vcmask $0x3F20;
	s9 =	simm.s32 $0x38;
	s8 =	sadd.s32 $0x38, s5;
	s13 =	smov.u32 s5  }
.LBB2_10:
0xa: {  	s14 =	sshrl.u32 s13, $0x3  }
0xb: {  	s15 =	sand.u32 $0x7, s13;
	s14 =	sadd.s32 s2, s14  }
0xc: {  	[tilespmem:s9], [sflag:$0x2] =	stream.linear.gather [hbm4b:s14+s15], $0x38, $0x38;
	[tilespmem:$0x3870] =	vst v63  }
.LBB2_8:
0xd: {  	s14 =	sadd.s32 $0x38, s13  }
0xe: {  	s15 =	smov.u32 s5;
	p0 =	slt.s32 s14, s8  }
0xf: {  	s15 =	smov.u32 @p0 s14  }
0x10: {  	s12 =	sadd.s32 $0x1, s12;
	s14 =	smov.u32 s13;
	s13 =	smov.u32 s15  }
.LBB2_1:
0x11: {  	p0 =	seq.s32 s12, $0x0  }
.Ltmp1:
0x12: {  	_ = 	snop;
	(pc) =	sbr.rel @p0 .LBB2_10-.Ltmp1, $1  }
0x13: {  	_ =	sdelay $0x3  }
0x14: {  	p0 =	seq.s32 s12, $0x1  }
.Ltmp2:
0x15: {  	_ = 	snop;
	(pc) =	sbr.rel @!p0 .LBB2_9-.Ltmp2, $1  }
0x16: {  	_ =	sdelay $0x3  }
0x17: {  	_ =	swait.ge [sflag:s7], $0x38  }
0x18: {  	[sflag:s7] =	ssyncset.done $0x0  }
0x19: {  	s15 =	simm.s32 $0x0;
	[sflag:s7] =	ssyncadd.s32 $0xFFFFFFC8  }
0x1a: {  	v0 =	vld.msk [tilespmem:s15+$0x38 ss:$0x1], $0xffff;
	_ =	sdelay $0x4  }
0x1b: {  	v1 =	vshll.u32 v0, $0x7  }
0x1c: {  	vm2 =	veq.s32 v0, $0x80000000;
	v0 =	vand.u32 $0x780, v1  }
0x1d: {  	v1 =	vand.u32 $0xFF800, v1;
	v0 =	vsel vm2, $0xFFFFFF80, v0  }
0x1e: {  	v1 =	vsel vm2, $0xFFFFF800, v1;
	v2 =	vand.u32 $0xFFFFFC00, v0  }
0x1f: {  	v0 =	vand.u32 $0x380, v0;
	v1 =	vadd.s32 v1, v2  }
0x20: {  	v0 =	vor.u32 v0, v1  }
0x21: {  	v0 =	vshrl.u32 v0, $0x3;
	_ =	sdelay $0x2  }
0x22: {  	s31 =	simm.s32 $0x1C70  }
0x23: {  	s17 =	simm.s32 $0x2070;
	s16 =	simm.s32 $0x2470;
	s15 =	simm.s32 $0x40  }
0x24: {  	[tilespmem:s31], [sflag:$0x1] =	stream.indirect_vreg.gather [hbm:s3], $0x80, v0, vm0, $0x38;
	[tilespmem:$0x3870] =	vst v63  }
.LBB2_4:
0x25: {  	[tilespmem:s17], [sflag:$0x1] =	stream.indirect_vreg.gather [hbm:s3], $0x80, v0, vm1, $0x38;
	[tilespmem:$0x3870] =	vst v63  }
0x26: {  	s17 =	sshra.s32 s15, $0x2;
	p0 =	sne.s32 s15, $0x80;
	s15 =	sadd.s32 $0x40, s15  }
0x27: {  	v0 =	vld.msk [tilespmem:s17+$0x38 ss:$0x1], $0xffff;
	_ =	sdelay $0x5  }
0x28: {  	v1 =	vshll.u32 v0, $0x7  }
0x29: {  	vm2 =	veq.s32 v0, $0x80000000;
	v0 =	vand.u32 $0xFF800, v1;
	v1 =	vand.u32 $0x780, v1  }
0x2a: {  	v0 =	vsel vm2, $0xFFFFF800, v0;
	v1 =	vsel vm2, $0xFFFFFF80, v1  }
0x2b: {  	v2 =	vand.u32 $0xFFFFFC00, v1  }
0x2c: {  	v1 =	vand.u32 $0x380, v1;
	v0 =	vadd.s32 v0, v2  }
0x2d: {  	v0 =	vor.u32 v1, v0  }
0x2e: {  	v0 =	vshrl.u32 v0, $0x3;
	_ =	sdelay $0x1  }
.Ltmp3:
0x2f: {  	(pc) =	sbr.rel @p0 .LBB2_4-.Ltmp3, $3  }
0x30: {  	_ =	sdelay $0x1  }
0x31: {  	[tilespmem:s16], [sflag:$0x1] =	stream.indirect_vreg.gather [hbm:s3], $0x80, v0, vm0, $0x38;
	[tilespmem:$0x3870] =	vst v63  }
0x32: {  	s17 =	sadd.s32 $0x400, s16;
	s16 =	sadd.s32 $0x800, s16  }
0x33: {  	_ =	sdelay $0x3  }
0x34: {  	[tilespmem:s17], [sflag:$0x1] =	stream.indirect_vreg.gather [hbm:s3], $0x80, v0, vm1, $0x38;
	[tilespmem:$0x3870] =	vst v63  }
0x35: {  	v0 =	vld.msk [tilespmem:s10+$0x0 ss:$0x1], $0xff;
	_ =	sdelay $0x4  }
0x36: {  	v1 =	vshll.u32 v0, $0x7  }
0x37: {  	vm2 =	veq.s32 v0, $0x80000000;
	v63 =	vand.u32 $0x780, v1  }
0x38: {  	v1 =	vand.u32 $0xFF800, v1;
	v0 =	vsel vm2, $0xFFFFFF80, v63  }
0x39: {  	v1 =	vsel vm2, $0xFFFFF800, v1;
	v2 =	vand.u32 $0xFFFFFC00, v0  }
0x3a: {  	v0 =	vand.u32 $0x380, v0;
	v1 =	vadd.s32 v1, v2  }
0x3b: {  	v0 =	vor.u32 v0, v1  }
0x3c: {  	v0 =	vshrl.u32 v0, $0x3;
	_ =	sdelay $0x4  }
0x3d: {  	[tilespmem:s11], [sflag:$0x1] =	stream.indirect_vreg.gather [hbm:s3], $0x80, v0, vm0, $0x38;
	[tilespmem:$0x3870] =	vst v63  }
0x3e: {  	s14 =	sshll.u32 s14, $0x4;
	s15 =	simm.s32 $0x1C70;
	_ =	swait.ge [sflag:s4], $0x1C00  }
0x3f: {  	s16 =	simm.s32 $0x80;
	s14 =	sadd.s32 s14, s6;
	[sflag:s4] =	ssyncset.done $0x0  }
0x40: {  	s17 =	simm.s32 $0x2070;
	s18 =	sadd.s32 $0x0, s14;
	[sflag:s4] =	ssyncadd.s32 $0xFFFFE400  }
.LBB2_6:
0x41: {  	[hbm:s18] =	stream.linear.scatter [tilespmem:s15], [sflag:$0x3], $0x400, $0x38;
	[tilespmem:$0x3870] =	vst v63  }
0x42: {  	s18 =	smov.u32 s16;
	s15 =	smov.u32 s17;
	p0 =	seq.s32 s16, $0x300  }
.Ltmp4:
0x43: {  	s16 =	sadd.s32 $0x80, s16;
	(pc) =	sbr.rel @!p0 .LBB2_6-.Ltmp4, $2  }
0x44: {  	_ =	sdelay $0x2  }
0x45: {  	s17 =	sadd.s32 $0x400, s17;
	s18 =	sadd.s32 s18, s14  }
.Ltmp5:
0x46: {  	(pc) =	sbr.rel .LBB2_8-.Ltmp5, $2  }
0x47: {  	_ =	sdelay $0x2  }
0x48: {  	[hbm:s18] =	stream.linear.scatter [tilespmem:s15], [sflag:$0x3], $0x400, $0x38;
	[tilespmem:$0x3870] =	vst v63  }
.LBB2_9:
0x49: {  	s2 =	simm.s32 $0x3  }
0x4a: {  	_ =	swait.ge [sflag:s2], $0x1C00  }
0x4b: {  	[sflag:s2] =	ssyncset.done $0x0  }
0x4c: {  	[sflag:s2] =	ssyncadd.s32 $0xFFFFE400  }
0x4d: {  	_ =	sfence.sel $0x180000  }
0x4e: {  	s3 =	simm.s32 $0x2;
	[bflag:$0x0] =	sbarrier.arrive $0xFFFF  }
0x4f: {  	[sflag:s3] =	ssyncpa.u1 $0x1  }
0x50: {  	s31 =	simm.s32 $0x1;
	[sflag:s2] =	ssyncpa.u1 $0x1  }
0x51: {  	[sflag:s31] =	ssyncpa.u1 $0x1  }
0x52: {  	p0 =	sne.s32 s1, $0x0;
	_ =	strace $0x9000005F  }
0x53: {  	s0 =	sadd.s32 @!p0 $0x100000, s0;
	[bflag:$0x2] =	sbarrier.arrive $0xFFFF  }
0x54: {  	[sflag:s0] =	ssyncadd.tile.s32 @!p0 $0x1;
	_ =	shalt  }
.Lfunc_end2:
_tile_overlayer_lowered:
.L_overlay_start_2:
0x55: {  	(tag) =	ssettag $0x2  }
0x56: {  	s0 =	rddreg [dreg:$0x0];
	s2 =	stileid.u32  }
0x57: {  	s1 =	rddreg [dreg:$0x1];
	p0 =	sne.s32 s2, $0x0  }
0x58: {  	s3 =	rddreg [dreg:$0x2];
	[bflag:$0x3] =	sbarrier.arrive $0xFFFF;
	s2 =	simm.s32 @!p0 $0x1C01  }
0x59: {  	[timem:s3], [sflag:s2] =	dma.local @!p0 [hbm:s0], s1  }
0x5a: {  	s0 =	simm.s32 @!p0 $0x1  }
0x5b: {  	_ =	swait.ge @!p0 [sflag:s0], s1  }
0x5c: {  	s1 =	ssub.s32 @!p0 $0x0, s1;
	[sflag:s0] =	ssyncset.done @!p0 $0x0  }
0x5d: {  	[sflag:s0] =	ssyncadd.s32 @!p0 s1  }
0x5e: {  	[bflag:$0x3] =	sbarrier.arrive $0xFFFF  }
0x5f: {  	_ =	shalt  }

// kernel: gather_offload_async_start.6
scs
__scs_entry_jumppad:
0x0: {  	(pc) =	sbr.rel $0x88, $3  }
0x1: {  	(tag) =	ssettag $0x0;
	lr =	simm.s32 $0x1  }
0x2: {  	[smem:$0x3F19] =	sst lr;
	_ =	strace $0xD0000000  }
0x3: {  	_ = 	snop  }
0x4: {  	_ = 	snop  }
0x5: {  	_ = 	snop  }
0x6: {  	_ = 	snop  }
0x7: {  	_ = 	snop  }
__scs_overlays_trampoline_lowered:
0x8: {  	[smem:$0x3F28] =	sst s0  }
0x9: {  	[smem:$0x3F29] =	sst s1  }
0xa: {  	[smem:$0x3F2A] =	sst s2  }
0xb: {  	[smem:$0x3F2B] =	sst s3  }
0xc: {  	[smem:$0x3F2C] =	sst s4  }
0xd: {  	[smem:$0x3F2D] =	sst s5  }
0xe: {  	[smem:$0x3F2E] =	sst s6  }
0xf: {  	[smem:$0x3F2F] =	sst s7  }
0x10: {  	[smem:$0x3F30] =	sst s8  }
0x11: {  	[smem:$0x3F31] =	sst s9;
	s0 =	simm.s32 @!p0 $0x0  }
0x12: {  	s1 =	sld [smem:$0x3F17];
	s0 =	simm.s32 @p0 $0x1  }
0x13: {  	[smem:$0x3F32] =	sst s0;
	s0 =	simm.s32 @!p1 $0x0  }
0x14: {  	s2 =	sld [smem:$0x3F16];
	s0 =	simm.s32 @p1 $0x1  }
0x15: {  	[smem:$0x3F33] =	sst s0;
	s0 =	simm.s32 @!p2 $0x0  }
0x16: {  	s3 =	sld [smem:$0x3FDB];
	s0 =	simm.s32 @p2 $0x1  }
0x17: {  	s4 =	simm.s32 $0x1BF5;
	[smem:$0x3F35] =	sst s0  }
0x18: {  	s0 =	sld [smem:$0x3F18];
	_ =	swait.ge [sflag:s4], $0x0  }
0x19: {  	s7 =	sld [smem:$0x3F19]  }
0x1a: {  	s8 =	sadd.s32 $0xFFFFE003, lr  }
0x1b: {  	s9 =	sadd.s32 $0xFFFFFEF7, lr;
	s5 =	simm.s32 $0xFFFFFFFF;
	p2 =	slt.u32 s8, $0xFFFFF086  }
0x1c: {  	p1 =	slt.u32 s9, $0xF7A;
	s5 =	simm.s32 @!p2 $0x0  }
0x1d: {  	s5 =	simm.s32 @p1 $0x1;
	p0 =	seq.s32 s7, s2  }
0x1e: {  	s7 =	smul.u32 @!p0 $0xF7A, s2;
	p2 =	seq.s32 @!p0 s5, $0x0  }
0x1f: {  	s9 =	smul.u32 $0xF7A, s1;
	s8 =	simm.s32 @!p0 $0x1BF5;
	p2 =	por !p2, p0  }
0x20: {  	[sflag:s8] =	ssyncset.s32 @!p0 $0xFFFFF086;
	s6 =	sadd.s32 @!p0 s3, s7;
	s7 =	simm.s32 @!p0 $0x108  }
0x21: {  	s3 =	sadd.s32 s3, s9;
	s6 =	sadd.s32 @!p0 $0x88, s6;
	s7 =	simm.s32 @p2 $0x1082  }
0x22: {  	[simem:s7], [sflag:s8] =	dma.local @!p0 [hbm:s6], $0xF7A  }
0x23: {  	s9 =	sor.u32 $0xD0000000, s2;
	s6 =	simm.s32 $0x108;
	_ =	swait.ge @!p0 [sflag:s8], $0x0  }
0x24: {  	s3 =	sadd.s32 $0x88, s3;
	s6 =	simm.s32 @!p1 $0x1082;
	[sflag:s4] =	ssyncset.s32 $0xFFFFF086  }
0x25: {  	[simem:s6], [sflag:s4] =	dma.local [hbm:s3], $0xF7A  }
0x26: {  	[smem:$0x3F19] =	sst s1;
	(tag) =	ssettag s2;
	_ =	strace s9  }
0x27: {  	s1 =	sld [smem:$0x3F29]  }
0x28: {  	s2 =	sld [smem:$0x3F2A]  }
0x29: {  	s4 =	sld [smem:$0x3F2C]  }
0x2a: {  	p0 =	seq.s32 s5, $0x0;
	s5 =	sld [smem:$0x3F2D]  }
0x2b: {  	s6 =	sld [smem:$0x3F2E]  }
0x2c: {  	s7 =	sld [smem:$0x3F2F]  }
0x2d: {  	s3 =	simm.s32 $0x108;
	s8 =	sld [smem:$0x3F30]  }
0x2e: {  	s3 =	simm.s32 @!p0 $0x1082;
	s9 =	sld [smem:$0x3F31]  }
0x2f: {  	lr =	sadd.s32 s0, s3;
	s0 =	sld [smem:$0x3F28]  }
0x30: {  	s3 =	sld [smem:$0x3F2B]  }
0x31: {  	[smem:$0x3F34] =	sst s10  }
0x32: {  	s10 =	sld [smem:$0x3F32];
	_ =	sdelay $0x3  }
0x33: {  	p0 =	seq.s32 s10, $0x1;
	s10 =	sld [smem:$0x3F34];
	_ =	sdelay $0x3  }
0x34: {  	[smem:$0x3F34] =	sst s10  }
0x35: {  	s10 =	sld [smem:$0x3F33];
	_ =	sdelay $0x3  }
0x36: {  	p1 =	seq.s32 s10, $0x1;
	s10 =	sld [smem:$0x3F34];
	_ =	sdelay $0x3  }
0x37: {  	[smem:$0x3F34] =	sst s10  }
0x38: {  	s10 =	sld [smem:$0x3F35]  }
0x39: {  	_ = 	snop;
	(pc) =	sbr.ind lr, $3  }
0x3a: {  	_ = 	snop  }
0x3b: {  	_ = 	snop  }
0x3c: {  	p2 =	seq.s32 s10, $0x1;
	s10 =	sld [smem:$0x3F34]  }
0x3d: {  	_ =	shalt  }
0x3e: {  	_ =	shalt  }
0x3f: {  	_ =	shalt  }
0x40: {  	_ =	shalt  }
0x41: {  	_ =	shalt  }
0x42: {  	_ =	shalt  }
0x43: {  	_ =	shalt  }
0x44: {  	_ =	shalt  }
0x45: {  	_ =	shalt  }
0x46: {  	_ =	shalt  }
0x47: {  	_ =	shalt  }
0x48: {  	_ =	shalt  }
0x49: {  	_ =	shalt  }
0x4a: {  	_ =	shalt  }
0x4b: {  	_ =	shalt  }
0x4c: {  	_ =	shalt  }
0x4d: {  	_ =	shalt  }
0x4e: {  	_ =	shalt  }
0x4f: {  	_ =	shalt  }
0x50: {  	_ =	shalt  }
0x51: {  	_ =	shalt  }
0x52: {  	_ =	shalt  }
0x53: {  	_ =	shalt  }
0x54: {  	_ =	shalt  }
0x55: {  	_ =	shalt  }
0x56: {  	_ =	shalt  }
0x57: {  	_ =	shalt  }
0x58: {  	_ =	shalt  }
0x59: {  	_ =	shalt  }
0x5a: {  	_ =	shalt  }
0x5b: {  	_ =	shalt  }
0x5c: {  	_ =	shalt  }
0x5d: {  	_ =	shalt  }
0x5e: {  	_ =	shalt  }
0x5f: {  	_ =	shalt  }
0x60: {  	_ =	shalt  }
0x61: {  	_ =	shalt  }
0x62: {  	_ =	shalt  }
0x63: {  	_ =	shalt  }
0x64: {  	_ =	shalt  }
0x65: {  	_ =	shalt  }
0x66: {  	_ =	shalt  }
0x67: {  	_ =	shalt  }
0x68: {  	_ =	shalt  }
0x69: {  	_ =	shalt  }
0x6a: {  	_ =	shalt  }
0x6b: {  	_ =	shalt  }
0x6c: {  	_ =	shalt  }
0x6d: {  	_ =	shalt  }
0x6e: {  	_ =	shalt  }
0x6f: {  	_ =	shalt  }
0x70: {  	_ =	shalt  }
0x71: {  	_ =	shalt  }
0x72: {  	_ =	shalt  }
0x73: {  	_ =	shalt  }
0x74: {  	_ =	shalt  }
0x75: {  	_ =	shalt  }
0x76: {  	_ =	shalt  }
0x77: {  	_ =	shalt  }
0x78: {  	_ =	shalt  }
0x79: {  	_ =	shalt  }
0x7a: {  	_ =	shalt  }
0x7b: {  	_ =	shalt  }
0x7c: {  	_ =	shalt  }
0x7d: {  	_ =	shalt  }
0x7e: {  	_ =	shalt  }
0x7f: {  	_ =	shalt  }
0x80: {  	_ =	shalt  }
0x81: {  	_ =	shalt  }
0x82: {  	_ =	shalt  }
0x83: {  	_ =	shalt  }
0x84: {  	_ =	shalt  }
0x85: {  	_ =	shalt  }
0x86: {  	_ =	shalt  }
0x87: {  	_ =	shalt  }
.Lfunc_end0:
.L_simem_size_0:
called_computation.7_lowered:
.L_overlay_start_0:
0x88: {  	s2 =	sld [smem:$0x3FD9]  }
0x89: {  	s3 =	sld [smem:$0x3FFE];
	_ =	sdelay $0x1  }
0x8a: {  	s1 =	srdreg.scid  }
0x8b: {  	s0 =	sand.u32 $0x1, s1  }
0x8c: {  	s17 =	sshll.u32 s0, $0xA;
	s2 =	sadd.s32 s3, s2  }
0x8d: {  	s2 =	sadd.s32 s2, s17  }
0x8e: {  	[smem:$0x3F40] =	sst s2  }
0x8f: {  	_ = 	snop  }
0x90: {  	(tm) =	ssettm $0x1  }
0x91: {  	s18 =	sld [smem:$0x3FFB];
	_ =	sdelay $0x3  }
0x92: {  	_ =	strace s18  }
0x93: {  	s2 =	sld [smem:$0x3FFC];
	_ =	sdelay $0x3  }
0x94: {  	_ =	strace s2  }
0x95: {  	s2 =	sld [smem:$0x3FFD];
	_ =	sdelay $0x3  }
0x96: {  	_ =	strace s2  }
0x97: {  	_ =	strace $0x8FFFFFFF  }
0x98: {  	s19 =	sld [smem:$0x3FDB];
	_ =	sdelay $0x1  }
0x99: {  	s20 =	simm.s32 $_scs_section_size  }
0x9a: {  	s4 =	simm.s32 $_size__tile_overlayer_lowered;
	s5 =	simm.s32 $_tile_overlayer_lowered  }
0x9b: {  	s6 =	simm.s32 $0x1BFF;
	s21 =	sshll.u32 s5, $0x1;
	s3 =	sadd.s32 s20, s19  }
0x9c: {  	s22 =	simm.s32 $0x0;
	s4 =	sshll.u32 s4, $0x1;
	s5 =	sadd.s32 s21, s3  }
0x9d: {  	[timem:s22], [sflag:s6] =	dma.local [hbm:s5], s4  }
0x9e: {  	_ =	swait.ge [sflag:s6], s4  }
0x9f: {  	s4 =	ssub.s32 $0x0, s4;
	[sflag:s6] =	ssyncset.done $0x0  }
0xa0: {  	[sflag:s6] =	ssyncadd.s32 s4;
	_ =	sdelay $0x1  }
0xa1: {  	s23 =	simm.s32 $0x1B8B  }
0xa2: {  	_ =	swait.ge [sflag:s23], $0x1  }
0xa3: {  	[sflag:s23] =	ssyncset.done $0x0  }
0xa4: {  	[sflag:s23] =	ssyncadd.s32 $0xFFFFFFFF  }
0xa5: {  	s4 =	sld [smem:$0x0]  }
0xa6: {  	s5 =	sand.u32 $0xFFFFFFFE, s1  }
0xa7: {  	p0 =	sne.s32 s1, s5  }
0xa8: {  	s5 =	sshll.u32 @p0 s5, $0xE  }
0xa9: {  	s5 =	sadd.s32 @p0 $0x11B8D, s5;
	s6 =	sshll.u32 @p0 s4, $0x11  }
0xaa: {  	s5 =	sor.u32 @p0 s6, s5  }
0xab: {  	[sflag:s5] =	ssyncadd.remote.s32 @p0 $0x1;
	_ =	sdelay $0x1  }
0xac: {  	s5 =	simm.s32 @p0 $0x1B8D  }
0xad: {  	_ =	swait.eq @p0 [sflag:s5], $0x1  }
0xae: {  	[sflag:s5] =	ssyncadd.s32 @p0 $0xFFFFFFFF  }
0xaf: {  	s6 =	sshll.u32 @!p0 s1, $0xE  }
0xb0: {  	s6 =	sor.u32 @!p0 $0x4000, s6;
	s5 =	simm.s32 @!p0 $0x1B8D  }
0xb1: {  	s4 =	sshll.u32 @!p0 s4, $0x11;
	s6 =	sadd.s32 @!p0 $0x11B8D, s6;
	_ =	swait.eq @!p0 [sflag:s5], $0x1  }
0xb2: {  	s4 =	sor.u32 @!p0 s4, s6;
	[sflag:s5] =	ssyncadd.s32 @!p0 $0xFFFFFFFF  }
0xb3: {  	s25 =	simm.s32 $0x1B8E;
	s24 =	sld [smem:$0x3FFE];
	[sflag:s4] =	ssyncadd.remote.s32 @!p0 $0x1  }
0xb4: {  	s26 =	simm.s32 $execute0_lowered;
	[smem:$0x3FD2] =	sst s25  }
0xb5: {  	s5 =	sshll.u32 s26, $0x1;
	_ =	strace $0x80000052;
	[dreg:$0x1] =	wrdreg $0xFFFFFFFF  }
0xb6: {  	s28 =	simm.s32 $_size_execute0_lowered;
	s3 =	sadd.s32 s3, s5;
	[dreg:$0x0] =	wrdreg $0x0  }
0xb7: {  	s5 =	sshll.u32 s28, $0x1;
	[dreg:$0x2] =	wrdreg s3  }
0xb8: {  	[dreg:$0x3] =	wrdreg s5  }
0xb9: {  	[dreg:$0x4] =	wrdreg $0xC0  }
0xba: {  	_ =	task [dreg:s22], $0x5FFFF  }
0xbb: {  	[dreg:$0x1] =	wrdreg $0xFFFFFFFF  }
0xbc: {  	[dreg:$0x0] =	wrdreg $0x60  }
0xbd: {  	[dreg:$0x2] =	wrdreg s24  }
0xbe: {  	[dreg:$0x3] =	wrdreg $0xC  }
0xbf: {  	_ =	task.clear_ibuf [dreg:s22], $0x4FFFF;
	_ =	strace $0x90000052  }
0xc0: {  	s29 =	simm.s32 $0xC;
	_ =	strace $0x80000054  }
0xc1: {  	_ =	swait.ge [sflag:s29], $0x1  }
0xc2: {  	[sflag:s29] =	ssyncadd.s32 $0xFFFFFFFF  }
0xc3: {  	_ =	strace $0x90000054  }
0xc4: {  	_ =	sfence  }
0xc5: {  	s30 =	sld [smem:$0x0];
	_ =	sdelay $0x2  }
0xc6: {  	s31 =	sshll.u32 s1, $0xD;
	s1 =	sshrl.u32 s1, $0x2  }
0xc7: {  	s4 =	sand.u32 $0x4000, s31;
	s1 =	sadd.s32 s1, s30  }
0xc8: {  	s0 =	sor.u32 s4, s0;
	s1 =	sshll.u32 s1, $0x11  }
0xc9: {  	s0 =	sor.u32 s1, s0  }
0xca: {  	s0 =	sadd.s32 $0x8F2B, s0  }
0xcb: {  	[sflag:s0] =	ssyncadd.remote.s32 $0x1  }
0xcc: {  	_ =	sfence.sel $0xFFFF  }
0xcd: {  	[dreg:$0x0] =	wrdreg $0xFFFFFFFF;
	(pc) =	sbr.abs _section_cstart, $3  }
0xce: {  	[dreg:$0x1] =	wrdreg $0xFFFFFFFF  }
0xcf: {  	_ =	task.clear_ibuf [dreg:s22], $0x2FFFF;
	_ =	strace $0x9FFFFFFF  }
0xd0: {  	(tm) =	ssettm $0x7FFFFFFF  }
0xd1: {  	_ =	shalt  }
tec
execute0_lowered:
.L_overlay_start_1:
0x0: {  	(tag) =	ssettag $0x1  }
0x1: {  	s0 =	srdreg.scid;
	s5 =	rddreg [dreg:$0x0]  }
0x2: {  	s1 =	stileid.u32;
	s6 =	simm.s32 $0x1;
	s9 =	simm.s32 $0x1  }
0x3: {  	s10 =	simm.s32 $0x3;
	s13 =	simm.s32 $0x0;
	s2 =	sshll.u32 s0, $0x7  }
0x4: {  	s12 =	simm.s32 $0x0;
	s3 =	sshll.u32 s1, $0x8;
	s2 =	sand.u32 $0x80, s2  }
0x5: {  	s0 =	rddreg [dreg:$0x1];
	_ =	strace $0x80000053;
	s2 =	sor.u32 s3, s2  }
0x6: {  	s4 =	sadd.s32 $0x51C00, s5;
	[sflag:s6] =	ssyncpa.u1 $0x0;
	s8 =	ssub.s32 $0x2500, s2  }
.Ltmp0:
0x7: {  	s3 =	sadd.s32 $0x262000, s5;
	s7 =	sand.u32 $0xF80, s8;
	(pc) =	sbr.rel .LBB2_1-.Ltmp0, $4  }
0x8: {  	s5 =	sadd.s32 $0x266A00, s5;
	s11 =	smov.u32 s2;
	p0 =	sne.s32 s7, $0x0  }
0x9: {  	s8 =	sshrl.u32 s8, $0xC;
	s7 =	simm.s32 $0x2;
	s9 =	simm.s32 @!p0 $0x0  }
0xa: {  	[sflag:s7] =	ssyncpa.u1 $0x0;
	p0 =	por $0x0, $0x0;
	s8 =	sadd.s32 s9, s8  }
0xb: {  	vm0 =	vmmov $0xffff;
	[sflag:s10] =	ssyncpa.u1 $0x0;
	s10 =	simm.s32 $0x0;
	s9 =	sadd.s32 $0x1, s8  }
.LBB2_4:
0xc: {  	v3 =	vand.u32 $0xF, v0;
	v4 =	vshll.u32 v0, $0x3  }
0xd: {  	v60 =	vshrl.u32 v0, $0xA;
	v3 =	vmul.u32 $0x1400, v3;
	v4 =	vand.u32 $0x1F80, v4  }
0xe: {  	v0 =	vand.u32 $0x1F, v60;
	v4 =	vsel vm1, $0xFFFFFF80, v4  }
0xf: {  	v0 =	vsel vm1, $0xFFFFFFFF, v0;
	v3 =	vsel vm1, $0xFFFFEC00, v3;
	v5 =	vand.u32 $0xFFFFFC00, v4  }
0x10: {  	v61 =	vand.u32 $0xFFFFFC00, v0;
	v3 =	vadd.s32 v3, v5  }
0x11: {  	v1 =	vor.u32 v1, v2;
	v63 =	vand.u32 $0x380, v4;
	v62 =	vadd.s32 v61, v3  }
0x12: {  	v0 =	vand.u32 $0x7F, v0;
	v2 =	vor.u32 v63, v62  }
0x13: {  	v0 =	vor.u32 v0, v2;
	_ =	sdelay $0x1  }
0x14: {  	(ifvalue) =	ssetifvalue $0x7FFFFFFF;
	s14 =	sadd.s32 $0x10, s14  }
0x15: {  	[tilespmem:s14], [sflag:$0x1] =	stream.indirect_vreg.gather [hbm4b:s3+s10], $0x1, v1, vm0, $0x4038;
	[tilespmem:$0x200] =	vst v63  }
0x16: {  	(ifvalue) =	ssetifvalue $0x7FFFFFFF;
	s14 =	sadd.s32 $0x10, s14  }
0x17: {  	[tilespmem:s14], [sflag:$0x1] =	stream.indirect_vreg.gather [hbm4b:s3+s10], $0x1, v0, vm0, $0x4038;
	[tilespmem:$0x200] =	vst v63  }
0x18: {  	_ =	swait.ge [sflag:s6], $0x80  }
0x19: {  	s30 =	sshrl.u32 s13, $0x3;
	[sflag:s6] =	ssyncset.done $0x0  }
0x1a: {  	s31 =	sand.u32 $0x7, s13;
	s14 =	sadd.s32 s5, s30;
	[sflag:s6] =	ssyncadd.s32 $0xFFFFFF80  }
0x1b: {  	[hbm4b:s14+s31] =	stream.linear.scatter [tilespmem:s15], [sflag:$0x3], $0x80, $0x38;
	[tilespmem:$0x200] =	vst v63  }
.LBB2_5:
0x1c: {  	s15 =	sadd.s32 $0x1000, s11  }
0x1d: {  	p2 =	sgt.s32 s15, $0x24FF  }
0x1e: {  	s15 =	smov.u32 @p2 s2;
	p2 =	sne.s32 s12, s9  }
.Ltmp1:
0x1f: {  	p1 =	slt.u32 s12, $0x2;
	(pc) =	sbr.rel @!p2 .LBB2_6-.Ltmp1, $4  }
0x20: {  	s14 =	simm.s32 @!p1 $0x3  }
0x21: {  	s16 =	sadd.s32 $0x1, s12;
	_ =	swait.ge @!p1 [sflag:s14], $0x80  }
0x22: {  	s13 =	smov.u32 s11;
	p0 =	por !p0, !p0;
	[sflag:s14] =	ssyncset.done @!p1 $0x0  }
0x23: {  	s12 =	smov.u32 s16;
	s11 =	smov.u32 s15;
	[sflag:s14] =	ssyncadd.s32 @!p1 $0xFFFFFF80  }
.LBB2_1:
0x24: {  	p1 =	sge.u32 s12, s8  }
0x25: {  	s14 =	sxor.u32 @!p1 $0xFFFFFFFF, s12  }
0x26: {  	s31 =	sadd.s32 $0xFFFFFFFF, s12;
	s15 =	sshrl.u32 @!p1 s11, $0x3;
	s14 =	sshll.u32 @!p1 s14, $0x7  }
0x27: {  	s16 =	sand.u32 @!p1 $0x7, s11;
	s15 =	sadd.s32 @!p1 s4, s15;
	s14 =	sand.u32 @!p1 $0x80, s14  }
0x28: {  	[tilespmem:s14], [sflag:$0x2] =	stream.linear.gather @!p1 [hbm4b:s15+s16], $0x80, $0x38;
	[tilespmem:$0x200] =	vst v63  }
0x29: {  	p1 =	sge.u32 s31, s8  }
.Ltmp2:
0x2a: {  	_ = 	snop;
	(pc) =	sbr.rel @p1 .LBB2_5-.Ltmp2, $1  }
0x2b: {  	_ =	sdelay $0x3  }
0x2c: {  	s14 =	simm.s32 $0x1  }
0x2d: {  	_ =	swait.ge [sflag:s7], $0x80;
	s14 =	simm.s32 @!p0 $0x0  }
0x2e: {  	[sflag:s7] =	ssyncset.done $0x0;
	s14 =	sshll.u32 s14, $0x7  }
0x2f: {  	[sflag:s7] =	ssyncadd.s32 $0xFFFFFF80;
	(ifvalue) =	ssetifvalue $0x7FFFFFFF;
	v0 =	vld.msk [tilespmem:s14+$0x0 ss:$0x1], $0xffff  }
0x30: {  	s15 =	sadd.s32 $0x10, s14  }
0x31: {  	v3 =	vld.msk [tilespmem:s15+$0x0 ss:$0x1], $0xffff;
	_ =	sdelay $0x2  }
0x32: {  	vm1 =	veq.s32 v0, $0x80000000;
	v1 =	vand.u32 $0xF, v0;
	v2 =	vshll.u32 v0, $0x3  }
0x33: {  	v0 =	vshrl.u32 v0, $0xA;
	v1 =	vmul.u32 $0x1400, v1;
	v2 =	vand.u32 $0x1F80, v2  }
0x34: {  	v0 =	vand.u32 $0x1F, v0;
	v62 =	vshll.u32 v3, $0x3;
	v2 =	vsel vm1, $0xFFFFFF80, v2  }
0x35: {  	v0 =	vsel vm1, $0xFFFFFFFF, v0;
	v1 =	vsel vm1, $0xFFFFEC00, v1;
	v4 =	vand.u32 $0xFFFFFC00, v2  }
0x36: {  	v61 =	vand.u32 $0xFFFFFC00, v0;
	v2 =	vand.u32 $0x380, v2;
	v1 =	vadd.s32 v1, v4  }
0x37: {  	v0 =	vand.u32 $0x7F, v0;
	vm1 =	veq.s32 v3, $0x80000000;
	v1 =	vadd.s32 v61, v1  }
0x38: {  	s17 =	sadd.s32 $0x10, s15;
	v4 =	vand.u32 $0x1F80, v62;
	v1 =	vor.u32 v2, v1;
	v2 =	vand.u32 $0xF, v3  }
0x39: {  	v3 =	vshrl.u32 v3, $0xA;
	v1 =	vor.u32 v0, v1;
	v0 =	vld.msk [tilespmem:s17+$0x0 ss:$0x1], $0xffff;
	v2 =	vmul.u32 $0x1400, v2  }
0x3a: {  	v4 =	vsel vm1, $0xFFFFFF80, v4;
	v3 =	vand.u32 $0x1F, v3  }
0x3b: {  	s31 =	sshll.u32 s12, $0x7;
	v5 =	vand.u32 $0xFFFFFC00, v4;
	v3 =	vsel vm1, $0xFFFFFFFF, v3;
	v2 =	vsel vm1, $0xFFFFEC00, v2  }
0x3c: {  	s16 =	simm.s32 $0x20;
	s14 =	sor.u32 $0x100, s14;
	s15 =	sand.u32 $0x80, s31;
	v63 =	vand.u32 $0xFFFFFC00, v3;
	v2 =	vadd.s32 v2, v5  }
0x3d: {  	s15 =	sor.u32 $0x100, s15;
	v4 =	vand.u32 $0x380, v4;
	(ifvalue) =	ssetifvalue $0x7FFFFFFF;
	s17 =	sadd.s32 $0x10, s17;
	v2 =	vadd.s32 v63, v2  }
0x3e: {  	[tilespmem:s14], [sflag:$0x1] =	stream.indirect_vreg.gather [hbm4b:s3+s10], $0x1, v1, vm0, $0x4038;
	vm1 =	veq.s32 v0, $0x80000000;
	v1 =	vand.u32 $0x7F, v3;
	v2 =	vor.u32 v4, v2;
	[tilespmem:$0x200] =	vst v63  }
.LBB2_3:
0x3f: {  	v3 =	vld.msk [tilespmem:s17+$0x0 ss:$0x1], $0xffff;
	v4 =	vand.u32 $0xF, v0;
	v5 =	vshll.u32 v0, $0x3;
	v1 =	vor.u32 v1, v2;
	s16 =	sadd.s32 $0x10, s16  }
0x40: {  	v0 =	vshrl.u32 v0, $0xA;
	v2 =	vmul.u32 $0x1400, v4;
	v4 =	vand.u32 $0x1F80, v5;
	p1 =	slt.u32 s16, $0x70  }
.Ltmp3:
0x41: {  	v0 =	vand.u32 $0x1F, v0;
	v4 =	vsel vm1, $0xFFFFFF80, v4;
	(pc) =	sbr.rel @p1 .LBB2_3-.Ltmp3, $4  }
0x42: {  	v0 =	vsel vm1, $0xFFFFFFFF, v0;
	v2 =	vsel vm1, $0xFFFFEC00, v2;
	v5 =	vand.u32 $0xFFFFFC00, v4  }
0x43: {  	s14 =	sadd.s32 $0x10, s14;
	v2 =	vadd.s32 v2, v5;
	v5 =	vand.u32 $0xFFFFFC00, v0;
	(ifvalue) =	ssetifvalue $0x7FFFFFFF  }
0x44: {  	v4 =	vand.u32 $0x380, v4;
	v2 =	vadd.s32 v5, v2;
	[tilespmem:s14], [sflag:$0x1] =	stream.indirect_vreg.gather [hbm4b:s3+s10], $0x1, v1, vm0, $0x4038;
	[tilespmem:$0x200] =	vst v63  }
0x45: {  	s17 =	sadd.s32 $0x10, s17;
	vm1 =	veq.s32 v3, $0x80000000;
	v1 =	vand.u32 $0x7F, v0;
	v0 =	vmovc v3;
	v2 =	vor.u32 v4, v2  }
.Ltmp4:
0x46: {  	_ = 	snop;
	(pc) =	sbr.rel .LBB2_4-.Ltmp4, $1  }
0x47: {  	_ =	sdelay $0x3  }
.LBB2_6:
0x48: {  	_ =	sfence.sel $0x180000  }
0x49: {  	s2 =	simm.s32 $0x2;
	[bflag:$0x0] =	sbarrier.arrive $0xFFFF  }
0x4a: {  	s30 =	simm.s32 $0x3;
	[sflag:s2] =	ssyncpa.u1 $0x1  }
0x4b: {  	s31 =	simm.s32 $0x1;
	[sflag:s30] =	ssyncpa.u1 $0x1  }
0x4c: {  	[sflag:s31] =	ssyncpa.u1 $0x1  }
0x4d: {  	p0 =	sne.s32 s1, $0x0;
	_ =	strace $0x90000053  }
0x4e: {  	s0 =	sadd.s32 @!p0 $0x100000, s0;
	[bflag:$0x2] =	sbarrier.arrive $0xFFFF  }
0x4f: {  	[sflag:s0] =	ssyncadd.tile.s32 @!p0 $0x1;
	_ =	shalt  }
.Lfunc_end2:
_tile_overlayer_lowered:
.L_overlay_start_2:
0x50: {  	(tag) =	ssettag $0x2  }
0x51: {  	s0 =	rddreg [dreg:$0x0];
	s2 =	stileid.u32  }
0x52: {  	s1 =	rddreg [dreg:$0x1];
	p0 =	sne.s32 s2, $0x0  }
0x53: {  	s3 =	rddreg [dreg:$0x2];
	[bflag:$0x3] =	sbarrier.arrive $0xFFFF;
	s2 =	simm.s32 @!p0 $0x1C01  }
0x54: {  	[timem:s3], [sflag:s2] =	dma.local @!p0 [hbm:s0], s1  }
0x55: {  	s0 =	simm.s32 @!p0 $0x1  }
0x56: {  	_ =	swait.ge @!p0 [sflag:s0], s1  }
0x57: {  	s1 =	ssub.s32 @!p0 $0x0, s1;
	[sflag:s0] =	ssyncset.done @!p0 $0x0  }
0x58: {  	[sflag:s0] =	ssyncadd.s32 @!p0 s1  }
0x59: {  	[bflag:$0x3] =	sbarrier.arrive $0xFFFF  }
0x5a: {  	_ =	shalt  }

// kernel: gather_offload_async_start.7
scs
__scs_entry_jumppad:
0x0: {  	(pc) =	sbr.rel $0x88, $3  }
0x1: {  	(tag) =	ssettag $0x0;
	lr =	simm.s32 $0x1  }
0x2: {  	[smem:$0x3F19] =	sst lr;
	_ =	strace $0xD0000000  }
0x3: {  	_ = 	snop  }
0x4: {  	_ = 	snop  }
0x5: {  	_ = 	snop  }
0x6: {  	_ = 	snop  }
0x7: {  	_ = 	snop  }
__scs_overlays_trampoline_lowered:
0x8: {  	[smem:$0x3F28] =	sst s0  }
0x9: {  	[smem:$0x3F29] =	sst s1  }
0xa: {  	[smem:$0x3F2A] =	sst s2  }
0xb: {  	[smem:$0x3F2B] =	sst s3  }
0xc: {  	[smem:$0x3F2C] =	sst s4  }
0xd: {  	[smem:$0x3F2D] =	sst s5  }
0xe: {  	[smem:$0x3F2E] =	sst s6  }
0xf: {  	[smem:$0x3F2F] =	sst s7  }
0x10: {  	[smem:$0x3F30] =	sst s8  }
0x11: {  	[smem:$0x3F31] =	sst s9;
	s0 =	simm.s32 @!p0 $0x0  }
0x12: {  	s1 =	sld [smem:$0x3F17];
	s0 =	simm.s32 @p0 $0x1  }
0x13: {  	[smem:$0x3F32] =	sst s0;
	s0 =	simm.s32 @!p1 $0x0  }
0x14: {  	s2 =	sld [smem:$0x3F16];
	s0 =	simm.s32 @p1 $0x1  }
0x15: {  	[smem:$0x3F33] =	sst s0;
	s0 =	simm.s32 @!p2 $0x0  }
0x16: {  	s3 =	sld [smem:$0x3FDB];
	s0 =	simm.s32 @p2 $0x1  }
0x17: {  	s4 =	simm.s32 $0x1BF5;
	[smem:$0x3F35] =	sst s0  }
0x18: {  	s0 =	sld [smem:$0x3F18];
	_ =	swait.ge [sflag:s4], $0x0  }
0x19: {  	s7 =	sld [smem:$0x3F19]  }
0x1a: {  	s8 =	sadd.s32 $0xFFFFE003, lr  }
0x1b: {  	s9 =	sadd.s32 $0xFFFFFEF7, lr;
	s5 =	simm.s32 $0xFFFFFFFF;
	p2 =	slt.u32 s8, $0xFFFFF086  }
0x1c: {  	p1 =	slt.u32 s9, $0xF7A;
	s5 =	simm.s32 @!p2 $0x0  }
0x1d: {  	s5 =	simm.s32 @p1 $0x1;
	p0 =	seq.s32 s7, s2  }
0x1e: {  	s7 =	smul.u32 @!p0 $0xF7A, s2;
	p2 =	seq.s32 @!p0 s5, $0x0  }
0x1f: {  	s9 =	smul.u32 $0xF7A, s1;
	s8 =	simm.s32 @!p0 $0x1BF5;
	p2 =	por !p2, p0  }
0x20: {  	[sflag:s8] =	ssyncset.s32 @!p0 $0xFFFFF086;
	s6 =	sadd.s32 @!p0 s3, s7;
	s7 =	simm.s32 @!p0 $0x108  }
0x21: {  	s3 =	sadd.s32 s3, s9;
	s6 =	sadd.s32 @!p0 $0x88, s6;
	s7 =	simm.s32 @p2 $0x1082  }
0x22: {  	[simem:s7], [sflag:s8] =	dma.local @!p0 [hbm:s6], $0xF7A  }
0x23: {  	s9 =	sor.u32 $0xD0000000, s2;
	s6 =	simm.s32 $0x108;
	_ =	swait.ge @!p0 [sflag:s8], $0x0  }
0x24: {  	s3 =	sadd.s32 $0x88, s3;
	s6 =	simm.s32 @!p1 $0x1082;
	[sflag:s4] =	ssyncset.s32 $0xFFFFF086  }
0x25: {  	[simem:s6], [sflag:s4] =	dma.local [hbm:s3], $0xF7A  }
0x26: {  	[smem:$0x3F19] =	sst s1;
	(tag) =	ssettag s2;
	_ =	strace s9  }
0x27: {  	s1 =	sld [smem:$0x3F29]  }
0x28: {  	s2 =	sld [smem:$0x3F2A]  }
0x29: {  	s4 =	sld [smem:$0x3F2C]  }
0x2a: {  	p0 =	seq.s32 s5, $0x0;
	s5 =	sld [smem:$0x3F2D]  }
0x2b: {  	s6 =	sld [smem:$0x3F2E]  }
0x2c: {  	s7 =	sld [smem:$0x3F2F]  }
0x2d: {  	s3 =	simm.s32 $0x108;
	s8 =	sld [smem:$0x3F30]  }
0x2e: {  	s3 =	simm.s32 @!p0 $0x1082;
	s9 =	sld [smem:$0x3F31]  }
0x2f: {  	lr =	sadd.s32 s0, s3;
	s0 =	sld [smem:$0x3F28]  }
0x30: {  	s3 =	sld [smem:$0x3F2B]  }
0x31: {  	[smem:$0x3F34] =	sst s10  }
0x32: {  	s10 =	sld [smem:$0x3F32];
	_ =	sdelay $0x3  }
0x33: {  	p0 =	seq.s32 s10, $0x1;
	s10 =	sld [smem:$0x3F34];
	_ =	sdelay $0x3  }
0x34: {  	[smem:$0x3F34] =	sst s10  }
0x35: {  	s10 =	sld [smem:$0x3F33];
	_ =	sdelay $0x3  }
0x36: {  	p1 =	seq.s32 s10, $0x1;
	s10 =	sld [smem:$0x3F34];
	_ =	sdelay $0x3  }
0x37: {  	[smem:$0x3F34] =	sst s10  }
0x38: {  	s10 =	sld [smem:$0x3F35]  }
0x39: {  	_ = 	snop;
	(pc) =	sbr.ind lr, $3  }
0x3a: {  	_ = 	snop  }
0x3b: {  	_ = 	snop  }
0x3c: {  	p2 =	seq.s32 s10, $0x1;
	s10 =	sld [smem:$0x3F34]  }
0x3d: {  	_ =	shalt  }
0x3e: {  	_ =	shalt  }
0x3f: {  	_ =	shalt  }
0x40: {  	_ =	shalt  }
0x41: {  	_ =	shalt  }
0x42: {  	_ =	shalt  }
0x43: {  	_ =	shalt  }
0x44: {  	_ =	shalt  }
0x45: {  	_ =	shalt  }
0x46: {  	_ =	shalt  }
0x47: {  	_ =	shalt  }
0x48: {  	_ =	shalt  }
0x49: {  	_ =	shalt  }
0x4a: {  	_ =	shalt  }
0x4b: {  	_ =	shalt  }
0x4c: {  	_ =	shalt  }
0x4d: {  	_ =	shalt  }
0x4e: {  	_ =	shalt  }
0x4f: {  	_ =	shalt  }
0x50: {  	_ =	shalt  }
0x51: {  	_ =	shalt  }
0x52: {  	_ =	shalt  }
0x53: {  	_ =	shalt  }
0x54: {  	_ =	shalt  }
0x55: {  	_ =	shalt  }
0x56: {  	_ =	shalt  }
0x57: {  	_ =	shalt  }
0x58: {  	_ =	shalt  }
0x59: {  	_ =	shalt  }
0x5a: {  	_ =	shalt  }
0x5b: {  	_ =	shalt  }
0x5c: {  	_ =	shalt  }
0x5d: {  	_ =	shalt  }
0x5e: {  	_ =	shalt  }
0x5f: {  	_ =	shalt  }
0x60: {  	_ =	shalt  }
0x61: {  	_ =	shalt  }
0x62: {  	_ =	shalt  }
0x63: {  	_ =	shalt  }
0x64: {  	_ =	shalt  }
0x65: {  	_ =	shalt  }
0x66: {  	_ =	shalt  }
0x67: {  	_ =	shalt  }
0x68: {  	_ =	shalt  }
0x69: {  	_ =	shalt  }
0x6a: {  	_ =	shalt  }
0x6b: {  	_ =	shalt  }
0x6c: {  	_ =	shalt  }
0x6d: {  	_ =	shalt  }
0x6e: {  	_ =	shalt  }
0x6f: {  	_ =	shalt  }
0x70: {  	_ =	shalt  }
0x71: {  	_ =	shalt  }
0x72: {  	_ =	shalt  }
0x73: {  	_ =	shalt  }
0x74: {  	_ =	shalt  }
0x75: {  	_ =	shalt  }
0x76: {  	_ =	shalt  }
0x77: {  	_ =	shalt  }
0x78: {  	_ =	shalt  }
0x79: {  	_ =	shalt  }
0x7a: {  	_ =	shalt  }
0x7b: {  	_ =	shalt  }
0x7c: {  	_ =	shalt  }
0x7d: {  	_ =	shalt  }
0x7e: {  	_ =	shalt  }
0x7f: {  	_ =	shalt  }
0x80: {  	_ =	shalt  }
0x81: {  	_ =	shalt  }
0x82: {  	_ =	shalt  }
0x83: {  	_ =	shalt  }
0x84: {  	_ =	shalt  }
0x85: {  	_ =	shalt  }
0x86: {  	_ =	shalt  }
0x87: {  	_ =	shalt  }
.Lfunc_end0:
.L_simem_size_0:
called_computation.8_lowered:
.L_overlay_start_0:
0x88: {  	s2 =	sld [smem:$0x3FD9]  }
0x89: {  	s3 =	sld [smem:$0x3FFE];
	_ =	sdelay $0x1  }
0x8a: {  	s1 =	srdreg.scid  }
0x8b: {  	s0 =	sand.u32 $0x1, s1  }
0x8c: {  	s17 =	sshll.u32 s0, $0xA;
	s2 =	sadd.s32 s3, s2  }
0x8d: {  	s2 =	sadd.s32 s2, s17  }
0x8e: {  	[smem:$0x3F40] =	sst s2  }
0x8f: {  	_ = 	snop  }
0x90: {  	(tm) =	ssettm $0x1  }
0x91: {  	s18 =	sld [smem:$0x3FFB];
	_ =	sdelay $0x3  }
0x92: {  	_ =	strace s18  }
0x93: {  	s2 =	sld [smem:$0x3FFC];
	_ =	sdelay $0x3  }
0x94: {  	_ =	strace s2  }
0x95: {  	s2 =	sld [smem:$0x3FFD];
	_ =	sdelay $0x3  }
0x96: {  	_ =	strace s2  }
0x97: {  	_ =	strace $0x8FFFFFFF  }
0x98: {  	s19 =	sld [smem:$0x3FDB];
	_ =	sdelay $0x1  }
0x99: {  	s20 =	simm.s32 $_scs_section_size  }
0x9a: {  	s4 =	simm.s32 $_size__tile_overlayer_lowered;
	s5 =	simm.s32 $_tile_overlayer_lowered  }
0x9b: {  	s6 =	simm.s32 $0x1BFF;
	s21 =	sshll.u32 s5, $0x1;
	s3 =	sadd.s32 s20, s19  }
0x9c: {  	s22 =	simm.s32 $0x0;
	s4 =	sshll.u32 s4, $0x1;
	s5 =	sadd.s32 s21, s3  }
0x9d: {  	[timem:s22], [sflag:s6] =	dma.local [hbm:s5], s4  }
0x9e: {  	_ =	swait.ge [sflag:s6], s4  }
0x9f: {  	s4 =	ssub.s32 $0x0, s4;
	[sflag:s6] =	ssyncset.done $0x0  }
0xa0: {  	[sflag:s6] =	ssyncadd.s32 s4;
	_ =	sdelay $0x1  }
0xa1: {  	s23 =	simm.s32 $0x1B8B  }
0xa2: {  	_ =	swait.ge [sflag:s23], $0x1  }
0xa3: {  	[sflag:s23] =	ssyncset.done $0x0  }
0xa4: {  	[sflag:s23] =	ssyncadd.s32 $0xFFFFFFFF  }
0xa5: {  	s4 =	sld [smem:$0x0]  }
0xa6: {  	s5 =	sand.u32 $0xFFFFFFFE, s1  }
0xa7: {  	p0 =	sne.s32 s1, s5  }
0xa8: {  	s5 =	sshll.u32 @p0 s5, $0xE  }
0xa9: {  	s5 =	sadd.s32 @p0 $0x11B8D, s5;
	s6 =	sshll.u32 @p0 s4, $0x11  }
0xaa: {  	s5 =	sor.u32 @p0 s6, s5  }
0xab: {  	[sflag:s5] =	ssyncadd.remote.s32 @p0 $0x1;
	_ =	sdelay $0x1  }
0xac: {  	s5 =	simm.s32 @p0 $0x1B8D  }
0xad: {  	_ =	swait.eq @p0 [sflag:s5], $0x1  }
0xae: {  	[sflag:s5] =	ssyncadd.s32 @p0 $0xFFFFFFFF  }
0xaf: {  	s6 =	sshll.u32 @!p0 s1, $0xE  }
0xb0: {  	s6 =	sor.u32 @!p0 $0x4000, s6;
	s5 =	simm.s32 @!p0 $0x1B8D  }
0xb1: {  	s4 =	sshll.u32 @!p0 s4, $0x11;
	s6 =	sadd.s32 @!p0 $0x11B8D, s6;
	_ =	swait.eq @!p0 [sflag:s5], $0x1  }
0xb2: {  	s4 =	sor.u32 @!p0 s4, s6;
	[sflag:s5] =	ssyncadd.s32 @!p0 $0xFFFFFFFF  }
0xb3: {  	s25 =	simm.s32 $0x1B8E;
	s24 =	sld [smem:$0x3FFE];
	[sflag:s4] =	ssyncadd.remote.s32 @!p0 $0x1  }
0xb4: {  	s26 =	simm.s32 $execute0_lowered;
	[smem:$0x3FD2] =	sst s25  }
0xb5: {  	s5 =	sshll.u32 s26, $0x1;
	_ =	strace $0x80000055;
	[dreg:$0x1] =	wrdreg $0xFFFFFFFF  }
0xb6: {  	s28 =	simm.s32 $_size_execute0_lowered;
	s3 =	sadd.s32 s3, s5;
	[dreg:$0x0] =	wrdreg $0x0  }
0xb7: {  	s5 =	sshll.u32 s28, $0x1;
	[dreg:$0x2] =	wrdreg s3  }
0xb8: {  	[dreg:$0x3] =	wrdreg s5  }
0xb9: {  	[dreg:$0x4] =	wrdreg $0xC0  }
0xba: {  	_ =	task [dreg:s22], $0x5FFFF  }
0xbb: {  	[dreg:$0x1] =	wrdreg $0xFFFFFFFF  }
0xbc: {  	[dreg:$0x0] =	wrdreg $0x60  }
0xbd: {  	[dreg:$0x2] =	wrdreg s24  }
0xbe: {  	[dreg:$0x3] =	wrdreg $0xD  }
0xbf: {  	_ =	task.clear_ibuf [dreg:s22], $0x4FFFF;
	_ =	strace $0x90000055  }
0xc0: {  	s29 =	simm.s32 $0xD;
	_ =	strace $0x80000057  }
0xc1: {  	_ =	swait.ge [sflag:s29], $0x1  }
0xc2: {  	[sflag:s29] =	ssyncadd.s32 $0xFFFFFFFF  }
0xc3: {  	_ =	strace $0x90000057  }
0xc4: {  	_ =	sfence  }
0xc5: {  	s30 =	sld [smem:$0x0];
	_ =	sdelay $0x2  }
0xc6: {  	s31 =	sshll.u32 s1, $0xD;
	s1 =	sshrl.u32 s1, $0x2  }
0xc7: {  	s4 =	sand.u32 $0x4000, s31;
	s1 =	sadd.s32 s1, s30  }
0xc8: {  	s0 =	sor.u32 s4, s0;
	s1 =	sshll.u32 s1, $0x11  }
0xc9: {  	s0 =	sor.u32 s1, s0  }
0xca: {  	s0 =	sadd.s32 $0x8F2B, s0  }
0xcb: {  	[sflag:s0] =	ssyncadd.remote.s32 $0x1  }
0xcc: {  	_ =	sfence.sel $0xFFFF  }
0xcd: {  	[dreg:$0x0] =	wrdreg $0xFFFFFFFF;
	(pc) =	sbr.abs _section_cstart, $3  }
0xce: {  	[dreg:$0x1] =	wrdreg $0xFFFFFFFF  }
0xcf: {  	_ =	task.clear_ibuf [dreg:s22], $0x2FFFF;
	_ =	strace $0x9FFFFFFF  }
0xd0: {  	(tm) =	ssettm $0x7FFFFFFF  }
0xd1: {  	_ =	shalt  }
tec
execute0_lowered:
.L_overlay_start_1:
0x0: {  	(tag) =	ssettag $0x1  }
0x1: {  	s0 =	srdreg.scid;
	s5 =	rddreg [dreg:$0x0]  }
0x2: {  	s1 =	stileid.u32;
	s6 =	simm.s32 $0x1;
	s9 =	simm.s32 $0x1  }
0x3: {  	s10 =	simm.s32 $0x3;
	s13 =	simm.s32 $0x0;
	s2 =	sshll.u32 s0, $0x7  }
0x4: {  	s12 =	simm.s32 $0x0;
	s3 =	sshll.u32 s1, $0x8;
	s2 =	sand.u32 $0x80, s2  }
0x5: {  	s0 =	rddreg [dreg:$0x1];
	_ =	strace $0x80000056;
	s2 =	sor.u32 s3, s2  }
0x6: {  	s4 =	sadd.s32 $0x26AC00, s5;
	[sflag:s6] =	ssyncpa.u1 $0x0;
	s8 =	ssub.s32 $0x2500, s2  }
.Ltmp0:
0x7: {  	s3 =	sadd.s32 $0x262000, s5;
	s7 =	sand.u32 $0xF80, s8;
	(pc) =	sbr.rel .LBB2_1-.Ltmp0, $4  }
0x8: {  	s5 =	sadd.s32 $0x267000, s5;
	s11 =	smov.u32 s2;
	p0 =	sne.s32 s7, $0x0  }
0x9: {  	s8 =	sshrl.u32 s8, $0xC;
	s7 =	simm.s32 $0x2;
	s9 =	simm.s32 @!p0 $0x0  }
0xa: {  	[sflag:s7] =	ssyncpa.u1 $0x0;
	p0 =	por $0x0, $0x0;
	s8 =	sadd.s32 s9, s8  }
0xb: {  	vm0 =	vmmov $0xffff;
	[sflag:s10] =	ssyncpa.u1 $0x0;
	s10 =	simm.s32 $0x0;
	s9 =	sadd.s32 $0x1, s8  }
.LBB2_4:
0xc: {  	v3 =	vand.u32 $0xF, v0;
	v4 =	vshll.u32 v0, $0x3  }
0xd: {  	v60 =	vshrl.u32 v0, $0xA;
	v3 =	vmul.u32 $0x1400, v3;
	v4 =	vand.u32 $0x1F80, v4  }
0xe: {  	v0 =	vand.u32 $0x1F, v60;
	v4 =	vsel vm1, $0xFFFFFF80, v4  }
0xf: {  	v0 =	vsel vm1, $0xFFFFFFFF, v0;
	v3 =	vsel vm1, $0xFFFFEC00, v3;
	v5 =	vand.u32 $0xFFFFFC00, v4  }
0x10: {  	v61 =	vand.u32 $0xFFFFFC00, v0;
	v3 =	vadd.s32 v3, v5  }
0x11: {  	v1 =	vor.u32 v1, v2;
	v63 =	vand.u32 $0x380, v4;
	v62 =	vadd.s32 v61, v3  }
0x12: {  	v0 =	vand.u32 $0x7F, v0;
	v2 =	vor.u32 v63, v62  }
0x13: {  	v0 =	vor.u32 v0, v2;
	_ =	sdelay $0x1  }
0x14: {  	(ifvalue) =	ssetifvalue $0x7FFFFFFF;
	s14 =	sadd.s32 $0x10, s14  }
0x15: {  	[tilespmem:s14], [sflag:$0x1] =	stream.indirect_vreg.gather [hbm4b:s3+s10], $0x1, v1, vm0, $0x4038;
	[tilespmem:$0x200] =	vst v63  }
0x16: {  	(ifvalue) =	ssetifvalue $0x7FFFFFFF;
	s14 =	sadd.s32 $0x10, s14  }
0x17: {  	[tilespmem:s14], [sflag:$0x1] =	stream.indirect_vreg.gather [hbm4b:s3+s10], $0x1, v0, vm0, $0x4038;
	[tilespmem:$0x200] =	vst v63  }
0x18: {  	_ =	swait.ge [sflag:s6], $0x80  }
0x19: {  	s30 =	sshrl.u32 s13, $0x3;
	[sflag:s6] =	ssyncset.done $0x0  }
0x1a: {  	s31 =	sand.u32 $0x7, s13;
	s14 =	sadd.s32 s5, s30;
	[sflag:s6] =	ssyncadd.s32 $0xFFFFFF80  }
0x1b: {  	[hbm4b:s14+s31] =	stream.linear.scatter [tilespmem:s15], [sflag:$0x3], $0x80, $0x38;
	[tilespmem:$0x200] =	vst v63  }
.LBB2_5:
0x1c: {  	s15 =	sadd.s32 $0x1000, s11  }
0x1d: {  	p2 =	sgt.s32 s15, $0x24FF  }
0x1e: {  	s15 =	smov.u32 @p2 s2;
	p2 =	sne.s32 s12, s9  }
.Ltmp1:
0x1f: {  	p1 =	slt.u32 s12, $0x2;
	(pc) =	sbr.rel @!p2 .LBB2_6-.Ltmp1, $4  }
0x20: {  	s14 =	simm.s32 @!p1 $0x3  }
0x21: {  	s16 =	sadd.s32 $0x1, s12;
	_ =	swait.ge @!p1 [sflag:s14], $0x80  }
0x22: {  	s13 =	smov.u32 s11;
	p0 =	por !p0, !p0;
	[sflag:s14] =	ssyncset.done @!p1 $0x0  }
0x23: {  	s12 =	smov.u32 s16;
	s11 =	smov.u32 s15;
	[sflag:s14] =	ssyncadd.s32 @!p1 $0xFFFFFF80  }
.LBB2_1:
0x24: {  	p1 =	sge.u32 s12, s8  }
0x25: {  	s14 =	sxor.u32 @!p1 $0xFFFFFFFF, s12  }
0x26: {  	s31 =	sadd.s32 $0xFFFFFFFF, s12;
	s15 =	sshrl.u32 @!p1 s11, $0x3;
	s14 =	sshll.u32 @!p1 s14, $0x7  }
0x27: {  	s16 =	sand.u32 @!p1 $0x7, s11;
	s15 =	sadd.s32 @!p1 s4, s15;
	s14 =	sand.u32 @!p1 $0x80, s14  }
0x28: {  	[tilespmem:s14], [sflag:$0x2] =	stream.linear.gather @!p1 [hbm4b:s15+s16], $0x80, $0x38;
	[tilespmem:$0x200] =	vst v63  }
0x29: {  	p1 =	sge.u32 s31, s8  }
.Ltmp2:
0x2a: {  	_ = 	snop;
	(pc) =	sbr.rel @p1 .LBB2_5-.Ltmp2, $1  }
0x2b: {  	_ =	sdelay $0x3  }
0x2c: {  	s14 =	simm.s32 $0x1  }
0x2d: {  	_ =	swait.ge [sflag:s7], $0x80;
	s14 =	simm.s32 @!p0 $0x0  }
0x2e: {  	[sflag:s7] =	ssyncset.done $0x0;
	s14 =	sshll.u32 s14, $0x7  }
0x2f: {  	[sflag:s7] =	ssyncadd.s32 $0xFFFFFF80;
	(ifvalue) =	ssetifvalue $0x7FFFFFFF;
	v0 =	vld.msk [tilespmem:s14+$0x0 ss:$0x1], $0xffff  }
0x30: {  	s15 =	sadd.s32 $0x10, s14  }
0x31: {  	v3 =	vld.msk [tilespmem:s15+$0x0 ss:$0x1], $0xffff;
	_ =	sdelay $0x2  }
0x32: {  	vm1 =	veq.s32 v0, $0x80000000;
	v1 =	vand.u32 $0xF, v0;
	v2 =	vshll.u32 v0, $0x3  }
0x33: {  	v0 =	vshrl.u32 v0, $0xA;
	v1 =	vmul.u32 $0x1400, v1;
	v2 =	vand.u32 $0x1F80, v2  }
0x34: {  	v0 =	vand.u32 $0x1F, v0;
	v62 =	vshll.u32 v3, $0x3;
	v2 =	vsel vm1, $0xFFFFFF80, v2  }
0x35: {  	v0 =	vsel vm1, $0xFFFFFFFF, v0;
	v1 =	vsel vm1, $0xFFFFEC00, v1;
	v4 =	vand.u32 $0xFFFFFC00, v2  }
0x36: {  	v61 =	vand.u32 $0xFFFFFC00, v0;
	v2 =	vand.u32 $0x380, v2;
	v1 =	vadd.s32 v1, v4  }
0x37: {  	v0 =	vand.u32 $0x7F, v0;
	vm1 =	veq.s32 v3, $0x80000000;
	v1 =	vadd.s32 v61, v1  }
0x38: {  	s17 =	sadd.s32 $0x10, s15;
	v4 =	vand.u32 $0x1F80, v62;
	v1 =	vor.u32 v2, v1;
	v2 =	vand.u32 $0xF, v3  }
0x39: {  	v3 =	vshrl.u32 v3, $0xA;
	v1 =	vor.u32 v0, v1;
	v0 =	vld.msk [tilespmem:s17+$0x0 ss:$0x1], $0xffff;
	v2 =	vmul.u32 $0x1400, v2  }
0x3a: {  	v4 =	vsel vm1, $0xFFFFFF80, v4;
	v3 =	vand.u32 $0x1F, v3  }
0x3b: {  	s31 =	sshll.u32 s12, $0x7;
	v5 =	vand.u32 $0xFFFFFC00, v4;
	v3 =	vsel vm1, $0xFFFFFFFF, v3;
	v2 =	vsel vm1, $0xFFFFEC00, v2  }
0x3c: {  	s16 =	simm.s32 $0x20;
	s14 =	sor.u32 $0x100, s14;
	s15 =	sand.u32 $0x80, s31;
	v63 =	vand.u32 $0xFFFFFC00, v3;
	v2 =	vadd.s32 v2, v5  }
0x3d: {  	s15 =	sor.u32 $0x100, s15;
	v4 =	vand.u32 $0x380, v4;
	(ifvalue) =	ssetifvalue $0x7FFFFFFF;
	s17 =	sadd.s32 $0x10, s17;
	v2 =	vadd.s32 v63, v2  }
0x3e: {  	[tilespmem:s14], [sflag:$0x1] =	stream.indirect_vreg.gather [hbm4b:s3+s10], $0x1, v1, vm0, $0x4038;
	vm1 =	veq.s32 v0, $0x80000000;
	v1 =	vand.u32 $0x7F, v3;
	v2 =	vor.u32 v4, v2;
	[tilespmem:$0x200] =	vst v63  }
.LBB2_3:
0x3f: {  	v3 =	vld.msk [tilespmem:s17+$0x0 ss:$0x1], $0xffff;
	v4 =	vand.u32 $0xF, v0;
	v5 =	vshll.u32 v0, $0x3;
	v1 =	vor.u32 v1, v2;
	s16 =	sadd.s32 $0x10, s16  }
0x40: {  	v0 =	vshrl.u32 v0, $0xA;
	v2 =	vmul.u32 $0x1400, v4;
	v4 =	vand.u32 $0x1F80, v5;
	p1 =	slt.u32 s16, $0x70  }
.Ltmp3:
0x41: {  	v0 =	vand.u32 $0x1F, v0;
	v4 =	vsel vm1, $0xFFFFFF80, v4;
	(pc) =	sbr.rel @p1 .LBB2_3-.Ltmp3, $4  }
0x42: {  	v0 =	vsel vm1, $0xFFFFFFFF, v0;
	v2 =	vsel vm1, $0xFFFFEC00, v2;
	v5 =	vand.u32 $0xFFFFFC00, v4  }
0x43: {  	s14 =	sadd.s32 $0x10, s14;
	v2 =	vadd.s32 v2, v5;
	v5 =	vand.u32 $0xFFFFFC00, v0;
	(ifvalue) =	ssetifvalue $0x7FFFFFFF  }
0x44: {  	v4 =	vand.u32 $0x380, v4;
	v2 =	vadd.s32 v5, v2;
	[tilespmem:s14], [sflag:$0x1] =	stream.indirect_vreg.gather [hbm4b:s3+s10], $0x1, v1, vm0, $0x4038;
	[tilespmem:$0x200] =	vst v63  }
0x45: {  	s17 =	sadd.s32 $0x10, s17;
	vm1 =	veq.s32 v3, $0x80000000;
	v1 =	vand.u32 $0x7F, v0;
	v0 =	vmovc v3;
	v2 =	vor.u32 v4, v2  }
.Ltmp4:
0x46: {  	_ = 	snop;
	(pc) =	sbr.rel .LBB2_4-.Ltmp4, $1  }
0x47: {  	_ =	sdelay $0x3  }
.LBB2_6:
0x48: {  	_ =	sfence.sel $0x180000  }
0x49: {  	s2 =	simm.s32 $0x2;
	[bflag:$0x0] =	sbarrier.arrive $0xFFFF  }
0x4a: {  	s30 =	simm.s32 $0x3;
	[sflag:s2] =	ssyncpa.u1 $0x1  }
0x4b: {  	s31 =	simm.s32 $0x1;
	[sflag:s30] =	ssyncpa.u1 $0x1  }
0x4c: {  	[sflag:s31] =	ssyncpa.u1 $0x1  }
0x4d: {  	p0 =	sne.s32 s1, $0x0;
	_ =	strace $0x90000056  }
0x4e: {  	s0 =	sadd.s32 @!p0 $0x100000, s0;
	[bflag:$0x2] =	sbarrier.arrive $0xFFFF  }
0x4f: {  	[sflag:s0] =	ssyncadd.tile.s32 @!p0 $0x1;
	_ =	shalt  }
.Lfunc_end2:
_tile_overlayer_lowered:
.L_overlay_start_2:
0x50: {  	(tag) =	ssettag $0x2  }
0x51: {  	s0 =	rddreg [dreg:$0x0];
	s2 =	stileid.u32  }
0x52: {  	s1 =	rddreg [dreg:$0x1];
	p0 =	sne.s32 s2, $0x0  }
0x53: {  	s3 =	rddreg [dreg:$0x2];
	[bflag:$0x3] =	sbarrier.arrive $0xFFFF;
	s2 =	simm.s32 @!p0 $0x1C01  }
0x54: {  	[timem:s3], [sflag:s2] =	dma.local @!p0 [hbm:s0], s1  }
0x55: {  	s0 =	simm.s32 @!p0 $0x1  }
0x56: {  	_ =	swait.ge @!p0 [sflag:s0], s1  }
0x57: {  	s1 =	ssub.s32 @!p0 $0x0, s1;
	[sflag:s0] =	ssyncset.done @!p0 $0x0  }
0x58: {  	[sflag:s0] =	ssyncadd.s32 @!p0 s1  }
0x59: {  	[bflag:$0x3] =	sbarrier.arrive $0xFFFF  }
0x5a: {  	_ =	shalt  }

// kernel: gather_offload_async_start
scs
__scs_entry_jumppad:
0x0: {  	(pc) =	sbr.rel $0x88, $3  }
0x1: {  	(tag) =	ssettag $0x0;
	lr =	simm.s32 $0x1  }
0x2: {  	[smem:$0x3F19] =	sst lr;
	_ =	strace $0xD0000000  }
0x3: {  	_ = 	snop  }
0x4: {  	_ = 	snop  }
0x5: {  	_ = 	snop  }
0x6: {  	_ = 	snop  }
0x7: {  	_ = 	snop  }
__scs_overlays_trampoline_lowered:
0x8: {  	[smem:$0x3F28] =	sst s0  }
0x9: {  	[smem:$0x3F29] =	sst s1  }
0xa: {  	[smem:$0x3F2A] =	sst s2  }
0xb: {  	[smem:$0x3F2B] =	sst s3  }
0xc: {  	[smem:$0x3F2C] =	sst s4  }
0xd: {  	[smem:$0x3F2D] =	sst s5  }
0xe: {  	[smem:$0x3F2E] =	sst s6  }
0xf: {  	[smem:$0x3F2F] =	sst s7  }
0x10: {  	[smem:$0x3F30] =	sst s8  }
0x11: {  	[smem:$0x3F31] =	sst s9;
	s0 =	simm.s32 @!p0 $0x0  }
0x12: {  	s1 =	sld [smem:$0x3F17];
	s0 =	simm.s32 @p0 $0x1  }
0x13: {  	[smem:$0x3F32] =	sst s0;
	s0 =	simm.s32 @!p1 $0x0  }
0x14: {  	s2 =	sld [smem:$0x3F16];
	s0 =	simm.s32 @p1 $0x1  }
0x15: {  	[smem:$0x3F33] =	sst s0;
	s0 =	simm.s32 @!p2 $0x0  }
0x16: {  	s3 =	sld [smem:$0x3FDB];
	s0 =	simm.s32 @p2 $0x1  }
0x17: {  	s4 =	simm.s32 $0x1BF5;
	[smem:$0x3F35] =	sst s0  }
0x18: {  	s0 =	sld [smem:$0x3F18];
	_ =	swait.ge [sflag:s4], $0x0  }
0x19: {  	s7 =	sld [smem:$0x3F19]  }
0x1a: {  	s8 =	sadd.s32 $0xFFFFE003, lr  }
0x1b: {  	s9 =	sadd.s32 $0xFFFFFEF7, lr;
	s5 =	simm.s32 $0xFFFFFFFF;
	p2 =	slt.u32 s8, $0xFFFFF086  }
0x1c: {  	p1 =	slt.u32 s9, $0xF7A;
	s5 =	simm.s32 @!p2 $0x0  }
0x1d: {  	s5 =	simm.s32 @p1 $0x1;
	p0 =	seq.s32 s7, s2  }
0x1e: {  	s7 =	smul.u32 @!p0 $0xF7A, s2;
	p2 =	seq.s32 @!p0 s5, $0x0  }
0x1f: {  	s9 =	smul.u32 $0xF7A, s1;
	s8 =	simm.s32 @!p0 $0x1BF5;
	p2 =	por !p2, p0  }
0x20: {  	[sflag:s8] =	ssyncset.s32 @!p0 $0xFFFFF086;
	s6 =	sadd.s32 @!p0 s3, s7;
	s7 =	simm.s32 @!p0 $0x108  }
0x21: {  	s3 =	sadd.s32 s3, s9;
	s6 =	sadd.s32 @!p0 $0x88, s6;
	s7 =	simm.s32 @p2 $0x1082  }
0x22: {  	[simem:s7], [sflag:s8] =	dma.local @!p0 [hbm:s6], $0xF7A  }
0x23: {  	s9 =	sor.u32 $0xD0000000, s2;
	s6 =	simm.s32 $0x108;
	_ =	swait.ge @!p0 [sflag:s8], $0x0  }
0x24: {  	s3 =	sadd.s32 $0x88, s3;
	s6 =	simm.s32 @!p1 $0x1082;
	[sflag:s4] =	ssyncset.s32 $0xFFFFF086  }
0x25: {  	[simem:s6], [sflag:s4] =	dma.local [hbm:s3], $0xF7A  }
0x26: {  	[smem:$0x3F19] =	sst s1;
	(tag) =	ssettag s2;
	_ =	strace s9  }
0x27: {  	s1 =	sld [smem:$0x3F29]  }
0x28: {  	s2 =	sld [smem:$0x3F2A]  }
0x29: {  	s4 =	sld [smem:$0x3F2C]  }
0x2a: {  	p0 =	seq.s32 s5, $0x0;
	s5 =	sld [smem:$0x3F2D]  }
0x2b: {  	s6 =	sld [smem:$0x3F2E]  }
0x2c: {  	s7 =	sld [smem:$0x3F2F]  }
0x2d: {  	s3 =	simm.s32 $0x108;
	s8 =	sld [smem:$0x3F30]  }
0x2e: {  	s3 =	simm.s32 @!p0 $0x1082;
	s9 =	sld [smem:$0x3F31]  }
0x2f: {  	lr =	sadd.s32 s0, s3;
	s0 =	sld [smem:$0x3F28]  }
0x30: {  	s3 =	sld [smem:$0x3F2B]  }
0x31: {  	[smem:$0x3F34] =	sst s10  }
0x32: {  	s10 =	sld [smem:$0x3F32];
	_ =	sdelay $0x3  }
0x33: {  	p0 =	seq.s32 s10, $0x1;
	s10 =	sld [smem:$0x3F34];
	_ =	sdelay $0x3  }
0x34: {  	[smem:$0x3F34] =	sst s10  }
0x35: {  	s10 =	sld [smem:$0x3F33];
	_ =	sdelay $0x3  }
0x36: {  	p1 =	seq.s32 s10, $0x1;
	s10 =	sld [smem:$0x3F34];
	_ =	sdelay $0x3  }
0x37: {  	[smem:$0x3F34] =	sst s10  }
0x38: {  	s10 =	sld [smem:$0x3F35]  }
0x39: {  	_ = 	snop;
	(pc) =	sbr.ind lr, $3  }
0x3a: {  	_ = 	snop  }
0x3b: {  	_ = 	snop  }
0x3c: {  	p2 =	seq.s32 s10, $0x1;
	s10 =	sld [smem:$0x3F34]  }
0x3d: {  	_ =	shalt  }
0x3e: {  	_ =	shalt  }
0x3f: {  	_ =	shalt  }
0x40: {  	_ =	shalt  }
0x41: {  	_ =	shalt  }
0x42: {  	_ =	shalt  }
0x43: {  	_ =	shalt  }
0x44: {  	_ =	shalt  }
0x45: {  	_ =	shalt  }
0x46: {  	_ =	shalt  }
0x47: {  	_ =	shalt  }
0x48: {  	_ =	shalt  }
0x49: {  	_ =	shalt  }
0x4a: {  	_ =	shalt  }
0x4b: {  	_ =	shalt  }
0x4c: {  	_ =	shalt  }
0x4d: {  	_ =	shalt  }
0x4e: {  	_ =	shalt  }
0x4f: {  	_ =	shalt  }
0x50: {  	_ =	shalt  }
0x51: {  	_ =	shalt  }
0x52: {  	_ =	shalt  }
0x53: {  	_ =	shalt  }
0x54: {  	_ =	shalt  }
0x55: {  	_ =	shalt  }
0x56: {  	_ =	shalt  }
0x57: {  	_ =	shalt  }
0x58: {  	_ =	shalt  }
0x59: {  	_ =	shalt  }
0x5a: {  	_ =	shalt  }
0x5b: {  	_ =	shalt  }
0x5c: {  	_ =	shalt  }
0x5d: {  	_ =	shalt  }
0x5e: {  	_ =	shalt  }
0x5f: {  	_ =	shalt  }
0x60: {  	_ =	shalt  }
0x61: {  	_ =	shalt  }
0x62: {  	_ =	shalt  }
0x63: {  	_ =	shalt  }
0x64: {  	_ =	shalt  }
0x65: {  	_ =	shalt  }
0x66: {  	_ =	shalt  }
0x67: {  	_ =	shalt  }
0x68: {  	_ =	shalt  }
0x69: {  	_ =	shalt  }
0x6a: {  	_ =	shalt  }
0x6b: {  	_ =	shalt  }
0x6c: {  	_ =	shalt  }
0x6d: {  	_ =	shalt  }
0x6e: {  	_ =	shalt  }
0x6f: {  	_ =	shalt  }
0x70: {  	_ =	shalt  }
0x71: {  	_ =	shalt  }
0x72: {  	_ =	shalt  }
0x73: {  	_ =	shalt  }
0x74: {  	_ =	shalt  }
0x75: {  	_ =	shalt  }
0x76: {  	_ =	shalt  }
0x77: {  	_ =	shalt  }
0x78: {  	_ =	shalt  }
0x79: {  	_ =	shalt  }
0x7a: {  	_ =	shalt  }
0x7b: {  	_ =	shalt  }
0x7c: {  	_ =	shalt  }
0x7d: {  	_ =	shalt  }
0x7e: {  	_ =	shalt  }
0x7f: {  	_ =	shalt  }
0x80: {  	_ =	shalt  }
0x81: {  	_ =	shalt  }
0x82: {  	_ =	shalt  }
0x83: {  	_ =	shalt  }
0x84: {  	_ =	shalt  }
0x85: {  	_ =	shalt  }
0x86: {  	_ =	shalt  }
0x87: {  	_ =	shalt  }
.Lfunc_end0:
.L_simem_size_0:
called_computation.1_lowered:
.L_overlay_start_0:
0x88: {  	s2 =	sld [smem:$0x3FD9]  }
0x89: {  	s3 =	sld [smem:$0x3FFE];
	_ =	sdelay $0x1  }
0x8a: {  	s1 =	srdreg.scid  }
0x8b: {  	s0 =	sand.u32 $0x1, s1  }
0x8c: {  	s16 =	sshll.u32 s0, $0xA;
	s2 =	sadd.s32 s3, s2  }
0x8d: {  	s2 =	sadd.s32 s2, s16  }
0x8e: {  	[smem:$0x3F40] =	sst s2  }
0x8f: {  	_ = 	snop  }
0x90: {  	(tm) =	ssettm $0x1  }
0x91: {  	s17 =	sld [smem:$0x3FFB];
	_ =	sdelay $0x3  }
0x92: {  	_ =	strace s17  }
0x93: {  	s2 =	sld [smem:$0x3FFC];
	_ =	sdelay $0x3  }
0x94: {  	_ =	strace s2  }
0x95: {  	s2 =	sld [smem:$0x3FFD];
	_ =	sdelay $0x3  }
0x96: {  	_ =	strace s2  }
0x97: {  	_ =	strace $0x8FFFFFFF  }
0x98: {  	s18 =	sld [smem:$0x3FDB];
	_ =	sdelay $0x1  }
0x99: {  	s19 =	simm.s32 $_scs_section_size  }
0x9a: {  	s4 =	simm.s32 $_size__tile_overlayer_lowered;
	s5 =	simm.s32 $_tile_overlayer_lowered  }
0x9b: {  	s22 =	simm.s32 $0x1BFF;
	s21 =	sshll.u32 s5, $0x1;
	s2 =	sadd.s32 s19, s18  }
0x9c: {  	s6 =	simm.s32 $0x0;
	s20 =	sshll.u32 s4, $0x1;
	s4 =	sadd.s32 s21, s2  }
0x9d: {  	[timem:s6], [sflag:s22] =	dma.local [hbm:s4], s20  }
0x9e: {  	_ =	swait.ge [sflag:s22], s20  }
0x9f: {  	s3 =	ssub.s32 $0x0, s20;
	[sflag:s22] =	ssyncset.done $0x0  }
0xa0: {  	[sflag:s22] =	ssyncadd.s32 s3;
	_ =	sdelay $0x1  }
0xa1: {  	s23 =	simm.s32 $0x1B8B  }
0xa2: {  	_ =	swait.ge [sflag:s23], $0x1  }
0xa3: {  	[sflag:s23] =	ssyncset.done $0x0  }
0xa4: {  	s25 =	simm.s32 $0x1B8E;
	s24 =	sld [smem:$0x3FFE];
	[sflag:s23] =	ssyncadd.s32 $0xFFFFFFFF  }
0xa5: {  	s26 =	simm.s32 $execute0_lowered;
	[smem:$0x3FD2] =	sst s25  }
0xa6: {  	s4 =	sshll.u32 s26, $0x1;
	_ =	strace $0x80000046;
	[dreg:$0x1] =	wrdreg $0xFFFFFFFF  }
0xa7: {  	s28 =	simm.s32 $_size_execute0_lowered;
	s2 =	sadd.s32 s2, s4;
	[dreg:$0x0] =	wrdreg $0x0  }
0xa8: {  	s4 =	sshll.u32 s28, $0x1;
	[dreg:$0x2] =	wrdreg s2  }
0xa9: {  	[dreg:$0x3] =	wrdreg s4  }
0xaa: {  	[dreg:$0x4] =	wrdreg $0xC0  }
0xab: {  	_ =	task [dreg:s6], $0x5FFFF  }
0xac: {  	[dreg:$0x1] =	wrdreg $0xFFFFFFFF  }
0xad: {  	[dreg:$0x0] =	wrdreg $0x60  }
0xae: {  	[dreg:$0x2] =	wrdreg s24  }
0xaf: {  	[dreg:$0x3] =	wrdreg $0x9  }
0xb0: {  	_ =	task.clear_ibuf [dreg:s6], $0x4FFFF;
	_ =	strace $0x90000046  }
0xb1: {  	s29 =	simm.s32 $0x9;
	_ =	strace $0x80000048  }
0xb2: {  	_ =	swait.ge [sflag:s29], $0x1  }
0xb3: {  	[sflag:s29] =	ssyncadd.s32 $0xFFFFFFFF  }
0xb4: {  	_ =	strace $0x90000048  }
0xb5: {  	_ =	sfence  }
0xb6: {  	s30 =	sld [smem:$0x0];
	_ =	sdelay $0x2  }
0xb7: {  	s31 =	sshll.u32 s1, $0xD;
	s1 =	sshrl.u32 s1, $0x2  }
0xb8: {  	s3 =	sand.u32 $0x4000, s31;
	s1 =	sadd.s32 s1, s30  }
0xb9: {  	s0 =	sor.u32 s3, s0;
	s1 =	sshll.u32 s1, $0x11  }
0xba: {  	s0 =	sor.u32 s1, s0  }
0xbb: {  	s0 =	sadd.s32 $0x8F2B, s0  }
0xbc: {  	[sflag:s0] =	ssyncadd.remote.s32 $0x1  }
0xbd: {  	_ =	sfence.sel $0xFFFF  }
0xbe: {  	[dreg:$0x0] =	wrdreg $0xFFFFFFFF;
	(pc) =	sbr.abs _section_cstart, $3  }
0xbf: {  	[dreg:$0x1] =	wrdreg $0xFFFFFFFF  }
0xc0: {  	_ =	task.clear_ibuf [dreg:s6], $0x2FFFF;
	_ =	strace $0x9FFFFFFF  }
0xc1: {  	(tm) =	ssettm $0x7FFFFFFF  }
tec
execute0_lowered:
.L_overlay_start_1:
0x0: {  	(tag) =	ssettag $0x1  }
0x1: {  	s0 =	srdreg.scid  }
0x2: {  	s1 =	sshll.u32 s0, $0x4  }
0x3: {  	s0 =	stileid.u32;
	s1 =	sand.u32 $0x10, s1  }
0x4: {  	s1 =	sor.u32 s0, s1  }
0x5: {  	s2 =	smin.u32 s1, $0x14  }
0x6: {  	s2 =	sadd.s32 s1, s2  }
0x7: {  	p0 =	slt.u32 s1, $0x14;
	s1 =	simm.s32 $0xD0;
	s2 =	smul.u32 $0x68, s2  }
0x8: {  	s1 =	simm.s32 @!p0 $0x68  }
0x9: {  	s1 =	sadd.s32 s1, s2  }
0xa: {  	s3 =	smin.u32 s1, $0x1520  }
0xb: {  	s7 =	ssub.s32 s3, s2  }
0xc: {  	p0 =	sgt.s32 s7, $0x0  }
0xd: {  	s7 =	simm.s32 @!p0 $0x0  }
0xe: {  	s31 =	smul.u32 $0x4EC5, s7  }
0xf: {  	s9 =	rddreg [dreg:$0x0];
	s6 =	simm.s32 $0x1;
	s11 =	simm.s32 $0x3  }
0x10: {  	s13 =	simm.s32 $0x0;
	s12 =	simm.s32 $0x0;
	s8 =	sshrl.u32 s31, $0x15  }
0x11: {  	s4 =	sadd.s32 $0x10400, s9;
	s5 =	sadd.s32 $0x51400, s9;
	s10 =	smul.u32 $0x68, s8  }
.Ltmp0:
0x12: {  	s9 =	sadd.s32 $0x252C00, s9;
	s1 =	rddreg [dreg:$0x1];
	(pc) =	sbr.rel .LBB2_1-.Ltmp0, $4  }
0x13: {  	_ =	strace $0x80000047;
	p0 =	sne.s32 s7, s10;
	s10 =	simm.s32 $0x1  }
0x14: {  	[sflag:s6] =	ssyncpa.u1 $0x0;
	s7 =	simm.s32 $0x2;
	s10 =	simm.s32 @!p0 $0x0  }
0x15: {  	[sflag:s7] =	ssyncpa.u1 $0x0;
	p0 =	por $0x0, $0x0;
	s8 =	sadd.s32 s8, s10  }
0x16: {  	vm0 =	vmmov $0xff;
	vm1 =	vcmask $0x3F20;
	[sflag:s11] =	ssyncpa.u1 $0x0;
	s11 =	smov.u32 s2;
	s10 =	sadd.s32 $0x1, s8  }
.LBB2_6:
0x17: {  	[hbm:s17] =	stream.linear.scatter [tilespmem:s14], [sflag:$0x3], $0x400, $0x38;
	[tilespmem:$0x68D0] =	vst v63  }
.LBB2_7:
0x18: {  	s13 =	sadd.s32 $0x68, s11  }
0x19: {  	s15 =	smov.u32 s2;
	p2 =	slt.s32 s13, s3  }
0x1a: {  	s15 =	smov.u32 @p2 s13;
	p2 =	sne.s32 s12, s10  }
.Ltmp1:
0x1b: {  	p1 =	slt.u32 s12, $0x2;
	(pc) =	sbr.rel @!p2 .LBB2_8-.Ltmp1, $4  }
0x1c: {  	s14 =	simm.s32 @!p1 $0x3  }
0x1d: {  	s16 =	sadd.s32 $0x1, s12;
	_ =	swait.ge @!p1 [sflag:s14], $0x3400  }
0x1e: {  	p0 =	por !p0, !p0;
	s13 =	smov.u32 s11;
	[sflag:s14] =	ssyncset.done @!p1 $0x0  }
0x1f: {  	s12 =	smov.u32 s16;
	s11 =	smov.u32 s15;
	[sflag:s14] =	ssyncadd.s32 @!p1 $0xFFFFCC00  }
.LBB2_1:
0x20: {  	p1 =	sge.u32 s12, s8  }
0x21: {  	s14 =	sxor.u32 @!p1 $0xFFFFFFFF, s12  }
0x22: {  	s14 =	sand.u32 @!p1 $0x1, s14  }
0x23: {  	s14 =	smul.u32 @!p1 $0x1A0, s14  }
0x24: {  	s31 =	sadd.s32 $0xFFFFFFFF, s12;
	s15 =	sshrl.u32 @!p1 s11, $0x3  }
0x25: {  	s16 =	sand.u32 @!p1 $0x7, s11;
	s15 =	sadd.s32 @!p1 s5, s15;
	s14 =	sshrl.u32 @!p1 s14, $0x2  }
0x26: {  	[tilespmem:s14], [sflag:$0x2] =	stream.linear.gather @!p1 [hbm4b:s15+s16], $0x68, $0x38;
	[tilespmem:$0x68D0] =	vst v63  }
0x27: {  	p1 =	sge.u32 s31, s8  }
.Ltmp2:
0x28: {  	_ = 	snop;
	(pc) =	sbr.rel @p1 .LBB2_7-.Ltmp2, $1  }
0x29: {  	_ =	sdelay $0x3  }
0x2a: {  	s14 =	simm.s32 $0x1  }
0x2b: {  	s14 =	simm.s32 @!p0 $0x0  }
0x2c: {  	s15 =	smul.u32 $0x1A0, s14  }
0x2d: {  	_ =	swait.ge [sflag:s7], $0x68  }
0x2e: {  	[sflag:s7] =	ssyncset.done $0x0;
	s17 =	sshrl.u32 s15, $0x2  }
0x2f: {  	[sflag:s7] =	ssyncadd.s32 $0xFFFFFF98;
	s15 =	sadd.s32 $0x0, s17  }
0x30: {  	v0 =	vld.msk [tilespmem:s15+$0x0 ss:$0x1], $0xffff;
	_ =	sdelay $0x4  }
0x31: {  	v1 =	vshll.u32 v0, $0x3  }
0x32: {  	vm2 =	veq.s32 v0, $0x80000000;
	v0 =	vshll.u32 v0, $0x11;
	v1 =	vand.u32 $0x1FF80, v1  }
0x33: {  	v0 =	vand.u32 $0x1E0000, v0;
	v1 =	vsel vm2, $0xFFFFFF80, v1  }
0x34: {  	v0 =	vsel vm2, $0xFFFE0000, v0;
	v2 =	vand.u32 $0xFFFFFC00, v1  }
0x35: {  	v1 =	vand.u32 $0x380, v1;
	v0 =	vadd.s32 v0, v2  }
0x36: {  	v0 =	vor.u32 v1, v0  }
0x37: {  	v0 =	vshrl.u32 v0, $0x3  }
0x38: {  	s14 =	smul.u32 $0xD000, s14  }
0x39: {  	s31 =	sand.u32 $0x1, s12  }
0x3a: {  	s16 =	smul.u32 $0x1A0, s31;
	s14 =	sshrl.u32 s14, $0x2  }
0x3b: {  	s19 =	smul.u32 $0xD000, s31;
	s14 =	sor.u32 $0xD0, s14  }
0x3c: {  	[tilespmem:s14], [sflag:$0x1] =	stream.indirect_vreg.gather [hbm:s4], $0x80, v0, vm0, $0x38;
	[tilespmem:$0x68D0] =	vst v63  }
0x3d: {  	s18 =	sshrl.u32 s16, $0x2;
	s20 =	sadd.s32 $0x10, s17;
	s15 =	sadd.s32 $0x400, s14  }
0x3e: {  	[tilespmem:s15], [sflag:$0x1] =	stream.indirect_vreg.gather [hbm:s4], $0x80, v0, vm1, $0x38;
	[tilespmem:$0x68D0] =	vst v63  }
0x3f: {  	s16 =	sshrl.u32 s19, $0x2;
	s19 =	smov.u32 s14;
	v0 =	vld.msk [tilespmem:s20+$0x0 ss:$0x1], $0xffff;
	s20 =	simm.s32 $0x80  }
.LBB2_3:
0x40: {  	p1 =	sne.s32 s20, $0x140;
	_ =	sdelay $0x4  }
0x41: {  	v1 =	vshll.u32 v0, $0x3  }
0x42: {  	vm2 =	veq.s32 v0, $0x80000000;
	v0 =	vshll.u32 v0, $0x11;
	v1 =	vand.u32 $0x1FF80, v1  }
0x43: {  	v0 =	vand.u32 $0x1E0000, v0;
	v1 =	vsel vm2, $0xFFFFFF80, v1  }
0x44: {  	v0 =	vsel vm2, $0xFFFE0000, v0;
	v2 =	vand.u32 $0xFFFFFC00, v1  }
0x45: {  	v1 =	vand.u32 $0x380, v1;
	v0 =	vadd.s32 v0, v2  }
0x46: {  	v0 =	vor.u32 v1, v0  }
0x47: {  	v0 =	vshrl.u32 v0, $0x3;
	_ =	sdelay $0x3  }
.Ltmp3:
0x48: {  	s21 =	sshra.s32 s20, $0x2;
	s19 =	sadd.s32 $0x800, s19;
	(pc) =	sbr.rel @p1 .LBB2_3-.Ltmp3, $4  }
0x49: {  	[tilespmem:s19], [sflag:$0x1] =	stream.indirect_vreg.gather [hbm:s4], $0x80, v0, vm0, $0x38;
	[tilespmem:$0x68D0] =	vst v63  }
0x4a: {  	s21 =	sadd.s32 s21, s17;
	s22 =	sadd.s32 $0x400, s19  }
0x4b: {  	[tilespmem:s22], [sflag:$0x1] =	stream.indirect_vreg.gather [hbm:s4], $0x80, v0, vm1, $0x38;
	[tilespmem:$0x68D0] =	vst v63  }
0x4c: {  	s20 =	sadd.s32 $0x40, s20;
	v0 =	vld.msk [tilespmem:s21+$0x0 ss:$0x1], $0xffff  }
0x4d: {  	_ =	sdelay $0x3  }
0x4e: {  	v1 =	vshll.u32 v0, $0x3  }
0x4f: {  	vm2 =	veq.s32 v0, $0x80000000;
	v61 =	vshll.u32 v0, $0x11;
	v1 =	vand.u32 $0x1FF80, v1  }
0x50: {  	v0 =	vand.u32 $0x1E0000, v61;
	v1 =	vsel vm2, $0xFFFFFF80, v1  }
0x51: {  	v0 =	vsel vm2, $0xFFFE0000, v0;
	v2 =	vand.u32 $0xFFFFFC00, v1  }
0x52: {  	v1 =	vand.u32 $0x380, v1;
	v0 =	vadd.s32 v0, v2  }
0x53: {  	v0 =	vor.u32 v1, v0  }
0x54: {  	v0 =	vshrl.u32 v0, $0x3;
	_ =	sdelay $0x3  }
0x55: {  	s17 =	sadd.s32 $0x800, s19  }
0x56: {  	[tilespmem:s17], [sflag:$0x1] =	stream.indirect_vreg.gather [hbm:s4], $0x80, v0, vm0, $0x38;
	[tilespmem:$0x68D0] =	vst v63  }
0x57: {  	s17 =	sadd.s32 $0x400, s17  }
0x58: {  	[tilespmem:s17], [sflag:$0x1] =	stream.indirect_vreg.gather [hbm:s4], $0x80, v0, vm1, $0x38;
	[tilespmem:$0x68D0] =	vst v63  }
0x59: {  	v0 =	vld.msk [tilespmem:s18+$0x60 ss:$0x1], $0xff;
	_ =	sdelay $0x4  }
0x5a: {  	v62 =	vshll.u32 v0, $0x3  }
0x5b: {  	vm2 =	veq.s32 v0, $0x80000000;
	v0 =	vshll.u32 v0, $0x11;
	v1 =	vand.u32 $0x1FF80, v62  }
0x5c: {  	v0 =	vand.u32 $0x1E0000, v0;
	v1 =	vsel vm2, $0xFFFFFF80, v1  }
0x5d: {  	v0 =	vsel vm2, $0xFFFE0000, v0;
	v63 =	vand.u32 $0xFFFFFC00, v1  }
0x5e: {  	v1 =	vand.u32 $0x380, v1;
	v0 =	vadd.s32 v0, v63  }
0x5f: {  	v0 =	vor.u32 v1, v0  }
0x60: {  	v0 =	vshrl.u32 v0, $0x3;
	_ =	sdelay $0x3  }
0x61: {  	s16 =	sadd.s32 $0x30D0, s16  }
0x62: {  	[tilespmem:s16], [sflag:$0x1] =	stream.indirect_vreg.gather [hbm:s4], $0x80, v0, vm0, $0x38;
	[tilespmem:$0x68D0] =	vst v63  }
0x63: {  	s13 =	sshll.u32 s13, $0x4;
	_ =	swait.ge [sflag:s6], $0x3400  }
0x64: {  	s13 =	sadd.s32 s13, s9;
	[sflag:s6] =	ssyncset.done $0x0  }
0x65: {  	s17 =	sadd.s32 $0x0, s13;
	s16 =	simm.s32 $0x80;
	[sflag:s6] =	ssyncadd.s32 $0xFFFFCC00  }
.LBB2_5:
0x66: {  	[hbm:s17] =	stream.linear.scatter [tilespmem:s14], [sflag:$0x3], $0x400, $0x38;
	[tilespmem:$0x68D0] =	vst v63  }
0x67: {  	s17 =	smov.u32 s16;
	s14 =	smov.u32 s15;
	p1 =	sne.s32 s16, $0x600  }
.Ltmp4:
0x68: {  	s16 =	sadd.s32 $0x80, s16;
	(pc) =	sbr.rel @p1 .LBB2_5-.Ltmp4, $2  }
0x69: {  	_ =	sdelay $0x2  }
0x6a: {  	s15 =	sadd.s32 $0x400, s15;
	s17 =	sadd.s32 s17, s13  }
.Ltmp5:
0x6b: {  	_ = 	snop;
	(pc) =	sbr.rel .LBB2_6-.Ltmp5, $1  }
0x6c: {  	_ =	sdelay $0x3  }
.LBB2_8:
0x6d: {  	_ =	sfence.sel $0x180000  }
0x6e: {  	s2 =	simm.s32 $0x2;
	[bflag:$0x0] =	sbarrier.arrive $0xFFFF  }
0x6f: {  	s30 =	simm.s32 $0x3;
	[sflag:s2] =	ssyncpa.u1 $0x1  }
0x70: {  	s31 =	simm.s32 $0x1;
	[sflag:s30] =	ssyncpa.u1 $0x1  }
0x71: {  	[sflag:s31] =	ssyncpa.u1 $0x1  }
0x72: {  	p0 =	sne.s32 s0, $0x0;
	_ =	strace $0x90000047  }
0x73: {  	s0 =	sadd.s32 @!p0 $0x100000, s1;
	[bflag:$0x2] =	sbarrier.arrive $0xFFFF  }
0x74: {  	[sflag:s0] =	ssyncadd.tile.s32 @!p0 $0x1;
	_ =	shalt  }
.Lfunc_end2:
_tile_overlayer_lowered:
.L_overlay_start_2:
0x75: {  	(tag) =	ssettag $0x2  }
0x76: {  	s0 =	rddreg [dreg:$0x0];
	s2 =	stileid.u32  }
0x77: {  	s1 =	rddreg [dreg:$0x1];
	p0 =	sne.s32 s2, $0x0  }
0x78: {  	s3 =	rddreg [dreg:$0x2];
	[bflag:$0x3] =	sbarrier.arrive $0xFFFF;
	s2 =	simm.s32 @!p0 $0x1C01  }
0x79: {  	[timem:s3], [sflag:s2] =	dma.local @!p0 [hbm:s0], s1  }
0x7a: {  	s0 =	simm.s32 @!p0 $0x1  }
0x7b: {  	_ =	swait.ge @!p0 [sflag:s0], s1  }
0x7c: {  	s1 =	ssub.s32 @!p0 $0x0, s1;
	[sflag:s0] =	ssyncset.done @!p0 $0x0  }
0x7d: {  	[sflag:s0] =	ssyncadd.s32 @!p0 s1  }
0x7e: {  	[bflag:$0x3] =	sbarrier.arrive $0xFFFF  }
0x7f: {  	_ =	shalt  }

// kernel: sparse-core-data-format-call.cloned.1.call-start
scs
called_computation_lowered:
.L_overlay_start_0:
0x0: {  	s2 =	sld [smem:$0x3FD9]  }
0x1: {  	s3 =	sld [smem:$0x3FFE];
	_ =	sdelay $0x1  }
0x2: {  	s1 =	srdreg.scid  }
0x3: {  	s0 =	sand.u32 $0x1, s1  }
0x4: {  	s18 =	sshll.u32 s0, $0xA;
	s2 =	sadd.s32 s3, s2  }
0x5: {  	s2 =	sadd.s32 s2, s18  }
0x6: {  	[smem:$0x3F40] =	sst s2  }
0x7: {  	_ = 	snop  }
0x8: {  	(tm) =	ssettm $0x1  }
0x9: {  	s19 =	sld [smem:$0x3FFB];
	_ =	sdelay $0x3  }
0xa: {  	_ =	strace s19  }
0xb: {  	s2 =	sld [smem:$0x3FFC];
	_ =	sdelay $0x3  }
0xc: {  	_ =	strace s2  }
0xd: {  	s2 =	sld [smem:$0x3FFD];
	_ =	sdelay $0x3  }
0xe: {  	_ =	strace s2  }
0xf: {  	_ =	strace $0x8FFFFFFF  }
0x10: {  	s20 =	sld [smem:$0x3FDB];
	_ =	sdelay $0x1  }
0x11: {  	s21 =	simm.s32 $_scs_section_size  }
0x12: {  	s4 =	simm.s32 $_size__tile_overlayer_lowered;
	s5 =	simm.s32 $_tile_overlayer_lowered  }
0x13: {  	s6 =	simm.s32 $0x1BFF;
	s22 =	sshll.u32 s5, $0x1;
	s3 =	sadd.s32 s21, s20  }
0x14: {  	s23 =	simm.s32 $0x0;
	s4 =	sshll.u32 s4, $0x1;
	s5 =	sadd.s32 s22, s3  }
0x15: {  	[timem:s23], [sflag:s6] =	dma.local [hbm:s5], s4  }
0x16: {  	_ =	swait.ge [sflag:s6], s4  }
0x17: {  	s4 =	ssub.s32 $0x0, s4;
	[sflag:s6] =	ssyncset.done $0x0  }
0x18: {  	[sflag:s6] =	ssyncadd.s32 s4;
	_ =	sdelay $0x1  }
0x19: {  	s24 =	simm.s32 $0x1B8B  }
0x1a: {  	_ =	swait.ge [sflag:s24], $0x1  }
0x1b: {  	[sflag:s24] =	ssyncset.done $0x0  }
0x1c: {  	[sflag:s24] =	ssyncadd.s32 $0xFFFFFFFF  }
0x1d: {  	s4 =	sld [smem:$0x0]  }
0x1e: {  	s5 =	sand.u32 $0xFFFFFFFE, s1  }
0x1f: {  	p0 =	sne.s32 s1, s5  }
0x20: {  	s5 =	sshll.u32 @p0 s5, $0xE  }
0x21: {  	s5 =	sadd.s32 @p0 $0x11B8D, s5;
	s6 =	sshll.u32 @p0 s4, $0x11  }
0x22: {  	s5 =	sor.u32 @p0 s6, s5  }
0x23: {  	[sflag:s5] =	ssyncadd.remote.s32 @p0 $0x1;
	_ =	sdelay $0x1  }
0x24: {  	s5 =	simm.s32 @p0 $0x1B8D  }
0x25: {  	_ =	swait.eq @p0 [sflag:s5], $0x1  }
0x26: {  	[sflag:s5] =	ssyncadd.s32 @p0 $0xFFFFFFFF  }
0x27: {  	s6 =	sshll.u32 @!p0 s1, $0xE  }
0x28: {  	s6 =	sor.u32 @!p0 $0x4000, s6;
	s5 =	simm.s32 @!p0 $0x1B8D  }
0x29: {  	s4 =	sshll.u32 @!p0 s4, $0x11;
	s6 =	sadd.s32 @!p0 $0x11B8D, s6;
	_ =	swait.eq @!p0 [sflag:s5], $0x1  }
0x2a: {  	s4 =	sor.u32 @!p0 s4, s6;
	[sflag:s5] =	ssyncadd.s32 @!p0 $0xFFFFFFFF  }
0x2b: {  	s26 =	simm.s32 $0x1B8E;
	s25 =	sld [smem:$0x3FFE];
	[sflag:s4] =	ssyncadd.remote.s32 @!p0 $0x1  }
0x2c: {  	s27 =	simm.s32 $execute0_lowered;
	[smem:$0x3FD2] =	sst s26  }
0x2d: {  	s5 =	sshll.u32 s27, $0x1;
	_ =	strace $0x80000058;
	[dreg:$0x1] =	wrdreg $0xFFFFFFFF  }
0x2e: {  	s28 =	simm.s32 $_size_execute0_lowered;
	s3 =	sadd.s32 s3, s5;
	[dreg:$0x0] =	wrdreg $0x0  }
0x2f: {  	s5 =	sshll.u32 s28, $0x1;
	[dreg:$0x2] =	wrdreg s3  }
0x30: {  	[dreg:$0x3] =	wrdreg s5  }
0x31: {  	[dreg:$0x4] =	wrdreg $0xC0  }
0x32: {  	_ =	task [dreg:s23], $0x5FFFF  }
0x33: {  	[dreg:$0x1] =	wrdreg $0xFFFFFFFF  }
0x34: {  	[dreg:$0x0] =	wrdreg $0x60  }
0x35: {  	[dreg:$0x2] =	wrdreg s25  }
0x36: {  	[dreg:$0x3] =	wrdreg $0x9  }
0x37: {  	_ =	task.clear_ibuf [dreg:s23], $0x4FFFF;
	_ =	strace $0x90000058  }
0x38: {  	s29 =	simm.s32 $0x9;
	_ =	strace $0x8000005A  }
0x39: {  	_ =	swait.ge [sflag:s29], $0x1  }
0x3a: {  	[sflag:s29] =	ssyncadd.s32 $0xFFFFFFFF  }
0x3b: {  	_ =	strace $0x9000005A  }
0x3c: {  	_ =	sfence  }
0x3d: {  	s30 =	sld [smem:$0x0];
	_ =	sdelay $0x2  }
0x3e: {  	s31 =	sshll.u32 s1, $0xD;
	s1 =	sshrl.u32 s1, $0x2  }
0x3f: {  	s4 =	sand.u32 $0x4000, s31;
	s1 =	sadd.s32 s1, s30  }
0x40: {  	s0 =	sor.u32 s4, s0;
	s1 =	sshll.u32 s1, $0x11  }
0x41: {  	s0 =	sor.u32 s1, s0  }
0x42: {  	s0 =	sadd.s32 $0x8F2B, s0  }
0x43: {  	[sflag:s0] =	ssyncadd.remote.s32 $0x1  }
0x44: {  	_ =	sfence.sel $0xFFFF  }
0x45: {  	[dreg:$0x0] =	wrdreg $0xFFFFFFFF;
	(pc) =	sbr.abs _section_cstart, $3  }
0x46: {  	[dreg:$0x1] =	wrdreg $0xFFFFFFFF  }
0x47: {  	_ =	task.clear_ibuf [dreg:s23], $0x2FFFF;
	_ =	strace $0x9FFFFFFF  }
0x48: {  	(tm) =	ssettm $0x7FFFFFFF  }
0x49: {  	_ =	shalt  }
tec
execute0_lowered:
.L_overlay_start_1:
0x0: {  	(tag) =	ssettag $0x1  }
0x1: {  	s0 =	srdreg.scid;
	s3 =	rddreg [dreg:$0x0];
	s5 =	simm.s32 $0x1  }
0x2: {  	s7 =	simm.s32 $0x2;
	s15 =	simm.s32 $0x0;
	p0 =	por $0x0, $0x0  }
0x3: {  	s8 =	simm.s32 $0x2000;
	s13 =	simm.s32 $0x0;
	s1 =	sshll.u32 s0, $0x7  }
0x4: {  	s14 =	simm.s32 $0x0;
	s9 =	simm.s32 $0x0;
	s1 =	sand.u32 $0x80, s1  }
0x5: {  	s0 =	rddreg [dreg:$0x1];
	_ =	strace $0x80000059;
	s6 =	ssub.s32 $0x400, s1  }
.Ltmp0:
0x6: {  	s2 =	sadd.s32 $0x52C00, s3;
	s31 =	sshrl.u32 s6, $0x7;
	(pc) =	sbr.rel .LBB1_1-.Ltmp0, $4  }
0x7: {  	s4 =	sadd.s32 $0x295C00, s3;
	s6 =	sshrl.u32 s6, $0x8;
	s3 =	sand.u32 $0x1, s31  }
0x8: {  	s11 =	stileid.u32;
	[sflag:s5] =	ssyncpa.u1 $0x0;
	s6 =	sadd.s32 s6, s3  }
0x9: {  	s12 =	simm.s32 $0x0;
	[sflag:s7] =	ssyncpa.u1 $0x0;
	s6 =	sshll.u32 s6, $0x3  }
0xa: {  	s10 =	smov.u32 s1;
	s3 =	stileid.u32;
	s7 =	sor.u32 $0x1, s6  }
.LBB1_4:
0xb: {  	v5 =	vld [tilespmem:s19+$0xFFFFFFD0];
	[tilespmem:s18+$0x2040 ss:$0x81] =	vst.msk $0xffff, v1  }
0xc: {  	v58 =	vld [tilespmem:s19+$0xFFFFFFE0];
	[tilespmem:s18+$0x2850 ss:$0x81] =	vst.msk $0xffff, v2  }
0xd: {  	s20 =	sshra.s32 s20, $0x2;
	v59 =	vld [tilespmem:s19+$0xFFFFFFF0];
	[tilespmem:s18+$0x3060 ss:$0x81] =	vst.msk $0xffff, v3  }
0xe: {  	v60 =	vld [tilespmem:s19+$0x0];
	[tilespmem:s18+$0x0 ss:$0x81] =	vst.msk $0xffff, v0;
	s17 =	sadd.s32 s20, s17  }
0xf: {  	v61 =	vld [tilespmem:s19+$0x10];
	[tilespmem:s17+$0x3870 ss:$0x81] =	vst.msk $0xffff, v4  }
0x10: {  	v62 =	vld [tilespmem:s19+$0x20];
	s26 =	sshll.u32 s15, $0xA;
	s27 =	sshll.u32 s13, $0x3;
	[tilespmem:s17+$0x810 ss:$0x81] =	vst.msk $0xffff, v5  }
0x11: {  	v63 =	vld [tilespmem:s19+$0xFFFFFFC0];
	s29 =	sshll.u32 s15, $0x7;
	s30 =	sand.u32 $0x78, s13;
	s14 =	sshll.u32 s14, $0x11;
	[tilespmem:s17+$0x1020 ss:$0x81] =	vst.msk $0xffff, v58  }
0x12: {  	s18 =	sand.u32 $0xFE000, s26;
	s28 =	sand.u32 $0xFFC00, s27;
	s15 =	sand.u32 $0x380, s29;
	[tilespmem:s17+$0x1830 ss:$0x81] =	vst.msk $0xffff, v59  }
0x13: {  	s31 =	sand.u32 $0x7, s13;
	s18 =	sadd.s32 s28, s18;
	s15 =	sor.u32 s30, s15;
	[tilespmem:s17+$0x2040 ss:$0x81] =	vst.msk $0xffff, v60  }
0x14: {  	s14 =	sadd.s32 s4, s14;
	s18 =	sshrl.u32 s18, $0x3;
	s15 =	sshrl.u32 s15, $0x3;
	[tilespmem:s17+$0x2850 ss:$0x81] =	vst.msk $0xffff, v61  }
0x15: {  	s13 =	sshll.u32 s31, $0x12;
	s18 =	sand.u32 $0x1FF80, s18;
	s14 =	sadd.s32 s15, s14;
	[tilespmem:s17+$0x3060 ss:$0x81] =	vst.msk $0xffff, v62  }
0x16: {  	s13 =	sor.u32 $0x400, s13;
	[tilespmem:s17+$0x0 ss:$0x81] =	vst.msk $0xffff, v63;
	s14 =	sadd.s32 s18, s14  }
0x17: {  	[hbm4b:s14+s13] =	stream.strided.scatter [tilespmem:s16], [sflag:$0x2], $0x4000, s8, s13, $0x20;
	[tilespmem:$0x10100] =	vst v63  }
.LBB1_5:
0x18: {  	s16 =	sadd.s32 $0x80, s9  }
0x19: {  	s13 =	sadd.s32 $0x100, s10;
	s17 =	smov.u32 s10;
	p2 =	sgt.s32 s16, $0x3FF  }
0x1a: {  	s17 =	smov.u32 @p2 s13  }
0x1b: {  	s19 =	smov.u32 s11;
	s13 =	sadd.s32 $0x10, s11;
	p3 =	sgt.s32 s17, $0x3FF  }
0x1c: {  	s19 =	smov.u32 @p3 s13  }
0x1d: {  	s16 =	simm.s32 @p2 $0x0;
	p2 =	sgt.s32 s19, $0xF  }
0x1e: {  	p1 =	slt.u32 s12, $0x2;
	s19 =	smov.u32 @p2 s3;
	p2 =	sne.s32 s12, s7  }
.Ltmp1:
0x1f: {  	s18 =	simm.s32 @!p1 $0x2;
	(pc) =	sbr.rel @!p2 .LBB1_6-.Ltmp1, $4  }
0x20: {  	s15 =	smov.u32 s9;
	s14 =	smov.u32 s11;
	_ =	swait.ge @!p1 [sflag:s18], $0x4000  }
0x21: {  	p0 =	por !p0, !p0;
	[sflag:s18] =	ssyncset.done @!p1 $0x0;
	s9 =	smov.u32 s16  }
0x22: {  	s17 =	smov.u32 @p3 s1;
	s13 =	smov.u32 s10;
	[sflag:s18] =	ssyncadd.s32 @!p1 $0xFFFFC000  }
0x23: {  	s10 =	smov.u32 s17;
	s12 =	sadd.s32 $0x1, s12;
	s11 =	smov.u32 s19  }
.LBB1_1:
0x24: {  	p1 =	sge.u32 s12, s6  }
0x25: {  	s31 =	sadd.s32 $0xFFFFFFFF, s12;
	s16 =	sshll.u32 @!p1 s10, $0x7  }
0x26: {  	s17 =	sxor.u32 @!p1 $0xFFFFFFFF, s12;
	s18 =	sand.u32 @!p1 $0x78, s9;
	s19 =	sand.u32 @!p1 $0x380, s16  }
0x27: {  	s17 =	sshll.u32 @!p1 s17, $0xE;
	s18 =	sor.u32 @!p1 s18, s19;
	s19 =	sshll.u32 @!p1 s11, $0x11  }
0x28: {  	s16 =	sand.u32 @!p1 $0x1FC00, s16;
	s18 =	sshrl.u32 @!p1 s18, $0x3;
	s19 =	sadd.s32 @!p1 s2, s19  }
0x29: {  	s16 =	sadd.s32 @!p1 s9, s16;
	s18 =	sadd.s32 @!p1 s18, s19;
	s19 =	sand.u32 @!p1 $0x7, s9  }
0x2a: {  	s17 =	sand.u32 @!p1 $0x4000, s17;
	s16 =	sand.u32 @!p1 $0x1FF80, s16;
	s19 =	sshll.u32 @!p1 s19, $0x12  }
0x2b: {  	s16 =	sadd.s32 @!p1 s16, s18;
	s18 =	sor.u32 @!p1 $0x400, s19;
	s19 =	simm.s32 @!p1 $0x2000  }
0x2c: {  	[tilespmem:s17], [sflag:$0x1] =	stream.strided.gather @!p1 [hbm4b:s16+s18], $0x4000, s19, s18, $0x38;
	[tilespmem:$0x10100] =	vst v63  }
0x2d: {  	p1 =	sge.u32 s31, s6  }
.Ltmp2:
0x2e: {  	_ = 	snop;
	(pc) =	sbr.rel @p1 .LBB1_5-.Ltmp2, $1  }
0x2f: {  	_ =	sdelay $0x3  }
0x30: {  	s16 =	simm.s32 $0x1  }
0x31: {  	_ =	swait.ge [sflag:s5], $0x4000;
	s16 =	simm.s32 @!p0 $0x0  }
0x32: {  	[sflag:s5] =	ssyncset.done $0x0;
	s17 =	sshll.u32 s16, $0xE  }
0x33: {  	[sflag:s5] =	ssyncadd.s32 $0xFFFFC000;
	s19 =	sor.u32 $0x40, s17  }
0x34: {  	s16 =	smul.u32 $0x10200, s16;
	v0 =	vld [tilespmem:s19+$0x30]  }
0x35: {  	v3 =	vld [tilespmem:s19+$0xFFFFFFD0]  }
0x36: {  	s16 =	sshrl.u32 s16, $0x2;
	v4 =	vld [tilespmem:s19+$0xFFFFFFE0]  }
0x37: {  	v5 =	vld [tilespmem:s19+$0xFFFFFFF0];
	s17 =	sor.u32 $0x8000, s16  }
0x38: {  	s31 =	sand.u32 $0x1, s12;
	v1 =	vld [tilespmem:s19+$0x0];
	s18 =	sadd.s32 $0x0, s17  }
0x39: {  	v2 =	vld [tilespmem:s19+$0x10];
	s16 =	smul.u32 $0x10200, s31;
	[tilespmem:s18+$0x3870 ss:$0x81] =	vst.msk $0xffff, v0  }
0x3a: {  	[tilespmem:s18+$0x810 ss:$0x81] =	vst.msk $0xffff, v3;
	v3 =	vld [tilespmem:s19+$0x20]  }
0x3b: {  	s16 =	sshrl.u32 s16, $0x2;
	v0 =	vld [tilespmem:s19+$0xFFFFFFC0];
	[tilespmem:s18+$0x1020 ss:$0x81] =	vst.msk $0xffff, v4;
	s19 =	sadd.s32 $0x80, s19  }
0x3c: {  	s20 =	simm.s32 $0x4;
	s21 =	simm.s32 $0x8;
	s16 =	sor.u32 $0x8000, s16;
	[tilespmem:s18+$0x1830 ss:$0x81] =	vst.msk $0xffff, v5;
	v4 =	vld [tilespmem:s19+$0x30]  }
.LBB1_3:
0x3d: {  	p1 =	sne.s32 s21, $0x1FC;
	v5 =	vld [tilespmem:s19+$0xFFFFFFD0];
	[tilespmem:s18+$0x2040 ss:$0x81] =	vst.msk $0xffff, v1  }
0x3e: {  	v6 =	vld [tilespmem:s19+$0xFFFFFFE0];
	[tilespmem:s18+$0x2850 ss:$0x81] =	vst.msk $0xffff, v2  }
0x3f: {  	s22 =	sshra.s32 s20, $0x2;
	s20 =	smov.u32 s21;
	v7 =	vld [tilespmem:s19+$0xFFFFFFF0];
	[tilespmem:s18+$0x3060 ss:$0x81] =	vst.msk $0xffff, v3  }
.Ltmp3:
0x40: {  	v1 =	vld [tilespmem:s19+$0x0];
	[tilespmem:s18+$0x0 ss:$0x81] =	vst.msk $0xffff, v0;
	s18 =	sadd.s32 s22, s17;
	(pc) =	sbr.rel @p1 .LBB1_3-.Ltmp3, $4  }
0x41: {  	v2 =	vld [tilespmem:s19+$0x10];
	[tilespmem:s18+$0x3870 ss:$0x81] =	vst.msk $0xffff, v4  }
0x42: {  	[tilespmem:s18+$0x810 ss:$0x81] =	vst.msk $0xffff, v5;
	v3 =	vld [tilespmem:s19+$0x20]  }
0x43: {  	v0 =	vld [tilespmem:s19+$0xFFFFFFC0];
	[tilespmem:s18+$0x1020 ss:$0x81] =	vst.msk $0xffff, v6;
	s19 =	sadd.s32 $0x80, s19  }
0x44: {  	s21 =	sadd.s32 $0x4, s21;
	v4 =	vld [tilespmem:s19+$0x30];
	[tilespmem:s18+$0x1830 ss:$0x81] =	vst.msk $0xffff, v7  }
.Ltmp4:
0x45: {  	_ = 	snop;
	(pc) =	sbr.rel .LBB1_4-.Ltmp4, $1  }
0x46: {  	_ =	sdelay $0x3  }
.LBB1_6:
0x47: {  	_ =	sfence.sel $0x180000  }
0x48: {  	s1 =	simm.s32 $0x1;
	[bflag:$0x0] =	sbarrier.arrive $0xFFFF  }
0x49: {  	s31 =	simm.s32 $0x2;
	[sflag:s1] =	ssyncpa.u1 $0x1  }
0x4a: {  	[sflag:s31] =	ssyncpa.u1 $0x1  }
0x4b: {  	p0 =	sne.s32 s3, $0x0;
	_ =	strace $0x90000059  }
0x4c: {  	s0 =	sadd.s32 @!p0 $0x100000, s0;
	[bflag:$0x2] =	sbarrier.arrive $0xFFFF  }
0x4d: {  	[sflag:s0] =	ssyncadd.tile.s32 @!p0 $0x1;
	_ =	shalt  }
.Lfunc_end1:
_tile_overlayer_lowered:
.L_overlay_start_2:
0x4e: {  	(tag) =	ssettag $0x2  }
0x4f: {  	s0 =	rddreg [dreg:$0x0];
	s2 =	stileid.u32  }
0x50: {  	s1 =	rddreg [dreg:$0x1];
	p0 =	sne.s32 s2, $0x0  }
0x51: {  	s3 =	rddreg [dreg:$0x2];
	[bflag:$0x3] =	sbarrier.arrive $0xFFFF;
	s2 =	simm.s32 @!p0 $0x1C01  }
0x52: {  	[timem:s3], [sflag:s2] =	dma.local @!p0 [hbm:s0], s1  }
0x53: {  	s0 =	simm.s32 @!p0 $0x1  }
0x54: {  	_ =	swait.ge @!p0 [sflag:s0], s1  }
0x55: {  	s1 =	ssub.s32 @!p0 $0x0, s1;
	[sflag:s0] =	ssyncset.done @!p0 $0x0  }
0x56: {  	[sflag:s0] =	ssyncadd.s32 @!p0 s1  }
0x57: {  	[bflag:$0x3] =	sbarrier.arrive $0xFFFF  }
0x58: {  	_ =	shalt  }

</sc_bundles>
